<compile_context>
chip_gen: v7x
topology: tpu7x:2x2x1
jax: 0.10.2.dev20260603
libtpu: 0.0.44.dev20260713+nightly
codegen_flags: <defaults>
</compile_context>

<pallas_src>
import functools
import jax
import jax.numpy as jnp
from jax import lax
from jax.experimental import pallas as pl
from jax.experimental.pallas import tpu as pltpu
from jax.experimental.pallas import tpu_sc as plsc

M = 9
F = 128
CN = 16
LANES = 16
NW = 32


def kernel(X1, X2, clebsch):
    m, n, f = X1.shape
    n_chunks = n // CN
    pairs = [(m1, k - m1) for k in range(M) for m1 in range(k + 1)]
    c_rows = jnp.stack([jnp.full((LANES,), clebsch[m1, m2]) for (m1, m2) in pairs])

    mesh = plsc.VectorSubcoreMesh(
        core_axis_name="c", subcore_axis_name="s", num_cores=2, num_subcores=16
    )

    @functools.partial(
        pl.kernel,
        mesh=mesh,
        out_type=jax.ShapeDtypeStruct((M, n, f), jnp.float32),
        scratch_types=[
            pltpu.VMEM((M, CN, F), jnp.float32),
            pltpu.VMEM((M, CN, F), jnp.float32),
            pltpu.VMEM((M, CN, F), jnp.float32),
            pltpu.VMEM((len(pairs), LANES), jnp.float32),
            pltpu.SemaphoreType.DMA,
        ],
    )
    def body(x1_hbm, x2_hbm, c_hbm, out_hbm, x1_v, x2_v, o_v, c_v, sem):
        wid = lax.axis_index("s") * 2 + lax.axis_index("c")
        pltpu.sync_copy(c_hbm, c_v)

        def do_chunk(ci, _):
            base = ci * CN
            descs = []
            for mm in range(M):
                descs.append(
                    pltpu.async_copy(x1_hbm.at[mm, pl.ds(base, CN)], x1_v.at[mm], sem)
                )
                descs.append(
                    pltpu.async_copy(x2_hbm.at[mm, pl.ds(base, CN)], x2_v.at[mm], sem)
                )
            for dsc in descs:
                dsc.wait()

            def do_vec(p, _):
                r = p // 8
                j = (p % 8) * LANES
                x1r = [x1_v[mm, r, pl.ds(j, LANES)] for mm in range(M)]
                x2r = [x2_v[mm, r, pl.ds(j, LANES)] for mm in range(M)]
                accs = [None] * M
                pi = 0
                for k in range(M):
                    for m1 in range(k + 1):
                        m2 = k - m1
                        t = x1r[m1] * x2r[m2] * c_v[pi]
                        accs[k] = t if accs[k] is None else accs[k] + t
                        pi += 1
                for k in range(M):
                    o_v[k, r, pl.ds(j, LANES)] = accs[k]
                return 0

            lax.fori_loop(0, CN * 8, do_vec, 0)
            odescs = [
                pltpu.async_copy(o_v.at[mm], out_hbm.at[mm, pl.ds(base, CN)], sem)
                for mm in range(M)
            ]
            for dsc in odescs:
                dsc.wait()
            return 0

        nc_w = (n_chunks - wid + NW - 1) // NW
        lax.fori_loop(0, nc_w, lambda i, _: do_chunk(wid + i * NW, _), 0)

    return body(X1, X2, c_rows)

# --- scband reference (transcript-rebuilt; emitter-appended) ---
"""Pipeline reference for scband-clebsch-combining-single-unrolled-60163901882614 (READ-ONLY COPY).

The authoritative reference and input builder live on the scoring server;
editing this copy changes nothing except your own understanding.
"""

import jax, jax.numpy as jnp
import numpy as np

LAMBD = 4
M1 = 2 * LAMBD + 1
M2 = 2 * LAMBD + 1
N = 50000
F = 128


def _make_clebsch():
    m = np.zeros((M1, M2), dtype=np.float32)
    for m1 in range(M1):
        for m2 in range(M2):
            m[m1, m2] = (m1 + 1) * (m2 + 1) * 0.01
    return jnp.asarray(m)


def setup_inputs(seed: int = 0) -> dict:
    key = jax.random.key(seed)
    k1, k2 = jax.random.split(key)
    X1 = jax.random.normal(k1, (M1, N, F), dtype=jnp.float32)
    X2 = jax.random.normal(k2, (M2, N, F), dtype=jnp.float32)
    clebsch = _make_clebsch()
    return {"X1": X1, "X2": X2, "clebsch": clebsch}


def reference(X1, X2, clebsch):
    lambd = LAMBD
    out_m = 2 * lambd + 1
    result = jnp.zeros((out_m, X1.shape[1], X2.shape[2]), dtype=X1.dtype)
    for m1 in range(clebsch.shape[0]):
        for m2 in range(clebsch.shape[1]):
            if m1 + m2 < out_m:
                result = result.at[m1 + m2].add(X1[m1] * X2[m2] * clebsch[m1, m2])
    return result

if __name__ == "__main__":
    import jax
    _d = setup_inputs()
    print(jax.jit(kernel)(*tuple(_d.values())))

</pallas_src>

<mosaic_0001>
#map = affine_map<(d0, d1) -> (0, 0, 0)>
#map1 = affine_map<(d0, d1) -> (0, 0)>
module attributes {stable_mosaic.version = 14 : i64} {
  func.func @body(%arg0: i32, %arg1: i32, %arg2: memref<9x50000x128xf32, #tpu.memory_space<hbm>>, %arg3: memref<9x50000x128xf32, #tpu.memory_space<hbm>>, %arg4: memref<45x16xf32, #tpu.memory_space<hbm>>, %arg5: memref<9x50000x128xf32, #tpu.memory_space<hbm>>, %arg6: memref<9x16x128xf32, #tpu.memory_space<vmem>>, %arg7: memref<9x16x128xf32, #tpu.memory_space<vmem>>, %arg8: memref<9x16x128xf32, #tpu.memory_space<vmem>>, %arg9: memref<45x16xf32, #tpu.memory_space<vmem>>, %arg10: memref<!tpu.dma_semaphore, #tpu.memory_space<semaphore_mem>>) attributes {dimension_semantics = [#tpu.dimension_semantics<core_parallel>, #tpu.dimension_semantics<subcore_parallel>], iteration_bounds = array<i64: 2, 16>, scalar_prefetch = 0 : i64, scratch_operands = 5 : i64, tpu.core_type = #tpu.core_type<sc_vector_subcore>, window_params = [{transform_indices = #map}, {transform_indices = #map}, {transform_indices = #map1}, {transform_indices = #map}]} {
    %mul3A = arith.constant 2 : i32
    %mul3A_0 = arith.muli %arg1, %mul3A : i32
    %add3A = arith.addi %mul3A_0, %arg0 : i32
    "tpu.region"() ({
      %run_scoped3A = tpu.sem_alloc : memref<!tpu.dma_semaphore, #tpu.memory_space<semaphore_mem>>
      tpu.enqueue_dma source(%arg4 : memref<45x16xf32, #tpu.memory_space<hbm>>) target(%arg9 : memref<45x16xf32, #tpu.memory_space<vmem>>) target_semaphore(%run_scoped3A : memref<!tpu.dma_semaphore, #tpu.memory_space<semaphore_mem>>)
      tpu.wait_dma2 semaphore(%run_scoped3A : memref<!tpu.dma_semaphore, #tpu.memory_space<semaphore_mem>>) src(%arg4 : memref<45x16xf32, #tpu.memory_space<hbm>>) dst(%arg9 : memref<45x16xf32, #tpu.memory_space<vmem>>)
      tpu.yield
    }) : () -> ()
    %sub3A = arith.constant 3125 : i32
    %sub3A_1 = arith.subi %sub3A, %add3A : i32
    %add3A_2 = arith.constant 32 : i32
    %add3A_3 = arith.addi %sub3A_1, %add3A_2 : i32
    %sub3A_4 = arith.constant 1 : i32
    %sub3A_5 = arith.subi %add3A_3, %sub3A_4 : i32
    %jit3A = arith.constant 32 : i32
    %div3A = arith.divsi %sub3A_5, %jit3A : i32
    %sign3A = arith.constant 0 : i32
    %sign3A_6 = arith.cmpi sgt, %sub3A_5, %sign3A : i32
    %sign3A_7 = arith.extui %sign3A_6 : i1 to i32
    %sign3A_8 = arith.constant 0 : i32
    %sign3A_9 = arith.cmpi slt, %sub3A_5, %sign3A_8 : i32
    %sign3A_10 = arith.extui %sign3A_9 : i1 to i32
    %sign3A_11 = arith.subi %sign3A_7, %sign3A_10 : i32
    %sign3A_12 = arith.constant 0 : i32
    %sign3A_13 = arith.cmpi sgt, %jit3A, %sign3A_12 : i32
    %sign3A_14 = arith.extui %sign3A_13 : i1 to i32
    %sign3A_15 = arith.constant 0 : i32
    %sign3A_16 = arith.cmpi slt, %jit3A, %sign3A_15 : i32
    %sign3A_17 = arith.extui %sign3A_16 : i1 to i32
    %sign3A_18 = arith.subi %sign3A_14, %sign3A_17 : i32
    %ne3A = arith.cmpi ne, %sign3A_11, %sign3A_18 : i32
    %rem3A = arith.remsi %sub3A_5, %jit3A : i32
    %ne3A_19 = arith.constant 0 : i32
    %ne3A_20 = arith.cmpi ne, %rem3A, %ne3A_19 : i32
    %and3A = arith.andi %ne3A, %ne3A_20 : i1
    %sub3A_21 = arith.constant 1 : i32
    %sub3A_22 = arith.subi %div3A, %sub3A_21 : i32
    %select_n3A = arith.select %and3A, %sub3A_22, %div3A : i32
    %while3A = arith.constant 0 : i32
    %while3A_23 = arith.constant 0 : i32
    %while3A_24 = arith.subi %select_n3A, %while3A : i32
    %while3A_25 = arith.addi %while3A, %while3A_24 : i32
    %while3A_26 = arith.constant 1 : i32
    %while3A_27 = arith.divsi %while3A_24, %while3A_26 : i32
    %while3A_28 = arith.muli %while3A_27, %while3A_26 : i32
    %while3A_29 = arith.addi %while3A, %while3A_28 : i32
    %while3A_30 = arith.constant 1 : i32
    %while3A_31 = scf.for %while3A_34 = %while3A to %while3A_29 step %while3A_30 iter_args(%while3A_35 = %while3A_23) -> (i32)  : i32 {
      %mul3A_36 = arith.constant 32 : i32
      %mul3A_37 = arith.muli %while3A_34, %mul3A_36 : i32
      %add3A_38 = arith.addi %add3A, %mul3A_37 : i32
      %mul3A_39 = arith.constant 16 : i32
      %mul3A_40 = arith.muli %add3A_38, %mul3A_39 : i32
      %dma_start3A = arith.constant 0 : i32
      %dma_start3A_41 = arith.constant 0 : i32
      %dma_start3A_42 = arith.constant 0 : i32
      %dma_start3A_43 = arith.constant 0 : i32
      %dma_start3A_44 = tpu.memref_slice %arg6[%dma_start3A_41, %dma_start3A_42, %dma_start3A_43] : memref<9x16x128xf32, #tpu.memory_space<vmem>> -> memref<1x16x128xf32, #tpu.memory_space<vmem>>
      %dma_start3A_45 = tpu.memref_squeeze %dma_start3A_44 : memref<1x16x128xf32, #tpu.memory_space<vmem>> -> memref<16x128xf32, #tpu.memory_space<vmem>>
      %dma_start3A_46 = arith.constant 0 : i32
      %dma_start3A_47 = tpu.memref_slice %arg2[%dma_start3A, %mul3A_40, %dma_start3A_46] : memref<9x50000x128xf32, #tpu.memory_space<hbm>> -> memref<1x16x128xf32, #tpu.memory_space<hbm>>
      %dma_start3A_48 = tpu.memref_squeeze %dma_start3A_47 : memref<1x16x128xf32, #tpu.memory_space<hbm>> -> memref<16x128xf32, #tpu.memory_space<hbm>>
      %dma_start3A_49 = arith.constant 0 : i32
      %dma_start3A_50 = arith.constant 0 : i32
      %dma_start3A_51 = tpu.memref_slice %arg6[%dma_start3A_41, %dma_start3A_49, %dma_start3A_50] : memref<9x16x128xf32, #tpu.memory_space<vmem>> -> memref<1x16x128xf32, #tpu.memory_space<vmem>>
      %dma_start3A_52 = tpu.memref_squeeze %dma_start3A_51 : memref<1x16x128xf32, #tpu.memory_space<vmem>> -> memref<16x128xf32, #tpu.memory_space<vmem>>
      %dma_start3A_53 = arith.constant 0 : i32
      %dma_start3A_54 = tpu.memref_slice %arg2[%dma_start3A, %mul3A_40, %dma_start3A_53] : memref<9x50000x128xf32, #tpu.memory_space<hbm>> -> memref<1x16x128xf32, #tpu.memory_space<hbm>>
      %dma_start3A_55 = tpu.memref_squeeze %dma_start3A_54 : memref<1x16x128xf32, #tpu.memory_space<hbm>> -> memref<16x128xf32, #tpu.memory_space<hbm>>
      tpu.enqueue_dma source(%dma_start3A_55 : memref<16x128xf32, #tpu.memory_space<hbm>>) target(%dma_start3A_52 : memref<16x128xf32, #tpu.memory_space<vmem>>) target_semaphore(%arg10 : memref<!tpu.dma_semaphore, #tpu.memory_space<semaphore_mem>>)
      %dma_start3A_56 = arith.constant 0 : i32
      %dma_start3A_57 = arith.constant 0 : i32
      %dma_start3A_58 = arith.constant 0 : i32
      %dma_start3A_59 = arith.constant 0 : i32
      %dma_start3A_60 = tpu.memref_slice %arg7[%dma_start3A_57, %dma_start3A_58, %dma_start3A_59] : memref<9x16x128xf32, #tpu.memory_space<vmem>> -> memref<1x16x128xf32, #tpu.memory_space<vmem>>
      %dma_start3A_61 = tpu.memref_squeeze %dma_start3A_60 : memref<1x16x128xf32, #tpu.memory_space<vmem>> -> memref<16x128xf32, #tpu.memory_space<vmem>>
      %dma_start3A_62 = arith.constant 0 : i32
      %dma_start3A_63 = tpu.memref_slice %arg3[%dma_start3A_56, %mul3A_40, %dma_start3A_62] : memref<9x50000x128xf32, #tpu.memory_space<hbm>> -> memref<1x16x128xf32, #tpu.memory_space<hbm>>
      %dma_start3A_64 = tpu.memref_squeeze %dma_start3A_63 : memref<1x16x128xf32, #tpu.memory_space<hbm>> -> memref<16x128xf32, #tpu.memory_space<hbm>>
      %dma_start3A_65 = arith.constant 0 : i32
      %dma_start3A_66 = arith.constant 0 : i32
      %dma_start3A_67 = tpu.memref_slice %arg7[%dma_start3A_57, %dma_start3A_65, %dma_start3A_66] : memref<9x16x128xf32, #tpu.memory_space<vmem>> -> memref<1x16x128xf32, #tpu.memory_space<vmem>>
      %dma_start3A_68 = tpu.memref_squeeze %dma_start3A_67 : memref<1x16x128xf32, #tpu.memory_space<vmem>> -> memref<16x128xf32, #tpu.memory_space<vmem>>
      %dma_start3A_69 = arith.constant 0 : i32
      %dma_start3A_70 = tpu.memref_slice %arg3[%dma_start3A_56, %mul3A_40, %dma_start3A_69] : memref<9x50000x128xf32, #tpu.memory_space<hbm>> -> memref<1x16x128xf32, #tpu.memory_space<hbm>>
      %dma_start3A_71 = tpu.memref_squeeze %dma_start3A_70 : memref<1x16x128xf32, #tpu.memory_space<hbm>> -> memref<16x128xf32, #tpu.memory_space<hbm>>
      tpu.enqueue_dma source(%dma_start3A_71 : memref<16x128xf32, #tpu.memory_space<hbm>>) target(%dma_start3A_68 : memref<16x128xf32, #tpu.memory_space<vmem>>) target_semaphore(%arg10 : memref<!tpu.dma_semaphore, #tpu.memory_space<semaphore_mem>>)
      %dma_start3A_72 = arith.constant 1 : i32
      %dma_start3A_73 = arith.constant 1 : i32
      %dma_start3A_74 = arith.constant 0 : i32
      %dma_start3A_75 = arith.constant 0 : i32
      %dma_start3A_76 = tpu.memref_slice %arg6[%dma_start3A_73, %dma_start3A_74, %dma_start3A_75] : memref<9x16x128xf32, #tpu.memory_space<vmem>> -> memref<1x16x128xf32, #tpu.memory_space<vmem>>
      %dma_start3A_77 = tpu.memref_squeeze %dma_start3A_76 : memref<1x16x128xf32, #tpu.memory_space<vmem>> -> memref<16x128xf32, #tpu.memory_space<vmem>>
      %dma_start3A_78 = arith.constant 0 : i32
      %dma_start3A_79 = tpu.memref_slice %arg2[%dma_start3A_72, %mul3A_40, %dma_start3A_78] : memref<9x50000x128xf32, #tpu.memory_space<hbm>> -> memref<1x16x128xf32, #tpu.memory_space<hbm>>
      %dma_start3A_80 = tpu.memref_squeeze %dma_start3A_79 : memref<1x16x128xf32, #tpu.memory_space<hbm>> -> memref<16x128xf32, #tpu.memory_space<hbm>>
      %dma_start3A_81 = arith.constant 0 : i32
      %dma_start3A_82 = arith.constant 0 : i32
      %dma_start3A_83 = tpu.memref_slice %arg6[%dma_start3A_73, %dma_start3A_81, %dma_start3A_82] : memref<9x16x128xf32, #tpu.memory_space<vmem>> -> memref<1x16x128xf32, #tpu.memory_space<vmem>>
      %dma_start3A_84 = tpu.memref_squeeze %dma_start3A_83 : memref<1x16x128xf32, #tpu.memory_space<vmem>> -> memref<16x128xf32, #tpu.memory_space<vmem>>
      %dma_start3A_85 = arith.constant 0 : i32
      %dma_start3A_86 = tpu.memref_slice %arg2[%dma_start3A_72, %mul3A_40, %dma_start3A_85] : memref<9x50000x128xf32, #tpu.memory_space<hbm>> -> memref<1x16x128xf32, #tpu.memory_space<hbm>>
      %dma_start3A_87 = tpu.memref_squeeze %dma_start3A_86 : memref<1x16x128xf32, #tpu.memory_space<hbm>> -> memref<16x128xf32, #tpu.memory_space<hbm>>
      tpu.enqueue_dma source(%dma_start3A_87 : memref<16x128xf32, #tpu.memory_space<hbm>>) target(%dma_start3A_84 : memref<16x128xf32, #tpu.memory_space<vmem>>) target_semaphore(%arg10 : memref<!tpu.dma_semaphore, #tpu.memory_space<semaphore_mem>>)
      %dma_start3A_88 = arith.constant 1 : i32
      %dma_start3A_89 = arith.constant 1 : i32
      %dma_start3A_90 = arith.constant 0 : i32
      %dma_start3A_91 = arith.constant 0 : i32
      %dma_start3A_92 = tpu.memref_slice %arg7[%dma_start3A_89, %dma_start3A_90, %dma_start3A_91] : memref<9x16x128xf32, #tpu.memory_space<vmem>> -> memref<1x16x128xf32, #tpu.memory_space<vmem>>
      %dma_start3A_93 = tpu.memref_squeeze %dma_start3A_92 : memref<1x16x128xf32, #tpu.memory_space<vmem>> -> memref<16x128xf32, #tpu.memory_space<vmem>>
      %dma_start3A_94 = arith.constant 0 : i32
      %dma_start3A_95 = tpu.memref_slice %arg3[%dma_start3A_88, %mul3A_40, %dma_start3A_94] : memref<9x50000x128xf32, #tpu.memory_space<hbm>> -> memref<1x16x128xf32, #tpu.memory_space<hbm>>
      %dma_start3A_96 = tpu.memref_squeeze %dma_start3A_95 : memref<1x16x128xf32, #tpu.memory_space<hbm>> -> memref<16x128xf32, #tpu.memory_space<hbm>>
      %dma_start3A_97 = arith.constant 0 : i32
      %dma_start3A_98 = arith.constant 0 : i32
      %dma_start3A_99 = tpu.memref_slice %arg7[%dma_start3A_89, %dma_start3A_97, %dma_start3A_98] : memref<9x16x128xf32, #tpu.memory_space<vmem>> -> memref<1x16x128xf32, #tpu.memory_space<vmem>>
      %dma_start3A_100 = tpu.memref_squeeze %dma_start3A_99 : memref<1x16x128xf32, #tpu.memory_space<vmem>> -> memref<16x128xf32, #tpu.memory_space<vmem>>
      %dma_start3A_101 = arith.constant 0 : i32
      %dma_start3A_102 = tpu.memref_slice %arg3[%dma_start3A_88, %mul3A_40, %dma_start3A_101] : memref<9x50000x128xf32, #tpu.memory_space<hbm>> -> memref<1x16x128xf32, #tpu.memory_space<hbm>>
      %dma_start3A_103 = tpu.memref_squeeze %dma_start3A_102 : memref<1x16x128xf32, #tpu.memory_space<hbm>> -> memref<16x128xf32, #tpu.memory_space<hbm>>
      tpu.enqueue_dma source(%dma_start3A_103 : memref<16x128xf32, #tpu.memory_space<hbm>>) target(%dma_start3A_100 : memref<16x128xf32, #tpu.memory_space<vmem>>) target_semaphore(%arg10 : memref<!tpu.dma_semaphore, #tpu.memory_space<semaphore_mem>>)
      %dma_start3A_104 = arith.constant 2 : i32
      %dma_start3A_105 = arith.constant 2 : i32
      %dma_start3A_106 = arith.constant 0 : i32
      %dma_start3A_107 = arith.constant 0 : i32
      %dma_start3A_108 = tpu.memref_slice %arg6[%dma_start3A_105, %dma_start3A_106, %dma_start3A_107] : memref<9x16x128xf32, #tpu.memory_space<vmem>> -> memref<1x16x128xf32, #tpu.memory_space<vmem>>
      %dma_start3A_109 = tpu.memref_squeeze %dma_start3A_108 : memref<1x16x128xf32, #tpu.memory_space<vmem>> -> memref<16x128xf32, #tpu.memory_space<vmem>>
      %dma_start3A_110 = arith.constant 0 : i32
      %dma_start3A_111 = tpu.memref_slice %arg2[%dma_start3A_104, %mul3A_40, %dma_start3A_110] : memref<9x50000x128xf32, #tpu.memory_space<hbm>> -> memref<1x16x128xf32, #tpu.memory_space<hbm>>
      %dma_start3A_112 = tpu.memref_squeeze %dma_start3A_111 : memref<1x16x128xf32, #tpu.memory_space<hbm>> -> memref<16x128xf32, #tpu.memory_space<hbm>>
      %dma_start3A_113 = arith.constant 0 : i32
      %dma_start3A_114 = arith.constant 0 : i32
      %dma_start3A_115 = tpu.memref_slice %arg6[%dma_start3A_105, %dma_start3A_113, %dma_start3A_114] : memref<9x16x128xf32, #tpu.memory_space<vmem>> -> memref<1x16x128xf32, #tpu.memory_space<vmem>>
      %dma_start3A_116 = tpu.memref_squeeze %dma_start3A_115 : memref<1x16x128xf32, #tpu.memory_space<vmem>> -> memref<16x128xf32, #tpu.memory_space<vmem>>
      %dma_start3A_117 = arith.constant 0 : i32
      %dma_start3A_118 = tpu.memref_slice %arg2[%dma_start3A_104, %mul3A_40, %dma_start3A_117] : memref<9x50000x128xf32, #tpu.memory_space<hbm>> -> memref<1x16x128xf32, #tpu.memory_space<hbm>>
      %dma_start3A_119 = tpu.memref_squeeze %dma_start3A_118 : memref<1x16x128xf32, #tpu.memory_space<hbm>> -> memref<16x128xf32, #tpu.memory_space<hbm>>
      tpu.enqueue_dma source(%dma_start3A_119 : memref<16x128xf32, #tpu.memory_space<hbm>>) target(%dma_start3A_116 : memref<16x128xf32, #tpu.memory_space<vmem>>) target_semaphore(%arg10 : memref<!tpu.dma_semaphore, #tpu.memory_space<semaphore_mem>>)
      %dma_start3A_120 = arith.constant 2 : i32
      %dma_start3A_121 = arith.constant 2 : i32
      %dma_start3A_122 = arith.constant 0 : i32
      %dma_start3A_123 = arith.constant 0 : i32
      %dma_start3A_124 = tpu.memref_slice %arg7[%dma_start3A_121, %dma_start3A_122, %dma_start3A_123] : memref<9x16x128xf32, #tpu.memory_space<vmem>> -> memref<1x16x128xf32, #tpu.memory_space<vmem>>
      %dma_start3A_125 = tpu.memref_squeeze %dma_start3A_124 : memref<1x16x128xf32, #tpu.memory_space<vmem>> -> memref<16x128xf32, #tpu.memory_space<vmem>>
      %dma_start3A_126 = arith.constant 0 : i32
      %dma_start3A_127 = tpu.memref_slice %arg3[%dma_start3A_120, %mul3A_40, %dma_start3A_126] : memref<9x50000x128xf32, #tpu.memory_space<hbm>> -> memref<1x16x128xf32, #tpu.memory_space<hbm>>
      %dma_start3A_128 = tpu.memref_squeeze %dma_start3A_127 : memref<1x16x128xf32, #tpu.memory_space<hbm>> -> memref<16x128xf32, #tpu.memory_space<hbm>>
      %dma_start3A_129 = arith.constant 0 : i32
      %dma_start3A_130 = arith.constant 0 : i32
      %dma_start3A_131 = tpu.memref_slice %arg7[%dma_start3A_121, %dma_start3A_129, %dma_start3A_130] : memref<9x16x128xf32, #tpu.memory_space<vmem>> -> memref<1x16x128xf32, #tpu.memory_space<vmem>>
      %dma_start3A_132 = tpu.memref_squeeze %dma_start3A_131 : memref<1x16x128xf32, #tpu.memory_space<vmem>> -> memref<16x128xf32, #tpu.memory_space<vmem>>
      %dma_start3A_133 = arith.constant 0 : i32
      %dma_start3A_134 = tpu.memref_slice %arg3[%dma_start3A_120, %mul3A_40, %dma_start3A_133] : memref<9x50000x128xf32, #tpu.memory_space<hbm>> -> memref<1x16x128xf32, #tpu.memory_space<hbm>>
      %dma_start3A_135 = tpu.memref_squeeze %dma_start3A_134 : memref<1x16x128xf32, #tpu.memory_space<hbm>> -> memref<16x128xf32, #tpu.memory_space<hbm>>
      tpu.enqueue_dma source(%dma_start3A_135 : memref<16x128xf32, #tpu.memory_space<hbm>>) target(%dma_start3A_132 : memref<16x128xf32, #tpu.memory_space<vmem>>) target_semaphore(%arg10 : memref<!tpu.dma_semaphore, #tpu.memory_space<semaphore_mem>>)
      %dma_start3A_136 = arith.constant 3 : i32
      %dma_start3A_137 = arith.constant 3 : i32
      %dma_start3A_138 = arith.constant 0 : i32
      %dma_start3A_139 = arith.constant 0 : i32
      %dma_start3A_140 = tpu.memref_slice %arg6[%dma_start3A_137, %dma_start3A_138, %dma_start3A_139] : memref<9x16x128xf32, #tpu.memory_space<vmem>> -> memref<1x16x128xf32, #tpu.memory_space<vmem>>
      %dma_start3A_141 = tpu.memref_squeeze %dma_start3A_140 : memref<1x16x128xf32, #tpu.memory_space<vmem>> -> memref<16x128xf32, #tpu.memory_space<vmem>>
      %dma_start3A_142 = arith.constant 0 : i32
      %dma_start3A_143 = tpu.memref_slice %arg2[%dma_start3A_136, %mul3A_40, %dma_start3A_142] : memref<9x50000x128xf32, #tpu.memory_space<hbm>> -> memref<1x16x128xf32, #tpu.memory_space<hbm>>
      %dma_start3A_144 = tpu.memref_squeeze %dma_start3A_143 : memref<1x16x128xf32, #tpu.memory_space<hbm>> -> memref<16x128xf32, #tpu.memory_space<hbm>>
      %dma_start3A_145 = arith.constant 0 : i32
      %dma_start3A_146 = arith.constant 0 : i32
      %dma_start3A_147 = tpu.memref_slice %arg6[%dma_start3A_137, %dma_start3A_145, %dma_start3A_146] : memref<9x16x128xf32, #tpu.memory_space<vmem>> -> memref<1x16x128xf32, #tpu.memory_space<vmem>>
      %dma_start3A_148 = tpu.memref_squeeze %dma_start3A_147 : memref<1x16x128xf32, #tpu.memory_space<vmem>> -> memref<16x128xf32, #tpu.memory_space<vmem>>
      %dma_start3A_149 = arith.constant 0 : i32
      %dma_start3A_150 = tpu.memref_slice %arg2[%dma_start3A_136, %mul3A_40, %dma_start3A_149] : memref<9x50000x128xf32, #tpu.memory_space<hbm>> -> memref<1x16x128xf32, #tpu.memory_space<hbm>>
      %dma_start3A_151 = tpu.memref_squeeze %dma_start3A_150 : memref<1x16x128xf32, #tpu.memory_space<hbm>> -> memref<16x128xf32, #tpu.memory_space<hbm>>
      tpu.enqueue_dma source(%dma_start3A_151 : memref<16x128xf32, #tpu.memory_space<hbm>>) target(%dma_start3A_148 : memref<16x128xf32, #tpu.memory_space<vmem>>) target_semaphore(%arg10 : memref<!tpu.dma_semaphore, #tpu.memory_space<semaphore_mem>>)
      %dma_start3A_152 = arith.constant 3 : i32
      %dma_start3A_153 = arith.constant 3 : i32
      %dma_start3A_154 = arith.constant 0 : i32
      %dma_start3A_155 = arith.constant 0 : i32
      %dma_start3A_156 = tpu.memref_slice %arg7[%dma_start3A_153, %dma_start3A_154, %dma_start3A_155] : memref<9x16x128xf32, #tpu.memory_space<vmem>> -> memref<1x16x128xf32, #tpu.memory_space<vmem>>
      %dma_start3A_157 = tpu.memref_squeeze %dma_start3A_156 : memref<1x16x128xf32, #tpu.memory_space<vmem>> -> memref<16x128xf32, #tpu.memory_space<vmem>>
      %dma_start3A_158 = arith.constant 0 : i32
      %dma_start3A_159 = tpu.memref_slice %arg3[%dma_start3A_152, %mul3A_40, %dma_start3A_158] : memref<9x50000x128xf32, #tpu.memory_space<hbm>> -> memref<1x16x128xf32, #tpu.memory_space<hbm>>
      %dma_start3A_160 = tpu.memref_squeeze %dma_start3A_159 : memref<1x16x128xf32, #tpu.memory_space<hbm>> -> memref<16x128xf32, #tpu.memory_space<hbm>>
      %dma_start3A_161 = arith.constant 0 : i32
      %dma_start3A_162 = arith.constant 0 : i32
      %dma_start3A_163 = tpu.memref_slice %arg7[%dma_start3A_153, %dma_start3A_161, %dma_start3A_162] : memref<9x16x128xf32, #tpu.memory_space<vmem>> -> memref<1x16x128xf32, #tpu.memory_space<vmem>>
      %dma_start3A_164 = tpu.memref_squeeze %dma_start3A_163 : memref<1x16x128xf32, #tpu.memory_space<vmem>> -> memref<16x128xf32, #tpu.memory_space<vmem>>
      %dma_start3A_165 = arith.constant 0 : i32
      %dma_start3A_166 = tpu.memref_slice %arg3[%dma_start3A_152, %mul3A_40, %dma_start3A_165] : memref<9x50000x128xf32, #tpu.memory_space<hbm>> -> memref<1x16x128xf32, #tpu.memory_space<hbm>>
      %dma_start3A_167 = tpu.memref_squeeze %dma_start3A_166 : memref<1x16x128xf32, #tpu.memory_space<hbm>> -> memref<16x128xf32, #tpu.memory_space<hbm>>
      tpu.enqueue_dma source(%dma_start3A_167 : memref<16x128xf32, #tpu.memory_space<hbm>>) target(%dma_start3A_164 : memref<16x128xf32, #tpu.memory_space<vmem>>) target_semaphore(%arg10 : memref<!tpu.dma_semaphore, #tpu.memory_space<semaphore_mem>>)
      %dma_start3A_168 = arith.constant 4 : i32
      %dma_start3A_169 = arith.constant 4 : i32
      %dma_start3A_170 = arith.constant 0 : i32
      %dma_start3A_171 = arith.constant 0 : i32
      %dma_start3A_172 = tpu.memref_slice %arg6[%dma_start3A_169, %dma_start3A_170, %dma_start3A_171] : memref<9x16x128xf32, #tpu.memory_space<vmem>> -> memref<1x16x128xf32, #tpu.memory_space<vmem>>
      %dma_start3A_173 = tpu.memref_squeeze %dma_start3A_172 : memref<1x16x128xf32, #tpu.memory_space<vmem>> -> memref<16x128xf32, #tpu.memory_space<vmem>>
      %dma_start3A_174 = arith.constant 0 : i32
      %dma_start3A_175 = tpu.memref_slice %arg2[%dma_start3A_168, %mul3A_40, %dma_start3A_174] : memref<9x50000x128xf32, #tpu.memory_space<hbm>> -> memref<1x16x128xf32, #tpu.memory_space<hbm>>
      %dma_start3A_176 = tpu.memref_squeeze %dma_start3A_175 : memref<1x16x128xf32, #tpu.memory_space<hbm>> -> memref<16x128xf32, #tpu.memory_space<hbm>>
      %dma_start3A_177 = arith.constant 0 : i32
      %dma_start3A_178 = arith.constant 0 : i32
      %dma_start3A_179 = tpu.memref_slice %arg6[%dma_start3A_169, %dma_start3A_177, %dma_start3A_178] : memref<9x16x128xf32, #tpu.memory_space<vmem>> -> memref<1x16x128xf32, #tpu.memory_space<vmem>>
      %dma_start3A_180 = tpu.memref_squeeze %dma_start3A_179 : memref<1x16x128xf32, #tpu.memory_space<vmem>> -> memref<16x128xf32, #tpu.memory_space<vmem>>
      %dma_start3A_181 = arith.constant 0 : i32
      %dma_start3A_182 = tpu.memref_slice %arg2[%dma_start3A_168, %mul3A_40, %dma_start3A_181] : memref<9x50000x128xf32, #tpu.memory_space<hbm>> -> memref<1x16x128xf32, #tpu.memory_space<hbm>>
      %dma_start3A_183 = tpu.memref_squeeze %dma_start3A_182 : memref<1x16x128xf32, #tpu.memory_space<hbm>> -> memref<16x128xf32, #tpu.memory_space<hbm>>
      tpu.enqueue_dma source(%dma_start3A_183 : memref<16x128xf32, #tpu.memory_space<hbm>>) target(%dma_start3A_180 : memref<16x128xf32, #tpu.memory_space<vmem>>) target_semaphore(%arg10 : memref<!tpu.dma_semaphore, #tpu.memory_space<semaphore_mem>>)
      %dma_start3A_184 = arith.constant 4 : i32
      %dma_start3A_185 = arith.constant 4 : i32
      %dma_start3A_186 = arith.constant 0 : i32
      %dma_start3A_187 = arith.constant 0 : i32
      %dma_start3A_188 = tpu.memref_slice %arg7[%dma_start3A_185, %dma_start3A_186, %dma_start3A_187] : memref<9x16x128xf32, #tpu.memory_space<vmem>> -> memref<1x16x128xf32, #tpu.memory_space<vmem>>
      %dma_start3A_189 = tpu.memref_squeeze %dma_start3A_188 : memref<1x16x128xf32, #tpu.memory_space<vmem>> -> memref<16x128xf32, #tpu.memory_space<vmem>>
      %dma_start3A_190 = arith.constant 0 : i32
      %dma_start3A_191 = tpu.memref_slice %arg3[%dma_start3A_184, %mul3A_40, %dma_start3A_190] : memref<9x50000x128xf32, #tpu.memory_space<hbm>> -> memref<1x16x128xf32, #tpu.memory_space<hbm>>
      %dma_start3A_192 = tpu.memref_squeeze %dma_start3A_191 : memref<1x16x128xf32, #tpu.memory_space<hbm>> -> memref<16x128xf32, #tpu.memory_space<hbm>>
      %dma_start3A_193 = arith.constant 0 : i32
      %dma_start3A_194 = arith.constant 0 : i32
      %dma_start3A_195 = tpu.memref_slice %arg7[%dma_start3A_185, %dma_start3A_193, %dma_start3A_194] : memref<9x16x128xf32, #tpu.memory_space<vmem>> -> memref<1x16x128xf32, #tpu.memory_space<vmem>>
      %dma_start3A_196 = tpu.memref_squeeze %dma_start3A_195 : memref<1x16x128xf32, #tpu.memory_space<vmem>> -> memref<16x128xf32, #tpu.memory_space<vmem>>
      %dma_start3A_197 = arith.constant 0 : i32
      %dma_start3A_198 = tpu.memref_slice %arg3[%dma_start3A_184, %mul3A_40, %dma_start3A_197] : memref<9x50000x128xf32, #tpu.memory_space<hbm>> -> memref<1x16x128xf32, #tpu.memory_space<hbm>>
      %dma_start3A_199 = tpu.memref_squeeze %dma_start3A_198 : memref<1x16x128xf32, #tpu.memory_space<hbm>> -> memref<16x128xf32, #tpu.memory_space<hbm>>
      tpu.enqueue_dma source(%dma_start3A_199 : memref<16x128xf32, #tpu.memory_space<hbm>>) target(%dma_start3A_196 : memref<16x128xf32, #tpu.memory_space<vmem>>) target_semaphore(%arg10 : memref<!tpu.dma_semaphore, #tpu.memory_space<semaphore_mem>>)
      %dma_start3A_200 = arith.constant 5 : i32
      %dma_start3A_201 = arith.constant 5 : i32
      %dma_start3A_202 = arith.constant 0 : i32
      %dma_start3A_203 = arith.constant 0 : i32
      %dma_start3A_204 = tpu.memref_slice %arg6[%dma_start3A_201, %dma_start3A_202, %dma_start3A_203] : memref<9x16x128xf32, #tpu.memory_space<vmem>> -> memref<1x16x128xf32, #tpu.memory_space<vmem>>
      %dma_start3A_205 = tpu.memref_squeeze %dma_start3A_204 : memref<1x16x128xf32, #tpu.memory_space<vmem>> -> memref<16x128xf32, #tpu.memory_space<vmem>>
      %dma_start3A_206 = arith.constant 0 : i32
      %dma_start3A_207 = tpu.memref_slice %arg2[%dma_start3A_200, %mul3A_40, %dma_start3A_206] : memref<9x50000x128xf32, #tpu.memory_space<hbm>> -> memref<1x16x128xf32, #tpu.memory_space<hbm>>
      %dma_start3A_208 = tpu.memref_squeeze %dma_start3A_207 : memref<1x16x128xf32, #tpu.memory_space<hbm>> -> memref<16x128xf32, #tpu.memory_space<hbm>>
      %dma_start3A_209 = arith.constant 0 : i32
      %dma_start3A_210 = arith.constant 0 : i32
      %dma_start3A_211 = tpu.memref_slice %arg6[%dma_start3A_201, %dma_start3A_209, %dma_start3A_210] : memref<9x16x128xf32, #tpu.memory_space<vmem>> -> memref<1x16x128xf32, #tpu.memory_space<vmem>>
      %dma_start3A_212 = tpu.memref_squeeze %dma_start3A_211 : memref<1x16x128xf32, #tpu.memory_space<vmem>> -> memref<16x128xf32, #tpu.memory_space<vmem>>
      %dma_start3A_213 = arith.constant 0 : i32
      %dma_start3A_214 = tpu.memref_slice %arg2[%dma_start3A_200, %mul3A_40, %dma_start3A_213] : memref<9x50000x128xf32, #tpu.memory_space<hbm>> -> memref<1x16x128xf32, #tpu.memory_space<hbm>>
      %dma_start3A_215 = tpu.memref_squeeze %dma_start3A_214 : memref<1x16x128xf32, #tpu.memory_space<hbm>> -> memref<16x128xf32, #tpu.memory_space<hbm>>
      tpu.enqueue_dma source(%dma_start3A_215 : memref<16x128xf32, #tpu.memory_space<hbm>>) target(%dma_start3A_212 : memref<16x128xf32, #tpu.memory_space<vmem>>) target_semaphore(%arg10 : memref<!tpu.dma_semaphore, #tpu.memory_space<semaphore_mem>>)
      %dma_start3A_216 = arith.constant 5 : i32
      %dma_start3A_217 = arith.constant 5 : i32
      %dma_start3A_218 = arith.constant 0 : i32
      %dma_start3A_219 = arith.constant 0 : i32
      %dma_start3A_220 = tpu.memref_slice %arg7[%dma_start3A_217, %dma_start3A_218, %dma_start3A_219] : memref<9x16x128xf32, #tpu.memory_space<vmem>> -> memref<1x16x128xf32, #tpu.memory_space<vmem>>
      %dma_start3A_221 = tpu.memref_squeeze %dma_start3A_220 : memref<1x16x128xf32, #tpu.memory_space<vmem>> -> memref<16x128xf32, #tpu.memory_space<vmem>>
      %dma_start3A_222 = arith.constant 0 : i32
      %dma_start3A_223 = tpu.memref_slice %arg3[%dma_start3A_216, %mul3A_40, %dma_start3A_222] : memref<9x50000x128xf32, #tpu.memory_space<hbm>> -> memref<1x16x128xf32, #tpu.memory_space<hbm>>
      %dma_start3A_224 = tpu.memref_squeeze %dma_start3A_223 : memref<1x16x128xf32, #tpu.memory_space<hbm>> -> memref<16x128xf32, #tpu.memory_space<hbm>>
      %dma_start3A_225 = arith.constant 0 : i32
      %dma_start3A_226 = arith.constant 0 : i32
      %dma_start3A_227 = tpu.memref_slice %arg7[%dma_start3A_217, %dma_start3A_225, %dma_start3A_226] : memref<9x16x128xf32, #tpu.memory_space<vmem>> -> memref<1x16x128xf32, #tpu.memory_space<vmem>>
      %dma_start3A_228 = tpu.memref_squeeze %dma_start3A_227 : memref<1x16x128xf32, #tpu.memory_space<vmem>> -> memref<16x128xf32, #tpu.memory_space<vmem>>
      %dma_start3A_229 = arith.constant 0 : i32
      %dma_start3A_230 = tpu.memref_slice %arg3[%dma_start3A_216, %mul3A_40, %dma_start3A_229] : memref<9x50000x128xf32, #tpu.memory_space<hbm>> -> memref<1x16x128xf32, #tpu.memory_space<hbm>>
      %dma_start3A_231 = tpu.memref_squeeze %dma_start3A_230 : memref<1x16x128xf32, #tpu.memory_space<hbm>> -> memref<16x128xf32, #tpu.memory_space<hbm>>
      tpu.enqueue_dma source(%dma_start3A_231 : memref<16x128xf32, #tpu.memory_space<hbm>>) target(%dma_start3A_228 : memref<16x128xf32, #tpu.memory_space<vmem>>) target_semaphore(%arg10 : memref<!tpu.dma_semaphore, #tpu.memory_space<semaphore_mem>>)
      %dma_start3A_232 = arith.constant 6 : i32
      %dma_start3A_233 = arith.constant 6 : i32
      %dma_start3A_234 = arith.constant 0 : i32
      %dma_start3A_235 = arith.constant 0 : i32
      %dma_start3A_236 = tpu.memref_slice %arg6[%dma_start3A_233, %dma_start3A_234, %dma_start3A_235] : memref<9x16x128xf32, #tpu.memory_space<vmem>> -> memref<1x16x128xf32, #tpu.memory_space<vmem>>
      %dma_start3A_237 = tpu.memref_squeeze %dma_start3A_236 : memref<1x16x128xf32, #tpu.memory_space<vmem>> -> memref<16x128xf32, #tpu.memory_space<vmem>>
      %dma_start3A_238 = arith.constant 0 : i32
      %dma_start3A_239 = tpu.memref_slice %arg2[%dma_start3A_232, %mul3A_40, %dma_start3A_238] : memref<9x50000x128xf32, #tpu.memory_space<hbm>> -> memref<1x16x128xf32, #tpu.memory_space<hbm>>
      %dma_start3A_240 = tpu.memref_squeeze %dma_start3A_239 : memref<1x16x128xf32, #tpu.memory_space<hbm>> -> memref<16x128xf32, #tpu.memory_space<hbm>>
      %dma_start3A_241 = arith.constant 0 : i32
      %dma_start3A_242 = arith.constant 0 : i32
      %dma_start3A_243 = tpu.memref_slice %arg6[%dma_start3A_233, %dma_start3A_241, %dma_start3A_242] : memref<9x16x128xf32, #tpu.memory_space<vmem>> -> memref<1x16x128xf32, #tpu.memory_space<vmem>>
      %dma_start3A_244 = tpu.memref_squeeze %dma_start3A_243 : memref<1x16x128xf32, #tpu.memory_space<vmem>> -> memref<16x128xf32, #tpu.memory_space<vmem>>
      %dma_start3A_245 = arith.constant 0 : i32
      %dma_start3A_246 = tpu.memref_slice %arg2[%dma_start3A_232, %mul3A_40, %dma_start3A_245] : memref<9x50000x128xf32, #tpu.memory_space<hbm>> -> memref<1x16x128xf32, #tpu.memory_space<hbm>>
      %dma_start3A_247 = tpu.memref_squeeze %dma_start3A_246 : memref<1x16x128xf32, #tpu.memory_space<hbm>> -> memref<16x128xf32, #tpu.memory_space<hbm>>
      tpu.enqueue_dma source(%dma_start3A_247 : memref<16x128xf32, #tpu.memory_space<hbm>>) target(%dma_start3A_244 : memref<16x128xf32, #tpu.memory_space<vmem>>) target_semaphore(%arg10 : memref<!tpu.dma_semaphore, #tpu.memory_space<semaphore_mem>>)
      %dma_start3A_248 = arith.constant 6 : i32
      %dma_start3A_249 = arith.constant 6 : i32
      %dma_start3A_250 = arith.constant 0 : i32
      %dma_start3A_251 = arith.constant 0 : i32
      %dma_start3A_252 = tpu.memref_slice %arg7[%dma_start3A_249, %dma_start3A_250, %dma_start3A_251] : memref<9x16x128xf32, #tpu.memory_space<vmem>> -> memref<1x16x128xf32, #tpu.memory_space<vmem>>
      %dma_start3A_253 = tpu.memref_squeeze %dma_start3A_252 : memref<1x16x128xf32, #tpu.memory_space<vmem>> -> memref<16x128xf32, #tpu.memory_space<vmem>>
      %dma_start3A_254 = arith.constant 0 : i32
      %dma_start3A_255 = tpu.memref_slice %arg3[%dma_start3A_248, %mul3A_40, %dma_start3A_254] : memref<9x50000x128xf32, #tpu.memory_space<hbm>> -> memref<1x16x128xf32, #tpu.memory_space<hbm>>
      %dma_start3A_256 = tpu.memref_squeeze %dma_start3A_255 : memref<1x16x128xf32, #tpu.memory_space<hbm>> -> memref<16x128xf32, #tpu.memory_space<hbm>>
      %dma_start3A_257 = arith.constant 0 : i32
      %dma_start3A_258 = arith.constant 0 : i32
      %dma_start3A_259 = tpu.memref_slice %arg7[%dma_start3A_249, %dma_start3A_257, %dma_start3A_258] : memref<9x16x128xf32, #tpu.memory_space<vmem>> -> memref<1x16x128xf32, #tpu.memory_space<vmem>>
      %dma_start3A_260 = tpu.memref_squeeze %dma_start3A_259 : memref<1x16x128xf32, #tpu.memory_space<vmem>> -> memref<16x128xf32, #tpu.memory_space<vmem>>
      %dma_start3A_261 = arith.constant 0 : i32
      %dma_start3A_262 = tpu.memref_slice %arg3[%dma_start3A_248, %mul3A_40, %dma_start3A_261] : memref<9x50000x128xf32, #tpu.memory_space<hbm>> -> memref<1x16x128xf32, #tpu.memory_space<hbm>>
      %dma_start3A_263 = tpu.memref_squeeze %dma_start3A_262 : memref<1x16x128xf32, #tpu.memory_space<hbm>> -> memref<16x128xf32, #tpu.memory_space<hbm>>
      tpu.enqueue_dma source(%dma_start3A_263 : memref<16x128xf32, #tpu.memory_space<hbm>>) target(%dma_start3A_260 : memref<16x128xf32, #tpu.memory_space<vmem>>) target_semaphore(%arg10 : memref<!tpu.dma_semaphore, #tpu.memory_space<semaphore_mem>>)
      %dma_start3A_264 = arith.constant 7 : i32
      %dma_start3A_265 = arith.constant 7 : i32
      %dma_start3A_266 = arith.constant 0 : i32
      %dma_start3A_267 = arith.constant 0 : i32
      %dma_start3A_268 = tpu.memref_slice %arg6[%dma_start3A_265, %dma_start3A_266, %dma_start3A_267] : memref<9x16x128xf32, #tpu.memory_space<vmem>> -> memref<1x16x128xf32, #tpu.memory_space<vmem>>
      %dma_start3A_269 = tpu.memref_squeeze %dma_start3A_268 : memref<1x16x128xf32, #tpu.memory_space<vmem>> -> memref<16x128xf32, #tpu.memory_space<vmem>>
      %dma_start3A_270 = arith.constant 0 : i32
      %dma_start3A_271 = tpu.memref_slice %arg2[%dma_start3A_264, %mul3A_40, %dma_start3A_270] : memref<9x50000x128xf32, #tpu.memory_space<hbm>> -> memref<1x16x128xf32, #tpu.memory_space<hbm>>
      %dma_start3A_272 = tpu.memref_squeeze %dma_start3A_271 : memref<1x16x128xf32, #tpu.memory_space<hbm>> -> memref<16x128xf32, #tpu.memory_space<hbm>>
      %dma_start3A_273 = arith.constant 0 : i32
      %dma_start3A_274 = arith.constant 0 : i32
      %dma_start3A_275 = tpu.memref_slice %arg6[%dma_start3A_265, %dma_start3A_273, %dma_start3A_274] : memref<9x16x128xf32, #tpu.memory_space<vmem>> -> memref<1x16x128xf32, #tpu.memory_space<vmem>>
      %dma_start3A_276 = tpu.memref_squeeze %dma_start3A_275 : memref<1x16x128xf32, #tpu.memory_space<vmem>> -> memref<16x128xf32, #tpu.memory_space<vmem>>
      %dma_start3A_277 = arith.constant 0 : i32
      %dma_start3A_278 = tpu.memref_slice %arg2[%dma_start3A_264, %mul3A_40, %dma_start3A_277] : memref<9x50000x128xf32, #tpu.memory_space<hbm>> -> memref<1x16x128xf32, #tpu.memory_space<hbm>>
      %dma_start3A_279 = tpu.memref_squeeze %dma_start3A_278 : memref<1x16x128xf32, #tpu.memory_space<hbm>> -> memref<16x128xf32, #tpu.memory_space<hbm>>
      tpu.enqueue_dma source(%dma_start3A_279 : memref<16x128xf32, #tpu.memory_space<hbm>>) target(%dma_start3A_276 : memref<16x128xf32, #tpu.memory_space<vmem>>) target_semaphore(%arg10 : memref<!tpu.dma_semaphore, #tpu.memory_space<semaphore_mem>>)
      %dma_start3A_280 = arith.constant 7 : i32
      %dma_start3A_281 = arith.constant 7 : i32
      %dma_start3A_282 = arith.constant 0 : i32
      %dma_start3A_283 = arith.constant 0 : i32
      %dma_start3A_284 = tpu.memref_slice %arg7[%dma_start3A_281, %dma_start3A_282, %dma_start3A_283] : memref<9x16x128xf32, #tpu.memory_space<vmem>> -> memref<1x16x128xf32, #tpu.memory_space<vmem>>
      %dma_start3A_285 = tpu.memref_squeeze %dma_start3A_284 : memref<1x16x128xf32, #tpu.memory_space<vmem>> -> memref<16x128xf32, #tpu.memory_space<vmem>>
      %dma_start3A_286 = arith.constant 0 : i32
      %dma_start3A_287 = tpu.memref_slice %arg3[%dma_start3A_280, %mul3A_40, %dma_start3A_286] : memref<9x50000x128xf32, #tpu.memory_space<hbm>> -> memref<1x16x128xf32, #tpu.memory_space<hbm>>
      %dma_start3A_288 = tpu.memref_squeeze %dma_start3A_287 : memref<1x16x128xf32, #tpu.memory_space<hbm>> -> memref<16x128xf32, #tpu.memory_space<hbm>>
      %dma_start3A_289 = arith.constant 0 : i32
      %dma_start3A_290 = arith.constant 0 : i32
      %dma_start3A_291 = tpu.memref_slice %arg7[%dma_start3A_281, %dma_start3A_289, %dma_start3A_290] : memref<9x16x128xf32, #tpu.memory_space<vmem>> -> memref<1x16x128xf32, #tpu.memory_space<vmem>>
      %dma_start3A_292 = tpu.memref_squeeze %dma_start3A_291 : memref<1x16x128xf32, #tpu.memory_space<vmem>> -> memref<16x128xf32, #tpu.memory_space<vmem>>
      %dma_start3A_293 = arith.constant 0 : i32
      %dma_start3A_294 = tpu.memref_slice %arg3[%dma_start3A_280, %mul3A_40, %dma_start3A_293] : memref<9x50000x128xf32, #tpu.memory_space<hbm>> -> memref<1x16x128xf32, #tpu.memory_space<hbm>>
      %dma_start3A_295 = tpu.memref_squeeze %dma_start3A_294 : memref<1x16x128xf32, #tpu.memory_space<hbm>> -> memref<16x128xf32, #tpu.memory_space<hbm>>
      tpu.enqueue_dma source(%dma_start3A_295 : memref<16x128xf32, #tpu.memory_space<hbm>>) target(%dma_start3A_292 : memref<16x128xf32, #tpu.memory_space<vmem>>) target_semaphore(%arg10 : memref<!tpu.dma_semaphore, #tpu.memory_space<semaphore_mem>>)
      %dma_start3A_296 = arith.constant 8 : i32
      %dma_start3A_297 = arith.constant 8 : i32
      %dma_start3A_298 = arith.constant 0 : i32
      %dma_start3A_299 = arith.constant 0 : i32
      %dma_start3A_300 = tpu.memref_slice %arg6[%dma_start3A_297, %dma_start3A_298, %dma_start3A_299] : memref<9x16x128xf32, #tpu.memory_space<vmem>> -> memref<1x16x128xf32, #tpu.memory_space<vmem>>
      %dma_start3A_301 = tpu.memref_squeeze %dma_start3A_300 : memref<1x16x128xf32, #tpu.memory_space<vmem>> -> memref<16x128xf32, #tpu.memory_space<vmem>>
      %dma_start3A_302 = arith.constant 0 : i32
      %dma_start3A_303 = tpu.memref_slice %arg2[%dma_start3A_296, %mul3A_40, %dma_start3A_302] : memref<9x50000x128xf32, #tpu.memory_space<hbm>> -> memref<1x16x128xf32, #tpu.memory_space<hbm>>
      %dma_start3A_304 = tpu.memref_squeeze %dma_start3A_303 : memref<1x16x128xf32, #tpu.memory_space<hbm>> -> memref<16x128xf32, #tpu.memory_space<hbm>>
      %dma_start3A_305 = arith.constant 0 : i32
      %dma_start3A_306 = arith.constant 0 : i32
      %dma_start3A_307 = tpu.memref_slice %arg6[%dma_start3A_297, %dma_start3A_305, %dma_start3A_306] : memref<9x16x128xf32, #tpu.memory_space<vmem>> -> memref<1x16x128xf32, #tpu.memory_space<vmem>>
      %dma_start3A_308 = tpu.memref_squeeze %dma_start3A_307 : memref<1x16x128xf32, #tpu.memory_space<vmem>> -> memref<16x128xf32, #tpu.memory_space<vmem>>
      %dma_start3A_309 = arith.constant 0 : i32
      %dma_start3A_310 = tpu.memref_slice %arg2[%dma_start3A_296, %mul3A_40, %dma_start3A_309] : memref<9x50000x128xf32, #tpu.memory_space<hbm>> -> memref<1x16x128xf32, #tpu.memory_space<hbm>>
      %dma_start3A_311 = tpu.memref_squeeze %dma_start3A_310 : memref<1x16x128xf32, #tpu.memory_space<hbm>> -> memref<16x128xf32, #tpu.memory_space<hbm>>
      tpu.enqueue_dma source(%dma_start3A_311 : memref<16x128xf32, #tpu.memory_space<hbm>>) target(%dma_start3A_308 : memref<16x128xf32, #tpu.memory_space<vmem>>) target_semaphore(%arg10 : memref<!tpu.dma_semaphore, #tpu.memory_space<semaphore_mem>>)
      %dma_start3A_312 = arith.constant 8 : i32
      %dma_start3A_313 = arith.constant 8 : i32
      %dma_start3A_314 = arith.constant 0 : i32
      %dma_start3A_315 = arith.constant 0 : i32
      %dma_start3A_316 = tpu.memref_slice %arg7[%dma_start3A_313, %dma_start3A_314, %dma_start3A_315] : memref<9x16x128xf32, #tpu.memory_space<vmem>> -> memref<1x16x128xf32, #tpu.memory_space<vmem>>
      %dma_start3A_317 = tpu.memref_squeeze %dma_start3A_316 : memref<1x16x128xf32, #tpu.memory_space<vmem>> -> memref<16x128xf32, #tpu.memory_space<vmem>>
      %dma_start3A_318 = arith.constant 0 : i32
      %dma_start3A_319 = tpu.memref_slice %arg3[%dma_start3A_312, %mul3A_40, %dma_start3A_318] : memref<9x50000x128xf32, #tpu.memory_space<hbm>> -> memref<1x16x128xf32, #tpu.memory_space<hbm>>
      %dma_start3A_320 = tpu.memref_squeeze %dma_start3A_319 : memref<1x16x128xf32, #tpu.memory_space<hbm>> -> memref<16x128xf32, #tpu.memory_space<hbm>>
      %dma_start3A_321 = arith.constant 0 : i32
      %dma_start3A_322 = arith.constant 0 : i32
      %dma_start3A_323 = tpu.memref_slice %arg7[%dma_start3A_313, %dma_start3A_321, %dma_start3A_322] : memref<9x16x128xf32, #tpu.memory_space<vmem>> -> memref<1x16x128xf32, #tpu.memory_space<vmem>>
      %dma_start3A_324 = tpu.memref_squeeze %dma_start3A_323 : memref<1x16x128xf32, #tpu.memory_space<vmem>> -> memref<16x128xf32, #tpu.memory_space<vmem>>
      %dma_start3A_325 = arith.constant 0 : i32
      %dma_start3A_326 = tpu.memref_slice %arg3[%dma_start3A_312, %mul3A_40, %dma_start3A_325] : memref<9x50000x128xf32, #tpu.memory_space<hbm>> -> memref<1x16x128xf32, #tpu.memory_space<hbm>>
      %dma_start3A_327 = tpu.memref_squeeze %dma_start3A_326 : memref<1x16x128xf32, #tpu.memory_space<hbm>> -> memref<16x128xf32, #tpu.memory_space<hbm>>
      tpu.enqueue_dma source(%dma_start3A_327 : memref<16x128xf32, #tpu.memory_space<hbm>>) target(%dma_start3A_324 : memref<16x128xf32, #tpu.memory_space<vmem>>) target_semaphore(%arg10 : memref<!tpu.dma_semaphore, #tpu.memory_space<semaphore_mem>>)
      %dma_wait3A = arith.constant 0 : i32
      %dma_wait3A_328 = arith.constant 0 : i32
      %dma_wait3A_329 = arith.constant 0 : i32
      %dma_wait3A_330 = arith.constant 0 : i32
      %dma_wait3A_331 = tpu.memref_slice %arg6[%dma_wait3A_328, %dma_wait3A_329, %dma_wait3A_330] : memref<9x16x128xf32, #tpu.memory_space<vmem>> -> memref<1x16x128xf32, #tpu.memory_space<vmem>>
      %dma_wait3A_332 = tpu.memref_squeeze %dma_wait3A_331 : memref<1x16x128xf32, #tpu.memory_space<vmem>> -> memref<16x128xf32, #tpu.memory_space<vmem>>
      %dma_wait3A_333 = arith.constant 0 : i32
      %dma_wait3A_334 = tpu.memref_slice %arg2[%dma_wait3A, %mul3A_40, %dma_wait3A_333] : memref<9x50000x128xf32, #tpu.memory_space<hbm>> -> memref<1x16x128xf32, #tpu.memory_space<hbm>>
      %dma_wait3A_335 = tpu.memref_squeeze %dma_wait3A_334 : memref<1x16x128xf32, #tpu.memory_space<hbm>> -> memref<16x128xf32, #tpu.memory_space<hbm>>
      %dma_wait3A_336 = arith.constant 0 : i32
      %dma_wait3A_337 = arith.constant 0 : i32
      %dma_wait3A_338 = tpu.memref_slice %arg6[%dma_wait3A_328, %dma_wait3A_336, %dma_wait3A_337] : memref<9x16x128xf32, #tpu.memory_space<vmem>> -> memref<1x16x128xf32, #tpu.memory_space<vmem>>
      %dma_wait3A_339 = tpu.memref_squeeze %dma_wait3A_338 : memref<1x16x128xf32, #tpu.memory_space<vmem>> -> memref<16x128xf32, #tpu.memory_space<vmem>>
      %dma_wait3A_340 = arith.constant 0 : i32
      %dma_wait3A_341 = tpu.memref_slice %arg2[%dma_wait3A, %mul3A_40, %dma_wait3A_340] : memref<9x50000x128xf32, #tpu.memory_space<hbm>> -> memref<1x16x128xf32, #tpu.memory_space<hbm>>
      %dma_wait3A_342 = tpu.memref_squeeze %dma_wait3A_341 : memref<1x16x128xf32, #tpu.memory_space<hbm>> -> memref<16x128xf32, #tpu.memory_space<hbm>>
      tpu.wait_dma2 semaphore(%arg10 : memref<!tpu.dma_semaphore, #tpu.memory_space<semaphore_mem>>) src(%dma_wait3A_342 : memref<16x128xf32, #tpu.memory_space<hbm>>) dst(%dma_wait3A_339 : memref<16x128xf32, #tpu.memory_space<vmem>>)
      %dma_wait3A_343 = arith.constant 0 : i32
      %dma_wait3A_344 = arith.constant 0 : i32
      %dma_wait3A_345 = arith.constant 0 : i32
      %dma_wait3A_346 = arith.constant 0 : i32
      %dma_wait3A_347 = tpu.memref_slice %arg7[%dma_wait3A_344, %dma_wait3A_345, %dma_wait3A_346] : memref<9x16x128xf32, #tpu.memory_space<vmem>> -> memref<1x16x128xf32, #tpu.memory_space<vmem>>
      %dma_wait3A_348 = tpu.memref_squeeze %dma_wait3A_347 : memref<1x16x128xf32, #tpu.memory_space<vmem>> -> memref<16x128xf32, #tpu.memory_space<vmem>>
      %dma_wait3A_349 = arith.constant 0 : i32
      %dma_wait3A_350 = tpu.memref_slice %arg3[%dma_wait3A_343, %mul3A_40, %dma_wait3A_349] : memref<9x50000x128xf32, #tpu.memory_space<hbm>> -> memref<1x16x128xf32, #tpu.memory_space<hbm>>
      %dma_wait3A_351 = tpu.memref_squeeze %dma_wait3A_350 : memref<1x16x128xf32, #tpu.memory_space<hbm>> -> memref<16x128xf32, #tpu.memory_space<hbm>>
      %dma_wait3A_352 = arith.constant 0 : i32
      %dma_wait3A_353 = arith.constant 0 : i32
      %dma_wait3A_354 = tpu.memref_slice %arg7[%dma_wait3A_344, %dma_wait3A_352, %dma_wait3A_353] : memref<9x16x128xf32, #tpu.memory_space<vmem>> -> memref<1x16x128xf32, #tpu.memory_space<vmem>>
      %dma_wait3A_355 = tpu.memref_squeeze %dma_wait3A_354 : memref<1x16x128xf32, #tpu.memory_space<vmem>> -> memref<16x128xf32, #tpu.memory_space<vmem>>
      %dma_wait3A_356 = arith.constant 0 : i32
      %dma_wait3A_357 = tpu.memref_slice %arg3[%dma_wait3A_343, %mul3A_40, %dma_wait3A_356] : memref<9x50000x128xf32, #tpu.memory_space<hbm>> -> memref<1x16x128xf32, #tpu.memory_space<hbm>>
      %dma_wait3A_358 = tpu.memref_squeeze %dma_wait3A_357 : memref<1x16x128xf32, #tpu.memory_space<hbm>> -> memref<16x128xf32, #tpu.memory_space<hbm>>
      tpu.wait_dma2 semaphore(%arg10 : memref<!tpu.dma_semaphore, #tpu.memory_space<semaphore_mem>>) src(%dma_wait3A_358 : memref<16x128xf32, #tpu.memory_space<hbm>>) dst(%dma_wait3A_355 : memref<16x128xf32, #tpu.memory_space<vmem>>)
      %dma_wait3A_359 = arith.constant 1 : i32
      %dma_wait3A_360 = arith.constant 1 : i32
      %dma_wait3A_361 = arith.constant 0 : i32
      %dma_wait3A_362 = arith.constant 0 : i32
      %dma_wait3A_363 = tpu.memref_slice %arg6[%dma_wait3A_360, %dma_wait3A_361, %dma_wait3A_362] : memref<9x16x128xf32, #tpu.memory_space<vmem>> -> memref<1x16x128xf32, #tpu.memory_space<vmem>>
      %dma_wait3A_364 = tpu.memref_squeeze %dma_wait3A_363 : memref<1x16x128xf32, #tpu.memory_space<vmem>> -> memref<16x128xf32, #tpu.memory_space<vmem>>
      %dma_wait3A_365 = arith.constant 0 : i32
      %dma_wait3A_366 = tpu.memref_slice %arg2[%dma_wait3A_359, %mul3A_40, %dma_wait3A_365] : memref<9x50000x128xf32, #tpu.memory_space<hbm>> -> memref<1x16x128xf32, #tpu.memory_space<hbm>>
      %dma_wait3A_367 = tpu.memref_squeeze %dma_wait3A_366 : memref<1x16x128xf32, #tpu.memory_space<hbm>> -> memref<16x128xf32, #tpu.memory_space<hbm>>
      %dma_wait3A_368 = arith.constant 0 : i32
      %dma_wait3A_369 = arith.constant 0 : i32
      %dma_wait3A_370 = tpu.memref_slice %arg6[%dma_wait3A_360, %dma_wait3A_368, %dma_wait3A_369] : memref<9x16x128xf32, #tpu.memory_space<vmem>> -> memref<1x16x128xf32, #tpu.memory_space<vmem>>
      %dma_wait3A_371 = tpu.memref_squeeze %dma_wait3A_370 : memref<1x16x128xf32, #tpu.memory_space<vmem>> -> memref<16x128xf32, #tpu.memory_space<vmem>>
      %dma_wait3A_372 = arith.constant 0 : i32
      %dma_wait3A_373 = tpu.memref_slice %arg2[%dma_wait3A_359, %mul3A_40, %dma_wait3A_372] : memref<9x50000x128xf32, #tpu.memory_space<hbm>> -> memref<1x16x128xf32, #tpu.memory_space<hbm>>
      %dma_wait3A_374 = tpu.memref_squeeze %dma_wait3A_373 : memref<1x16x128xf32, #tpu.memory_space<hbm>> -> memref<16x128xf32, #tpu.memory_space<hbm>>
      tpu.wait_dma2 semaphore(%arg10 : memref<!tpu.dma_semaphore, #tpu.memory_space<semaphore_mem>>) src(%dma_wait3A_374 : memref<16x128xf32, #tpu.memory_space<hbm>>) dst(%dma_wait3A_371 : memref<16x128xf32, #tpu.memory_space<vmem>>)
      %dma_wait3A_375 = arith.constant 1 : i32
      %dma_wait3A_376 = arith.constant 1 : i32
      %dma_wait3A_377 = arith.constant 0 : i32
      %dma_wait3A_378 = arith.constant 0 : i32
      %dma_wait3A_379 = tpu.memref_slice %arg7[%dma_wait3A_376, %dma_wait3A_377, %dma_wait3A_378] : memref<9x16x128xf32, #tpu.memory_space<vmem>> -> memref<1x16x128xf32, #tpu.memory_space<vmem>>
      %dma_wait3A_380 = tpu.memref_squeeze %dma_wait3A_379 : memref<1x16x128xf32, #tpu.memory_space<vmem>> -> memref<16x128xf32, #tpu.memory_space<vmem>>
      %dma_wait3A_381 = arith.constant 0 : i32
      %dma_wait3A_382 = tpu.memref_slice %arg3[%dma_wait3A_375, %mul3A_40, %dma_wait3A_381] : memref<9x50000x128xf32, #tpu.memory_space<hbm>> -> memref<1x16x128xf32, #tpu.memory_space<hbm>>
      %dma_wait3A_383 = tpu.memref_squeeze %dma_wait3A_382 : memref<1x16x128xf32, #tpu.memory_space<hbm>> -> memref<16x128xf32, #tpu.memory_space<hbm>>
      %dma_wait3A_384 = arith.constant 0 : i32
      %dma_wait3A_385 = arith.constant 0 : i32
      %dma_wait3A_386 = tpu.memref_slice %arg7[%dma_wait3A_376, %dma_wait3A_384, %dma_wait3A_385] : memref<9x16x128xf32, #tpu.memory_space<vmem>> -> memref<1x16x128xf32, #tpu.memory_space<vmem>>
      %dma_wait3A_387 = tpu.memref_squeeze %dma_wait3A_386 : memref<1x16x128xf32, #tpu.memory_space<vmem>> -> memref<16x128xf32, #tpu.memory_space<vmem>>
      %dma_wait3A_388 = arith.constant 0 : i32
      %dma_wait3A_389 = tpu.memref_slice %arg3[%dma_wait3A_375, %mul3A_40, %dma_wait3A_388] : memref<9x50000x128xf32, #tpu.memory_space<hbm>> -> memref<1x16x128xf32, #tpu.memory_space<hbm>>
      %dma_wait3A_390 = tpu.memref_squeeze %dma_wait3A_389 : memref<1x16x128xf32, #tpu.memory_space<hbm>> -> memref<16x128xf32, #tpu.memory_space<hbm>>
      tpu.wait_dma2 semaphore(%arg10 : memref<!tpu.dma_semaphore, #tpu.memory_space<semaphore_mem>>) src(%dma_wait3A_390 : memref<16x128xf32, #tpu.memory_space<hbm>>) dst(%dma_wait3A_387 : memref<16x128xf32, #tpu.memory_space<vmem>>)
      %dma_wait3A_391 = arith.constant 2 : i32
      %dma_wait3A_392 = arith.constant 2 : i32
      %dma_wait3A_393 = arith.constant 0 : i32
      %dma_wait3A_394 = arith.constant 0 : i32
      %dma_wait3A_395 = tpu.memref_slice %arg6[%dma_wait3A_392, %dma_wait3A_393, %dma_wait3A_394] : memref<9x16x128xf32, #tpu.memory_space<vmem>> -> memref<1x16x128xf32, #tpu.memory_space<vmem>>
      %dma_wait3A_396 = tpu.memref_squeeze %dma_wait3A_395 : memref<1x16x128xf32, #tpu.memory_space<vmem>> -> memref<16x128xf32, #tpu.memory_space<vmem>>
      %dma_wait3A_397 = arith.constant 0 : i32
      %dma_wait3A_398 = tpu.memref_slice %arg2[%dma_wait3A_391, %mul3A_40, %dma_wait3A_397] : memref<9x50000x128xf32, #tpu.memory_space<hbm>> -> memref<1x16x128xf32, #tpu.memory_space<hbm>>
      %dma_wait3A_399 = tpu.memref_squeeze %dma_wait3A_398 : memref<1x16x128xf32, #tpu.memory_space<hbm>> -> memref<16x128xf32, #tpu.memory_space<hbm>>
      %dma_wait3A_400 = arith.constant 0 : i32
      %dma_wait3A_401 = arith.constant 0 : i32
      %dma_wait3A_402 = tpu.memref_slice %arg6[%dma_wait3A_392, %dma_wait3A_400, %dma_wait3A_401] : memref<9x16x128xf32, #tpu.memory_space<vmem>> -> memref<1x16x128xf32, #tpu.memory_space<vmem>>
      %dma_wait3A_403 = tpu.memref_squeeze %dma_wait3A_402 : memref<1x16x128xf32, #tpu.memory_space<vmem>> -> memref<16x128xf32, #tpu.memory_space<vmem>>
      %dma_wait3A_404 = arith.constant 0 : i32
      %dma_wait3A_405 = tpu.memref_slice %arg2[%dma_wait3A_391, %mul3A_40, %dma_wait3A_404] : memref<9x50000x128xf32, #tpu.memory_space<hbm>> -> memref<1x16x128xf32, #tpu.memory_space<hbm>>
      %dma_wait3A_406 = tpu.memref_squeeze %dma_wait3A_405 : memref<1x16x128xf32, #tpu.memory_space<hbm>> -> memref<16x128xf32, #tpu.memory_space<hbm>>
      tpu.wait_dma2 semaphore(%arg10 : memref<!tpu.dma_semaphore, #tpu.memory_space<semaphore_mem>>) src(%dma_wait3A_406 : memref<16x128xf32, #tpu.memory_space<hbm>>) dst(%dma_wait3A_403 : memref<16x128xf32, #tpu.memory_space<vmem>>)
      %dma_wait3A_407 = arith.constant 2 : i32
      %dma_wait3A_408 = arith.constant 2 : i32
      %dma_wait3A_409 = arith.constant 0 : i32
      %dma_wait3A_410 = arith.constant 0 : i32
      %dma_wait3A_411 = tpu.memref_slice %arg7[%dma_wait3A_408, %dma_wait3A_409, %dma_wait3A_410] : memref<9x16x128xf32, #tpu.memory_space<vmem>> -> memref<1x16x128xf32, #tpu.memory_space<vmem>>
      %dma_wait3A_412 = tpu.memref_squeeze %dma_wait3A_411 : memref<1x16x128xf32, #tpu.memory_space<vmem>> -> memref<16x128xf32, #tpu.memory_space<vmem>>
      %dma_wait3A_413 = arith.constant 0 : i32
      %dma_wait3A_414 = tpu.memref_slice %arg3[%dma_wait3A_407, %mul3A_40, %dma_wait3A_413] : memref<9x50000x128xf32, #tpu.memory_space<hbm>> -> memref<1x16x128xf32, #tpu.memory_space<hbm>>
      %dma_wait3A_415 = tpu.memref_squeeze %dma_wait3A_414 : memref<1x16x128xf32, #tpu.memory_space<hbm>> -> memref<16x128xf32, #tpu.memory_space<hbm>>
      %dma_wait3A_416 = arith.constant 0 : i32
      %dma_wait3A_417 = arith.constant 0 : i32
      %dma_wait3A_418 = tpu.memref_slice %arg7[%dma_wait3A_408, %dma_wait3A_416, %dma_wait3A_417] : memref<9x16x128xf32, #tpu.memory_space<vmem>> -> memref<1x16x128xf32, #tpu.memory_space<vmem>>
      %dma_wait3A_419 = tpu.memref_squeeze %dma_wait3A_418 : memref<1x16x128xf32, #tpu.memory_space<vmem>> -> memref<16x128xf32, #tpu.memory_space<vmem>>
      %dma_wait3A_420 = arith.constant 0 : i32
      %dma_wait3A_421 = tpu.memref_slice %arg3[%dma_wait3A_407, %mul3A_40, %dma_wait3A_420] : memref<9x50000x128xf32, #tpu.memory_space<hbm>> -> memref<1x16x128xf32, #tpu.memory_space<hbm>>
      %dma_wait3A_422 = tpu.memref_squeeze %dma_wait3A_421 : memref<1x16x128xf32, #tpu.memory_space<hbm>> -> memref<16x128xf32, #tpu.memory_space<hbm>>
      tpu.wait_dma2 semaphore(%arg10 : memref<!tpu.dma_semaphore, #tpu.memory_space<semaphore_mem>>) src(%dma_wait3A_422 : memref<16x128xf32, #tpu.memory_space<hbm>>) dst(%dma_wait3A_419 : memref<16x128xf32, #tpu.memory_space<vmem>>)
      %dma_wait3A_423 = arith.constant 3 : i32
      %dma_wait3A_424 = arith.constant 3 : i32
      %dma_wait3A_425 = arith.constant 0 : i32
      %dma_wait3A_426 = arith.constant 0 : i32
      %dma_wait3A_427 = tpu.memref_slice %arg6[%dma_wait3A_424, %dma_wait3A_425, %dma_wait3A_426] : memref<9x16x128xf32, #tpu.memory_space<vmem>> -> memref<1x16x128xf32, #tpu.memory_space<vmem>>
      %dma_wait3A_428 = tpu.memref_squeeze %dma_wait3A_427 : memref<1x16x128xf32, #tpu.memory_space<vmem>> -> memref<16x128xf32, #tpu.memory_space<vmem>>
      %dma_wait3A_429 = arith.constant 0 : i32
      %dma_wait3A_430 = tpu.memref_slice %arg2[%dma_wait3A_423, %mul3A_40, %dma_wait3A_429] : memref<9x50000x128xf32, #tpu.memory_space<hbm>> -> memref<1x16x128xf32, #tpu.memory_space<hbm>>
      %dma_wait3A_431 = tpu.memref_squeeze %dma_wait3A_430 : memref<1x16x128xf32, #tpu.memory_space<hbm>> -> memref<16x128xf32, #tpu.memory_space<hbm>>
      %dma_wait3A_432 = arith.constant 0 : i32
      %dma_wait3A_433 = arith.constant 0 : i32
      %dma_wait3A_434 = tpu.memref_slice %arg6[%dma_wait3A_424, %dma_wait3A_432, %dma_wait3A_433] : memref<9x16x128xf32, #tpu.memory_space<vmem>> -> memref<1x16x128xf32, #tpu.memory_space<vmem>>
      %dma_wait3A_435 = tpu.memref_squeeze %dma_wait3A_434 : memref<1x16x128xf32, #tpu.memory_space<vmem>> -> memref<16x128xf32, #tpu.memory_space<vmem>>
      %dma_wait3A_436 = arith.constant 0 : i32
      %dma_wait3A_437 = tpu.memref_slice %arg2[%dma_wait3A_423, %mul3A_40, %dma_wait3A_436] : memref<9x50000x128xf32, #tpu.memory_space<hbm>> -> memref<1x16x128xf32, #tpu.memory_space<hbm>>
      %dma_wait3A_438 = tpu.memref_squeeze %dma_wait3A_437 : memref<1x16x128xf32, #tpu.memory_space<hbm>> -> memref<16x128xf32, #tpu.memory_space<hbm>>
      tpu.wait_dma2 semaphore(%arg10 : memref<!tpu.dma_semaphore, #tpu.memory_space<semaphore_mem>>) src(%dma_wait3A_438 : memref<16x128xf32, #tpu.memory_space<hbm>>) dst(%dma_wait3A_435 : memref<16x128xf32, #tpu.memory_space<vmem>>)
      %dma_wait3A_439 = arith.constant 3 : i32
      %dma_wait3A_440 = arith.constant 3 : i32
      %dma_wait3A_441 = arith.constant 0 : i32
      %dma_wait3A_442 = arith.constant 0 : i32
      %dma_wait3A_443 = tpu.memref_slice %arg7[%dma_wait3A_440, %dma_wait3A_441, %dma_wait3A_442] : memref<9x16x128xf32, #tpu.memory_space<vmem>> -> memref<1x16x128xf32, #tpu.memory_space<vmem>>
      %dma_wait3A_444 = tpu.memref_squeeze %dma_wait3A_443 : memref<1x16x128xf32, #tpu.memory_space<vmem>> -> memref<16x128xf32, #tpu.memory_space<vmem>>
      %dma_wait3A_445 = arith.constant 0 : i32
      %dma_wait3A_446 = tpu.memref_slice %arg3[%dma_wait3A_439, %mul3A_40, %dma_wait3A_445] : memref<9x50000x128xf32, #tpu.memory_space<hbm>> -> memref<1x16x128xf32, #tpu.memory_space<hbm>>
      %dma_wait3A_447 = tpu.memref_squeeze %dma_wait3A_446 : memref<1x16x128xf32, #tpu.memory_space<hbm>> -> memref<16x128xf32, #tpu.memory_space<hbm>>
      %dma_wait3A_448 = arith.constant 0 : i32
      %dma_wait3A_449 = arith.constant 0 : i32
      %dma_wait3A_450 = tpu.memref_slice %arg7[%dma_wait3A_440, %dma_wait3A_448, %dma_wait3A_449] : memref<9x16x128xf32, #tpu.memory_space<vmem>> -> memref<1x16x128xf32, #tpu.memory_space<vmem>>
      %dma_wait3A_451 = tpu.memref_squeeze %dma_wait3A_450 : memref<1x16x128xf32, #tpu.memory_space<vmem>> -> memref<16x128xf32, #tpu.memory_space<vmem>>
      %dma_wait3A_452 = arith.constant 0 : i32
      %dma_wait3A_453 = tpu.memref_slice %arg3[%dma_wait3A_439, %mul3A_40, %dma_wait3A_452] : memref<9x50000x128xf32, #tpu.memory_space<hbm>> -> memref<1x16x128xf32, #tpu.memory_space<hbm>>
      %dma_wait3A_454 = tpu.memref_squeeze %dma_wait3A_453 : memref<1x16x128xf32, #tpu.memory_space<hbm>> -> memref<16x128xf32, #tpu.memory_space<hbm>>
      tpu.wait_dma2 semaphore(%arg10 : memref<!tpu.dma_semaphore, #tpu.memory_space<semaphore_mem>>) src(%dma_wait3A_454 : memref<16x128xf32, #tpu.memory_space<hbm>>) dst(%dma_wait3A_451 : memref<16x128xf32, #tpu.memory_space<vmem>>)
      %dma_wait3A_455 = arith.constant 4 : i32
      %dma_wait3A_456 = arith.constant 4 : i32
      %dma_wait3A_457 = arith.constant 0 : i32
      %dma_wait3A_458 = arith.constant 0 : i32
      %dma_wait3A_459 = tpu.memref_slice %arg6[%dma_wait3A_456, %dma_wait3A_457, %dma_wait3A_458] : memref<9x16x128xf32, #tpu.memory_space<vmem>> -> memref<1x16x128xf32, #tpu.memory_space<vmem>>
      %dma_wait3A_460 = tpu.memref_squeeze %dma_wait3A_459 : memref<1x16x128xf32, #tpu.memory_space<vmem>> -> memref<16x128xf32, #tpu.memory_space<vmem>>
      %dma_wait3A_461 = arith.constant 0 : i32
      %dma_wait3A_462 = tpu.memref_slice %arg2[%dma_wait3A_455, %mul3A_40, %dma_wait3A_461] : memref<9x50000x128xf32, #tpu.memory_space<hbm>> -> memref<1x16x128xf32, #tpu.memory_space<hbm>>
      %dma_wait3A_463 = tpu.memref_squeeze %dma_wait3A_462 : memref<1x16x128xf32, #tpu.memory_space<hbm>> -> memref<16x128xf32, #tpu.memory_space<hbm>>
      %dma_wait3A_464 = arith.constant 0 : i32
      %dma_wait3A_465 = arith.constant 0 : i32
      %dma_wait3A_466 = tpu.memref_slice %arg6[%dma_wait3A_456, %dma_wait3A_464, %dma_wait3A_465] : memref<9x16x128xf32, #tpu.memory_space<vmem>> -> memref<1x16x128xf32, #tpu.memory_space<vmem>>
      %dma_wait3A_467 = tpu.memref_squeeze %dma_wait3A_466 : memref<1x16x128xf32, #tpu.memory_space<vmem>> -> memref<16x128xf32, #tpu.memory_space<vmem>>
      %dma_wait3A_468 = arith.constant 0 : i32
      %dma_wait3A_469 = tpu.memref_slice %arg2[%dma_wait3A_455, %mul3A_40, %dma_wait3A_468] : memref<9x50000x128xf32, #tpu.memory_space<hbm>> -> memref<1x16x128xf32, #tpu.memory_space<hbm>>
      %dma_wait3A_470 = tpu.memref_squeeze %dma_wait3A_469 : memref<1x16x128xf32, #tpu.memory_space<hbm>> -> memref<16x128xf32, #tpu.memory_space<hbm>>
      tpu.wait_dma2 semaphore(%arg10 : memref<!tpu.dma_semaphore, #tpu.memory_space<semaphore_mem>>) src(%dma_wait3A_470 : memref<16x128xf32, #tpu.memory_space<hbm>>) dst(%dma_wait3A_467 : memref<16x128xf32, #tpu.memory_space<vmem>>)
      %dma_wait3A_471 = arith.constant 4 : i32
      %dma_wait3A_472 = arith.constant 4 : i32
      %dma_wait3A_473 = arith.constant 0 : i32
      %dma_wait3A_474 = arith.constant 0 : i32
      %dma_wait3A_475 = tpu.memref_slice %arg7[%dma_wait3A_472, %dma_wait3A_473, %dma_wait3A_474] : memref<9x16x128xf32, #tpu.memory_space<vmem>> -> memref<1x16x128xf32, #tpu.memory_space<vmem>>
      %dma_wait3A_476 = tpu.memref_squeeze %dma_wait3A_475 : memref<1x16x128xf32, #tpu.memory_space<vmem>> -> memref<16x128xf32, #tpu.memory_space<vmem>>
      %dma_wait3A_477 = arith.constant 0 : i32
      %dma_wait3A_478 = tpu.memref_slice %arg3[%dma_wait3A_471, %mul3A_40, %dma_wait3A_477] : memref<9x50000x128xf32, #tpu.memory_space<hbm>> -> memref<1x16x128xf32, #tpu.memory_space<hbm>>
      %dma_wait3A_479 = tpu.memref_squeeze %dma_wait3A_478 : memref<1x16x128xf32, #tpu.memory_space<hbm>> -> memref<16x128xf32, #tpu.memory_space<hbm>>
      %dma_wait3A_480 = arith.constant 0 : i32
      %dma_wait3A_481 = arith.constant 0 : i32
      %dma_wait3A_482 = tpu.memref_slice %arg7[%dma_wait3A_472, %dma_wait3A_480, %dma_wait3A_481] : memref<9x16x128xf32, #tpu.memory_space<vmem>> -> memref<1x16x128xf32, #tpu.memory_space<vmem>>
      %dma_wait3A_483 = tpu.memref_squeeze %dma_wait3A_482 : memref<1x16x128xf32, #tpu.memory_space<vmem>> -> memref<16x128xf32, #tpu.memory_space<vmem>>
      %dma_wait3A_484 = arith.constant 0 : i32
      %dma_wait3A_485 = tpu.memref_slice %arg3[%dma_wait3A_471, %mul3A_40, %dma_wait3A_484] : memref<9x50000x128xf32, #tpu.memory_space<hbm>> -> memref<1x16x128xf32, #tpu.memory_space<hbm>>
      %dma_wait3A_486 = tpu.memref_squeeze %dma_wait3A_485 : memref<1x16x128xf32, #tpu.memory_space<hbm>> -> memref<16x128xf32, #tpu.memory_space<hbm>>
      tpu.wait_dma2 semaphore(%arg10 : memref<!tpu.dma_semaphore, #tpu.memory_space<semaphore_mem>>) src(%dma_wait3A_486 : memref<16x128xf32, #tpu.memory_space<hbm>>) dst(%dma_wait3A_483 : memref<16x128xf32, #tpu.memory_space<vmem>>)
      %dma_wait3A_487 = arith.constant 5 : i32
      %dma_wait3A_488 = arith.constant 5 : i32
      %dma_wait3A_489 = arith.constant 0 : i32
      %dma_wait3A_490 = arith.constant 0 : i32
      %dma_wait3A_491 = tpu.memref_slice %arg6[%dma_wait3A_488, %dma_wait3A_489, %dma_wait3A_490] : memref<9x16x128xf32, #tpu.memory_space<vmem>> -> memref<1x16x128xf32, #tpu.memory_space<vmem>>
      %dma_wait3A_492 = tpu.memref_squeeze %dma_wait3A_491 : memref<1x16x128xf32, #tpu.memory_space<vmem>> -> memref<16x128xf32, #tpu.memory_space<vmem>>
      %dma_wait3A_493 = arith.constant 0 : i32
      %dma_wait3A_494 = tpu.memref_slice %arg2[%dma_wait3A_487, %mul3A_40, %dma_wait3A_493] : memref<9x50000x128xf32, #tpu.memory_space<hbm>> -> memref<1x16x128xf32, #tpu.memory_space<hbm>>
      %dma_wait3A_495 = tpu.memref_squeeze %dma_wait3A_494 : memref<1x16x128xf32, #tpu.memory_space<hbm>> -> memref<16x128xf32, #tpu.memory_space<hbm>>
      %dma_wait3A_496 = arith.constant 0 : i32
      %dma_wait3A_497 = arith.constant 0 : i32
      %dma_wait3A_498 = tpu.memref_slice %arg6[%dma_wait3A_488, %dma_wait3A_496, %dma_wait3A_497] : memref<9x16x128xf32, #tpu.memory_space<vmem>> -> memref<1x16x128xf32, #tpu.memory_space<vmem>>
      %dma_wait3A_499 = tpu.memref_squeeze %dma_wait3A_498 : memref<1x16x128xf32, #tpu.memory_space<vmem>> -> memref<16x128xf32, #tpu.memory_space<vmem>>
      %dma_wait3A_500 = arith.constant 0 : i32
      %dma_wait3A_501 = tpu.memref_slice %arg2[%dma_wait3A_487, %mul3A_40, %dma_wait3A_500] : memref<9x50000x128xf32, #tpu.memory_space<hbm>> -> memref<1x16x128xf32, #tpu.memory_space<hbm>>
      %dma_wait3A_502 = tpu.memref_squeeze %dma_wait3A_501 : memref<1x16x128xf32, #tpu.memory_space<hbm>> -> memref<16x128xf32, #tpu.memory_space<hbm>>
      tpu.wait_dma2 semaphore(%arg10 : memref<!tpu.dma_semaphore, #tpu.memory_space<semaphore_mem>>) src(%dma_wait3A_502 : memref<16x128xf32, #tpu.memory_space<hbm>>) dst(%dma_wait3A_499 : memref<16x128xf32, #tpu.memory_space<vmem>>)
      %dma_wait3A_503 = arith.constant 5 : i32
      %dma_wait3A_504 = arith.constant 5 : i32
      %dma_wait3A_505 = arith.constant 0 : i32
      %dma_wait3A_506 = arith.constant 0 : i32
      %dma_wait3A_507 = tpu.memref_slice %arg7[%dma_wait3A_504, %dma_wait3A_505, %dma_wait3A_506] : memref<9x16x128xf32, #tpu.memory_space<vmem>> -> memref<1x16x128xf32, #tpu.memory_space<vmem>>
      %dma_wait3A_508 = tpu.memref_squeeze %dma_wait3A_507 : memref<1x16x128xf32, #tpu.memory_space<vmem>> -> memref<16x128xf32, #tpu.memory_space<vmem>>
      %dma_wait3A_509 = arith.constant 0 : i32
      %dma_wait3A_510 = tpu.memref_slice %arg3[%dma_wait3A_503, %mul3A_40, %dma_wait3A_509] : memref<9x50000x128xf32, #tpu.memory_space<hbm>> -> memref<1x16x128xf32, #tpu.memory_space<hbm>>
      %dma_wait3A_511 = tpu.memref_squeeze %dma_wait3A_510 : memref<1x16x128xf32, #tpu.memory_space<hbm>> -> memref<16x128xf32, #tpu.memory_space<hbm>>
      %dma_wait3A_512 = arith.constant 0 : i32
      %dma_wait3A_513 = arith.constant 0 : i32
      %dma_wait3A_514 = tpu.memref_slice %arg7[%dma_wait3A_504, %dma_wait3A_512, %dma_wait3A_513] : memref<9x16x128xf32, #tpu.memory_space<vmem>> -> memref<1x16x128xf32, #tpu.memory_space<vmem>>
      %dma_wait3A_515 = tpu.memref_squeeze %dma_wait3A_514 : memref<1x16x128xf32, #tpu.memory_space<vmem>> -> memref<16x128xf32, #tpu.memory_space<vmem>>
      %dma_wait3A_516 = arith.constant 0 : i32
      %dma_wait3A_517 = tpu.memref_slice %arg3[%dma_wait3A_503, %mul3A_40, %dma_wait3A_516] : memref<9x50000x128xf32, #tpu.memory_space<hbm>> -> memref<1x16x128xf32, #tpu.memory_space<hbm>>
      %dma_wait3A_518 = tpu.memref_squeeze %dma_wait3A_517 : memref<1x16x128xf32, #tpu.memory_space<hbm>> -> memref<16x128xf32, #tpu.memory_space<hbm>>
      tpu.wait_dma2 semaphore(%arg10 : memref<!tpu.dma_semaphore, #tpu.memory_space<semaphore_mem>>) src(%dma_wait3A_518 : memref<16x128xf32, #tpu.memory_space<hbm>>) dst(%dma_wait3A_515 : memref<16x128xf32, #tpu.memory_space<vmem>>)
      %dma_wait3A_519 = arith.constant 6 : i32
      %dma_wait3A_520 = arith.constant 6 : i32
      %dma_wait3A_521 = arith.constant 0 : i32
      %dma_wait3A_522 = arith.constant 0 : i32
      %dma_wait3A_523 = tpu.memref_slice %arg6[%dma_wait3A_520, %dma_wait3A_521, %dma_wait3A_522] : memref<9x16x128xf32, #tpu.memory_space<vmem>> -> memref<1x16x128xf32, #tpu.memory_space<vmem>>
      %dma_wait3A_524 = tpu.memref_squeeze %dma_wait3A_523 : memref<1x16x128xf32, #tpu.memory_space<vmem>> -> memref<16x128xf32, #tpu.memory_space<vmem>>
      %dma_wait3A_525 = arith.constant 0 : i32
      %dma_wait3A_526 = tpu.memref_slice %arg2[%dma_wait3A_519, %mul3A_40, %dma_wait3A_525] : memref<9x50000x128xf32, #tpu.memory_space<hbm>> -> memref<1x16x128xf32, #tpu.memory_space<hbm>>
      %dma_wait3A_527 = tpu.memref_squeeze %dma_wait3A_526 : memref<1x16x128xf32, #tpu.memory_space<hbm>> -> memref<16x128xf32, #tpu.memory_space<hbm>>
      %dma_wait3A_528 = arith.constant 0 : i32
      %dma_wait3A_529 = arith.constant 0 : i32
      %dma_wait3A_530 = tpu.memref_slice %arg6[%dma_wait3A_520, %dma_wait3A_528, %dma_wait3A_529] : memref<9x16x128xf32, #tpu.memory_space<vmem>> -> memref<1x16x128xf32, #tpu.memory_space<vmem>>
      %dma_wait3A_531 = tpu.memref_squeeze %dma_wait3A_530 : memref<1x16x128xf32, #tpu.memory_space<vmem>> -> memref<16x128xf32, #tpu.memory_space<vmem>>
      %dma_wait3A_532 = arith.constant 0 : i32
      %dma_wait3A_533 = tpu.memref_slice %arg2[%dma_wait3A_519, %mul3A_40, %dma_wait3A_532] : memref<9x50000x128xf32, #tpu.memory_space<hbm>> -> memref<1x16x128xf32, #tpu.memory_space<hbm>>
      %dma_wait3A_534 = tpu.memref_squeeze %dma_wait3A_533 : memref<1x16x128xf32, #tpu.memory_space<hbm>> -> memref<16x128xf32, #tpu.memory_space<hbm>>
      tpu.wait_dma2 semaphore(%arg10 : memref<!tpu.dma_semaphore, #tpu.memory_space<semaphore_mem>>) src(%dma_wait3A_534 : memref<16x128xf32, #tpu.memory_space<hbm>>) dst(%dma_wait3A_531 : memref<16x128xf32, #tpu.memory_space<vmem>>)
      %dma_wait3A_535 = arith.constant 6 : i32
      %dma_wait3A_536 = arith.constant 6 : i32
      %dma_wait3A_537 = arith.constant 0 : i32
      %dma_wait3A_538 = arith.constant 0 : i32
      %dma_wait3A_539 = tpu.memref_slice %arg7[%dma_wait3A_536, %dma_wait3A_537, %dma_wait3A_538] : memref<9x16x128xf32, #tpu.memory_space<vmem>> -> memref<1x16x128xf32, #tpu.memory_space<vmem>>
      %dma_wait3A_540 = tpu.memref_squeeze %dma_wait3A_539 : memref<1x16x128xf32, #tpu.memory_space<vmem>> -> memref<16x128xf32, #tpu.memory_space<vmem>>
      %dma_wait3A_541 = arith.constant 0 : i32
      %dma_wait3A_542 = tpu.memref_slice %arg3[%dma_wait3A_535, %mul3A_40, %dma_wait3A_541] : memref<9x50000x128xf32, #tpu.memory_space<hbm>> -> memref<1x16x128xf32, #tpu.memory_space<hbm>>
      %dma_wait3A_543 = tpu.memref_squeeze %dma_wait3A_542 : memref<1x16x128xf32, #tpu.memory_space<hbm>> -> memref<16x128xf32, #tpu.memory_space<hbm>>
      %dma_wait3A_544 = arith.constant 0 : i32
      %dma_wait3A_545 = arith.constant 0 : i32
      %dma_wait3A_546 = tpu.memref_slice %arg7[%dma_wait3A_536, %dma_wait3A_544, %dma_wait3A_545] : memref<9x16x128xf32, #tpu.memory_space<vmem>> -> memref<1x16x128xf32, #tpu.memory_space<vmem>>
      %dma_wait3A_547 = tpu.memref_squeeze %dma_wait3A_546 : memref<1x16x128xf32, #tpu.memory_space<vmem>> -> memref<16x128xf32, #tpu.memory_space<vmem>>
      %dma_wait3A_548 = arith.constant 0 : i32
      %dma_wait3A_549 = tpu.memref_slice %arg3[%dma_wait3A_535, %mul3A_40, %dma_wait3A_548] : memref<9x50000x128xf32, #tpu.memory_space<hbm>> -> memref<1x16x128xf32, #tpu.memory_space<hbm>>
      %dma_wait3A_550 = tpu.memref_squeeze %dma_wait3A_549 : memref<1x16x128xf32, #tpu.memory_space<hbm>> -> memref<16x128xf32, #tpu.memory_space<hbm>>
      tpu.wait_dma2 semaphore(%arg10 : memref<!tpu.dma_semaphore, #tpu.memory_space<semaphore_mem>>) src(%dma_wait3A_550 : memref<16x128xf32, #tpu.memory_space<hbm>>) dst(%dma_wait3A_547 : memref<16x128xf32, #tpu.memory_space<vmem>>)
      %dma_wait3A_551 = arith.constant 7 : i32
      %dma_wait3A_552 = arith.constant 7 : i32
      %dma_wait3A_553 = arith.constant 0 : i32
      %dma_wait3A_554 = arith.constant 0 : i32
      %dma_wait3A_555 = tpu.memref_slice %arg6[%dma_wait3A_552, %dma_wait3A_553, %dma_wait3A_554] : memref<9x16x128xf32, #tpu.memory_space<vmem>> -> memref<1x16x128xf32, #tpu.memory_space<vmem>>
      %dma_wait3A_556 = tpu.memref_squeeze %dma_wait3A_555 : memref<1x16x128xf32, #tpu.memory_space<vmem>> -> memref<16x128xf32, #tpu.memory_space<vmem>>
      %dma_wait3A_557 = arith.constant 0 : i32
      %dma_wait3A_558 = tpu.memref_slice %arg2[%dma_wait3A_551, %mul3A_40, %dma_wait3A_557] : memref<9x50000x128xf32, #tpu.memory_space<hbm>> -> memref<1x16x128xf32, #tpu.memory_space<hbm>>
      %dma_wait3A_559 = tpu.memref_squeeze %dma_wait3A_558 : memref<1x16x128xf32, #tpu.memory_space<hbm>> -> memref<16x128xf32, #tpu.memory_space<hbm>>
      %dma_wait3A_560 = arith.constant 0 : i32
      %dma_wait3A_561 = arith.constant 0 : i32
      %dma_wait3A_562 = tpu.memref_slice %arg6[%dma_wait3A_552, %dma_wait3A_560, %dma_wait3A_561] : memref<9x16x128xf32, #tpu.memory_space<vmem>> -> memref<1x16x128xf32, #tpu.memory_space<vmem>>
      %dma_wait3A_563 = tpu.memref_squeeze %dma_wait3A_562 : memref<1x16x128xf32, #tpu.memory_space<vmem>> -> memref<16x128xf32, #tpu.memory_space<vmem>>
      %dma_wait3A_564 = arith.constant 0 : i32
      %dma_wait3A_565 = tpu.memref_slice %arg2[%dma_wait3A_551, %mul3A_40, %dma_wait3A_564] : memref<9x50000x128xf32, #tpu.memory_space<hbm>> -> memref<1x16x128xf32, #tpu.memory_space<hbm>>
      %dma_wait3A_566 = tpu.memref_squeeze %dma_wait3A_565 : memref<1x16x128xf32, #tpu.memory_space<hbm>> -> memref<16x128xf32, #tpu.memory_space<hbm>>
      tpu.wait_dma2 semaphore(%arg10 : memref<!tpu.dma_semaphore, #tpu.memory_space<semaphore_mem>>) src(%dma_wait3A_566 : memref<16x128xf32, #tpu.memory_space<hbm>>) dst(%dma_wait3A_563 : memref<16x128xf32, #tpu.memory_space<vmem>>)
      %dma_wait3A_567 = arith.constant 7 : i32
      %dma_wait3A_568 = arith.constant 7 : i32
      %dma_wait3A_569 = arith.constant 0 : i32
      %dma_wait3A_570 = arith.constant 0 : i32
      %dma_wait3A_571 = tpu.memref_slice %arg7[%dma_wait3A_568, %dma_wait3A_569, %dma_wait3A_570] : memref<9x16x128xf32, #tpu.memory_space<vmem>> -> memref<1x16x128xf32, #tpu.memory_space<vmem>>
      %dma_wait3A_572 = tpu.memref_squeeze %dma_wait3A_571 : memref<1x16x128xf32, #tpu.memory_space<vmem>> -> memref<16x128xf32, #tpu.memory_space<vmem>>
      %dma_wait3A_573 = arith.constant 0 : i32
      %dma_wait3A_574 = tpu.memref_slice %arg3[%dma_wait3A_567, %mul3A_40, %dma_wait3A_573] : memref<9x50000x128xf32, #tpu.memory_space<hbm>> -> memref<1x16x128xf32, #tpu.memory_space<hbm>>
      %dma_wait3A_575 = tpu.memref_squeeze %dma_wait3A_574 : memref<1x16x128xf32, #tpu.memory_space<hbm>> -> memref<16x128xf32, #tpu.memory_space<hbm>>
      %dma_wait3A_576 = arith.constant 0 : i32
      %dma_wait3A_577 = arith.constant 0 : i32
      %dma_wait3A_578 = tpu.memref_slice %arg7[%dma_wait3A_568, %dma_wait3A_576, %dma_wait3A_577] : memref<9x16x128xf32, #tpu.memory_space<vmem>> -> memref<1x16x128xf32, #tpu.memory_space<vmem>>
      %dma_wait3A_579 = tpu.memref_squeeze %dma_wait3A_578 : memref<1x16x128xf32, #tpu.memory_space<vmem>> -> memref<16x128xf32, #tpu.memory_space<vmem>>
      %dma_wait3A_580 = arith.constant 0 : i32
      %dma_wait3A_581 = tpu.memref_slice %arg3[%dma_wait3A_567, %mul3A_40, %dma_wait3A_580] : memref<9x50000x128xf32, #tpu.memory_space<hbm>> -> memref<1x16x128xf32, #tpu.memory_space<hbm>>
      %dma_wait3A_582 = tpu.memref_squeeze %dma_wait3A_581 : memref<1x16x128xf32, #tpu.memory_space<hbm>> -> memref<16x128xf32, #tpu.memory_space<hbm>>
      tpu.wait_dma2 semaphore(%arg10 : memref<!tpu.dma_semaphore, #tpu.memory_space<semaphore_mem>>) src(%dma_wait3A_582 : memref<16x128xf32, #tpu.memory_space<hbm>>) dst(%dma_wait3A_579 : memref<16x128xf32, #tpu.memory_space<vmem>>)
      %dma_wait3A_583 = arith.constant 8 : i32
      %dma_wait3A_584 = arith.constant 8 : i32
      %dma_wait3A_585 = arith.constant 0 : i32
      %dma_wait3A_586 = arith.constant 0 : i32
      %dma_wait3A_587 = tpu.memref_slice %arg6[%dma_wait3A_584, %dma_wait3A_585, %dma_wait3A_586] : memref<9x16x128xf32, #tpu.memory_space<vmem>> -> memref<1x16x128xf32, #tpu.memory_space<vmem>>
      %dma_wait3A_588 = tpu.memref_squeeze %dma_wait3A_587 : memref<1x16x128xf32, #tpu.memory_space<vmem>> -> memref<16x128xf32, #tpu.memory_space<vmem>>
      %dma_wait3A_589 = arith.constant 0 : i32
      %dma_wait3A_590 = tpu.memref_slice %arg2[%dma_wait3A_583, %mul3A_40, %dma_wait3A_589] : memref<9x50000x128xf32, #tpu.memory_space<hbm>> -> memref<1x16x128xf32, #tpu.memory_space<hbm>>
      %dma_wait3A_591 = tpu.memref_squeeze %dma_wait3A_590 : memref<1x16x128xf32, #tpu.memory_space<hbm>> -> memref<16x128xf32, #tpu.memory_space<hbm>>
      %dma_wait3A_592 = arith.constant 0 : i32
      %dma_wait3A_593 = arith.constant 0 : i32
      %dma_wait3A_594 = tpu.memref_slice %arg6[%dma_wait3A_584, %dma_wait3A_592, %dma_wait3A_593] : memref<9x16x128xf32, #tpu.memory_space<vmem>> -> memref<1x16x128xf32, #tpu.memory_space<vmem>>
      %dma_wait3A_595 = tpu.memref_squeeze %dma_wait3A_594 : memref<1x16x128xf32, #tpu.memory_space<vmem>> -> memref<16x128xf32, #tpu.memory_space<vmem>>
      %dma_wait3A_596 = arith.constant 0 : i32
      %dma_wait3A_597 = tpu.memref_slice %arg2[%dma_wait3A_583, %mul3A_40, %dma_wait3A_596] : memref<9x50000x128xf32, #tpu.memory_space<hbm>> -> memref<1x16x128xf32, #tpu.memory_space<hbm>>
      %dma_wait3A_598 = tpu.memref_squeeze %dma_wait3A_597 : memref<1x16x128xf32, #tpu.memory_space<hbm>> -> memref<16x128xf32, #tpu.memory_space<hbm>>
      tpu.wait_dma2 semaphore(%arg10 : memref<!tpu.dma_semaphore, #tpu.memory_space<semaphore_mem>>) src(%dma_wait3A_598 : memref<16x128xf32, #tpu.memory_space<hbm>>) dst(%dma_wait3A_595 : memref<16x128xf32, #tpu.memory_space<vmem>>)
      %dma_wait3A_599 = arith.constant 8 : i32
      %dma_wait3A_600 = arith.constant 8 : i32
      %dma_wait3A_601 = arith.constant 0 : i32
      %dma_wait3A_602 = arith.constant 0 : i32
      %dma_wait3A_603 = tpu.memref_slice %arg7[%dma_wait3A_600, %dma_wait3A_601, %dma_wait3A_602] : memref<9x16x128xf32, #tpu.memory_space<vmem>> -> memref<1x16x128xf32, #tpu.memory_space<vmem>>
      %dma_wait3A_604 = tpu.memref_squeeze %dma_wait3A_603 : memref<1x16x128xf32, #tpu.memory_space<vmem>> -> memref<16x128xf32, #tpu.memory_space<vmem>>
      %dma_wait3A_605 = arith.constant 0 : i32
      %dma_wait3A_606 = tpu.memref_slice %arg3[%dma_wait3A_599, %mul3A_40, %dma_wait3A_605] : memref<9x50000x128xf32, #tpu.memory_space<hbm>> -> memref<1x16x128xf32, #tpu.memory_space<hbm>>
      %dma_wait3A_607 = tpu.memref_squeeze %dma_wait3A_606 : memref<1x16x128xf32, #tpu.memory_space<hbm>> -> memref<16x128xf32, #tpu.memory_space<hbm>>
      %dma_wait3A_608 = arith.constant 0 : i32
      %dma_wait3A_609 = arith.constant 0 : i32
      %dma_wait3A_610 = tpu.memref_slice %arg7[%dma_wait3A_600, %dma_wait3A_608, %dma_wait3A_609] : memref<9x16x128xf32, #tpu.memory_space<vmem>> -> memref<1x16x128xf32, #tpu.memory_space<vmem>>
      %dma_wait3A_611 = tpu.memref_squeeze %dma_wait3A_610 : memref<1x16x128xf32, #tpu.memory_space<vmem>> -> memref<16x128xf32, #tpu.memory_space<vmem>>
      %dma_wait3A_612 = arith.constant 0 : i32
      %dma_wait3A_613 = tpu.memref_slice %arg3[%dma_wait3A_599, %mul3A_40, %dma_wait3A_612] : memref<9x50000x128xf32, #tpu.memory_space<hbm>> -> memref<1x16x128xf32, #tpu.memory_space<hbm>>
      %dma_wait3A_614 = tpu.memref_squeeze %dma_wait3A_613 : memref<1x16x128xf32, #tpu.memory_space<hbm>> -> memref<16x128xf32, #tpu.memory_space<hbm>>
      tpu.wait_dma2 semaphore(%arg10 : memref<!tpu.dma_semaphore, #tpu.memory_space<semaphore_mem>>) src(%dma_wait3A_614 : memref<16x128xf32, #tpu.memory_space<hbm>>) dst(%dma_wait3A_611 : memref<16x128xf32, #tpu.memory_space<vmem>>)
      %scan3A = arith.constant 0 : i32
      %scan3A_615 = arith.constant 0 : i32
      %scan3A_616 = arith.constant 128 : i32
      %scan3A_617 = arith.addi %scan3A_615, %scan3A_616 : i32
      %scan3A_618 = arith.constant 1 : i32
      %scan3A_619 = scf.for %scan3A_910 = %scan3A_615 to %scan3A_617 step %scan3A_618 iter_args(%scan3A_911 = %scan3A) -> (i32)  : i32 {
        %jit3A_912 = arith.constant 8 : i32
        %div3A_913 = arith.divsi %scan3A_910, %jit3A_912 : i32
        %sign3A_914 = arith.constant 0 : i32
        %sign3A_915 = arith.cmpi sgt, %scan3A_910, %sign3A_914 : i32
        %sign3A_916 = arith.extui %sign3A_915 : i1 to i32
        %sign3A_917 = arith.constant 0 : i32
        %sign3A_918 = arith.cmpi slt, %scan3A_910, %sign3A_917 : i32
        %sign3A_919 = arith.extui %sign3A_918 : i1 to i32
        %sign3A_920 = arith.subi %sign3A_916, %sign3A_919 : i32
        %sign3A_921 = arith.constant 0 : i32
        %sign3A_922 = arith.cmpi sgt, %jit3A_912, %sign3A_921 : i32
        %sign3A_923 = arith.extui %sign3A_922 : i1 to i32
        %sign3A_924 = arith.constant 0 : i32
        %sign3A_925 = arith.cmpi slt, %jit3A_912, %sign3A_924 : i32
        %sign3A_926 = arith.extui %sign3A_925 : i1 to i32
        %sign3A_927 = arith.subi %sign3A_923, %sign3A_926 : i32
        %ne3A_928 = arith.cmpi ne, %sign3A_920, %sign3A_927 : i32
        %rem3A_929 = arith.remsi %scan3A_910, %jit3A_912 : i32
        %ne3A_930 = arith.constant 0 : i32
        %ne3A_931 = arith.cmpi ne, %rem3A_929, %ne3A_930 : i32
        %and3A_932 = arith.andi %ne3A_928, %ne3A_931 : i1
        %sub3A_933 = arith.constant 1 : i32
        %sub3A_934 = arith.subi %div3A_913, %sub3A_933 : i32
        %select_n3A_935 = arith.select %and3A_932, %sub3A_934, %div3A_913 : i32
        %jit3A_936 = arith.constant 8 : i32
        %eq3A = arith.constant 0 : i32
        %eq3A_937 = arith.cmpi eq, %jit3A_936, %eq3A : i32
        %jit3A_938 = arith.constant 1 : i32
        %select_n3A_939 = arith.select %eq3A_937, %jit3A_938, %jit3A_936 : i32
        %rem3A_940 = arith.remsi %scan3A_910, %select_n3A_939 : i32
        %ne3A_941 = arith.constant 0 : i32
        %ne3A_942 = arith.cmpi ne, %rem3A_940, %ne3A_941 : i32
        %lt3A = arith.constant 0 : i32
        %lt3A_943 = arith.cmpi slt, %rem3A_940, %lt3A : i32
        %lt3A_944 = arith.constant 0 : i32
        %lt3A_945 = arith.cmpi slt, %select_n3A_939, %lt3A_944 : i32
        %ne3A_946 = arith.xori %lt3A_943, %lt3A_945 : i1
        %and3A_947 = arith.andi %ne3A_946, %ne3A_942 : i1
        %add3A_948 = arith.addi %rem3A_940, %select_n3A_939 : i32
        %select_n3A_949 = arith.select %and3A_947, %add3A_948, %rem3A_940 : i32
        %mul3A_950 = arith.constant 16 : i32
        %mul3A_951 = arith.muli %select_n3A_949, %mul3A_950 : i32
        %get3A = arith.constant 0 : i32
        %get3A_952 = arith.index_cast %get3A : i32 to index
        %get3A_953 = arith.index_cast %select_n3A_935 : i32 to index
        %get3A_954 = arith.index_cast %mul3A_951 : i32 to index
        %get3A_955 = tpu.vector_load %arg6[%get3A_952, %get3A_953, %get3A_954] {strides = array<i32>} : memref<9x16x128xf32, #tpu.memory_space<vmem>>, vector<1x1x16xf32>,
        %get3A_956 = vector.shape_cast %get3A_955 : vector<1x1x16xf32> to vector<16xf32>
        %get3A_957 = arith.constant 1 : i32
        %get3A_958 = arith.index_cast %get3A_957 : i32 to index
        %get3A_959 = arith.index_cast %select_n3A_935 : i32 to index
        %get3A_960 = arith.index_cast %mul3A_951 : i32 to index
        %get3A_961 = tpu.vector_load %arg6[%get3A_958, %get3A_959, %get3A_960] {strides = array<i32>} : memref<9x16x128xf32, #tpu.memory_space<vmem>>, vector<1x1x16xf32>,
        %get3A_962 = vector.shape_cast %get3A_961 : vector<1x1x16xf32> to vector<16xf32>
        %get3A_963 = arith.constant 2 : i32
        %get3A_964 = arith.index_cast %get3A_963 : i32 to index
        %get3A_965 = arith.index_cast %select_n3A_935 : i32 to index
        %get3A_966 = arith.index_cast %mul3A_951 : i32 to index
        %get3A_967 = tpu.vector_load %arg6[%get3A_964, %get3A_965, %get3A_966] {strides = array<i32>} : memref<9x16x128xf32, #tpu.memory_space<vmem>>, vector<1x1x16xf32>,
        %get3A_968 = vector.shape_cast %get3A_967 : vector<1x1x16xf32> to vector<16xf32>
        %get3A_969 = arith.constant 3 : i32
        %get3A_970 = arith.index_cast %get3A_969 : i32 to index
        %get3A_971 = arith.index_cast %select_n3A_935 : i32 to index
        %get3A_972 = arith.index_cast %mul3A_951 : i32 to index
        %get3A_973 = tpu.vector_load %arg6[%get3A_970, %get3A_971, %get3A_972] {strides = array<i32>} : memref<9x16x128xf32, #tpu.memory_space<vmem>>, vector<1x1x16xf32>,
        %get3A_974 = vector.shape_cast %get3A_973 : vector<1x1x16xf32> to vector<16xf32>
        %get3A_975 = arith.constant 4 : i32
        %get3A_976 = arith.index_cast %get3A_975 : i32 to index
        %get3A_977 = arith.index_cast %select_n3A_935 : i32 to index
        %get3A_978 = arith.index_cast %mul3A_951 : i32 to index
        %get3A_979 = tpu.vector_load %arg6[%get3A_976, %get3A_977, %get3A_978] {strides = array<i32>} : memref<9x16x128xf32, #tpu.memory_space<vmem>>, vector<1x1x16xf32>,
        %get3A_980 = vector.shape_cast %get3A_979 : vector<1x1x16xf32> to vector<16xf32>
        %get3A_981 = arith.constant 5 : i32
        %get3A_982 = arith.index_cast %get3A_981 : i32 to index
        %get3A_983 = arith.index_cast %select_n3A_935 : i32 to index
        %get3A_984 = arith.index_cast %mul3A_951 : i32 to index
        %get3A_985 = tpu.vector_load %arg6[%get3A_982, %get3A_983, %get3A_984] {strides = array<i32>} : memref<9x16x128xf32, #tpu.memory_space<vmem>>, vector<1x1x16xf32>,
        %get3A_986 = vector.shape_cast %get3A_985 : vector<1x1x16xf32> to vector<16xf32>
        %get3A_987 = arith.constant 6 : i32
        %get3A_988 = arith.index_cast %get3A_987 : i32 to index
        %get3A_989 = arith.index_cast %select_n3A_935 : i32 to index
        %get3A_990 = arith.index_cast %mul3A_951 : i32 to index
        %get3A_991 = tpu.vector_load %arg6[%get3A_988, %get3A_989, %get3A_990] {strides = array<i32>} : memref<9x16x128xf32, #tpu.memory_space<vmem>>, vector<1x1x16xf32>,
        %get3A_992 = vector.shape_cast %get3A_991 : vector<1x1x16xf32> to vector<16xf32>
        %get3A_993 = arith.constant 7 : i32
        %get3A_994 = arith.index_cast %get3A_993 : i32 to index
        %get3A_995 = arith.index_cast %select_n3A_935 : i32 to index
        %get3A_996 = arith.index_cast %mul3A_951 : i32 to index
        %get3A_997 = tpu.vector_load %arg6[%get3A_994, %get3A_995, %get3A_996] {strides = array<i32>} : memref<9x16x128xf32, #tpu.memory_space<vmem>>, vector<1x1x16xf32>,
        %get3A_998 = vector.shape_cast %get3A_997 : vector<1x1x16xf32> to vector<16xf32>
        %get3A_999 = arith.constant 8 : i32
        %get3A_1000 = arith.index_cast %get3A_999 : i32 to index
        %get3A_1001 = arith.index_cast %select_n3A_935 : i32 to index
        %get3A_1002 = arith.index_cast %mul3A_951 : i32 to index
        %get3A_1003 = tpu.vector_load %arg6[%get3A_1000, %get3A_1001, %get3A_1002] {strides = array<i32>} : memref<9x16x128xf32, #tpu.memory_space<vmem>>, vector<1x1x16xf32>,
        %get3A_1004 = vector.shape_cast %get3A_1003 : vector<1x1x16xf32> to vector<16xf32>
        %get3A_1005 = arith.constant 0 : i32
        %get3A_1006 = arith.index_cast %get3A_1005 : i32 to index
        %get3A_1007 = arith.index_cast %select_n3A_935 : i32 to index
        %get3A_1008 = arith.index_cast %mul3A_951 : i32 to index
        %get3A_1009 = tpu.vector_load %arg7[%get3A_1006, %get3A_1007, %get3A_1008] {strides = array<i32>} : memref<9x16x128xf32, #tpu.memory_space<vmem>>, vector<1x1x16xf32>,
        %get3A_1010 = vector.shape_cast %get3A_1009 : vector<1x1x16xf32> to vector<16xf32>
        %get3A_1011 = arith.constant 1 : i32
        %get3A_1012 = arith.index_cast %get3A_1011 : i32 to index
        %get3A_1013 = arith.index_cast %select_n3A_935 : i32 to index
        %get3A_1014 = arith.index_cast %mul3A_951 : i32 to index
        %get3A_1015 = tpu.vector_load %arg7[%get3A_1012, %get3A_1013, %get3A_1014] {strides = array<i32>} : memref<9x16x128xf32, #tpu.memory_space<vmem>>, vector<1x1x16xf32>,
        %get3A_1016 = vector.shape_cast %get3A_1015 : vector<1x1x16xf32> to vector<16xf32>
        %get3A_1017 = arith.constant 2 : i32
        %get3A_1018 = arith.index_cast %get3A_1017 : i32 to index
        %get3A_1019 = arith.index_cast %select_n3A_935 : i32 to index
        %get3A_1020 = arith.index_cast %mul3A_951 : i32 to index
        %get3A_1021 = tpu.vector_load %arg7[%get3A_1018, %get3A_1019, %get3A_1020] {strides = array<i32>} : memref<9x16x128xf32, #tpu.memory_space<vmem>>, vector<1x1x16xf32>,
        %get3A_1022 = vector.shape_cast %get3A_1021 : vector<1x1x16xf32> to vector<16xf32>
        %get3A_1023 = arith.constant 3 : i32
        %get3A_1024 = arith.index_cast %get3A_1023 : i32 to index
        %get3A_1025 = arith.index_cast %select_n3A_935 : i32 to index
        %get3A_1026 = arith.index_cast %mul3A_951 : i32 to index
        %get3A_1027 = tpu.vector_load %arg7[%get3A_1024, %get3A_1025, %get3A_1026] {strides = array<i32>} : memref<9x16x128xf32, #tpu.memory_space<vmem>>, vector<1x1x16xf32>,
        %get3A_1028 = vector.shape_cast %get3A_1027 : vector<1x1x16xf32> to vector<16xf32>
        %get3A_1029 = arith.constant 4 : i32
        %get3A_1030 = arith.index_cast %get3A_1029 : i32 to index
        %get3A_1031 = arith.index_cast %select_n3A_935 : i32 to index
        %get3A_1032 = arith.index_cast %mul3A_951 : i32 to index
        %get3A_1033 = tpu.vector_load %arg7[%get3A_1030, %get3A_1031, %get3A_1032] {strides = array<i32>} : memref<9x16x128xf32, #tpu.memory_space<vmem>>, vector<1x1x16xf32>,
        %get3A_1034 = vector.shape_cast %get3A_1033 : vector<1x1x16xf32> to vector<16xf32>
        %get3A_1035 = arith.constant 5 : i32
        %get3A_1036 = arith.index_cast %get3A_1035 : i32 to index
        %get3A_1037 = arith.index_cast %select_n3A_935 : i32 to index
        %get3A_1038 = arith.index_cast %mul3A_951 : i32 to index
        %get3A_1039 = tpu.vector_load %arg7[%get3A_1036, %get3A_1037, %get3A_1038] {strides = array<i32>} : memref<9x16x128xf32, #tpu.memory_space<vmem>>, vector<1x1x16xf32>,
        %get3A_1040 = vector.shape_cast %get3A_1039 : vector<1x1x16xf32> to vector<16xf32>
        %get3A_1041 = arith.constant 6 : i32
        %get3A_1042 = arith.index_cast %get3A_1041 : i32 to index
        %get3A_1043 = arith.index_cast %select_n3A_935 : i32 to index
        %get3A_1044 = arith.index_cast %mul3A_951 : i32 to index
        %get3A_1045 = tpu.vector_load %arg7[%get3A_1042, %get3A_1043, %get3A_1044] {strides = array<i32>} : memref<9x16x128xf32, #tpu.memory_space<vmem>>, vector<1x1x16xf32>,
        %get3A_1046 = vector.shape_cast %get3A_1045 : vector<1x1x16xf32> to vector<16xf32>
        %get3A_1047 = arith.constant 7 : i32
        %get3A_1048 = arith.index_cast %get3A_1047 : i32 to index
        %get3A_1049 = arith.index_cast %select_n3A_935 : i32 to index
        %get3A_1050 = arith.index_cast %mul3A_951 : i32 to index
        %get3A_1051 = tpu.vector_load %arg7[%get3A_1048, %get3A_1049, %get3A_1050] {strides = array<i32>} : memref<9x16x128xf32, #tpu.memory_space<vmem>>, vector<1x1x16xf32>,
        %get3A_1052 = vector.shape_cast %get3A_1051 : vector<1x1x16xf32> to vector<16xf32>
        %get3A_1053 = arith.constant 8 : i32
        %get3A_1054 = arith.index_cast %get3A_1053 : i32 to index
        %get3A_1055 = arith.index_cast %select_n3A_935 : i32 to index
        %get3A_1056 = arith.index_cast %mul3A_951 : i32 to index
        %get3A_1057 = tpu.vector_load %arg7[%get3A_1054, %get3A_1055, %get3A_1056] {strides = array<i32>} : memref<9x16x128xf32, #tpu.memory_space<vmem>>, vector<1x1x16xf32>,
        %get3A_1058 = vector.shape_cast %get3A_1057 : vector<1x1x16xf32> to vector<16xf32>
        %mul3A_1059 = arith.mulf %get3A_956, %get3A_1010 : vector<16xf32>
        %get3A_1060 = arith.constant 0 : i32
        %get3A_1061 = arith.index_cast %get3A_1060 : i32 to index
        %get3A_1062 = arith.constant 0 : index
        %get3A_1063 = tpu.vector_load %arg9[%get3A_1061, %get3A_1062] {strides = array<i32>} : memref<45x16xf32, #tpu.memory_space<vmem>>, vector<1x16xf32>,
        %get3A_1064 = vector.shape_cast %get3A_1063 : vector<1x16xf32> to vector<16xf32>
        %mul3A_1065 = arith.mulf %mul3A_1059, %get3A_1064 : vector<16xf32>
        %mul3A_1066 = arith.mulf %get3A_956, %get3A_1016 : vector<16xf32>
        %get3A_1067 = arith.constant 1 : i32
        %get3A_1068 = arith.index_cast %get3A_1067 : i32 to index
        %get3A_1069 = arith.constant 0 : index
        %get3A_1070 = tpu.vector_load %arg9[%get3A_1068, %get3A_1069] {strides = array<i32>} : memref<45x16xf32, #tpu.memory_space<vmem>>, vector<1x16xf32>,
        %get3A_1071 = vector.shape_cast %get3A_1070 : vector<1x16xf32> to vector<16xf32>
        %mul3A_1072 = arith.mulf %mul3A_1066, %get3A_1071 : vector<16xf32>
        %mul3A_1073 = arith.mulf %get3A_962, %get3A_1010 : vector<16xf32>
        %get3A_1074 = arith.constant 2 : i32
        %get3A_1075 = arith.index_cast %get3A_1074 : i32 to index
        %get3A_1076 = arith.constant 0 : index
        %get3A_1077 = tpu.vector_load %arg9[%get3A_1075, %get3A_1076] {strides = array<i32>} : memref<45x16xf32, #tpu.memory_space<vmem>>, vector<1x16xf32>,
        %get3A_1078 = vector.shape_cast %get3A_1077 : vector<1x16xf32> to vector<16xf32>
        %mul3A_1079 = arith.mulf %mul3A_1073, %get3A_1078 : vector<16xf32>
        %add3A_1080 = arith.addf %mul3A_1072, %mul3A_1079 : vector<16xf32>
        %mul3A_1081 = arith.mulf %get3A_956, %get3A_1022 : vector<16xf32>
        %get3A_1082 = arith.constant 3 : i32
        %get3A_1083 = arith.index_cast %get3A_1082 : i32 to index
        %get3A_1084 = arith.constant 0 : index
        %get3A_1085 = tpu.vector_load %arg9[%get3A_1083, %get3A_1084] {strides = array<i32>} : memref<45x16xf32, #tpu.memory_space<vmem>>, vector<1x16xf32>,
        %get3A_1086 = vector.shape_cast %get3A_1085 : vector<1x16xf32> to vector<16xf32>
        %mul3A_1087 = arith.mulf %mul3A_1081, %get3A_1086 : vector<16xf32>
        %mul3A_1088 = arith.mulf %get3A_962, %get3A_1016 : vector<16xf32>
        %get3A_1089 = arith.constant 4 : i32
        %get3A_1090 = arith.index_cast %get3A_1089 : i32 to index
        %get3A_1091 = arith.constant 0 : index
        %get3A_1092 = tpu.vector_load %arg9[%get3A_1090, %get3A_1091] {strides = array<i32>} : memref<45x16xf32, #tpu.memory_space<vmem>>, vector<1x16xf32>,
        %get3A_1093 = vector.shape_cast %get3A_1092 : vector<1x16xf32> to vector<16xf32>
        %mul3A_1094 = arith.mulf %mul3A_1088, %get3A_1093 : vector<16xf32>
        %add3A_1095 = arith.addf %mul3A_1087, %mul3A_1094 : vector<16xf32>
        %mul3A_1096 = arith.mulf %get3A_968, %get3A_1010 : vector<16xf32>
        %get3A_1097 = arith.constant 5 : i32
        %get3A_1098 = arith.index_cast %get3A_1097 : i32 to index
        %get3A_1099 = arith.constant 0 : index
        %get3A_1100 = tpu.vector_load %arg9[%get3A_1098, %get3A_1099] {strides = array<i32>} : memref<45x16xf32, #tpu.memory_space<vmem>>, vector<1x16xf32>,
        %get3A_1101 = vector.shape_cast %get3A_1100 : vector<1x16xf32> to vector<16xf32>
        %mul3A_1102 = arith.mulf %mul3A_1096, %get3A_1101 : vector<16xf32>
        %add3A_1103 = arith.addf %add3A_1095, %mul3A_1102 : vector<16xf32>
        %mul3A_1104 = arith.mulf %get3A_956, %get3A_1028 : vector<16xf32>
        %get3A_1105 = arith.constant 6 : i32
        %get3A_1106 = arith.index_cast %get3A_1105 : i32 to index
        %get3A_1107 = arith.constant 0 : index
        %get3A_1108 = tpu.vector_load %arg9[%get3A_1106, %get3A_1107] {strides = array<i32>} : memref<45x16xf32, #tpu.memory_space<vmem>>, vector<1x16xf32>,
        %get3A_1109 = vector.shape_cast %get3A_1108 : vector<1x16xf32> to vector<16xf32>
        %mul3A_1110 = arith.mulf %mul3A_1104, %get3A_1109 : vector<16xf32>
        %mul3A_1111 = arith.mulf %get3A_962, %get3A_1022 : vector<16xf32>
        %get3A_1112 = arith.constant 7 : i32
        %get3A_1113 = arith.index_cast %get3A_1112 : i32 to index
        %get3A_1114 = arith.constant 0 : index
        %get3A_1115 = tpu.vector_load %arg9[%get3A_1113, %get3A_1114] {strides = array<i32>} : memref<45x16xf32, #tpu.memory_space<vmem>>, vector<1x16xf32>,
        %get3A_1116 = vector.shape_cast %get3A_1115 : vector<1x16xf32> to vector<16xf32>
        %mul3A_1117 = arith.mulf %mul3A_1111, %get3A_1116 : vector<16xf32>
        %add3A_1118 = arith.addf %mul3A_1110, %mul3A_1117 : vector<16xf32>
        %mul3A_1119 = arith.mulf %get3A_968, %get3A_1016 : vector<16xf32>
        %get3A_1120 = arith.constant 8 : i32
        %get3A_1121 = arith.index_cast %get3A_1120 : i32 to index
        %get3A_1122 = arith.constant 0 : index
        %get3A_1123 = tpu.vector_load %arg9[%get3A_1121, %get3A_1122] {strides = array<i32>} : memref<45x16xf32, #tpu.memory_space<vmem>>, vector<1x16xf32>,
        %get3A_1124 = vector.shape_cast %get3A_1123 : vector<1x16xf32> to vector<16xf32>
        %mul3A_1125 = arith.mulf %mul3A_1119, %get3A_1124 : vector<16xf32>
        %add3A_1126 = arith.addf %add3A_1118, %mul3A_1125 : vector<16xf32>
        %mul3A_1127 = arith.mulf %get3A_974, %get3A_1010 : vector<16xf32>
        %get3A_1128 = arith.constant 9 : i32
        %get3A_1129 = arith.index_cast %get3A_1128 : i32 to index
        %get3A_1130 = arith.constant 0 : index
        %get3A_1131 = tpu.vector_load %arg9[%get3A_1129, %get3A_1130] {strides = array<i32>} : memref<45x16xf32, #tpu.memory_space<vmem>>, vector<1x16xf32>,
        %get3A_1132 = vector.shape_cast %get3A_1131 : vector<1x16xf32> to vector<16xf32>
        %mul3A_1133 = arith.mulf %mul3A_1127, %get3A_1132 : vector<16xf32>
        %add3A_1134 = arith.addf %add3A_1126, %mul3A_1133 : vector<16xf32>
        %mul3A_1135 = arith.mulf %get3A_956, %get3A_1034 : vector<16xf32>
        %get3A_1136 = arith.constant 10 : i32
        %get3A_1137 = arith.index_cast %get3A_1136 : i32 to index
        %get3A_1138 = arith.constant 0 : index
        %get3A_1139 = tpu.vector_load %arg9[%get3A_1137, %get3A_1138] {strides = array<i32>} : memref<45x16xf32, #tpu.memory_space<vmem>>, vector<1x16xf32>,
        %get3A_1140 = vector.shape_cast %get3A_1139 : vector<1x16xf32> to vector<16xf32>
        %mul3A_1141 = arith.mulf %mul3A_1135, %get3A_1140 : vector<16xf32>
        %mul3A_1142 = arith.mulf %get3A_962, %get3A_1028 : vector<16xf32>
        %get3A_1143 = arith.constant 11 : i32
        %get3A_1144 = arith.index_cast %get3A_1143 : i32 to index
        %get3A_1145 = arith.constant 0 : index
        %get3A_1146 = tpu.vector_load %arg9[%get3A_1144, %get3A_1145] {strides = array<i32>} : memref<45x16xf32, #tpu.memory_space<vmem>>, vector<1x16xf32>,
        %get3A_1147 = vector.shape_cast %get3A_1146 : vector<1x16xf32> to vector<16xf32>
        %mul3A_1148 = arith.mulf %mul3A_1142, %get3A_1147 : vector<16xf32>
        %add3A_1149 = arith.addf %mul3A_1141, %mul3A_1148 : vector<16xf32>
        %mul3A_1150 = arith.mulf %get3A_968, %get3A_1022 : vector<16xf32>
        %get3A_1151 = arith.constant 12 : i32
        %get3A_1152 = arith.index_cast %get3A_1151 : i32 to index
        %get3A_1153 = arith.constant 0 : index
        %get3A_1154 = tpu.vector_load %arg9[%get3A_1152, %get3A_1153] {strides = array<i32>} : memref<45x16xf32, #tpu.memory_space<vmem>>, vector<1x16xf32>,
        %get3A_1155 = vector.shape_cast %get3A_1154 : vector<1x16xf32> to vector<16xf32>
        %mul3A_1156 = arith.mulf %mul3A_1150, %get3A_1155 : vector<16xf32>
        %add3A_1157 = arith.addf %add3A_1149, %mul3A_1156 : vector<16xf32>
        %mul3A_1158 = arith.mulf %get3A_974, %get3A_1016 : vector<16xf32>
        %get3A_1159 = arith.constant 13 : i32
        %get3A_1160 = arith.index_cast %get3A_1159 : i32 to index
        %get3A_1161 = arith.constant 0 : index
        %get3A_1162 = tpu.vector_load %arg9[%get3A_1160, %get3A_1161] {strides = array<i32>} : memref<45x16xf32, #tpu.memory_space<vmem>>, vector<1x16xf32>,
        %get3A_1163 = vector.shape_cast %get3A_1162 : vector<1x16xf32> to vector<16xf32>
        %mul3A_1164 = arith.mulf %mul3A_1158, %get3A_1163 : vector<16xf32>
        %add3A_1165 = arith.addf %add3A_1157, %mul3A_1164 : vector<16xf32>
        %mul3A_1166 = arith.mulf %get3A_980, %get3A_1010 : vector<16xf32>
        %get3A_1167 = arith.constant 14 : i32
        %get3A_1168 = arith.index_cast %get3A_1167 : i32 to index
        %get3A_1169 = arith.constant 0 : index
        %get3A_1170 = tpu.vector_load %arg9[%get3A_1168, %get3A_1169] {strides = array<i32>} : memref<45x16xf32, #tpu.memory_space<vmem>>, vector<1x16xf32>,
        %get3A_1171 = vector.shape_cast %get3A_1170 : vector<1x16xf32> to vector<16xf32>
        %mul3A_1172 = arith.mulf %mul3A_1166, %get3A_1171 : vector<16xf32>
        %add3A_1173 = arith.addf %add3A_1165, %mul3A_1172 : vector<16xf32>
        %mul3A_1174 = arith.mulf %get3A_956, %get3A_1040 : vector<16xf32>
        %get3A_1175 = arith.constant 15 : i32
        %get3A_1176 = arith.index_cast %get3A_1175 : i32 to index
        %get3A_1177 = arith.constant 0 : index
        %get3A_1178 = tpu.vector_load %arg9[%get3A_1176, %get3A_1177] {strides = array<i32>} : memref<45x16xf32, #tpu.memory_space<vmem>>, vector<1x16xf32>,
        %get3A_1179 = vector.shape_cast %get3A_1178 : vector<1x16xf32> to vector<16xf32>
        %mul3A_1180 = arith.mulf %mul3A_1174, %get3A_1179 : vector<16xf32>
        %mul3A_1181 = arith.mulf %get3A_962, %get3A_1034 : vector<16xf32>
        %get3A_1182 = arith.constant 16 : i32
        %get3A_1183 = arith.index_cast %get3A_1182 : i32 to index
        %get3A_1184 = arith.constant 0 : index
        %get3A_1185 = tpu.vector_load %arg9[%get3A_1183, %get3A_1184] {strides = array<i32>} : memref<45x16xf32, #tpu.memory_space<vmem>>, vector<1x16xf32>,
        %get3A_1186 = vector.shape_cast %get3A_1185 : vector<1x16xf32> to vector<16xf32>
        %mul3A_1187 = arith.mulf %mul3A_1181, %get3A_1186 : vector<16xf32>
        %add3A_1188 = arith.addf %mul3A_1180, %mul3A_1187 : vector<16xf32>
        %mul3A_1189 = arith.mulf %get3A_968, %get3A_1028 : vector<16xf32>
        %get3A_1190 = arith.constant 17 : i32
        %get3A_1191 = arith.index_cast %get3A_1190 : i32 to index
        %get3A_1192 = arith.constant 0 : index
        %get3A_1193 = tpu.vector_load %arg9[%get3A_1191, %get3A_1192] {strides = array<i32>} : memref<45x16xf32, #tpu.memory_space<vmem>>, vector<1x16xf32>,
        %get3A_1194 = vector.shape_cast %get3A_1193 : vector<1x16xf32> to vector<16xf32>
        %mul3A_1195 = arith.mulf %mul3A_1189, %get3A_1194 : vector<16xf32>
        %add3A_1196 = arith.addf %add3A_1188, %mul3A_1195 : vector<16xf32>
        %mul3A_1197 = arith.mulf %get3A_974, %get3A_1022 : vector<16xf32>
        %get3A_1198 = arith.constant 18 : i32
        %get3A_1199 = arith.index_cast %get3A_1198 : i32 to index
        %get3A_1200 = arith.constant 0 : index
        %get3A_1201 = tpu.vector_load %arg9[%get3A_1199, %get3A_1200] {strides = array<i32>} : memref<45x16xf32, #tpu.memory_space<vmem>>, vector<1x16xf32>,
        %get3A_1202 = vector.shape_cast %get3A_1201 : vector<1x16xf32> to vector<16xf32>
        %mul3A_1203 = arith.mulf %mul3A_1197, %get3A_1202 : vector<16xf32>
        %add3A_1204 = arith.addf %add3A_1196, %mul3A_1203 : vector<16xf32>
        %mul3A_1205 = arith.mulf %get3A_980, %get3A_1016 : vector<16xf32>
        %get3A_1206 = arith.constant 19 : i32
        %get3A_1207 = arith.index_cast %get3A_1206 : i32 to index
        %get3A_1208 = arith.constant 0 : index
        %get3A_1209 = tpu.vector_load %arg9[%get3A_1207, %get3A_1208] {strides = array<i32>} : memref<45x16xf32, #tpu.memory_space<vmem>>, vector<1x16xf32>,
        %get3A_1210 = vector.shape_cast %get3A_1209 : vector<1x16xf32> to vector<16xf32>
        %mul3A_1211 = arith.mulf %mul3A_1205, %get3A_1210 : vector<16xf32>
        %add3A_1212 = arith.addf %add3A_1204, %mul3A_1211 : vector<16xf32>
        %mul3A_1213 = arith.mulf %get3A_986, %get3A_1010 : vector<16xf32>
        %get3A_1214 = arith.constant 20 : i32
        %get3A_1215 = arith.index_cast %get3A_1214 : i32 to index
        %get3A_1216 = arith.constant 0 : index
        %get3A_1217 = tpu.vector_load %arg9[%get3A_1215, %get3A_1216] {strides = array<i32>} : memref<45x16xf32, #tpu.memory_space<vmem>>, vector<1x16xf32>,
        %get3A_1218 = vector.shape_cast %get3A_1217 : vector<1x16xf32> to vector<16xf32>
        %mul3A_1219 = arith.mulf %mul3A_1213, %get3A_1218 : vector<16xf32>
        %add3A_1220 = arith.addf %add3A_1212, %mul3A_1219 : vector<16xf32>
        %mul3A_1221 = arith.mulf %get3A_956, %get3A_1046 : vector<16xf32>
        %get3A_1222 = arith.constant 21 : i32
        %get3A_1223 = arith.index_cast %get3A_1222 : i32 to index
        %get3A_1224 = arith.constant 0 : index
        %get3A_1225 = tpu.vector_load %arg9[%get3A_1223, %get3A_1224] {strides = array<i32>} : memref<45x16xf32, #tpu.memory_space<vmem>>, vector<1x16xf32>,
        %get3A_1226 = vector.shape_cast %get3A_1225 : vector<1x16xf32> to vector<16xf32>
        %mul3A_1227 = arith.mulf %mul3A_1221, %get3A_1226 : vector<16xf32>
        %mul3A_1228 = arith.mulf %get3A_962, %get3A_1040 : vector<16xf32>
        %get3A_1229 = arith.constant 22 : i32
        %get3A_1230 = arith.index_cast %get3A_1229 : i32 to index
        %get3A_1231 = arith.constant 0 : index
        %get3A_1232 = tpu.vector_load %arg9[%get3A_1230, %get3A_1231] {strides = array<i32>} : memref<45x16xf32, #tpu.memory_space<vmem>>, vector<1x16xf32>,
        %get3A_1233 = vector.shape_cast %get3A_1232 : vector<1x16xf32> to vector<16xf32>
        %mul3A_1234 = arith.mulf %mul3A_1228, %get3A_1233 : vector<16xf32>
        %add3A_1235 = arith.addf %mul3A_1227, %mul3A_1234 : vector<16xf32>
        %mul3A_1236 = arith.mulf %get3A_968, %get3A_1034 : vector<16xf32>
        %get3A_1237 = arith.constant 23 : i32
        %get3A_1238 = arith.index_cast %get3A_1237 : i32 to index
        %get3A_1239 = arith.constant 0 : index
        %get3A_1240 = tpu.vector_load %arg9[%get3A_1238, %get3A_1239] {strides = array<i32>} : memref<45x16xf32, #tpu.memory_space<vmem>>, vector<1x16xf32>,
        %get3A_1241 = vector.shape_cast %get3A_1240 : vector<1x16xf32> to vector<16xf32>
        %mul3A_1242 = arith.mulf %mul3A_1236, %get3A_1241 : vector<16xf32>
        %add3A_1243 = arith.addf %add3A_1235, %mul3A_1242 : vector<16xf32>
        %mul3A_1244 = arith.mulf %get3A_974, %get3A_1028 : vector<16xf32>
        %get3A_1245 = arith.constant 24 : i32
        %get3A_1246 = arith.index_cast %get3A_1245 : i32 to index
        %get3A_1247 = arith.constant 0 : index
        %get3A_1248 = tpu.vector_load %arg9[%get3A_1246, %get3A_1247] {strides = array<i32>} : memref<45x16xf32, #tpu.memory_space<vmem>>, vector<1x16xf32>,
        %get3A_1249 = vector.shape_cast %get3A_1248 : vector<1x16xf32> to vector<16xf32>
        %mul3A_1250 = arith.mulf %mul3A_1244, %get3A_1249 : vector<16xf32>
        %add3A_1251 = arith.addf %add3A_1243, %mul3A_1250 : vector<16xf32>
        %mul3A_1252 = arith.mulf %get3A_980, %get3A_1022 : vector<16xf32>
        %get3A_1253 = arith.constant 25 : i32
        %get3A_1254 = arith.index_cast %get3A_1253 : i32 to index
        %get3A_1255 = arith.constant 0 : index
        %get3A_1256 = tpu.vector_load %arg9[%get3A_1254, %get3A_1255] {strides = array<i32>} : memref<45x16xf32, #tpu.memory_space<vmem>>, vector<1x16xf32>,
        %get3A_1257 = vector.shape_cast %get3A_1256 : vector<1x16xf32> to vector<16xf32>
        %mul3A_1258 = arith.mulf %mul3A_1252, %get3A_1257 : vector<16xf32>
        %add3A_1259 = arith.addf %add3A_1251, %mul3A_1258 : vector<16xf32>
        %mul3A_1260 = arith.mulf %get3A_986, %get3A_1016 : vector<16xf32>
        %get3A_1261 = arith.constant 26 : i32
        %get3A_1262 = arith.index_cast %get3A_1261 : i32 to index
        %get3A_1263 = arith.constant 0 : index
        %get3A_1264 = tpu.vector_load %arg9[%get3A_1262, %get3A_1263] {strides = array<i32>} : memref<45x16xf32, #tpu.memory_space<vmem>>, vector<1x16xf32>,
        %get3A_1265 = vector.shape_cast %get3A_1264 : vector<1x16xf32> to vector<16xf32>
        %mul3A_1266 = arith.mulf %mul3A_1260, %get3A_1265 : vector<16xf32>
        %add3A_1267 = arith.addf %add3A_1259, %mul3A_1266 : vector<16xf32>
        %mul3A_1268 = arith.mulf %get3A_992, %get3A_1010 : vector<16xf32>
        %get3A_1269 = arith.constant 27 : i32
        %get3A_1270 = arith.index_cast %get3A_1269 : i32 to index
        %get3A_1271 = arith.constant 0 : index
        %get3A_1272 = tpu.vector_load %arg9[%get3A_1270, %get3A_1271] {strides = array<i32>} : memref<45x16xf32, #tpu.memory_space<vmem>>, vector<1x16xf32>,
        %get3A_1273 = vector.shape_cast %get3A_1272 : vector<1x16xf32> to vector<16xf32>
        %mul3A_1274 = arith.mulf %mul3A_1268, %get3A_1273 : vector<16xf32>
        %add3A_1275 = arith.addf %add3A_1267, %mul3A_1274 : vector<16xf32>
        %mul3A_1276 = arith.mulf %get3A_956, %get3A_1052 : vector<16xf32>
        %get3A_1277 = arith.constant 28 : i32
        %get3A_1278 = arith.index_cast %get3A_1277 : i32 to index
        %get3A_1279 = arith.constant 0 : index
        %get3A_1280 = tpu.vector_load %arg9[%get3A_1278, %get3A_1279] {strides = array<i32>} : memref<45x16xf32, #tpu.memory_space<vmem>>, vector<1x16xf32>,
        %get3A_1281 = vector.shape_cast %get3A_1280 : vector<1x16xf32> to vector<16xf32>
        %mul3A_1282 = arith.mulf %mul3A_1276, %get3A_1281 : vector<16xf32>
        %mul3A_1283 = arith.mulf %get3A_962, %get3A_1046 : vector<16xf32>
        %get3A_1284 = arith.constant 29 : i32
        %get3A_1285 = arith.index_cast %get3A_1284 : i32 to index
        %get3A_1286 = arith.constant 0 : index
        %get3A_1287 = tpu.vector_load %arg9[%get3A_1285, %get3A_1286] {strides = array<i32>} : memref<45x16xf32, #tpu.memory_space<vmem>>, vector<1x16xf32>,
        %get3A_1288 = vector.shape_cast %get3A_1287 : vector<1x16xf32> to vector<16xf32>
        %mul3A_1289 = arith.mulf %mul3A_1283, %get3A_1288 : vector<16xf32>
        %add3A_1290 = arith.addf %mul3A_1282, %mul3A_1289 : vector<16xf32>
        %mul3A_1291 = arith.mulf %get3A_968, %get3A_1040 : vector<16xf32>
        %get3A_1292 = arith.constant 30 : i32
        %get3A_1293 = arith.index_cast %get3A_1292 : i32 to index
        %get3A_1294 = arith.constant 0 : index
        %get3A_1295 = tpu.vector_load %arg9[%get3A_1293, %get3A_1294] {strides = array<i32>} : memref<45x16xf32, #tpu.memory_space<vmem>>, vector<1x16xf32>,
        %get3A_1296 = vector.shape_cast %get3A_1295 : vector<1x16xf32> to vector<16xf32>
        %mul3A_1297 = arith.mulf %mul3A_1291, %get3A_1296 : vector<16xf32>
        %add3A_1298 = arith.addf %add3A_1290, %mul3A_1297 : vector<16xf32>
        %mul3A_1299 = arith.mulf %get3A_974, %get3A_1034 : vector<16xf32>
        %get3A_1300 = arith.constant 31 : i32
        %get3A_1301 = arith.index_cast %get3A_1300 : i32 to index
        %get3A_1302 = arith.constant 0 : index
        %get3A_1303 = tpu.vector_load %arg9[%get3A_1301, %get3A_1302] {strides = array<i32>} : memref<45x16xf32, #tpu.memory_space<vmem>>, vector<1x16xf32>,
        %get3A_1304 = vector.shape_cast %get3A_1303 : vector<1x16xf32> to vector<16xf32>
        %mul3A_1305 = arith.mulf %mul3A_1299, %get3A_1304 : vector<16xf32>
        %add3A_1306 = arith.addf %add3A_1298, %mul3A_1305 : vector<16xf32>
        %mul3A_1307 = arith.mulf %get3A_980, %get3A_1028 : vector<16xf32>
        %get3A_1308 = arith.constant 32 : i32
        %get3A_1309 = arith.index_cast %get3A_1308 : i32 to index
        %get3A_1310 = arith.constant 0 : index
        %get3A_1311 = tpu.vector_load %arg9[%get3A_1309, %get3A_1310] {strides = array<i32>} : memref<45x16xf32, #tpu.memory_space<vmem>>, vector<1x16xf32>,
        %get3A_1312 = vector.shape_cast %get3A_1311 : vector<1x16xf32> to vector<16xf32>
        %mul3A_1313 = arith.mulf %mul3A_1307, %get3A_1312 : vector<16xf32>
        %add3A_1314 = arith.addf %add3A_1306, %mul3A_1313 : vector<16xf32>
        %mul3A_1315 = arith.mulf %get3A_986, %get3A_1022 : vector<16xf32>
        %get3A_1316 = arith.constant 33 : i32
        %get3A_1317 = arith.index_cast %get3A_1316 : i32 to index
        %get3A_1318 = arith.constant 0 : index
        %get3A_1319 = tpu.vector_load %arg9[%get3A_1317, %get3A_1318] {strides = array<i32>} : memref<45x16xf32, #tpu.memory_space<vmem>>, vector<1x16xf32>,
        %get3A_1320 = vector.shape_cast %get3A_1319 : vector<1x16xf32> to vector<16xf32>
        %mul3A_1321 = arith.mulf %mul3A_1315, %get3A_1320 : vector<16xf32>
        %add3A_1322 = arith.addf %add3A_1314, %mul3A_1321 : vector<16xf32>
        %mul3A_1323 = arith.mulf %get3A_992, %get3A_1016 : vector<16xf32>
        %get3A_1324 = arith.constant 34 : i32
        %get3A_1325 = arith.index_cast %get3A_1324 : i32 to index
        %get3A_1326 = arith.constant 0 : index
        %get3A_1327 = tpu.vector_load %arg9[%get3A_1325, %get3A_1326] {strides = array<i32>} : memref<45x16xf32, #tpu.memory_space<vmem>>, vector<1x16xf32>,
        %get3A_1328 = vector.shape_cast %get3A_1327 : vector<1x16xf32> to vector<16xf32>
        %mul3A_1329 = arith.mulf %mul3A_1323, %get3A_1328 : vector<16xf32>
        %add3A_1330 = arith.addf %add3A_1322, %mul3A_1329 : vector<16xf32>
        %mul3A_1331 = arith.mulf %get3A_998, %get3A_1010 : vector<16xf32>
        %get3A_1332 = arith.constant 35 : i32
        %get3A_1333 = arith.index_cast %get3A_1332 : i32 to index
        %get3A_1334 = arith.constant 0 : index
        %get3A_1335 = tpu.vector_load %arg9[%get3A_1333, %get3A_1334] {strides = array<i32>} : memref<45x16xf32, #tpu.memory_space<vmem>>, vector<1x16xf32>,
        %get3A_1336 = vector.shape_cast %get3A_1335 : vector<1x16xf32> to vector<16xf32>
        %mul3A_1337 = arith.mulf %mul3A_1331, %get3A_1336 : vector<16xf32>
        %add3A_1338 = arith.addf %add3A_1330, %mul3A_1337 : vector<16xf32>
        %mul3A_1339 = arith.mulf %get3A_956, %get3A_1058 : vector<16xf32>
        %get3A_1340 = arith.constant 36 : i32
        %get3A_1341 = arith.index_cast %get3A_1340 : i32 to index
        %get3A_1342 = arith.constant 0 : index
        %get3A_1343 = tpu.vector_load %arg9[%get3A_1341, %get3A_1342] {strides = array<i32>} : memref<45x16xf32, #tpu.memory_space<vmem>>, vector<1x16xf32>,
        %get3A_1344 = vector.shape_cast %get3A_1343 : vector<1x16xf32> to vector<16xf32>
        %mul3A_1345 = arith.mulf %mul3A_1339, %get3A_1344 : vector<16xf32>
        %mul3A_1346 = arith.mulf %get3A_962, %get3A_1052 : vector<16xf32>
        %get3A_1347 = arith.constant 37 : i32
        %get3A_1348 = arith.index_cast %get3A_1347 : i32 to index
        %get3A_1349 = arith.constant 0 : index
        %get3A_1350 = tpu.vector_load %arg9[%get3A_1348, %get3A_1349] {strides = array<i32>} : memref<45x16xf32, #tpu.memory_space<vmem>>, vector<1x16xf32>,
        %get3A_1351 = vector.shape_cast %get3A_1350 : vector<1x16xf32> to vector<16xf32>
        %mul3A_1352 = arith.mulf %mul3A_1346, %get3A_1351 : vector<16xf32>
        %add3A_1353 = arith.addf %mul3A_1345, %mul3A_1352 : vector<16xf32>
        %mul3A_1354 = arith.mulf %get3A_968, %get3A_1046 : vector<16xf32>
        %get3A_1355 = arith.constant 38 : i32
        %get3A_1356 = arith.index_cast %get3A_1355 : i32 to index
        %get3A_1357 = arith.constant 0 : index
        %get3A_1358 = tpu.vector_load %arg9[%get3A_1356, %get3A_1357] {strides = array<i32>} : memref<45x16xf32, #tpu.memory_space<vmem>>, vector<1x16xf32>,
        %get3A_1359 = vector.shape_cast %get3A_1358 : vector<1x16xf32> to vector<16xf32>
        %mul3A_1360 = arith.mulf %mul3A_1354, %get3A_1359 : vector<16xf32>
        %add3A_1361 = arith.addf %add3A_1353, %mul3A_1360 : vector<16xf32>
        %mul3A_1362 = arith.mulf %get3A_974, %get3A_1040 : vector<16xf32>
        %get3A_1363 = arith.constant 39 : i32
        %get3A_1364 = arith.index_cast %get3A_1363 : i32 to index
        %get3A_1365 = arith.constant 0 : index
        %get3A_1366 = tpu.vector_load %arg9[%get3A_1364, %get3A_1365] {strides = array<i32>} : memref<45x16xf32, #tpu.memory_space<vmem>>, vector<1x16xf32>,
        %get3A_1367 = vector.shape_cast %get3A_1366 : vector<1x16xf32> to vector<16xf32>
        %mul3A_1368 = arith.mulf %mul3A_1362, %get3A_1367 : vector<16xf32>
        %add3A_1369 = arith.addf %add3A_1361, %mul3A_1368 : vector<16xf32>
        %mul3A_1370 = arith.mulf %get3A_980, %get3A_1034 : vector<16xf32>
        %get3A_1371 = arith.constant 40 : i32
        %get3A_1372 = arith.index_cast %get3A_1371 : i32 to index
        %get3A_1373 = arith.constant 0 : index
        %get3A_1374 = tpu.vector_load %arg9[%get3A_1372, %get3A_1373] {strides = array<i32>} : memref<45x16xf32, #tpu.memory_space<vmem>>, vector<1x16xf32>,
        %get3A_1375 = vector.shape_cast %get3A_1374 : vector<1x16xf32> to vector<16xf32>
        %mul3A_1376 = arith.mulf %mul3A_1370, %get3A_1375 : vector<16xf32>
        %add3A_1377 = arith.addf %add3A_1369, %mul3A_1376 : vector<16xf32>
        %mul3A_1378 = arith.mulf %get3A_986, %get3A_1028 : vector<16xf32>
        %get3A_1379 = arith.constant 41 : i32
        %get3A_1380 = arith.index_cast %get3A_1379 : i32 to index
        %get3A_1381 = arith.constant 0 : index
        %get3A_1382 = tpu.vector_load %arg9[%get3A_1380, %get3A_1381] {strides = array<i32>} : memref<45x16xf32, #tpu.memory_space<vmem>>, vector<1x16xf32>,
        %get3A_1383 = vector.shape_cast %get3A_1382 : vector<1x16xf32> to vector<16xf32>
        %mul3A_1384 = arith.mulf %mul3A_1378, %get3A_1383 : vector<16xf32>
        %add3A_1385 = arith.addf %add3A_1377, %mul3A_1384 : vector<16xf32>
        %mul3A_1386 = arith.mulf %get3A_992, %get3A_1022 : vector<16xf32>
        %get3A_1387 = arith.constant 42 : i32
        %get3A_1388 = arith.index_cast %get3A_1387 : i32 to index
        %get3A_1389 = arith.constant 0 : index
        %get3A_1390 = tpu.vector_load %arg9[%get3A_1388, %get3A_1389] {strides = array<i32>} : memref<45x16xf32, #tpu.memory_space<vmem>>, vector<1x16xf32>,
        %get3A_1391 = vector.shape_cast %get3A_1390 : vector<1x16xf32> to vector<16xf32>
        %mul3A_1392 = arith.mulf %mul3A_1386, %get3A_1391 : vector<16xf32>
        %add3A_1393 = arith.addf %add3A_1385, %mul3A_1392 : vector<16xf32>
        %mul3A_1394 = arith.mulf %get3A_998, %get3A_1016 : vector<16xf32>
        %get3A_1395 = arith.constant 43 : i32
        %get3A_1396 = arith.index_cast %get3A_1395 : i32 to index
        %get3A_1397 = arith.constant 0 : index
        %get3A_1398 = tpu.vector_load %arg9[%get3A_1396, %get3A_1397] {strides = array<i32>} : memref<45x16xf32, #tpu.memory_space<vmem>>, vector<1x16xf32>,
        %get3A_1399 = vector.shape_cast %get3A_1398 : vector<1x16xf32> to vector<16xf32>
        %mul3A_1400 = arith.mulf %mul3A_1394, %get3A_1399 : vector<16xf32>
        %add3A_1401 = arith.addf %add3A_1393, %mul3A_1400 : vector<16xf32>
        %mul3A_1402 = arith.mulf %get3A_1004, %get3A_1010 : vector<16xf32>
        %get3A_1403 = arith.constant 44 : i32
        %get3A_1404 = arith.index_cast %get3A_1403 : i32 to index
        %get3A_1405 = arith.constant 0 : index
        %get3A_1406 = tpu.vector_load %arg9[%get3A_1404, %get3A_1405] {strides = array<i32>} : memref<45x16xf32, #tpu.memory_space<vmem>>, vector<1x16xf32>,
        %get3A_1407 = vector.shape_cast %get3A_1406 : vector<1x16xf32> to vector<16xf32>
        %mul3A_1408 = arith.mulf %mul3A_1402, %get3A_1407 : vector<16xf32>
        %add3A_1409 = arith.addf %add3A_1401, %mul3A_1408 : vector<16xf32>
        %swap3A = arith.constant 0 : i32
        %swap3A_1410 = arith.index_cast %swap3A : i32 to index
        %swap3A_1411 = arith.index_cast %select_n3A_935 : i32 to index
        %swap3A_1412 = arith.index_cast %mul3A_951 : i32 to index
        %swap3A_1413 = tpu.vector_load %arg8[%swap3A_1410, %swap3A_1411, %swap3A_1412] {strides = array<i32>} : memref<9x16x128xf32, #tpu.memory_space<vmem>>, vector<1x1x16xf32>,
        %swap3A_1414 = vector.shape_cast %swap3A_1413 : vector<1x1x16xf32> to vector<16xf32>
        %swap3A_1415 = vector.shape_cast %mul3A_1065 : vector<16xf32> to vector<1x1x16xf32>
        tpu.vector_store %arg8[%swap3A_1410, %swap3A_1411, %swap3A_1412], %swap3A_1415 {strides = array<i32>} : memref<9x16x128xf32, #tpu.memory_space<vmem>>, vector<1x1x16xf32>,
        %swap3A_1416 = arith.constant 1 : i32
        %swap3A_1417 = arith.index_cast %swap3A_1416 : i32 to index
        %swap3A_1418 = arith.index_cast %select_n3A_935 : i32 to index
        %swap3A_1419 = arith.index_cast %mul3A_951 : i32 to index
        %swap3A_1420 = tpu.vector_load %arg8[%swap3A_1417, %swap3A_1418, %swap3A_1419] {strides = array<i32>} : memref<9x16x128xf32, #tpu.memory_space<vmem>>, vector<1x1x16xf32>,
        %swap3A_1421 = vector.shape_cast %swap3A_1420 : vector<1x1x16xf32> to vector<16xf32>
        %swap3A_1422 = vector.shape_cast %add3A_1080 : vector<16xf32> to vector<1x1x16xf32>
        tpu.vector_store %arg8[%swap3A_1417, %swap3A_1418, %swap3A_1419], %swap3A_1422 {strides = array<i32>} : memref<9x16x128xf32, #tpu.memory_space<vmem>>, vector<1x1x16xf32>,
        %swap3A_1423 = arith.constant 2 : i32
        %swap3A_1424 = arith.index_cast %swap3A_1423 : i32 to index
        %swap3A_1425 = arith.index_cast %select_n3A_935 : i32 to index
        %swap3A_1426 = arith.index_cast %mul3A_951 : i32 to index
        %swap3A_1427 = tpu.vector_load %arg8[%swap3A_1424, %swap3A_1425, %swap3A_1426] {strides = array<i32>} : memref<9x16x128xf32, #tpu.memory_space<vmem>>, vector<1x1x16xf32>,
        %swap3A_1428 = vector.shape_cast %swap3A_1427 : vector<1x1x16xf32> to vector<16xf32>
        %swap3A_1429 = vector.shape_cast %add3A_1103 : vector<16xf32> to vector<1x1x16xf32>
        tpu.vector_store %arg8[%swap3A_1424, %swap3A_1425, %swap3A_1426], %swap3A_1429 {strides = array<i32>} : memref<9x16x128xf32, #tpu.memory_space<vmem>>, vector<1x1x16xf32>,
        %swap3A_1430 = arith.constant 3 : i32
        %swap3A_1431 = arith.index_cast %swap3A_1430 : i32 to index
        %swap3A_1432 = arith.index_cast %select_n3A_935 : i32 to index
        %swap3A_1433 = arith.index_cast %mul3A_951 : i32 to index
        %swap3A_1434 = tpu.vector_load %arg8[%swap3A_1431, %swap3A_1432, %swap3A_1433] {strides = array<i32>} : memref<9x16x128xf32, #tpu.memory_space<vmem>>, vector<1x1x16xf32>,
        %swap3A_1435 = vector.shape_cast %swap3A_1434 : vector<1x1x16xf32> to vector<16xf32>
        %swap3A_1436 = vector.shape_cast %add3A_1134 : vector<16xf32> to vector<1x1x16xf32>
        tpu.vector_store %arg8[%swap3A_1431, %swap3A_1432, %swap3A_1433], %swap3A_1436 {strides = array<i32>} : memref<9x16x128xf32, #tpu.memory_space<vmem>>, vector<1x1x16xf32>,
        %swap3A_1437 = arith.constant 4 : i32
        %swap3A_1438 = arith.index_cast %swap3A_1437 : i32 to index
        %swap3A_1439 = arith.index_cast %select_n3A_935 : i32 to index
        %swap3A_1440 = arith.index_cast %mul3A_951 : i32 to index
        %swap3A_1441 = tpu.vector_load %arg8[%swap3A_1438, %swap3A_1439, %swap3A_1440] {strides = array<i32>} : memref<9x16x128xf32, #tpu.memory_space<vmem>>, vector<1x1x16xf32>,
        %swap3A_1442 = vector.shape_cast %swap3A_1441 : vector<1x1x16xf32> to vector<16xf32>
        %swap3A_1443 = vector.shape_cast %add3A_1173 : vector<16xf32> to vector<1x1x16xf32>
        tpu.vector_store %arg8[%swap3A_1438, %swap3A_1439, %swap3A_1440], %swap3A_1443 {strides = array<i32>} : memref<9x16x128xf32, #tpu.memory_space<vmem>>, vector<1x1x16xf32>,
        %swap3A_1444 = arith.constant 5 : i32
        %swap3A_1445 = arith.index_cast %swap3A_1444 : i32 to index
        %swap3A_1446 = arith.index_cast %select_n3A_935 : i32 to index
        %swap3A_1447 = arith.index_cast %mul3A_951 : i32 to index
        %swap3A_1448 = tpu.vector_load %arg8[%swap3A_1445, %swap3A_1446, %swap3A_1447] {strides = array<i32>} : memref<9x16x128xf32, #tpu.memory_space<vmem>>, vector<1x1x16xf32>,
        %swap3A_1449 = vector.shape_cast %swap3A_1448 : vector<1x1x16xf32> to vector<16xf32>
        %swap3A_1450 = vector.shape_cast %add3A_1220 : vector<16xf32> to vector<1x1x16xf32>
        tpu.vector_store %arg8[%swap3A_1445, %swap3A_1446, %swap3A_1447], %swap3A_1450 {strides = array<i32>} : memref<9x16x128xf32, #tpu.memory_space<vmem>>, vector<1x1x16xf32>,
        %swap3A_1451 = arith.constant 6 : i32
        %swap3A_1452 = arith.index_cast %swap3A_1451 : i32 to index
        %swap3A_1453 = arith.index_cast %select_n3A_935 : i32 to index
        %swap3A_1454 = arith.index_cast %mul3A_951 : i32 to index
        %swap3A_1455 = tpu.vector_load %arg8[%swap3A_1452, %swap3A_1453, %swap3A_1454] {strides = array<i32>} : memref<9x16x128xf32, #tpu.memory_space<vmem>>, vector<1x1x16xf32>,
        %swap3A_1456 = vector.shape_cast %swap3A_1455 : vector<1x1x16xf32> to vector<16xf32>
        %swap3A_1457 = vector.shape_cast %add3A_1275 : vector<16xf32> to vector<1x1x16xf32>
        tpu.vector_store %arg8[%swap3A_1452, %swap3A_1453, %swap3A_1454], %swap3A_1457 {strides = array<i32>} : memref<9x16x128xf32, #tpu.memory_space<vmem>>, vector<1x1x16xf32>,
        %swap3A_1458 = arith.constant 7 : i32
        %swap3A_1459 = arith.index_cast %swap3A_1458 : i32 to index
        %swap3A_1460 = arith.index_cast %select_n3A_935 : i32 to index
        %swap3A_1461 = arith.index_cast %mul3A_951 : i32 to index
        %swap3A_1462 = tpu.vector_load %arg8[%swap3A_1459, %swap3A_1460, %swap3A_1461] {strides = array<i32>} : memref<9x16x128xf32, #tpu.memory_space<vmem>>, vector<1x1x16xf32>,
        %swap3A_1463 = vector.shape_cast %swap3A_1462 : vector<1x1x16xf32> to vector<16xf32>
        %swap3A_1464 = vector.shape_cast %add3A_1338 : vector<16xf32> to vector<1x1x16xf32>
        tpu.vector_store %arg8[%swap3A_1459, %swap3A_1460, %swap3A_1461], %swap3A_1464 {strides = array<i32>} : memref<9x16x128xf32, #tpu.memory_space<vmem>>, vector<1x1x16xf32>,
        %swap3A_1465 = arith.constant 8 : i32
        %swap3A_1466 = arith.index_cast %swap3A_1465 : i32 to index
        %swap3A_1467 = arith.index_cast %select_n3A_935 : i32 to index
        %swap3A_1468 = arith.index_cast %mul3A_951 : i32 to index
        %swap3A_1469 = tpu.vector_load %arg8[%swap3A_1466, %swap3A_1467, %swap3A_1468] {strides = array<i32>} : memref<9x16x128xf32, #tpu.memory_space<vmem>>, vector<1x1x16xf32>,
        %swap3A_1470 = vector.shape_cast %swap3A_1469 : vector<1x1x16xf32> to vector<16xf32>
        %swap3A_1471 = vector.shape_cast %add3A_1409 : vector<16xf32> to vector<1x1x16xf32>
        tpu.vector_store %arg8[%swap3A_1466, %swap3A_1467, %swap3A_1468], %swap3A_1471 {strides = array<i32>} : memref<9x16x128xf32, #tpu.memory_space<vmem>>, vector<1x1x16xf32>,
        %scan3A_1472 = arith.constant 0 : i32
        scf.yield %scan3A_1472 : i32
      }
      %scan3A_620 = arith.constant 128 : i32
      %dma_start3A_621 = arith.constant 0 : i32
      %dma_start3A_622 = arith.constant 0 : i32
      %dma_start3A_623 = arith.constant 0 : i32
      %dma_start3A_624 = arith.constant 0 : i32
      %dma_start3A_625 = tpu.memref_slice %arg8[%dma_start3A_621, %dma_start3A_623, %dma_start3A_624] : memref<9x16x128xf32, #tpu.memory_space<vmem>> -> memref<1x16x128xf32, #tpu.memory_space<vmem>>
      %dma_start3A_626 = tpu.memref_squeeze %dma_start3A_625 : memref<1x16x128xf32, #tpu.memory_space<vmem>> -> memref<16x128xf32, #tpu.memory_space<vmem>>
      %dma_start3A_627 = arith.constant 0 : i32
      %dma_start3A_628 = tpu.memref_slice %arg5[%dma_start3A_622, %mul3A_40, %dma_start3A_627] : memref<9x50000x128xf32, #tpu.memory_space<hbm>> -> memref<1x16x128xf32, #tpu.memory_space<hbm>>
      %dma_start3A_629 = tpu.memref_squeeze %dma_start3A_628 : memref<1x16x128xf32, #tpu.memory_space<hbm>> -> memref<16x128xf32, #tpu.memory_space<hbm>>
      %dma_start3A_630 = arith.constant 0 : i32
      %dma_start3A_631 = tpu.memref_slice %arg5[%dma_start3A_622, %mul3A_40, %dma_start3A_630] : memref<9x50000x128xf32, #tpu.memory_space<hbm>> -> memref<1x16x128xf32, #tpu.memory_space<hbm>>
      %dma_start3A_632 = tpu.memref_squeeze %dma_start3A_631 : memref<1x16x128xf32, #tpu.memory_space<hbm>> -> memref<16x128xf32, #tpu.memory_space<hbm>>
      %dma_start3A_633 = arith.constant 0 : i32
      %dma_start3A_634 = arith.constant 0 : i32
      %dma_start3A_635 = tpu.memref_slice %arg8[%dma_start3A_621, %dma_start3A_633, %dma_start3A_634] : memref<9x16x128xf32, #tpu.memory_space<vmem>> -> memref<1x16x128xf32, #tpu.memory_space<vmem>>
      %dma_start3A_636 = tpu.memref_squeeze %dma_start3A_635 : memref<1x16x128xf32, #tpu.memory_space<vmem>> -> memref<16x128xf32, #tpu.memory_space<vmem>>
      tpu.enqueue_dma source(%dma_start3A_636 : memref<16x128xf32, #tpu.memory_space<vmem>>) target(%dma_start3A_632 : memref<16x128xf32, #tpu.memory_space<hbm>>) target_semaphore(%arg10 : memref<!tpu.dma_semaphore, #tpu.memory_space<semaphore_mem>>)
      %dma_start3A_637 = arith.constant 1 : i32
      %dma_start3A_638 = arith.constant 1 : i32
      %dma_start3A_639 = arith.constant 0 : i32
      %dma_start3A_640 = arith.constant 0 : i32
      %dma_start3A_641 = tpu.memref_slice %arg8[%dma_start3A_637, %dma_start3A_639, %dma_start3A_640] : memref<9x16x128xf32, #tpu.memory_space<vmem>> -> memref<1x16x128xf32, #tpu.memory_space<vmem>>
      %dma_start3A_642 = tpu.memref_squeeze %dma_start3A_641 : memref<1x16x128xf32, #tpu.memory_space<vmem>> -> memref<16x128xf32, #tpu.memory_space<vmem>>
      %dma_start3A_643 = arith.constant 0 : i32
      %dma_start3A_644 = tpu.memref_slice %arg5[%dma_start3A_638, %mul3A_40, %dma_start3A_643] : memref<9x50000x128xf32, #tpu.memory_space<hbm>> -> memref<1x16x128xf32, #tpu.memory_space<hbm>>
      %dma_start3A_645 = tpu.memref_squeeze %dma_start3A_644 : memref<1x16x128xf32, #tpu.memory_space<hbm>> -> memref<16x128xf32, #tpu.memory_space<hbm>>
      %dma_start3A_646 = arith.constant 0 : i32
      %dma_start3A_647 = tpu.memref_slice %arg5[%dma_start3A_638, %mul3A_40, %dma_start3A_646] : memref<9x50000x128xf32, #tpu.memory_space<hbm>> -> memref<1x16x128xf32, #tpu.memory_space<hbm>>
      %dma_start3A_648 = tpu.memref_squeeze %dma_start3A_647 : memref<1x16x128xf32, #tpu.memory_space<hbm>> -> memref<16x128xf32, #tpu.memory_space<hbm>>
      %dma_start3A_649 = arith.constant 0 : i32
      %dma_start3A_650 = arith.constant 0 : i32
      %dma_start3A_651 = tpu.memref_slice %arg8[%dma_start3A_637, %dma_start3A_649, %dma_start3A_650] : memref<9x16x128xf32, #tpu.memory_space<vmem>> -> memref<1x16x128xf32, #tpu.memory_space<vmem>>
      %dma_start3A_652 = tpu.memref_squeeze %dma_start3A_651 : memref<1x16x128xf32, #tpu.memory_space<vmem>> -> memref<16x128xf32, #tpu.memory_space<vmem>>
      tpu.enqueue_dma source(%dma_start3A_652 : memref<16x128xf32, #tpu.memory_space<vmem>>) target(%dma_start3A_648 : memref<16x128xf32, #tpu.memory_space<hbm>>) target_semaphore(%arg10 : memref<!tpu.dma_semaphore, #tpu.memory_space<semaphore_mem>>)
      %dma_start3A_653 = arith.constant 2 : i32
      %dma_start3A_654 = arith.constant 2 : i32
      %dma_start3A_655 = arith.constant 0 : i32
      %dma_start3A_656 = arith.constant 0 : i32
      %dma_start3A_657 = tpu.memref_slice %arg8[%dma_start3A_653, %dma_start3A_655, %dma_start3A_656] : memref<9x16x128xf32, #tpu.memory_space<vmem>> -> memref<1x16x128xf32, #tpu.memory_space<vmem>>
      %dma_start3A_658 = tpu.memref_squeeze %dma_start3A_657 : memref<1x16x128xf32, #tpu.memory_space<vmem>> -> memref<16x128xf32, #tpu.memory_space<vmem>>
      %dma_start3A_659 = arith.constant 0 : i32
      %dma_start3A_660 = tpu.memref_slice %arg5[%dma_start3A_654, %mul3A_40, %dma_start3A_659] : memref<9x50000x128xf32, #tpu.memory_space<hbm>> -> memref<1x16x128xf32, #tpu.memory_space<hbm>>
      %dma_start3A_661 = tpu.memref_squeeze %dma_start3A_660 : memref<1x16x128xf32, #tpu.memory_space<hbm>> -> memref<16x128xf32, #tpu.memory_space<hbm>>
      %dma_start3A_662 = arith.constant 0 : i32
      %dma_start3A_663 = tpu.memref_slice %arg5[%dma_start3A_654, %mul3A_40, %dma_start3A_662] : memref<9x50000x128xf32, #tpu.memory_space<hbm>> -> memref<1x16x128xf32, #tpu.memory_space<hbm>>
      %dma_start3A_664 = tpu.memref_squeeze %dma_start3A_663 : memref<1x16x128xf32, #tpu.memory_space<hbm>> -> memref<16x128xf32, #tpu.memory_space<hbm>>
      %dma_start3A_665 = arith.constant 0 : i32
      %dma_start3A_666 = arith.constant 0 : i32
      %dma_start3A_667 = tpu.memref_slice %arg8[%dma_start3A_653, %dma_start3A_665, %dma_start3A_666] : memref<9x16x128xf32, #tpu.memory_space<vmem>> -> memref<1x16x128xf32, #tpu.memory_space<vmem>>
      %dma_start3A_668 = tpu.memref_squeeze %dma_start3A_667 : memref<1x16x128xf32, #tpu.memory_space<vmem>> -> memref<16x128xf32, #tpu.memory_space<vmem>>
      tpu.enqueue_dma source(%dma_start3A_668 : memref<16x128xf32, #tpu.memory_space<vmem>>) target(%dma_start3A_664 : memref<16x128xf32, #tpu.memory_space<hbm>>) target_semaphore(%arg10 : memref<!tpu.dma_semaphore, #tpu.memory_space<semaphore_mem>>)
      %dma_start3A_669 = arith.constant 3 : i32
      %dma_start3A_670 = arith.constant 3 : i32
      %dma_start3A_671 = arith.constant 0 : i32
      %dma_start3A_672 = arith.constant 0 : i32
      %dma_start3A_673 = tpu.memref_slice %arg8[%dma_start3A_669, %dma_start3A_671, %dma_start3A_672] : memref<9x16x128xf32, #tpu.memory_space<vmem>> -> memref<1x16x128xf32, #tpu.memory_space<vmem>>
      %dma_start3A_674 = tpu.memref_squeeze %dma_start3A_673 : memref<1x16x128xf32, #tpu.memory_space<vmem>> -> memref<16x128xf32, #tpu.memory_space<vmem>>
      %dma_start3A_675 = arith.constant 0 : i32
      %dma_start3A_676 = tpu.memref_slice %arg5[%dma_start3A_670, %mul3A_40, %dma_start3A_675] : memref<9x50000x128xf32, #tpu.memory_space<hbm>> -> memref<1x16x128xf32, #tpu.memory_space<hbm>>
      %dma_start3A_677 = tpu.memref_squeeze %dma_start3A_676 : memref<1x16x128xf32, #tpu.memory_space<hbm>> -> memref<16x128xf32, #tpu.memory_space<hbm>>
      %dma_start3A_678 = arith.constant 0 : i32
      %dma_start3A_679 = tpu.memref_slice %arg5[%dma_start3A_670, %mul3A_40, %dma_start3A_678] : memref<9x50000x128xf32, #tpu.memory_space<hbm>> -> memref<1x16x128xf32, #tpu.memory_space<hbm>>
      %dma_start3A_680 = tpu.memref_squeeze %dma_start3A_679 : memref<1x16x128xf32, #tpu.memory_space<hbm>> -> memref<16x128xf32, #tpu.memory_space<hbm>>
      %dma_start3A_681 = arith.constant 0 : i32
      %dma_start3A_682 = arith.constant 0 : i32
      %dma_start3A_683 = tpu.memref_slice %arg8[%dma_start3A_669, %dma_start3A_681, %dma_start3A_682] : memref<9x16x128xf32, #tpu.memory_space<vmem>> -> memref<1x16x128xf32, #tpu.memory_space<vmem>>
      %dma_start3A_684 = tpu.memref_squeeze %dma_start3A_683 : memref<1x16x128xf32, #tpu.memory_space<vmem>> -> memref<16x128xf32, #tpu.memory_space<vmem>>
      tpu.enqueue_dma source(%dma_start3A_684 : memref<16x128xf32, #tpu.memory_space<vmem>>) target(%dma_start3A_680 : memref<16x128xf32, #tpu.memory_space<hbm>>) target_semaphore(%arg10 : memref<!tpu.dma_semaphore, #tpu.memory_space<semaphore_mem>>)
      %dma_start3A_685 = arith.constant 4 : i32
      %dma_start3A_686 = arith.constant 4 : i32
      %dma_start3A_687 = arith.constant 0 : i32
      %dma_start3A_688 = arith.constant 0 : i32
      %dma_start3A_689 = tpu.memref_slice %arg8[%dma_start3A_685, %dma_start3A_687, %dma_start3A_688] : memref<9x16x128xf32, #tpu.memory_space<vmem>> -> memref<1x16x128xf32, #tpu.memory_space<vmem>>
      %dma_start3A_690 = tpu.memref_squeeze %dma_start3A_689 : memref<1x16x128xf32, #tpu.memory_space<vmem>> -> memref<16x128xf32, #tpu.memory_space<vmem>>
      %dma_start3A_691 = arith.constant 0 : i32
      %dma_start3A_692 = tpu.memref_slice %arg5[%dma_start3A_686, %mul3A_40, %dma_start3A_691] : memref<9x50000x128xf32, #tpu.memory_space<hbm>> -> memref<1x16x128xf32, #tpu.memory_space<hbm>>
      %dma_start3A_693 = tpu.memref_squeeze %dma_start3A_692 : memref<1x16x128xf32, #tpu.memory_space<hbm>> -> memref<16x128xf32, #tpu.memory_space<hbm>>
      %dma_start3A_694 = arith.constant 0 : i32
      %dma_start3A_695 = tpu.memref_slice %arg5[%dma_start3A_686, %mul3A_40, %dma_start3A_694] : memref<9x50000x128xf32, #tpu.memory_space<hbm>> -> memref<1x16x128xf32, #tpu.memory_space<hbm>>
      %dma_start3A_696 = tpu.memref_squeeze %dma_start3A_695 : memref<1x16x128xf32, #tpu.memory_space<hbm>> -> memref<16x128xf32, #tpu.memory_space<hbm>>
      %dma_start3A_697 = arith.constant 0 : i32
      %dma_start3A_698 = arith.constant 0 : i32
      %dma_start3A_699 = tpu.memref_slice %arg8[%dma_start3A_685, %dma_start3A_697, %dma_start3A_698] : memref<9x16x128xf32, #tpu.memory_space<vmem>> -> memref<1x16x128xf32, #tpu.memory_space<vmem>>
      %dma_start3A_700 = tpu.memref_squeeze %dma_start3A_699 : memref<1x16x128xf32, #tpu.memory_space<vmem>> -> memref<16x128xf32, #tpu.memory_space<vmem>>
      tpu.enqueue_dma source(%dma_start3A_700 : memref<16x128xf32, #tpu.memory_space<vmem>>) target(%dma_start3A_696 : memref<16x128xf32, #tpu.memory_space<hbm>>) target_semaphore(%arg10 : memref<!tpu.dma_semaphore, #tpu.memory_space<semaphore_mem>>)
      %dma_start3A_701 = arith.constant 5 : i32
      %dma_start3A_702 = arith.constant 5 : i32
      %dma_start3A_703 = arith.constant 0 : i32
      %dma_start3A_704 = arith.constant 0 : i32
      %dma_start3A_705 = tpu.memref_slice %arg8[%dma_start3A_701, %dma_start3A_703, %dma_start3A_704] : memref<9x16x128xf32, #tpu.memory_space<vmem>> -> memref<1x16x128xf32, #tpu.memory_space<vmem>>
      %dma_start3A_706 = tpu.memref_squeeze %dma_start3A_705 : memref<1x16x128xf32, #tpu.memory_space<vmem>> -> memref<16x128xf32, #tpu.memory_space<vmem>>
      %dma_start3A_707 = arith.constant 0 : i32
      %dma_start3A_708 = tpu.memref_slice %arg5[%dma_start3A_702, %mul3A_40, %dma_start3A_707] : memref<9x50000x128xf32, #tpu.memory_space<hbm>> -> memref<1x16x128xf32, #tpu.memory_space<hbm>>
      %dma_start3A_709 = tpu.memref_squeeze %dma_start3A_708 : memref<1x16x128xf32, #tpu.memory_space<hbm>> -> memref<16x128xf32, #tpu.memory_space<hbm>>
      %dma_start3A_710 = arith.constant 0 : i32
      %dma_start3A_711 = tpu.memref_slice %arg5[%dma_start3A_702, %mul3A_40, %dma_start3A_710] : memref<9x50000x128xf32, #tpu.memory_space<hbm>> -> memref<1x16x128xf32, #tpu.memory_space<hbm>>
      %dma_start3A_712 = tpu.memref_squeeze %dma_start3A_711 : memref<1x16x128xf32, #tpu.memory_space<hbm>> -> memref<16x128xf32, #tpu.memory_space<hbm>>
      %dma_start3A_713 = arith.constant 0 : i32
      %dma_start3A_714 = arith.constant 0 : i32
      %dma_start3A_715 = tpu.memref_slice %arg8[%dma_start3A_701, %dma_start3A_713, %dma_start3A_714] : memref<9x16x128xf32, #tpu.memory_space<vmem>> -> memref<1x16x128xf32, #tpu.memory_space<vmem>>
      %dma_start3A_716 = tpu.memref_squeeze %dma_start3A_715 : memref<1x16x128xf32, #tpu.memory_space<vmem>> -> memref<16x128xf32, #tpu.memory_space<vmem>>
      tpu.enqueue_dma source(%dma_start3A_716 : memref<16x128xf32, #tpu.memory_space<vmem>>) target(%dma_start3A_712 : memref<16x128xf32, #tpu.memory_space<hbm>>) target_semaphore(%arg10 : memref<!tpu.dma_semaphore, #tpu.memory_space<semaphore_mem>>)
      %dma_start3A_717 = arith.constant 6 : i32
      %dma_start3A_718 = arith.constant 6 : i32
      %dma_start3A_719 = arith.constant 0 : i32
      %dma_start3A_720 = arith.constant 0 : i32
      %dma_start3A_721 = tpu.memref_slice %arg8[%dma_start3A_717, %dma_start3A_719, %dma_start3A_720] : memref<9x16x128xf32, #tpu.memory_space<vmem>> -> memref<1x16x128xf32, #tpu.memory_space<vmem>>
      %dma_start3A_722 = tpu.memref_squeeze %dma_start3A_721 : memref<1x16x128xf32, #tpu.memory_space<vmem>> -> memref<16x128xf32, #tpu.memory_space<vmem>>
      %dma_start3A_723 = arith.constant 0 : i32
      %dma_start3A_724 = tpu.memref_slice %arg5[%dma_start3A_718, %mul3A_40, %dma_start3A_723] : memref<9x50000x128xf32, #tpu.memory_space<hbm>> -> memref<1x16x128xf32, #tpu.memory_space<hbm>>
      %dma_start3A_725 = tpu.memref_squeeze %dma_start3A_724 : memref<1x16x128xf32, #tpu.memory_space<hbm>> -> memref<16x128xf32, #tpu.memory_space<hbm>>
      %dma_start3A_726 = arith.constant 0 : i32
      %dma_start3A_727 = tpu.memref_slice %arg5[%dma_start3A_718, %mul3A_40, %dma_start3A_726] : memref<9x50000x128xf32, #tpu.memory_space<hbm>> -> memref<1x16x128xf32, #tpu.memory_space<hbm>>
      %dma_start3A_728 = tpu.memref_squeeze %dma_start3A_727 : memref<1x16x128xf32, #tpu.memory_space<hbm>> -> memref<16x128xf32, #tpu.memory_space<hbm>>
      %dma_start3A_729 = arith.constant 0 : i32
      %dma_start3A_730 = arith.constant 0 : i32
      %dma_start3A_731 = tpu.memref_slice %arg8[%dma_start3A_717, %dma_start3A_729, %dma_start3A_730] : memref<9x16x128xf32, #tpu.memory_space<vmem>> -> memref<1x16x128xf32, #tpu.memory_space<vmem>>
      %dma_start3A_732 = tpu.memref_squeeze %dma_start3A_731 : memref<1x16x128xf32, #tpu.memory_space<vmem>> -> memref<16x128xf32, #tpu.memory_space<vmem>>
      tpu.enqueue_dma source(%dma_start3A_732 : memref<16x128xf32, #tpu.memory_space<vmem>>) target(%dma_start3A_728 : memref<16x128xf32, #tpu.memory_space<hbm>>) target_semaphore(%arg10 : memref<!tpu.dma_semaphore, #tpu.memory_space<semaphore_mem>>)
      %dma_start3A_733 = arith.constant 7 : i32
      %dma_start3A_734 = arith.constant 7 : i32
      %dma_start3A_735 = arith.constant 0 : i32
      %dma_start3A_736 = arith.constant 0 : i32
      %dma_start3A_737 = tpu.memref_slice %arg8[%dma_start3A_733, %dma_start3A_735, %dma_start3A_736] : memref<9x16x128xf32, #tpu.memory_space<vmem>> -> memref<1x16x128xf32, #tpu.memory_space<vmem>>
      %dma_start3A_738 = tpu.memref_squeeze %dma_start3A_737 : memref<1x16x128xf32, #tpu.memory_space<vmem>> -> memref<16x128xf32, #tpu.memory_space<vmem>>
      %dma_start3A_739 = arith.constant 0 : i32
      %dma_start3A_740 = tpu.memref_slice %arg5[%dma_start3A_734, %mul3A_40, %dma_start3A_739] : memref<9x50000x128xf32, #tpu.memory_space<hbm>> -> memref<1x16x128xf32, #tpu.memory_space<hbm>>
      %dma_start3A_741 = tpu.memref_squeeze %dma_start3A_740 : memref<1x16x128xf32, #tpu.memory_space<hbm>> -> memref<16x128xf32, #tpu.memory_space<hbm>>
      %dma_start3A_742 = arith.constant 0 : i32
      %dma_start3A_743 = tpu.memref_slice %arg5[%dma_start3A_734, %mul3A_40, %dma_start3A_742] : memref<9x50000x128xf32, #tpu.memory_space<hbm>> -> memref<1x16x128xf32, #tpu.memory_space<hbm>>
      %dma_start3A_744 = tpu.memref_squeeze %dma_start3A_743 : memref<1x16x128xf32, #tpu.memory_space<hbm>> -> memref<16x128xf32, #tpu.memory_space<hbm>>
      %dma_start3A_745 = arith.constant 0 : i32
      %dma_start3A_746 = arith.constant 0 : i32
      %dma_start3A_747 = tpu.memref_slice %arg8[%dma_start3A_733, %dma_start3A_745, %dma_start3A_746] : memref<9x16x128xf32, #tpu.memory_space<vmem>> -> memref<1x16x128xf32, #tpu.memory_space<vmem>>
      %dma_start3A_748 = tpu.memref_squeeze %dma_start3A_747 : memref<1x16x128xf32, #tpu.memory_space<vmem>> -> memref<16x128xf32, #tpu.memory_space<vmem>>
      tpu.enqueue_dma source(%dma_start3A_748 : memref<16x128xf32, #tpu.memory_space<vmem>>) target(%dma_start3A_744 : memref<16x128xf32, #tpu.memory_space<hbm>>) target_semaphore(%arg10 : memref<!tpu.dma_semaphore, #tpu.memory_space<semaphore_mem>>)
      %dma_start3A_749 = arith.constant 8 : i32
      %dma_start3A_750 = arith.constant 8 : i32
      %dma_start3A_751 = arith.constant 0 : i32
      %dma_start3A_752 = arith.constant 0 : i32
      %dma_start3A_753 = tpu.memref_slice %arg8[%dma_start3A_749, %dma_start3A_751, %dma_start3A_752] : memref<9x16x128xf32, #tpu.memory_space<vmem>> -> memref<1x16x128xf32, #tpu.memory_space<vmem>>
      %dma_start3A_754 = tpu.memref_squeeze %dma_start3A_753 : memref<1x16x128xf32, #tpu.memory_space<vmem>> -> memref<16x128xf32, #tpu.memory_space<vmem>>
      %dma_start3A_755 = arith.constant 0 : i32
      %dma_start3A_756 = tpu.memref_slice %arg5[%dma_start3A_750, %mul3A_40, %dma_start3A_755] : memref<9x50000x128xf32, #tpu.memory_space<hbm>> -> memref<1x16x128xf32, #tpu.memory_space<hbm>>
      %dma_start3A_757 = tpu.memref_squeeze %dma_start3A_756 : memref<1x16x128xf32, #tpu.memory_space<hbm>> -> memref<16x128xf32, #tpu.memory_space<hbm>>
      %dma_start3A_758 = arith.constant 0 : i32
      %dma_start3A_759 = tpu.memref_slice %arg5[%dma_start3A_750, %mul3A_40, %dma_start3A_758] : memref<9x50000x128xf32, #tpu.memory_space<hbm>> -> memref<1x16x128xf32, #tpu.memory_space<hbm>>
      %dma_start3A_760 = tpu.memref_squeeze %dma_start3A_759 : memref<1x16x128xf32, #tpu.memory_space<hbm>> -> memref<16x128xf32, #tpu.memory_space<hbm>>
      %dma_start3A_761 = arith.constant 0 : i32
      %dma_start3A_762 = arith.constant 0 : i32
      %dma_start3A_763 = tpu.memref_slice %arg8[%dma_start3A_749, %dma_start3A_761, %dma_start3A_762] : memref<9x16x128xf32, #tpu.memory_space<vmem>> -> memref<1x16x128xf32, #tpu.memory_space<vmem>>
      %dma_start3A_764 = tpu.memref_squeeze %dma_start3A_763 : memref<1x16x128xf32, #tpu.memory_space<vmem>> -> memref<16x128xf32, #tpu.memory_space<vmem>>
      tpu.enqueue_dma source(%dma_start3A_764 : memref<16x128xf32, #tpu.memory_space<vmem>>) target(%dma_start3A_760 : memref<16x128xf32, #tpu.memory_space<hbm>>) target_semaphore(%arg10 : memref<!tpu.dma_semaphore, #tpu.memory_space<semaphore_mem>>)
      %dma_wait3A_765 = arith.constant 0 : i32
      %dma_wait3A_766 = arith.constant 0 : i32
      %dma_wait3A_767 = arith.constant 0 : i32
      %dma_wait3A_768 = arith.constant 0 : i32
      %dma_wait3A_769 = tpu.memref_slice %arg8[%dma_wait3A_765, %dma_wait3A_767, %dma_wait3A_768] : memref<9x16x128xf32, #tpu.memory_space<vmem>> -> memref<1x16x128xf32, #tpu.memory_space<vmem>>
      %dma_wait3A_770 = tpu.memref_squeeze %dma_wait3A_769 : memref<1x16x128xf32, #tpu.memory_space<vmem>> -> memref<16x128xf32, #tpu.memory_space<vmem>>
      %dma_wait3A_771 = arith.constant 0 : i32
      %dma_wait3A_772 = tpu.memref_slice %arg5[%dma_wait3A_766, %mul3A_40, %dma_wait3A_771] : memref<9x50000x128xf32, #tpu.memory_space<hbm>> -> memref<1x16x128xf32, #tpu.memory_space<hbm>>
      %dma_wait3A_773 = tpu.memref_squeeze %dma_wait3A_772 : memref<1x16x128xf32, #tpu.memory_space<hbm>> -> memref<16x128xf32, #tpu.memory_space<hbm>>
      %dma_wait3A_774 = arith.constant 0 : i32
      %dma_wait3A_775 = tpu.memref_slice %arg5[%dma_wait3A_766, %mul3A_40, %dma_wait3A_774] : memref<9x50000x128xf32, #tpu.memory_space<hbm>> -> memref<1x16x128xf32, #tpu.memory_space<hbm>>
      %dma_wait3A_776 = tpu.memref_squeeze %dma_wait3A_775 : memref<1x16x128xf32, #tpu.memory_space<hbm>> -> memref<16x128xf32, #tpu.memory_space<hbm>>
      %dma_wait3A_777 = arith.constant 0 : i32
      %dma_wait3A_778 = arith.constant 0 : i32
      %dma_wait3A_779 = tpu.memref_slice %arg8[%dma_wait3A_765, %dma_wait3A_777, %dma_wait3A_778] : memref<9x16x128xf32, #tpu.memory_space<vmem>> -> memref<1x16x128xf32, #tpu.memory_space<vmem>>
      %dma_wait3A_780 = tpu.memref_squeeze %dma_wait3A_779 : memref<1x16x128xf32, #tpu.memory_space<vmem>> -> memref<16x128xf32, #tpu.memory_space<vmem>>
      tpu.wait_dma2 semaphore(%arg10 : memref<!tpu.dma_semaphore, #tpu.memory_space<semaphore_mem>>) src(%dma_wait3A_780 : memref<16x128xf32, #tpu.memory_space<vmem>>) dst(%dma_wait3A_776 : memref<16x128xf32, #tpu.memory_space<hbm>>)
      %dma_wait3A_781 = arith.constant 1 : i32
      %dma_wait3A_782 = arith.constant 1 : i32
      %dma_wait3A_783 = arith.constant 0 : i32
      %dma_wait3A_784 = arith.constant 0 : i32
      %dma_wait3A_785 = tpu.memref_slice %arg8[%dma_wait3A_781, %dma_wait3A_783, %dma_wait3A_784] : memref<9x16x128xf32, #tpu.memory_space<vmem>> -> memref<1x16x128xf32, #tpu.memory_space<vmem>>
      %dma_wait3A_786 = tpu.memref_squeeze %dma_wait3A_785 : memref<1x16x128xf32, #tpu.memory_space<vmem>> -> memref<16x128xf32, #tpu.memory_space<vmem>>
      %dma_wait3A_787 = arith.constant 0 : i32
      %dma_wait3A_788 = tpu.memref_slice %arg5[%dma_wait3A_782, %mul3A_40, %dma_wait3A_787] : memref<9x50000x128xf32, #tpu.memory_space<hbm>> -> memref<1x16x128xf32, #tpu.memory_space<hbm>>
      %dma_wait3A_789 = tpu.memref_squeeze %dma_wait3A_788 : memref<1x16x128xf32, #tpu.memory_space<hbm>> -> memref<16x128xf32, #tpu.memory_space<hbm>>
      %dma_wait3A_790 = arith.constant 0 : i32
      %dma_wait3A_791 = tpu.memref_slice %arg5[%dma_wait3A_782, %mul3A_40, %dma_wait3A_790] : memref<9x50000x128xf32, #tpu.memory_space<hbm>> -> memref<1x16x128xf32, #tpu.memory_space<hbm>>
      %dma_wait3A_792 = tpu.memref_squeeze %dma_wait3A_791 : memref<1x16x128xf32, #tpu.memory_space<hbm>> -> memref<16x128xf32, #tpu.memory_space<hbm>>
      %dma_wait3A_793 = arith.constant 0 : i32
      %dma_wait3A_794 = arith.constant 0 : i32
      %dma_wait3A_795 = tpu.memref_slice %arg8[%dma_wait3A_781, %dma_wait3A_793, %dma_wait3A_794] : memref<9x16x128xf32, #tpu.memory_space<vmem>> -> memref<1x16x128xf32, #tpu.memory_space<vmem>>
      %dma_wait3A_796 = tpu.memref_squeeze %dma_wait3A_795 : memref<1x16x128xf32, #tpu.memory_space<vmem>> -> memref<16x128xf32, #tpu.memory_space<vmem>>
      tpu.wait_dma2 semaphore(%arg10 : memref<!tpu.dma_semaphore, #tpu.memory_space<semaphore_mem>>) src(%dma_wait3A_796 : memref<16x128xf32, #tpu.memory_space<vmem>>) dst(%dma_wait3A_792 : memref<16x128xf32, #tpu.memory_space<hbm>>)
      %dma_wait3A_797 = arith.constant 2 : i32
      %dma_wait3A_798 = arith.constant 2 : i32
      %dma_wait3A_799 = arith.constant 0 : i32
      %dma_wait3A_800 = arith.constant 0 : i32
      %dma_wait3A_801 = tpu.memref_slice %arg8[%dma_wait3A_797, %dma_wait3A_799, %dma_wait3A_800] : memref<9x16x128xf32, #tpu.memory_space<vmem>> -> memref<1x16x128xf32, #tpu.memory_space<vmem>>
      %dma_wait3A_802 = tpu.memref_squeeze %dma_wait3A_801 : memref<1x16x128xf32, #tpu.memory_space<vmem>> -> memref<16x128xf32, #tpu.memory_space<vmem>>
      %dma_wait3A_803 = arith.constant 0 : i32
      %dma_wait3A_804 = tpu.memref_slice %arg5[%dma_wait3A_798, %mul3A_40, %dma_wait3A_803] : memref<9x50000x128xf32, #tpu.memory_space<hbm>> -> memref<1x16x128xf32, #tpu.memory_space<hbm>>
      %dma_wait3A_805 = tpu.memref_squeeze %dma_wait3A_804 : memref<1x16x128xf32, #tpu.memory_space<hbm>> -> memref<16x128xf32, #tpu.memory_space<hbm>>
      %dma_wait3A_806 = arith.constant 0 : i32
      %dma_wait3A_807 = tpu.memref_slice %arg5[%dma_wait3A_798, %mul3A_40, %dma_wait3A_806] : memref<9x50000x128xf32, #tpu.memory_space<hbm>> -> memref<1x16x128xf32, #tpu.memory_space<hbm>>
      %dma_wait3A_808 = tpu.memref_squeeze %dma_wait3A_807 : memref<1x16x128xf32, #tpu.memory_space<hbm>> -> memref<16x128xf32, #tpu.memory_space<hbm>>
      %dma_wait3A_809 = arith.constant 0 : i32
      %dma_wait3A_810 = arith.constant 0 : i32
      %dma_wait3A_811 = tpu.memref_slice %arg8[%dma_wait3A_797, %dma_wait3A_809, %dma_wait3A_810] : memref<9x16x128xf32, #tpu.memory_space<vmem>> -> memref<1x16x128xf32, #tpu.memory_space<vmem>>
      %dma_wait3A_812 = tpu.memref_squeeze %dma_wait3A_811 : memref<1x16x128xf32, #tpu.memory_space<vmem>> -> memref<16x128xf32, #tpu.memory_space<vmem>>
      tpu.wait_dma2 semaphore(%arg10 : memref<!tpu.dma_semaphore, #tpu.memory_space<semaphore_mem>>) src(%dma_wait3A_812 : memref<16x128xf32, #tpu.memory_space<vmem>>) dst(%dma_wait3A_808 : memref<16x128xf32, #tpu.memory_space<hbm>>)
      %dma_wait3A_813 = arith.constant 3 : i32
      %dma_wait3A_814 = arith.constant 3 : i32
      %dma_wait3A_815 = arith.constant 0 : i32
      %dma_wait3A_816 = arith.constant 0 : i32
      %dma_wait3A_817 = tpu.memref_slice %arg8[%dma_wait3A_813, %dma_wait3A_815, %dma_wait3A_816] : memref<9x16x128xf32, #tpu.memory_space<vmem>> -> memref<1x16x128xf32, #tpu.memory_space<vmem>>
      %dma_wait3A_818 = tpu.memref_squeeze %dma_wait3A_817 : memref<1x16x128xf32, #tpu.memory_space<vmem>> -> memref<16x128xf32, #tpu.memory_space<vmem>>
      %dma_wait3A_819 = arith.constant 0 : i32
      %dma_wait3A_820 = tpu.memref_slice %arg5[%dma_wait3A_814, %mul3A_40, %dma_wait3A_819] : memref<9x50000x128xf32, #tpu.memory_space<hbm>> -> memref<1x16x128xf32, #tpu.memory_space<hbm>>
      %dma_wait3A_821 = tpu.memref_squeeze %dma_wait3A_820 : memref<1x16x128xf32, #tpu.memory_space<hbm>> -> memref<16x128xf32, #tpu.memory_space<hbm>>
      %dma_wait3A_822 = arith.constant 0 : i32
      %dma_wait3A_823 = tpu.memref_slice %arg5[%dma_wait3A_814, %mul3A_40, %dma_wait3A_822] : memref<9x50000x128xf32, #tpu.memory_space<hbm>> -> memref<1x16x128xf32, #tpu.memory_space<hbm>>
      %dma_wait3A_824 = tpu.memref_squeeze %dma_wait3A_823 : memref<1x16x128xf32, #tpu.memory_space<hbm>> -> memref<16x128xf32, #tpu.memory_space<hbm>>
      %dma_wait3A_825 = arith.constant 0 : i32
      %dma_wait3A_826 = arith.constant 0 : i32
      %dma_wait3A_827 = tpu.memref_slice %arg8[%dma_wait3A_813, %dma_wait3A_825, %dma_wait3A_826] : memref<9x16x128xf32, #tpu.memory_space<vmem>> -> memref<1x16x128xf32, #tpu.memory_space<vmem>>
      %dma_wait3A_828 = tpu.memref_squeeze %dma_wait3A_827 : memref<1x16x128xf32, #tpu.memory_space<vmem>> -> memref<16x128xf32, #tpu.memory_space<vmem>>
      tpu.wait_dma2 semaphore(%arg10 : memref<!tpu.dma_semaphore, #tpu.memory_space<semaphore_mem>>) src(%dma_wait3A_828 : memref<16x128xf32, #tpu.memory_space<vmem>>) dst(%dma_wait3A_824 : memref<16x128xf32, #tpu.memory_space<hbm>>)
      %dma_wait3A_829 = arith.constant 4 : i32
      %dma_wait3A_830 = arith.constant 4 : i32
      %dma_wait3A_831 = arith.constant 0 : i32
      %dma_wait3A_832 = arith.constant 0 : i32
      %dma_wait3A_833 = tpu.memref_slice %arg8[%dma_wait3A_829, %dma_wait3A_831, %dma_wait3A_832] : memref<9x16x128xf32, #tpu.memory_space<vmem>> -> memref<1x16x128xf32, #tpu.memory_space<vmem>>
      %dma_wait3A_834 = tpu.memref_squeeze %dma_wait3A_833 : memref<1x16x128xf32, #tpu.memory_space<vmem>> -> memref<16x128xf32, #tpu.memory_space<vmem>>
      %dma_wait3A_835 = arith.constant 0 : i32
      %dma_wait3A_836 = tpu.memref_slice %arg5[%dma_wait3A_830, %mul3A_40, %dma_wait3A_835] : memref<9x50000x128xf32, #tpu.memory_space<hbm>> -> memref<1x16x128xf32, #tpu.memory_space<hbm>>
      %dma_wait3A_837 = tpu.memref_squeeze %dma_wait3A_836 : memref<1x16x128xf32, #tpu.memory_space<hbm>> -> memref<16x128xf32, #tpu.memory_space<hbm>>
      %dma_wait3A_838 = arith.constant 0 : i32
      %dma_wait3A_839 = tpu.memref_slice %arg5[%dma_wait3A_830, %mul3A_40, %dma_wait3A_838] : memref<9x50000x128xf32, #tpu.memory_space<hbm>> -> memref<1x16x128xf32, #tpu.memory_space<hbm>>
      %dma_wait3A_840 = tpu.memref_squeeze %dma_wait3A_839 : memref<1x16x128xf32, #tpu.memory_space<hbm>> -> memref<16x128xf32, #tpu.memory_space<hbm>>
      %dma_wait3A_841 = arith.constant 0 : i32
      %dma_wait3A_842 = arith.constant 0 : i32
      %dma_wait3A_843 = tpu.memref_slice %arg8[%dma_wait3A_829, %dma_wait3A_841, %dma_wait3A_842] : memref<9x16x128xf32, #tpu.memory_space<vmem>> -> memref<1x16x128xf32, #tpu.memory_space<vmem>>
      %dma_wait3A_844 = tpu.memref_squeeze %dma_wait3A_843 : memref<1x16x128xf32, #tpu.memory_space<vmem>> -> memref<16x128xf32, #tpu.memory_space<vmem>>
      tpu.wait_dma2 semaphore(%arg10 : memref<!tpu.dma_semaphore, #tpu.memory_space<semaphore_mem>>) src(%dma_wait3A_844 : memref<16x128xf32, #tpu.memory_space<vmem>>) dst(%dma_wait3A_840 : memref<16x128xf32, #tpu.memory_space<hbm>>)
      %dma_wait3A_845 = arith.constant 5 : i32
      %dma_wait3A_846 = arith.constant 5 : i32
      %dma_wait3A_847 = arith.constant 0 : i32
      %dma_wait3A_848 = arith.constant 0 : i32
      %dma_wait3A_849 = tpu.memref_slice %arg8[%dma_wait3A_845, %dma_wait3A_847, %dma_wait3A_848] : memref<9x16x128xf32, #tpu.memory_space<vmem>> -> memref<1x16x128xf32, #tpu.memory_space<vmem>>
      %dma_wait3A_850 = tpu.memref_squeeze %dma_wait3A_849 : memref<1x16x128xf32, #tpu.memory_space<vmem>> -> memref<16x128xf32, #tpu.memory_space<vmem>>
      %dma_wait3A_851 = arith.constant 0 : i32
      %dma_wait3A_852 = tpu.memref_slice %arg5[%dma_wait3A_846, %mul3A_40, %dma_wait3A_851] : memref<9x50000x128xf32, #tpu.memory_space<hbm>> -> memref<1x16x128xf32, #tpu.memory_space<hbm>>
      %dma_wait3A_853 = tpu.memref_squeeze %dma_wait3A_852 : memref<1x16x128xf32, #tpu.memory_space<hbm>> -> memref<16x128xf32, #tpu.memory_space<hbm>>
      %dma_wait3A_854 = arith.constant 0 : i32
      %dma_wait3A_855 = tpu.memref_slice %arg5[%dma_wait3A_846, %mul3A_40, %dma_wait3A_854] : memref<9x50000x128xf32, #tpu.memory_space<hbm>> -> memref<1x16x128xf32, #tpu.memory_space<hbm>>
      %dma_wait3A_856 = tpu.memref_squeeze %dma_wait3A_855 : memref<1x16x128xf32, #tpu.memory_space<hbm>> -> memref<16x128xf32, #tpu.memory_space<hbm>>
      %dma_wait3A_857 = arith.constant 0 : i32
      %dma_wait3A_858 = arith.constant 0 : i32
      %dma_wait3A_859 = tpu.memref_slice %arg8[%dma_wait3A_845, %dma_wait3A_857, %dma_wait3A_858] : memref<9x16x128xf32, #tpu.memory_space<vmem>> -> memref<1x16x128xf32, #tpu.memory_space<vmem>>
      %dma_wait3A_860 = tpu.memref_squeeze %dma_wait3A_859 : memref<1x16x128xf32, #tpu.memory_space<vmem>> -> memref<16x128xf32, #tpu.memory_space<vmem>>
      tpu.wait_dma2 semaphore(%arg10 : memref<!tpu.dma_semaphore, #tpu.memory_space<semaphore_mem>>) src(%dma_wait3A_860 : memref<16x128xf32, #tpu.memory_space<vmem>>) dst(%dma_wait3A_856 : memref<16x128xf32, #tpu.memory_space<hbm>>)
      %dma_wait3A_861 = arith.constant 6 : i32
      %dma_wait3A_862 = arith.constant 6 : i32
      %dma_wait3A_863 = arith.constant 0 : i32
      %dma_wait3A_864 = arith.constant 0 : i32
      %dma_wait3A_865 = tpu.memref_slice %arg8[%dma_wait3A_861, %dma_wait3A_863, %dma_wait3A_864] : memref<9x16x128xf32, #tpu.memory_space<vmem>> -> memref<1x16x128xf32, #tpu.memory_space<vmem>>
      %dma_wait3A_866 = tpu.memref_squeeze %dma_wait3A_865 : memref<1x16x128xf32, #tpu.memory_space<vmem>> -> memref<16x128xf32, #tpu.memory_space<vmem>>
      %dma_wait3A_867 = arith.constant 0 : i32
      %dma_wait3A_868 = tpu.memref_slice %arg5[%dma_wait3A_862, %mul3A_40, %dma_wait3A_867] : memref<9x50000x128xf32, #tpu.memory_space<hbm>> -> memref<1x16x128xf32, #tpu.memory_space<hbm>>
      %dma_wait3A_869 = tpu.memref_squeeze %dma_wait3A_868 : memref<1x16x128xf32, #tpu.memory_space<hbm>> -> memref<16x128xf32, #tpu.memory_space<hbm>>
      %dma_wait3A_870 = arith.constant 0 : i32
      %dma_wait3A_871 = tpu.memref_slice %arg5[%dma_wait3A_862, %mul3A_40, %dma_wait3A_870] : memref<9x50000x128xf32, #tpu.memory_space<hbm>> -> memref<1x16x128xf32, #tpu.memory_space<hbm>>
      %dma_wait3A_872 = tpu.memref_squeeze %dma_wait3A_871 : memref<1x16x128xf32, #tpu.memory_space<hbm>> -> memref<16x128xf32, #tpu.memory_space<hbm>>
      %dma_wait3A_873 = arith.constant 0 : i32
      %dma_wait3A_874 = arith.constant 0 : i32
      %dma_wait3A_875 = tpu.memref_slice %arg8[%dma_wait3A_861, %dma_wait3A_873, %dma_wait3A_874] : memref<9x16x128xf32, #tpu.memory_space<vmem>> -> memref<1x16x128xf32, #tpu.memory_space<vmem>>
      %dma_wait3A_876 = tpu.memref_squeeze %dma_wait3A_875 : memref<1x16x128xf32, #tpu.memory_space<vmem>> -> memref<16x128xf32, #tpu.memory_space<vmem>>
      tpu.wait_dma2 semaphore(%arg10 : memref<!tpu.dma_semaphore, #tpu.memory_space<semaphore_mem>>) src(%dma_wait3A_876 : memref<16x128xf32, #tpu.memory_space<vmem>>) dst(%dma_wait3A_872 : memref<16x128xf32, #tpu.memory_space<hbm>>)
      %dma_wait3A_877 = arith.constant 7 : i32
      %dma_wait3A_878 = arith.constant 7 : i32
      %dma_wait3A_879 = arith.constant 0 : i32
      %dma_wait3A_880 = arith.constant 0 : i32
      %dma_wait3A_881 = tpu.memref_slice %arg8[%dma_wait3A_877, %dma_wait3A_879, %dma_wait3A_880] : memref<9x16x128xf32, #tpu.memory_space<vmem>> -> memref<1x16x128xf32, #tpu.memory_space<vmem>>
      %dma_wait3A_882 = tpu.memref_squeeze %dma_wait3A_881 : memref<1x16x128xf32, #tpu.memory_space<vmem>> -> memref<16x128xf32, #tpu.memory_space<vmem>>
      %dma_wait3A_883 = arith.constant 0 : i32
      %dma_wait3A_884 = tpu.memref_slice %arg5[%dma_wait3A_878, %mul3A_40, %dma_wait3A_883] : memref<9x50000x128xf32, #tpu.memory_space<hbm>> -> memref<1x16x128xf32, #tpu.memory_space<hbm>>
      %dma_wait3A_885 = tpu.memref_squeeze %dma_wait3A_884 : memref<1x16x128xf32, #tpu.memory_space<hbm>> -> memref<16x128xf32, #tpu.memory_space<hbm>>
      %dma_wait3A_886 = arith.constant 0 : i32
      %dma_wait3A_887 = tpu.memref_slice %arg5[%dma_wait3A_878, %mul3A_40, %dma_wait3A_886] : memref<9x50000x128xf32, #tpu.memory_space<hbm>> -> memref<1x16x128xf32, #tpu.memory_space<hbm>>
      %dma_wait3A_888 = tpu.memref_squeeze %dma_wait3A_887 : memref<1x16x128xf32, #tpu.memory_space<hbm>> -> memref<16x128xf32, #tpu.memory_space<hbm>>
      %dma_wait3A_889 = arith.constant 0 : i32
      %dma_wait3A_890 = arith.constant 0 : i32
      %dma_wait3A_891 = tpu.memref_slice %arg8[%dma_wait3A_877, %dma_wait3A_889, %dma_wait3A_890] : memref<9x16x128xf32, #tpu.memory_space<vmem>> -> memref<1x16x128xf32, #tpu.memory_space<vmem>>
      %dma_wait3A_892 = tpu.memref_squeeze %dma_wait3A_891 : memref<1x16x128xf32, #tpu.memory_space<vmem>> -> memref<16x128xf32, #tpu.memory_space<vmem>>
      tpu.wait_dma2 semaphore(%arg10 : memref<!tpu.dma_semaphore, #tpu.memory_space<semaphore_mem>>) src(%dma_wait3A_892 : memref<16x128xf32, #tpu.memory_space<vmem>>) dst(%dma_wait3A_888 : memref<16x128xf32, #tpu.memory_space<hbm>>)
      %dma_wait3A_893 = arith.constant 8 : i32
      %dma_wait3A_894 = arith.constant 8 : i32
      %dma_wait3A_895 = arith.constant 0 : i32
      %dma_wait3A_896 = arith.constant 0 : i32
      %dma_wait3A_897 = tpu.memref_slice %arg8[%dma_wait3A_893, %dma_wait3A_895, %dma_wait3A_896] : memref<9x16x128xf32, #tpu.memory_space<vmem>> -> memref<1x16x128xf32, #tpu.memory_space<vmem>>
      %dma_wait3A_898 = tpu.memref_squeeze %dma_wait3A_897 : memref<1x16x128xf32, #tpu.memory_space<vmem>> -> memref<16x128xf32, #tpu.memory_space<vmem>>
      %dma_wait3A_899 = arith.constant 0 : i32
      %dma_wait3A_900 = tpu.memref_slice %arg5[%dma_wait3A_894, %mul3A_40, %dma_wait3A_899] : memref<9x50000x128xf32, #tpu.memory_space<hbm>> -> memref<1x16x128xf32, #tpu.memory_space<hbm>>
      %dma_wait3A_901 = tpu.memref_squeeze %dma_wait3A_900 : memref<1x16x128xf32, #tpu.memory_space<hbm>> -> memref<16x128xf32, #tpu.memory_space<hbm>>
      %dma_wait3A_902 = arith.constant 0 : i32
      %dma_wait3A_903 = tpu.memref_slice %arg5[%dma_wait3A_894, %mul3A_40, %dma_wait3A_902] : memref<9x50000x128xf32, #tpu.memory_space<hbm>> -> memref<1x16x128xf32, #tpu.memory_space<hbm>>
      %dma_wait3A_904 = tpu.memref_squeeze %dma_wait3A_903 : memref<1x16x128xf32, #tpu.memory_space<hbm>> -> memref<16x128xf32, #tpu.memory_space<hbm>>
      %dma_wait3A_905 = arith.constant 0 : i32
      %dma_wait3A_906 = arith.constant 0 : i32
      %dma_wait3A_907 = tpu.memref_slice %arg8[%dma_wait3A_893, %dma_wait3A_905, %dma_wait3A_906] : memref<9x16x128xf32, #tpu.memory_space<vmem>> -> memref<1x16x128xf32, #tpu.memory_space<vmem>>
      %dma_wait3A_908 = tpu.memref_squeeze %dma_wait3A_907 : memref<1x16x128xf32, #tpu.memory_space<vmem>> -> memref<16x128xf32, #tpu.memory_space<vmem>>
      tpu.wait_dma2 semaphore(%arg10 : memref<!tpu.dma_semaphore, #tpu.memory_space<semaphore_mem>>) src(%dma_wait3A_908 : memref<16x128xf32, #tpu.memory_space<vmem>>) dst(%dma_wait3A_904 : memref<16x128xf32, #tpu.memory_space<hbm>>)
      %while3A_909 = arith.constant 0 : i32
      scf.yield %while3A_909 : i32
    }
    %while3A_32 = arith.constant 1 : i32
    %while3A_33 = scf.for %while3A_34 = %while3A_29 to %while3A_25 step %while3A_32 iter_args(%while3A_35 = %while3A_31) -> (i32)  : i32 {
      %mul3A_36 = arith.constant 32 : i32
      %mul3A_37 = arith.muli %while3A_34, %mul3A_36 : i32
      %add3A_38 = arith.addi %add3A, %mul3A_37 : i32
      %mul3A_39 = arith.constant 16 : i32
      %mul3A_40 = arith.muli %add3A_38, %mul3A_39 : i32
      %dma_start3A = arith.constant 0 : i32
      %dma_start3A_41 = arith.constant 0 : i32
      %dma_start3A_42 = arith.constant 0 : i32
      %dma_start3A_43 = arith.constant 0 : i32
      %dma_start3A_44 = tpu.memref_slice %arg6[%dma_start3A_41, %dma_start3A_42, %dma_start3A_43] : memref<9x16x128xf32, #tpu.memory_space<vmem>> -> memref<1x16x128xf32, #tpu.memory_space<vmem>>
      %dma_start3A_45 = tpu.memref_squeeze %dma_start3A_44 : memref<1x16x128xf32, #tpu.memory_space<vmem>> -> memref<16x128xf32, #tpu.memory_space<vmem>>
      %dma_start3A_46 = arith.constant 0 : i32
      %dma_start3A_47 = tpu.memref_slice %arg2[%dma_start3A, %mul3A_40, %dma_start3A_46] : memref<9x50000x128xf32, #tpu.memory_space<hbm>> -> memref<1x16x128xf32, #tpu.memory_space<hbm>>
      %dma_start3A_48 = tpu.memref_squeeze %dma_start3A_47 : memref<1x16x128xf32, #tpu.memory_space<hbm>> -> memref<16x128xf32, #tpu.memory_space<hbm>>
      %dma_start3A_49 = arith.constant 0 : i32
      %dma_start3A_50 = arith.constant 0 : i32
      %dma_start3A_51 = tpu.memref_slice %arg6[%dma_start3A_41, %dma_start3A_49, %dma_start3A_50] : memref<9x16x128xf32, #tpu.memory_space<vmem>> -> memref<1x16x128xf32, #tpu.memory_space<vmem>>
      %dma_start3A_52 = tpu.memref_squeeze %dma_start3A_51 : memref<1x16x128xf32, #tpu.memory_space<vmem>> -> memref<16x128xf32, #tpu.memory_space<vmem>>
      %dma_start3A_53 = arith.constant 0 : i32
      %dma_start3A_54 = tpu.memref_slice %arg2[%dma_start3A, %mul3A_40, %dma_start3A_53] : memref<9x50000x128xf32, #tpu.memory_space<hbm>> -> memref<1x16x128xf32, #tpu.memory_space<hbm>>
      %dma_start3A_55 = tpu.memref_squeeze %dma_start3A_54 : memref<1x16x128xf32, #tpu.memory_space<hbm>> -> memref<16x128xf32, #tpu.memory_space<hbm>>
      tpu.enqueue_dma source(%dma_start3A_55 : memref<16x128xf32, #tpu.memory_space<hbm>>) target(%dma_start3A_52 : memref<16x128xf32, #tpu.memory_space<vmem>>) target_semaphore(%arg10 : memref<!tpu.dma_semaphore, #tpu.memory_space<semaphore_mem>>)
      %dma_start3A_56 = arith.constant 0 : i32
      %dma_start3A_57 = arith.constant 0 : i32
      %dma_start3A_58 = arith.constant 0 : i32
      %dma_start3A_59 = arith.constant 0 : i32
      %dma_start3A_60 = tpu.memref_slice %arg7[%dma_start3A_57, %dma_start3A_58, %dma_start3A_59] : memref<9x16x128xf32, #tpu.memory_space<vmem>> -> memref<1x16x128xf32, #tpu.memory_space<vmem>>
      %dma_start3A_61 = tpu.memref_squeeze %dma_start3A_60 : memref<1x16x128xf32, #tpu.memory_space<vmem>> -> memref<16x128xf32, #tpu.memory_space<vmem>>
      %dma_start3A_62 = arith.constant 0 : i32
      %dma_start3A_63 = tpu.memref_slice %arg3[%dma_start3A_56, %mul3A_40, %dma_start3A_62] : memref<9x50000x128xf32, #tpu.memory_space<hbm>> -> memref<1x16x128xf32, #tpu.memory_space<hbm>>
      %dma_start3A_64 = tpu.memref_squeeze %dma_start3A_63 : memref<1x16x128xf32, #tpu.memory_space<hbm>> -> memref<16x128xf32, #tpu.memory_space<hbm>>
      %dma_start3A_65 = arith.constant 0 : i32
      %dma_start3A_66 = arith.constant 0 : i32
      %dma_start3A_67 = tpu.memref_slice %arg7[%dma_start3A_57, %dma_start3A_65, %dma_start3A_66] : memref<9x16x128xf32, #tpu.memory_space<vmem>> -> memref<1x16x128xf32, #tpu.memory_space<vmem>>
      %dma_start3A_68 = tpu.memref_squeeze %dma_start3A_67 : memref<1x16x128xf32, #tpu.memory_space<vmem>> -> memref<16x128xf32, #tpu.memory_space<vmem>>
      %dma_start3A_69 = arith.constant 0 : i32
      %dma_start3A_70 = tpu.memref_slice %arg3[%dma_start3A_56, %mul3A_40, %dma_start3A_69] : memref<9x50000x128xf32, #tpu.memory_space<hbm>> -> memref<1x16x128xf32, #tpu.memory_space<hbm>>
      %dma_start3A_71 = tpu.memref_squeeze %dma_start3A_70 : memref<1x16x128xf32, #tpu.memory_space<hbm>> -> memref<16x128xf32, #tpu.memory_space<hbm>>
      tpu.enqueue_dma source(%dma_start3A_71 : memref<16x128xf32, #tpu.memory_space<hbm>>) target(%dma_start3A_68 : memref<16x128xf32, #tpu.memory_space<vmem>>) target_semaphore(%arg10 : memref<!tpu.dma_semaphore, #tpu.memory_space<semaphore_mem>>)
      %dma_start3A_72 = arith.constant 1 : i32
      %dma_start3A_73 = arith.constant 1 : i32
      %dma_start3A_74 = arith.constant 0 : i32
      %dma_start3A_75 = arith.constant 0 : i32
      %dma_start3A_76 = tpu.memref_slice %arg6[%dma_start3A_73, %dma_start3A_74, %dma_start3A_75] : memref<9x16x128xf32, #tpu.memory_space<vmem>> -> memref<1x16x128xf32, #tpu.memory_space<vmem>>
      %dma_start3A_77 = tpu.memref_squeeze %dma_start3A_76 : memref<1x16x128xf32, #tpu.memory_space<vmem>> -> memref<16x128xf32, #tpu.memory_space<vmem>>
      %dma_start3A_78 = arith.constant 0 : i32
      %dma_start3A_79 = tpu.memref_slice %arg2[%dma_start3A_72, %mul3A_40, %dma_start3A_78] : memref<9x50000x128xf32, #tpu.memory_space<hbm>> -> memref<1x16x128xf32, #tpu.memory_space<hbm>>
      %dma_start3A_80 = tpu.memref_squeeze %dma_start3A_79 : memref<1x16x128xf32, #tpu.memory_space<hbm>> -> memref<16x128xf32, #tpu.memory_space<hbm>>
      %dma_start3A_81 = arith.constant 0 : i32
      %dma_start3A_82 = arith.constant 0 : i32
      %dma_start3A_83 = tpu.memref_slice %arg6[%dma_start3A_73, %dma_start3A_81, %dma_start3A_82] : memref<9x16x128xf32, #tpu.memory_space<vmem>> -> memref<1x16x128xf32, #tpu.memory_space<vmem>>
      %dma_start3A_84 = tpu.memref_squeeze %dma_start3A_83 : memref<1x16x128xf32, #tpu.memory_space<vmem>> -> memref<16x128xf32, #tpu.memory_space<vmem>>
      %dma_start3A_85 = arith.constant 0 : i32
      %dma_start3A_86 = tpu.memref_slice %arg2[%dma_start3A_72, %mul3A_40, %dma_start3A_85] : memref<9x50000x128xf32, #tpu.memory_space<hbm>> -> memref<1x16x128xf32, #tpu.memory_space<hbm>>
      %dma_start3A_87 = tpu.memref_squeeze %dma_start3A_86 : memref<1x16x128xf32, #tpu.memory_space<hbm>> -> memref<16x128xf32, #tpu.memory_space<hbm>>
      tpu.enqueue_dma source(%dma_start3A_87 : memref<16x128xf32, #tpu.memory_space<hbm>>) target(%dma_start3A_84 : memref<16x128xf32, #tpu.memory_space<vmem>>) target_semaphore(%arg10 : memref<!tpu.dma_semaphore, #tpu.memory_space<semaphore_mem>>)
      %dma_start3A_88 = arith.constant 1 : i32
      %dma_start3A_89 = arith.constant 1 : i32
      %dma_start3A_90 = arith.constant 0 : i32
      %dma_start3A_91 = arith.constant 0 : i32
      %dma_start3A_92 = tpu.memref_slice %arg7[%dma_start3A_89, %dma_start3A_90, %dma_start3A_91] : memref<9x16x128xf32, #tpu.memory_space<vmem>> -> memref<1x16x128xf32, #tpu.memory_space<vmem>>
      %dma_start3A_93 = tpu.memref_squeeze %dma_start3A_92 : memref<1x16x128xf32, #tpu.memory_space<vmem>> -> memref<16x128xf32, #tpu.memory_space<vmem>>
      %dma_start3A_94 = arith.constant 0 : i32
      %dma_start3A_95 = tpu.memref_slice %arg3[%dma_start3A_88, %mul3A_40, %dma_start3A_94] : memref<9x50000x128xf32, #tpu.memory_space<hbm>> -> memref<1x16x128xf32, #tpu.memory_space<hbm>>
      %dma_start3A_96 = tpu.memref_squeeze %dma_start3A_95 : memref<1x16x128xf32, #tpu.memory_space<hbm>> -> memref<16x128xf32, #tpu.memory_space<hbm>>
      %dma_start3A_97 = arith.constant 0 : i32
      %dma_start3A_98 = arith.constant 0 : i32
      %dma_start3A_99 = tpu.memref_slice %arg7[%dma_start3A_89, %dma_start3A_97, %dma_start3A_98] : memref<9x16x128xf32, #tpu.memory_space<vmem>> -> memref<1x16x128xf32, #tpu.memory_space<vmem>>
      %dma_start3A_100 = tpu.memref_squeeze %dma_start3A_99 : memref<1x16x128xf32, #tpu.memory_space<vmem>> -> memref<16x128xf32, #tpu.memory_space<vmem>>
      %dma_start3A_101 = arith.constant 0 : i32
      %dma_start3A_102 = tpu.memref_slice %arg3[%dma_start3A_88, %mul3A_40, %dma_start3A_101] : memref<9x50000x128xf32, #tpu.memory_space<hbm>> -> memref<1x16x128xf32, #tpu.memory_space<hbm>>
      %dma_start3A_103 = tpu.memref_squeeze %dma_start3A_102 : memref<1x16x128xf32, #tpu.memory_space<hbm>> -> memref<16x128xf32, #tpu.memory_space<hbm>>
      tpu.enqueue_dma source(%dma_start3A_103 : memref<16x128xf32, #tpu.memory_space<hbm>>) target(%dma_start3A_100 : memref<16x128xf32, #tpu.memory_space<vmem>>) target_semaphore(%arg10 : memref<!tpu.dma_semaphore, #tpu.memory_space<semaphore_mem>>)
      %dma_start3A_104 = arith.constant 2 : i32
      %dma_start3A_105 = arith.constant 2 : i32
      %dma_start3A_106 = arith.constant 0 : i32
      %dma_start3A_107 = arith.constant 0 : i32
      %dma_start3A_108 = tpu.memref_slice %arg6[%dma_start3A_105, %dma_start3A_106, %dma_start3A_107] : memref<9x16x128xf32, #tpu.memory_space<vmem>> -> memref<1x16x128xf32, #tpu.memory_space<vmem>>
      %dma_start3A_109 = tpu.memref_squeeze %dma_start3A_108 : memref<1x16x128xf32, #tpu.memory_space<vmem>> -> memref<16x128xf32, #tpu.memory_space<vmem>>
      %dma_start3A_110 = arith.constant 0 : i32
      %dma_start3A_111 = tpu.memref_slice %arg2[%dma_start3A_104, %mul3A_40, %dma_start3A_110] : memref<9x50000x128xf32, #tpu.memory_space<hbm>> -> memref<1x16x128xf32, #tpu.memory_space<hbm>>
      %dma_start3A_112 = tpu.memref_squeeze %dma_start3A_111 : memref<1x16x128xf32, #tpu.memory_space<hbm>> -> memref<16x128xf32, #tpu.memory_space<hbm>>
      %dma_start3A_113 = arith.constant 0 : i32
      %dma_start3A_114 = arith.constant 0 : i32
      %dma_start3A_115 = tpu.memref_slice %arg6[%dma_start3A_105, %dma_start3A_113, %dma_start3A_114] : memref<9x16x128xf32, #tpu.memory_space<vmem>> -> memref<1x16x128xf32, #tpu.memory_space<vmem>>
      %dma_start3A_116 = tpu.memref_squeeze %dma_start3A_115 : memref<1x16x128xf32, #tpu.memory_space<vmem>> -> memref<16x128xf32, #tpu.memory_space<vmem>>
      %dma_start3A_117 = arith.constant 0 : i32
      %dma_start3A_118 = tpu.memref_slice %arg2[%dma_start3A_104, %mul3A_40, %dma_start3A_117] : memref<9x50000x128xf32, #tpu.memory_space<hbm>> -> memref<1x16x128xf32, #tpu.memory_space<hbm>>
      %dma_start3A_119 = tpu.memref_squeeze %dma_start3A_118 : memref<1x16x128xf32, #tpu.memory_space<hbm>> -> memref<16x128xf32, #tpu.memory_space<hbm>>
      tpu.enqueue_dma source(%dma_start3A_119 : memref<16x128xf32, #tpu.memory_space<hbm>>) target(%dma_start3A_116 : memref<16x128xf32, #tpu.memory_space<vmem>>) target_semaphore(%arg10 : memref<!tpu.dma_semaphore, #tpu.memory_space<semaphore_mem>>)
      %dma_start3A_120 = arith.constant 2 : i32
      %dma_start3A_121 = arith.constant 2 : i32
      %dma_start3A_122 = arith.constant 0 : i32
      %dma_start3A_123 = arith.constant 0 : i32
      %dma_start3A_124 = tpu.memref_slice %arg7[%dma_start3A_121, %dma_start3A_122, %dma_start3A_123] : memref<9x16x128xf32, #tpu.memory_space<vmem>> -> memref<1x16x128xf32, #tpu.memory_space<vmem>>
      %dma_start3A_125 = tpu.memref_squeeze %dma_start3A_124 : memref<1x16x128xf32, #tpu.memory_space<vmem>> -> memref<16x128xf32, #tpu.memory_space<vmem>>
      %dma_start3A_126 = arith.constant 0 : i32
      %dma_start3A_127 = tpu.memref_slice %arg3[%dma_start3A_120, %mul3A_40, %dma_start3A_126] : memref<9x50000x128xf32, #tpu.memory_space<hbm>> -> memref<1x16x128xf32, #tpu.memory_space<hbm>>
      %dma_start3A_128 = tpu.memref_squeeze %dma_start3A_127 : memref<1x16x128xf32, #tpu.memory_space<hbm>> -> memref<16x128xf32, #tpu.memory_space<hbm>>
      %dma_start3A_129 = arith.constant 0 : i32
      %dma_start3A_130 = arith.constant 0 : i32
      %dma_start3A_131 = tpu.memref_slice %arg7[%dma_start3A_121, %dma_start3A_129, %dma_start3A_130] : memref<9x16x128xf32, #tpu.memory_space<vmem>> -> memref<1x16x128xf32, #tpu.memory_space<vmem>>
      %dma_start3A_132 = tpu.memref_squeeze %dma_start3A_131 : memref<1x16x128xf32, #tpu.memory_space<vmem>> -> memref<16x128xf32, #tpu.memory_space<vmem>>
      %dma_start3A_133 = arith.constant 0 : i32
      %dma_start3A_134 = tpu.memref_slice %arg3[%dma_start3A_120, %mul3A_40, %dma_start3A_133] : memref<9x50000x128xf32, #tpu.memory_space<hbm>> -> memref<1x16x128xf32, #tpu.memory_space<hbm>>
      %dma_start3A_135 = tpu.memref_squeeze %dma_start3A_134 : memref<1x16x128xf32, #tpu.memory_space<hbm>> -> memref<16x128xf32, #tpu.memory_space<hbm>>
      tpu.enqueue_dma source(%dma_start3A_135 : memref<16x128xf32, #tpu.memory_space<hbm>>) target(%dma_start3A_132 : memref<16x128xf32, #tpu.memory_space<vmem>>) target_semaphore(%arg10 : memref<!tpu.dma_semaphore, #tpu.memory_space<semaphore_mem>>)
      %dma_start3A_136 = arith.constant 3 : i32
      %dma_start3A_137 = arith.constant 3 : i32
      %dma_start3A_138 = arith.constant 0 : i32
      %dma_start3A_139 = arith.constant 0 : i32
      %dma_start3A_140 = tpu.memref_slice %arg6[%dma_start3A_137, %dma_start3A_138, %dma_start3A_139] : memref<9x16x128xf32, #tpu.memory_space<vmem>> -> memref<1x16x128xf32, #tpu.memory_space<vmem>>
      %dma_start3A_141 = tpu.memref_squeeze %dma_start3A_140 : memref<1x16x128xf32, #tpu.memory_space<vmem>> -> memref<16x128xf32, #tpu.memory_space<vmem>>
      %dma_start3A_142 = arith.constant 0 : i32
      %dma_start3A_143 = tpu.memref_slice %arg2[%dma_start3A_136, %mul3A_40, %dma_start3A_142] : memref<9x50000x128xf32, #tpu.memory_space<hbm>> -> memref<1x16x128xf32, #tpu.memory_space<hbm>>
      %dma_start3A_144 = tpu.memref_squeeze %dma_start3A_143 : memref<1x16x128xf32, #tpu.memory_space<hbm>> -> memref<16x128xf32, #tpu.memory_space<hbm>>
      %dma_start3A_145 = arith.constant 0 : i32
      %dma_start3A_146 = arith.constant 0 : i32
      %dma_start3A_147 = tpu.memref_slice %arg6[%dma_start3A_137, %dma_start3A_145, %dma_start3A_146] : memref<9x16x128xf32, #tpu.memory_space<vmem>> -> memref<1x16x128xf32, #tpu.memory_space<vmem>>
      %dma_start3A_148 = tpu.memref_squeeze %dma_start3A_147 : memref<1x16x128xf32, #tpu.memory_space<vmem>> -> memref<16x128xf32, #tpu.memory_space<vmem>>
      %dma_start3A_149 = arith.constant 0 : i32
      %dma_start3A_150 = tpu.memref_slice %arg2[%dma_start3A_136, %mul3A_40, %dma_start3A_149] : memref<9x50000x128xf32, #tpu.memory_space<hbm>> -> memref<1x16x128xf32, #tpu.memory_space<hbm>>
      %dma_start3A_151 = tpu.memref_squeeze %dma_start3A_150 : memref<1x16x128xf32, #tpu.memory_space<hbm>> -> memref<16x128xf32, #tpu.memory_space<hbm>>
      tpu.enqueue_dma source(%dma_start3A_151 : memref<16x128xf32, #tpu.memory_space<hbm>>) target(%dma_start3A_148 : memref<16x128xf32, #tpu.memory_space<vmem>>) target_semaphore(%arg10 : memref<!tpu.dma_semaphore, #tpu.memory_space<semaphore_mem>>)
      %dma_start3A_152 = arith.constant 3 : i32
      %dma_start3A_153 = arith.constant 3 : i32
      %dma_start3A_154 = arith.constant 0 : i32
      %dma_start3A_155 = arith.constant 0 : i32
      %dma_start3A_156 = tpu.memref_slice %arg7[%dma_start3A_153, %dma_start3A_154, %dma_start3A_155] : memref<9x16x128xf32, #tpu.memory_space<vmem>> -> memref<1x16x128xf32, #tpu.memory_space<vmem>>
      %dma_start3A_157 = tpu.memref_squeeze %dma_start3A_156 : memref<1x16x128xf32, #tpu.memory_space<vmem>> -> memref<16x128xf32, #tpu.memory_space<vmem>>
      %dma_start3A_158 = arith.constant 0 : i32
      %dma_start3A_159 = tpu.memref_slice %arg3[%dma_start3A_152, %mul3A_40, %dma_start3A_158] : memref<9x50000x128xf32, #tpu.memory_space<hbm>> -> memref<1x16x128xf32, #tpu.memory_space<hbm>>
      %dma_start3A_160 = tpu.memref_squeeze %dma_start3A_159 : memref<1x16x128xf32, #tpu.memory_space<hbm>> -> memref<16x128xf32, #tpu.memory_space<hbm>>
      %dma_start3A_161 = arith.constant 0 : i32
      %dma_start3A_162 = arith.constant 0 : i32
      %dma_start3A_163 = tpu.memref_slice %arg7[%dma_start3A_153, %dma_start3A_161, %dma_start3A_162] : memref<9x16x128xf32, #tpu.memory_space<vmem>> -> memref<1x16x128xf32, #tpu.memory_space<vmem>>
      %dma_start3A_164 = tpu.memref_squeeze %dma_start3A_163 : memref<1x16x128xf32, #tpu.memory_space<vmem>> -> memref<16x128xf32, #tpu.memory_space<vmem>>
      %dma_start3A_165 = arith.constant 0 : i32
      %dma_start3A_166 = tpu.memref_slice %arg3[%dma_start3A_152, %mul3A_40, %dma_start3A_165] : memref<9x50000x128xf32, #tpu.memory_space<hbm>> -> memref<1x16x128xf32, #tpu.memory_space<hbm>>
      %dma_start3A_167 = tpu.memref_squeeze %dma_start3A_166 : memref<1x16x128xf32, #tpu.memory_space<hbm>> -> memref<16x128xf32, #tpu.memory_space<hbm>>
      tpu.enqueue_dma source(%dma_start3A_167 : memref<16x128xf32, #tpu.memory_space<hbm>>) target(%dma_start3A_164 : memref<16x128xf32, #tpu.memory_space<vmem>>) target_semaphore(%arg10 : memref<!tpu.dma_semaphore, #tpu.memory_space<semaphore_mem>>)
      %dma_start3A_168 = arith.constant 4 : i32
      %dma_start3A_169 = arith.constant 4 : i32
      %dma_start3A_170 = arith.constant 0 : i32
      %dma_start3A_171 = arith.constant 0 : i32
      %dma_start3A_172 = tpu.memref_slice %arg6[%dma_start3A_169, %dma_start3A_170, %dma_start3A_171] : memref<9x16x128xf32, #tpu.memory_space<vmem>> -> memref<1x16x128xf32, #tpu.memory_space<vmem>>
      %dma_start3A_173 = tpu.memref_squeeze %dma_start3A_172 : memref<1x16x128xf32, #tpu.memory_space<vmem>> -> memref<16x128xf32, #tpu.memory_space<vmem>>
      %dma_start3A_174 = arith.constant 0 : i32
      %dma_start3A_175 = tpu.memref_slice %arg2[%dma_start3A_168, %mul3A_40, %dma_start3A_174] : memref<9x50000x128xf32, #tpu.memory_space<hbm>> -> memref<1x16x128xf32, #tpu.memory_space<hbm>>
      %dma_start3A_176 = tpu.memref_squeeze %dma_start3A_175 : memref<1x16x128xf32, #tpu.memory_space<hbm>> -> memref<16x128xf32, #tpu.memory_space<hbm>>
      %dma_start3A_177 = arith.constant 0 : i32
      %dma_start3A_178 = arith.constant 0 : i32
      %dma_start3A_179 = tpu.memref_slice %arg6[%dma_start3A_169, %dma_start3A_177, %dma_start3A_178] : memref<9x16x128xf32, #tpu.memory_space<vmem>> -> memref<1x16x128xf32, #tpu.memory_space<vmem>>
      %dma_start3A_180 = tpu.memref_squeeze %dma_start3A_179 : memref<1x16x128xf32, #tpu.memory_space<vmem>> -> memref<16x128xf32, #tpu.memory_space<vmem>>
      %dma_start3A_181 = arith.constant 0 : i32
      %dma_start3A_182 = tpu.memref_slice %arg2[%dma_start3A_168, %mul3A_40, %dma_start3A_181] : memref<9x50000x128xf32, #tpu.memory_space<hbm>> -> memref<1x16x128xf32, #tpu.memory_space<hbm>>
      %dma_start3A_183 = tpu.memref_squeeze %dma_start3A_182 : memref<1x16x128xf32, #tpu.memory_space<hbm>> -> memref<16x128xf32, #tpu.memory_space<hbm>>
      tpu.enqueue_dma source(%dma_start3A_183 : memref<16x128xf32, #tpu.memory_space<hbm>>) target(%dma_start3A_180 : memref<16x128xf32, #tpu.memory_space<vmem>>) target_semaphore(%arg10 : memref<!tpu.dma_semaphore, #tpu.memory_space<semaphore_mem>>)
      %dma_start3A_184 = arith.constant 4 : i32
      %dma_start3A_185 = arith.constant 4 : i32
      %dma_start3A_186 = arith.constant 0 : i32
      %dma_start3A_187 = arith.constant 0 : i32
      %dma_start3A_188 = tpu.memref_slice %arg7[%dma_start3A_185, %dma_start3A_186, %dma_start3A_187] : memref<9x16x128xf32, #tpu.memory_space<vmem>> -> memref<1x16x128xf32, #tpu.memory_space<vmem>>
      %dma_start3A_189 = tpu.memref_squeeze %dma_start3A_188 : memref<1x16x128xf32, #tpu.memory_space<vmem>> -> memref<16x128xf32, #tpu.memory_space<vmem>>
      %dma_start3A_190 = arith.constant 0 : i32
      %dma_start3A_191 = tpu.memref_slice %arg3[%dma_start3A_184, %mul3A_40, %dma_start3A_190] : memref<9x50000x128xf32, #tpu.memory_space<hbm>> -> memref<1x16x128xf32, #tpu.memory_space<hbm>>
      %dma_start3A_192 = tpu.memref_squeeze %dma_start3A_191 : memref<1x16x128xf32, #tpu.memory_space<hbm>> -> memref<16x128xf32, #tpu.memory_space<hbm>>
      %dma_start3A_193 = arith.constant 0 : i32
      %dma_start3A_194 = arith.constant 0 : i32
      %dma_start3A_195 = tpu.memref_slice %arg7[%dma_start3A_185, %dma_start3A_193, %dma_start3A_194] : memref<9x16x128xf32, #tpu.memory_space<vmem>> -> memref<1x16x128xf32, #tpu.memory_space<vmem>>
      %dma_start3A_196 = tpu.memref_squeeze %dma_start3A_195 : memref<1x16x128xf32, #tpu.memory_space<vmem>> -> memref<16x128xf32, #tpu.memory_space<vmem>>
      %dma_start3A_197 = arith.constant 0 : i32
      %dma_start3A_198 = tpu.memref_slice %arg3[%dma_start3A_184, %mul3A_40, %dma_start3A_197] : memref<9x50000x128xf32, #tpu.memory_space<hbm>> -> memref<1x16x128xf32, #tpu.memory_space<hbm>>
      %dma_start3A_199 = tpu.memref_squeeze %dma_start3A_198 : memref<1x16x128xf32, #tpu.memory_space<hbm>> -> memref<16x128xf32, #tpu.memory_space<hbm>>
      tpu.enqueue_dma source(%dma_start3A_199 : memref<16x128xf32, #tpu.memory_space<hbm>>) target(%dma_start3A_196 : memref<16x128xf32, #tpu.memory_space<vmem>>) target_semaphore(%arg10 : memref<!tpu.dma_semaphore, #tpu.memory_space<semaphore_mem>>)
      %dma_start3A_200 = arith.constant 5 : i32
      %dma_start3A_201 = arith.constant 5 : i32
      %dma_start3A_202 = arith.constant 0 : i32
      %dma_start3A_203 = arith.constant 0 : i32
      %dma_start3A_204 = tpu.memref_slice %arg6[%dma_start3A_201, %dma_start3A_202, %dma_start3A_203] : memref<9x16x128xf32, #tpu.memory_space<vmem>> -> memref<1x16x128xf32, #tpu.memory_space<vmem>>
      %dma_start3A_205 = tpu.memref_squeeze %dma_start3A_204 : memref<1x16x128xf32, #tpu.memory_space<vmem>> -> memref<16x128xf32, #tpu.memory_space<vmem>>
      %dma_start3A_206 = arith.constant 0 : i32
      %dma_start3A_207 = tpu.memref_slice %arg2[%dma_start3A_200, %mul3A_40, %dma_start3A_206] : memref<9x50000x128xf32, #tpu.memory_space<hbm>> -> memref<1x16x128xf32, #tpu.memory_space<hbm>>
      %dma_start3A_208 = tpu.memref_squeeze %dma_start3A_207 : memref<1x16x128xf32, #tpu.memory_space<hbm>> -> memref<16x128xf32, #tpu.memory_space<hbm>>
      %dma_start3A_209 = arith.constant 0 : i32
      %dma_start3A_210 = arith.constant 0 : i32
      %dma_start3A_211 = tpu.memref_slice %arg6[%dma_start3A_201, %dma_start3A_209, %dma_start3A_210] : memref<9x16x128xf32, #tpu.memory_space<vmem>> -> memref<1x16x128xf32, #tpu.memory_space<vmem>>
      %dma_start3A_212 = tpu.memref_squeeze %dma_start3A_211 : memref<1x16x128xf32, #tpu.memory_space<vmem>> -> memref<16x128xf32, #tpu.memory_space<vmem>>
      %dma_start3A_213 = arith.constant 0 : i32
      %dma_start3A_214 = tpu.memref_slice %arg2[%dma_start3A_200, %mul3A_40, %dma_start3A_213] : memref<9x50000x128xf32, #tpu.memory_space<hbm>> -> memref<1x16x128xf32, #tpu.memory_space<hbm>>
      %dma_start3A_215 = tpu.memref_squeeze %dma_start3A_214 : memref<1x16x128xf32, #tpu.memory_space<hbm>> -> memref<16x128xf32, #tpu.memory_space<hbm>>
      tpu.enqueue_dma source(%dma_start3A_215 : memref<16x128xf32, #tpu.memory_space<hbm>>) target(%dma_start3A_212 : memref<16x128xf32, #tpu.memory_space<vmem>>) target_semaphore(%arg10 : memref<!tpu.dma_semaphore, #tpu.memory_space<semaphore_mem>>)
      %dma_start3A_216 = arith.constant 5 : i32
      %dma_start3A_217 = arith.constant 5 : i32
      %dma_start3A_218 = arith.constant 0 : i32
      %dma_start3A_219 = arith.constant 0 : i32
      %dma_start3A_220 = tpu.memref_slice %arg7[%dma_start3A_217, %dma_start3A_218, %dma_start3A_219] : memref<9x16x128xf32, #tpu.memory_space<vmem>> -> memref<1x16x128xf32, #tpu.memory_space<vmem>>
      %dma_start3A_221 = tpu.memref_squeeze %dma_start3A_220 : memref<1x16x128xf32, #tpu.memory_space<vmem>> -> memref<16x128xf32, #tpu.memory_space<vmem>>
      %dma_start3A_222 = arith.constant 0 : i32
      %dma_start3A_223 = tpu.memref_slice %arg3[%dma_start3A_216, %mul3A_40, %dma_start3A_222] : memref<9x50000x128xf32, #tpu.memory_space<hbm>> -> memref<1x16x128xf32, #tpu.memory_space<hbm>>
      %dma_start3A_224 = tpu.memref_squeeze %dma_start3A_223 : memref<1x16x128xf32, #tpu.memory_space<hbm>> -> memref<16x128xf32, #tpu.memory_space<hbm>>
      %dma_start3A_225 = arith.constant 0 : i32
      %dma_start3A_226 = arith.constant 0 : i32
      %dma_start3A_227 = tpu.memref_slice %arg7[%dma_start3A_217, %dma_start3A_225, %dma_start3A_226] : memref<9x16x128xf32, #tpu.memory_space<vmem>> -> memref<1x16x128xf32, #tpu.memory_space<vmem>>
      %dma_start3A_228 = tpu.memref_squeeze %dma_start3A_227 : memref<1x16x128xf32, #tpu.memory_space<vmem>> -> memref<16x128xf32, #tpu.memory_space<vmem>>
      %dma_start3A_229 = arith.constant 0 : i32
      %dma_start3A_230 = tpu.memref_slice %arg3[%dma_start3A_216, %mul3A_40, %dma_start3A_229] : memref<9x50000x128xf32, #tpu.memory_space<hbm>> -> memref<1x16x128xf32, #tpu.memory_space<hbm>>
      %dma_start3A_231 = tpu.memref_squeeze %dma_start3A_230 : memref<1x16x128xf32, #tpu.memory_space<hbm>> -> memref<16x128xf32, #tpu.memory_space<hbm>>
      tpu.enqueue_dma source(%dma_start3A_231 : memref<16x128xf32, #tpu.memory_space<hbm>>) target(%dma_start3A_228 : memref<16x128xf32, #tpu.memory_space<vmem>>) target_semaphore(%arg10 : memref<!tpu.dma_semaphore, #tpu.memory_space<semaphore_mem>>)
      %dma_start3A_232 = arith.constant 6 : i32
      %dma_start3A_233 = arith.constant 6 : i32
      %dma_start3A_234 = arith.constant 0 : i32
      %dma_start3A_235 = arith.constant 0 : i32
      %dma_start3A_236 = tpu.memref_slice %arg6[%dma_start3A_233, %dma_start3A_234, %dma_start3A_235] : memref<9x16x128xf32, #tpu.memory_space<vmem>> -> memref<1x16x128xf32, #tpu.memory_space<vmem>>
      %dma_start3A_237 = tpu.memref_squeeze %dma_start3A_236 : memref<1x16x128xf32, #tpu.memory_space<vmem>> -> memref<16x128xf32, #tpu.memory_space<vmem>>
      %dma_start3A_238 = arith.constant 0 : i32
      %dma_start3A_239 = tpu.memref_slice %arg2[%dma_start3A_232, %mul3A_40, %dma_start3A_238] : memref<9x50000x128xf32, #tpu.memory_space<hbm>> -> memref<1x16x128xf32, #tpu.memory_space<hbm>>
      %dma_start3A_240 = tpu.memref_squeeze %dma_start3A_239 : memref<1x16x128xf32, #tpu.memory_space<hbm>> -> memref<16x128xf32, #tpu.memory_space<hbm>>
      %dma_start3A_241 = arith.constant 0 : i32
      %dma_start3A_242 = arith.constant 0 : i32
      %dma_start3A_243 = tpu.memref_slice %arg6[%dma_start3A_233, %dma_start3A_241, %dma_start3A_242] : memref<9x16x128xf32, #tpu.memory_space<vmem>> -> memref<1x16x128xf32, #tpu.memory_space<vmem>>
      %dma_start3A_244 = tpu.memref_squeeze %dma_start3A_243 : memref<1x16x128xf32, #tpu.memory_space<vmem>> -> memref<16x128xf32, #tpu.memory_space<vmem>>
      %dma_start3A_245 = arith.constant 0 : i32
      %dma_start3A_246 = tpu.memref_slice %arg2[%dma_start3A_232, %mul3A_40, %dma_start3A_245] : memref<9x50000x128xf32, #tpu.memory_space<hbm>> -> memref<1x16x128xf32, #tpu.memory_space<hbm>>
      %dma_start3A_247 = tpu.memref_squeeze %dma_start3A_246 : memref<1x16x128xf32, #tpu.memory_space<hbm>> -> memref<16x128xf32, #tpu.memory_space<hbm>>
      tpu.enqueue_dma source(%dma_start3A_247 : memref<16x128xf32, #tpu.memory_space<hbm>>) target(%dma_start3A_244 : memref<16x128xf32, #tpu.memory_space<vmem>>) target_semaphore(%arg10 : memref<!tpu.dma_semaphore, #tpu.memory_space<semaphore_mem>>)
      %dma_start3A_248 = arith.constant 6 : i32
      %dma_start3A_249 = arith.constant 6 : i32
      %dma_start3A_250 = arith.constant 0 : i32
      %dma_start3A_251 = arith.constant 0 : i32
      %dma_start3A_252 = tpu.memref_slice %arg7[%dma_start3A_249, %dma_start3A_250, %dma_start3A_251] : memref<9x16x128xf32, #tpu.memory_space<vmem>> -> memref<1x16x128xf32, #tpu.memory_space<vmem>>
      %dma_start3A_253 = tpu.memref_squeeze %dma_start3A_252 : memref<1x16x128xf32, #tpu.memory_space<vmem>> -> memref<16x128xf32, #tpu.memory_space<vmem>>
      %dma_start3A_254 = arith.constant 0 : i32
      %dma_start3A_255 = tpu.memref_slice %arg3[%dma_start3A_248, %mul3A_40, %dma_start3A_254] : memref<9x50000x128xf32, #tpu.memory_space<hbm>> -> memref<1x16x128xf32, #tpu.memory_space<hbm>>
      %dma_start3A_256 = tpu.memref_squeeze %dma_start3A_255 : memref<1x16x128xf32, #tpu.memory_space<hbm>> -> memref<16x128xf32, #tpu.memory_space<hbm>>
      %dma_start3A_257 = arith.constant 0 : i32
      %dma_start3A_258 = arith.constant 0 : i32
      %dma_start3A_259 = tpu.memref_slice %arg7[%dma_start3A_249, %dma_start3A_257, %dma_start3A_258] : memref<9x16x128xf32, #tpu.memory_space<vmem>> -> memref<1x16x128xf32, #tpu.memory_space<vmem>>
      %dma_start3A_260 = tpu.memref_squeeze %dma_start3A_259 : memref<1x16x128xf32, #tpu.memory_space<vmem>> -> memref<16x128xf32, #tpu.memory_space<vmem>>
      %dma_start3A_261 = arith.constant 0 : i32
      %dma_start3A_262 = tpu.memref_slice %arg3[%dma_start3A_248, %mul3A_40, %dma_start3A_261] : memref<9x50000x128xf32, #tpu.memory_space<hbm>> -> memref<1x16x128xf32, #tpu.memory_space<hbm>>
      %dma_start3A_263 = tpu.memref_squeeze %dma_start3A_262 : memref<1x16x128xf32, #tpu.memory_space<hbm>> -> memref<16x128xf32, #tpu.memory_space<hbm>>
      tpu.enqueue_dma source(%dma_start3A_263 : memref<16x128xf32, #tpu.memory_space<hbm>>) target(%dma_start3A_260 : memref<16x128xf32, #tpu.memory_space<vmem>>) target_semaphore(%arg10 : memref<!tpu.dma_semaphore, #tpu.memory_space<semaphore_mem>>)
      %dma_start3A_264 = arith.constant 7 : i32
      %dma_start3A_265 = arith.constant 7 : i32
      %dma_start3A_266 = arith.constant 0 : i32
      %dma_start3A_267 = arith.constant 0 : i32
      %dma_start3A_268 = tpu.memref_slice %arg6[%dma_start3A_265, %dma_start3A_266, %dma_start3A_267] : memref<9x16x128xf32, #tpu.memory_space<vmem>> -> memref<1x16x128xf32, #tpu.memory_space<vmem>>
      %dma_start3A_269 = tpu.memref_squeeze %dma_start3A_268 : memref<1x16x128xf32, #tpu.memory_space<vmem>> -> memref<16x128xf32, #tpu.memory_space<vmem>>
      %dma_start3A_270 = arith.constant 0 : i32
      %dma_start3A_271 = tpu.memref_slice %arg2[%dma_start3A_264, %mul3A_40, %dma_start3A_270] : memref<9x50000x128xf32, #tpu.memory_space<hbm>> -> memref<1x16x128xf32, #tpu.memory_space<hbm>>
      %dma_start3A_272 = tpu.memref_squeeze %dma_start3A_271 : memref<1x16x128xf32, #tpu.memory_space<hbm>> -> memref<16x128xf32, #tpu.memory_space<hbm>>
      %dma_start3A_273 = arith.constant 0 : i32
      %dma_start3A_274 = arith.constant 0 : i32
      %dma_start3A_275 = tpu.memref_slice %arg6[%dma_start3A_265, %dma_start3A_273, %dma_start3A_274] : memref<9x16x128xf32, #tpu.memory_space<vmem>> -> memref<1x16x128xf32, #tpu.memory_space<vmem>>
      %dma_start3A_276 = tpu.memref_squeeze %dma_start3A_275 : memref<1x16x128xf32, #tpu.memory_space<vmem>> -> memref<16x128xf32, #tpu.memory_space<vmem>>
      %dma_start3A_277 = arith.constant 0 : i32
      %dma_start3A_278 = tpu.memref_slice %arg2[%dma_start3A_264, %mul3A_40, %dma_start3A_277] : memref<9x50000x128xf32, #tpu.memory_space<hbm>> -> memref<1x16x128xf32, #tpu.memory_space<hbm>>
      %dma_start3A_279 = tpu.memref_squeeze %dma_start3A_278 : memref<1x16x128xf32, #tpu.memory_space<hbm>> -> memref<16x128xf32, #tpu.memory_space<hbm>>
      tpu.enqueue_dma source(%dma_start3A_279 : memref<16x128xf32, #tpu.memory_space<hbm>>) target(%dma_start3A_276 : memref<16x128xf32, #tpu.memory_space<vmem>>) target_semaphore(%arg10 : memref<!tpu.dma_semaphore, #tpu.memory_space<semaphore_mem>>)
      %dma_start3A_280 = arith.constant 7 : i32
      %dma_start3A_281 = arith.constant 7 : i32
      %dma_start3A_282 = arith.constant 0 : i32
      %dma_start3A_283 = arith.constant 0 : i32
      %dma_start3A_284 = tpu.memref_slice %arg7[%dma_start3A_281, %dma_start3A_282, %dma_start3A_283] : memref<9x16x128xf32, #tpu.memory_space<vmem>> -> memref<1x16x128xf32, #tpu.memory_space<vmem>>
      %dma_start3A_285 = tpu.memref_squeeze %dma_start3A_284 : memref<1x16x128xf32, #tpu.memory_space<vmem>> -> memref<16x128xf32, #tpu.memory_space<vmem>>
      %dma_start3A_286 = arith.constant 0 : i32
      %dma_start3A_287 = tpu.memref_slice %arg3[%dma_start3A_280, %mul3A_40, %dma_start3A_286] : memref<9x50000x128xf32, #tpu.memory_space<hbm>> -> memref<1x16x128xf32, #tpu.memory_space<hbm>>
      %dma_start3A_288 = tpu.memref_squeeze %dma_start3A_287 : memref<1x16x128xf32, #tpu.memory_space<hbm>> -> memref<16x128xf32, #tpu.memory_space<hbm>>
      %dma_start3A_289 = arith.constant 0 : i32
      %dma_start3A_290 = arith.constant 0 : i32
      %dma_start3A_291 = tpu.memref_slice %arg7[%dma_start3A_281, %dma_start3A_289, %dma_start3A_290] : memref<9x16x128xf32, #tpu.memory_space<vmem>> -> memref<1x16x128xf32, #tpu.memory_space<vmem>>
      %dma_start3A_292 = tpu.memref_squeeze %dma_start3A_291 : memref<1x16x128xf32, #tpu.memory_space<vmem>> -> memref<16x128xf32, #tpu.memory_space<vmem>>
      %dma_start3A_293 = arith.constant 0 : i32
      %dma_start3A_294 = tpu.memref_slice %arg3[%dma_start3A_280, %mul3A_40, %dma_start3A_293] : memref<9x50000x128xf32, #tpu.memory_space<hbm>> -> memref<1x16x128xf32, #tpu.memory_space<hbm>>
      %dma_start3A_295 = tpu.memref_squeeze %dma_start3A_294 : memref<1x16x128xf32, #tpu.memory_space<hbm>> -> memref<16x128xf32, #tpu.memory_space<hbm>>
      tpu.enqueue_dma source(%dma_start3A_295 : memref<16x128xf32, #tpu.memory_space<hbm>>) target(%dma_start3A_292 : memref<16x128xf32, #tpu.memory_space<vmem>>) target_semaphore(%arg10 : memref<!tpu.dma_semaphore, #tpu.memory_space<semaphore_mem>>)
      %dma_start3A_296 = arith.constant 8 : i32
      %dma_start3A_297 = arith.constant 8 : i32
      %dma_start3A_298 = arith.constant 0 : i32
      %dma_start3A_299 = arith.constant 0 : i32
      %dma_start3A_300 = tpu.memref_slice %arg6[%dma_start3A_297, %dma_start3A_298, %dma_start3A_299] : memref<9x16x128xf32, #tpu.memory_space<vmem>> -> memref<1x16x128xf32, #tpu.memory_space<vmem>>
      %dma_start3A_301 = tpu.memref_squeeze %dma_start3A_300 : memref<1x16x128xf32, #tpu.memory_space<vmem>> -> memref<16x128xf32, #tpu.memory_space<vmem>>
      %dma_start3A_302 = arith.constant 0 : i32
      %dma_start3A_303 = tpu.memref_slice %arg2[%dma_start3A_296, %mul3A_40, %dma_start3A_302] : memref<9x50000x128xf32, #tpu.memory_space<hbm>> -> memref<1x16x128xf32, #tpu.memory_space<hbm>>
      %dma_start3A_304 = tpu.memref_squeeze %dma_start3A_303 : memref<1x16x128xf32, #tpu.memory_space<hbm>> -> memref<16x128xf32, #tpu.memory_space<hbm>>
      %dma_start3A_305 = arith.constant 0 : i32
      %dma_start3A_306 = arith.constant 0 : i32
      %dma_start3A_307 = tpu.memref_slice %arg6[%dma_start3A_297, %dma_start3A_305, %dma_start3A_306] : memref<9x16x128xf32, #tpu.memory_space<vmem>> -> memref<1x16x128xf32, #tpu.memory_space<vmem>>
      %dma_start3A_308 = tpu.memref_squeeze %dma_start3A_307 : memref<1x16x128xf32, #tpu.memory_space<vmem>> -> memref<16x128xf32, #tpu.memory_space<vmem>>
      %dma_start3A_309 = arith.constant 0 : i32
      %dma_start3A_310 = tpu.memref_slice %arg2[%dma_start3A_296, %mul3A_40, %dma_start3A_309] : memref<9x50000x128xf32, #tpu.memory_space<hbm>> -> memref<1x16x128xf32, #tpu.memory_space<hbm>>
      %dma_start3A_311 = tpu.memref_squeeze %dma_start3A_310 : memref<1x16x128xf32, #tpu.memory_space<hbm>> -> memref<16x128xf32, #tpu.memory_space<hbm>>
      tpu.enqueue_dma source(%dma_start3A_311 : memref<16x128xf32, #tpu.memory_space<hbm>>) target(%dma_start3A_308 : memref<16x128xf32, #tpu.memory_space<vmem>>) target_semaphore(%arg10 : memref<!tpu.dma_semaphore, #tpu.memory_space<semaphore_mem>>)
      %dma_start3A_312 = arith.constant 8 : i32
      %dma_start3A_313 = arith.constant 8 : i32
      %dma_start3A_314 = arith.constant 0 : i32
      %dma_start3A_315 = arith.constant 0 : i32
      %dma_start3A_316 = tpu.memref_slice %arg7[%dma_start3A_313, %dma_start3A_314, %dma_start3A_315] : memref<9x16x128xf32, #tpu.memory_space<vmem>> -> memref<1x16x128xf32, #tpu.memory_space<vmem>>
      %dma_start3A_317 = tpu.memref_squeeze %dma_start3A_316 : memref<1x16x128xf32, #tpu.memory_space<vmem>> -> memref<16x128xf32, #tpu.memory_space<vmem>>
      %dma_start3A_318 = arith.constant 0 : i32
      %dma_start3A_319 = tpu.memref_slice %arg3[%dma_start3A_312, %mul3A_40, %dma_start3A_318] : memref<9x50000x128xf32, #tpu.memory_space<hbm>> -> memref<1x16x128xf32, #tpu.memory_space<hbm>>
      %dma_start3A_320 = tpu.memref_squeeze %dma_start3A_319 : memref<1x16x128xf32, #tpu.memory_space<hbm>> -> memref<16x128xf32, #tpu.memory_space<hbm>>
      %dma_start3A_321 = arith.constant 0 : i32
      %dma_start3A_322 = arith.constant 0 : i32
      %dma_start3A_323 = tpu.memref_slice %arg7[%dma_start3A_313, %dma_start3A_321, %dma_start3A_322] : memref<9x16x128xf32, #tpu.memory_space<vmem>> -> memref<1x16x128xf32, #tpu.memory_space<vmem>>
      %dma_start3A_324 = tpu.memref_squeeze %dma_start3A_323 : memref<1x16x128xf32, #tpu.memory_space<vmem>> -> memref<16x128xf32, #tpu.memory_space<vmem>>
      %dma_start3A_325 = arith.constant 0 : i32
      %dma_start3A_326 = tpu.memref_slice %arg3[%dma_start3A_312, %mul3A_40, %dma_start3A_325] : memref<9x50000x128xf32, #tpu.memory_space<hbm>> -> memref<1x16x128xf32, #tpu.memory_space<hbm>>
      %dma_start3A_327 = tpu.memref_squeeze %dma_start3A_326 : memref<1x16x128xf32, #tpu.memory_space<hbm>> -> memref<16x128xf32, #tpu.memory_space<hbm>>
      tpu.enqueue_dma source(%dma_start3A_327 : memref<16x128xf32, #tpu.memory_space<hbm>>) target(%dma_start3A_324 : memref<16x128xf32, #tpu.memory_space<vmem>>) target_semaphore(%arg10 : memref<!tpu.dma_semaphore, #tpu.memory_space<semaphore_mem>>)
      %dma_wait3A = arith.constant 0 : i32
      %dma_wait3A_328 = arith.constant 0 : i32
      %dma_wait3A_329 = arith.constant 0 : i32
      %dma_wait3A_330 = arith.constant 0 : i32
      %dma_wait3A_331 = tpu.memref_slice %arg6[%dma_wait3A_328, %dma_wait3A_329, %dma_wait3A_330] : memref<9x16x128xf32, #tpu.memory_space<vmem>> -> memref<1x16x128xf32, #tpu.memory_space<vmem>>
      %dma_wait3A_332 = tpu.memref_squeeze %dma_wait3A_331 : memref<1x16x128xf32, #tpu.memory_space<vmem>> -> memref<16x128xf32, #tpu.memory_space<vmem>>
      %dma_wait3A_333 = arith.constant 0 : i32
      %dma_wait3A_334 = tpu.memref_slice %arg2[%dma_wait3A, %mul3A_40, %dma_wait3A_333] : memref<9x50000x128xf32, #tpu.memory_space<hbm>> -> memref<1x16x128xf32, #tpu.memory_space<hbm>>
      %dma_wait3A_335 = tpu.memref_squeeze %dma_wait3A_334 : memref<1x16x128xf32, #tpu.memory_space<hbm>> -> memref<16x128xf32, #tpu.memory_space<hbm>>
      %dma_wait3A_336 = arith.constant 0 : i32
      %dma_wait3A_337 = arith.constant 0 : i32
      %dma_wait3A_338 = tpu.memref_slice %arg6[%dma_wait3A_328, %dma_wait3A_336, %dma_wait3A_337] : memref<9x16x128xf32, #tpu.memory_space<vmem>> -> memref<1x16x128xf32, #tpu.memory_space<vmem>>
      %dma_wait3A_339 = tpu.memref_squeeze %dma_wait3A_338 : memref<1x16x128xf32, #tpu.memory_space<vmem>> -> memref<16x128xf32, #tpu.memory_space<vmem>>
      %dma_wait3A_340 = arith.constant 0 : i32
      %dma_wait3A_341 = tpu.memref_slice %arg2[%dma_wait3A, %mul3A_40, %dma_wait3A_340] : memref<9x50000x128xf32, #tpu.memory_space<hbm>> -> memref<1x16x128xf32, #tpu.memory_space<hbm>>
      %dma_wait3A_342 = tpu.memref_squeeze %dma_wait3A_341 : memref<1x16x128xf32, #tpu.memory_space<hbm>> -> memref<16x128xf32, #tpu.memory_space<hbm>>
      tpu.wait_dma2 semaphore(%arg10 : memref<!tpu.dma_semaphore, #tpu.memory_space<semaphore_mem>>) src(%dma_wait3A_342 : memref<16x128xf32, #tpu.memory_space<hbm>>) dst(%dma_wait3A_339 : memref<16x128xf32, #tpu.memory_space<vmem>>)
      %dma_wait3A_343 = arith.constant 0 : i32
      %dma_wait3A_344 = arith.constant 0 : i32
      %dma_wait3A_345 = arith.constant 0 : i32
      %dma_wait3A_346 = arith.constant 0 : i32
      %dma_wait3A_347 = tpu.memref_slice %arg7[%dma_wait3A_344, %dma_wait3A_345, %dma_wait3A_346] : memref<9x16x128xf32, #tpu.memory_space<vmem>> -> memref<1x16x128xf32, #tpu.memory_space<vmem>>
      %dma_wait3A_348 = tpu.memref_squeeze %dma_wait3A_347 : memref<1x16x128xf32, #tpu.memory_space<vmem>> -> memref<16x128xf32, #tpu.memory_space<vmem>>
      %dma_wait3A_349 = arith.constant 0 : i32
      %dma_wait3A_350 = tpu.memref_slice %arg3[%dma_wait3A_343, %mul3A_40, %dma_wait3A_349] : memref<9x50000x128xf32, #tpu.memory_space<hbm>> -> memref<1x16x128xf32, #tpu.memory_space<hbm>>
      %dma_wait3A_351 = tpu.memref_squeeze %dma_wait3A_350 : memref<1x16x128xf32, #tpu.memory_space<hbm>> -> memref<16x128xf32, #tpu.memory_space<hbm>>
      %dma_wait3A_352 = arith.constant 0 : i32
      %dma_wait3A_353 = arith.constant 0 : i32
      %dma_wait3A_354 = tpu.memref_slice %arg7[%dma_wait3A_344, %dma_wait3A_352, %dma_wait3A_353] : memref<9x16x128xf32, #tpu.memory_space<vmem>> -> memref<1x16x128xf32, #tpu.memory_space<vmem>>
      %dma_wait3A_355 = tpu.memref_squeeze %dma_wait3A_354 : memref<1x16x128xf32, #tpu.memory_space<vmem>> -> memref<16x128xf32, #tpu.memory_space<vmem>>
      %dma_wait3A_356 = arith.constant 0 : i32
      %dma_wait3A_357 = tpu.memref_slice %arg3[%dma_wait3A_343, %mul3A_40, %dma_wait3A_356] : memref<9x50000x128xf32, #tpu.memory_space<hbm>> -> memref<1x16x128xf32, #tpu.memory_space<hbm>>
      %dma_wait3A_358 = tpu.memref_squeeze %dma_wait3A_357 : memref<1x16x128xf32, #tpu.memory_space<hbm>> -> memref<16x128xf32, #tpu.memory_space<hbm>>
      tpu.wait_dma2 semaphore(%arg10 : memref<!tpu.dma_semaphore, #tpu.memory_space<semaphore_mem>>) src(%dma_wait3A_358 : memref<16x128xf32, #tpu.memory_space<hbm>>) dst(%dma_wait3A_355 : memref<16x128xf32, #tpu.memory_space<vmem>>)
      %dma_wait3A_359 = arith.constant 1 : i32
      %dma_wait3A_360 = arith.constant 1 : i32
      %dma_wait3A_361 = arith.constant 0 : i32
      %dma_wait3A_362 = arith.constant 0 : i32
      %dma_wait3A_363 = tpu.memref_slice %arg6[%dma_wait3A_360, %dma_wait3A_361, %dma_wait3A_362] : memref<9x16x128xf32, #tpu.memory_space<vmem>> -> memref<1x16x128xf32, #tpu.memory_space<vmem>>
      %dma_wait3A_364 = tpu.memref_squeeze %dma_wait3A_363 : memref<1x16x128xf32, #tpu.memory_space<vmem>> -> memref<16x128xf32, #tpu.memory_space<vmem>>
      %dma_wait3A_365 = arith.constant 0 : i32
      %dma_wait3A_366 = tpu.memref_slice %arg2[%dma_wait3A_359, %mul3A_40, %dma_wait3A_365] : memref<9x50000x128xf32, #tpu.memory_space<hbm>> -> memref<1x16x128xf32, #tpu.memory_space<hbm>>
      %dma_wait3A_367 = tpu.memref_squeeze %dma_wait3A_366 : memref<1x16x128xf32, #tpu.memory_space<hbm>> -> memref<16x128xf32, #tpu.memory_space<hbm>>
      %dma_wait3A_368 = arith.constant 0 : i32
      %dma_wait3A_369 = arith.constant 0 : i32
      %dma_wait3A_370 = tpu.memref_slice %arg6[%dma_wait3A_360, %dma_wait3A_368, %dma_wait3A_369] : memref<9x16x128xf32, #tpu.memory_space<vmem>> -> memref<1x16x128xf32, #tpu.memory_space<vmem>>
      %dma_wait3A_371 = tpu.memref_squeeze %dma_wait3A_370 : memref<1x16x128xf32, #tpu.memory_space<vmem>> -> memref<16x128xf32, #tpu.memory_space<vmem>>
      %dma_wait3A_372 = arith.constant 0 : i32
      %dma_wait3A_373 = tpu.memref_slice %arg2[%dma_wait3A_359, %mul3A_40, %dma_wait3A_372] : memref<9x50000x128xf32, #tpu.memory_space<hbm>> -> memref<1x16x128xf32, #tpu.memory_space<hbm>>
      %dma_wait3A_374 = tpu.memref_squeeze %dma_wait3A_373 : memref<1x16x128xf32, #tpu.memory_space<hbm>> -> memref<16x128xf32, #tpu.memory_space<hbm>>
      tpu.wait_dma2 semaphore(%arg10 : memref<!tpu.dma_semaphore, #tpu.memory_space<semaphore_mem>>) src(%dma_wait3A_374 : memref<16x128xf32, #tpu.memory_space<hbm>>) dst(%dma_wait3A_371 : memref<16x128xf32, #tpu.memory_space<vmem>>)
      %dma_wait3A_375 = arith.constant 1 : i32
      %dma_wait3A_376 = arith.constant 1 : i32
      %dma_wait3A_377 = arith.constant 0 : i32
      %dma_wait3A_378 = arith.constant 0 : i32
      %dma_wait3A_379 = tpu.memref_slice %arg7[%dma_wait3A_376, %dma_wait3A_377, %dma_wait3A_378] : memref<9x16x128xf32, #tpu.memory_space<vmem>> -> memref<1x16x128xf32, #tpu.memory_space<vmem>>
      %dma_wait3A_380 = tpu.memref_squeeze %dma_wait3A_379 : memref<1x16x128xf32, #tpu.memory_space<vmem>> -> memref<16x128xf32, #tpu.memory_space<vmem>>
      %dma_wait3A_381 = arith.constant 0 : i32
      %dma_wait3A_382 = tpu.memref_slice %arg3[%dma_wait3A_375, %mul3A_40, %dma_wait3A_381] : memref<9x50000x128xf32, #tpu.memory_space<hbm>> -> memref<1x16x128xf32, #tpu.memory_space<hbm>>
      %dma_wait3A_383 = tpu.memref_squeeze %dma_wait3A_382 : memref<1x16x128xf32, #tpu.memory_space<hbm>> -> memref<16x128xf32, #tpu.memory_space<hbm>>
      %dma_wait3A_384 = arith.constant 0 : i32
      %dma_wait3A_385 = arith.constant 0 : i32
      %dma_wait3A_386 = tpu.memref_slice %arg7[%dma_wait3A_376, %dma_wait3A_384, %dma_wait3A_385] : memref<9x16x128xf32, #tpu.memory_space<vmem>> -> memref<1x16x128xf32, #tpu.memory_space<vmem>>
      %dma_wait3A_387 = tpu.memref_squeeze %dma_wait3A_386 : memref<1x16x128xf32, #tpu.memory_space<vmem>> -> memref<16x128xf32, #tpu.memory_space<vmem>>
      %dma_wait3A_388 = arith.constant 0 : i32
      %dma_wait3A_389 = tpu.memref_slice %arg3[%dma_wait3A_375, %mul3A_40, %dma_wait3A_388] : memref<9x50000x128xf32, #tpu.memory_space<hbm>> -> memref<1x16x128xf32, #tpu.memory_space<hbm>>
      %dma_wait3A_390 = tpu.memref_squeeze %dma_wait3A_389 : memref<1x16x128xf32, #tpu.memory_space<hbm>> -> memref<16x128xf32, #tpu.memory_space<hbm>>
      tpu.wait_dma2 semaphore(%arg10 : memref<!tpu.dma_semaphore, #tpu.memory_space<semaphore_mem>>) src(%dma_wait3A_390 : memref<16x128xf32, #tpu.memory_space<hbm>>) dst(%dma_wait3A_387 : memref<16x128xf32, #tpu.memory_space<vmem>>)
      %dma_wait3A_391 = arith.constant 2 : i32
      %dma_wait3A_392 = arith.constant 2 : i32
      %dma_wait3A_393 = arith.constant 0 : i32
      %dma_wait3A_394 = arith.constant 0 : i32
      %dma_wait3A_395 = tpu.memref_slice %arg6[%dma_wait3A_392, %dma_wait3A_393, %dma_wait3A_394] : memref<9x16x128xf32, #tpu.memory_space<vmem>> -> memref<1x16x128xf32, #tpu.memory_space<vmem>>
      %dma_wait3A_396 = tpu.memref_squeeze %dma_wait3A_395 : memref<1x16x128xf32, #tpu.memory_space<vmem>> -> memref<16x128xf32, #tpu.memory_space<vmem>>
      %dma_wait3A_397 = arith.constant 0 : i32
      %dma_wait3A_398 = tpu.memref_slice %arg2[%dma_wait3A_391, %mul3A_40, %dma_wait3A_397] : memref<9x50000x128xf32, #tpu.memory_space<hbm>> -> memref<1x16x128xf32, #tpu.memory_space<hbm>>
      %dma_wait3A_399 = tpu.memref_squeeze %dma_wait3A_398 : memref<1x16x128xf32, #tpu.memory_space<hbm>> -> memref<16x128xf32, #tpu.memory_space<hbm>>
      %dma_wait3A_400 = arith.constant 0 : i32
      %dma_wait3A_401 = arith.constant 0 : i32
      %dma_wait3A_402 = tpu.memref_slice %arg6[%dma_wait3A_392, %dma_wait3A_400, %dma_wait3A_401] : memref<9x16x128xf32, #tpu.memory_space<vmem>> -> memref<1x16x128xf32, #tpu.memory_space<vmem>>
      %dma_wait3A_403 = tpu.memref_squeeze %dma_wait3A_402 : memref<1x16x128xf32, #tpu.memory_space<vmem>> -> memref<16x128xf32, #tpu.memory_space<vmem>>
      %dma_wait3A_404 = arith.constant 0 : i32
      %dma_wait3A_405 = tpu.memref_slice %arg2[%dma_wait3A_391, %mul3A_40, %dma_wait3A_404] : memref<9x50000x128xf32, #tpu.memory_space<hbm>> -> memref<1x16x128xf32, #tpu.memory_space<hbm>>
      %dma_wait3A_406 = tpu.memref_squeeze %dma_wait3A_405 : memref<1x16x128xf32, #tpu.memory_space<hbm>> -> memref<16x128xf32, #tpu.memory_space<hbm>>
      tpu.wait_dma2 semaphore(%arg10 : memref<!tpu.dma_semaphore, #tpu.memory_space<semaphore_mem>>) src(%dma_wait3A_406 : memref<16x128xf32, #tpu.memory_space<hbm>>) dst(%dma_wait3A_403 : memref<16x128xf32, #tpu.memory_space<vmem>>)
      %dma_wait3A_407 = arith.constant 2 : i32
      %dma_wait3A_408 = arith.constant 2 : i32
      %dma_wait3A_409 = arith.constant 0 : i32
      %dma_wait3A_410 = arith.constant 0 : i32
      %dma_wait3A_411 = tpu.memref_slice %arg7[%dma_wait3A_408, %dma_wait3A_409, %dma_wait3A_410] : memref<9x16x128xf32, #tpu.memory_space<vmem>> -> memref<1x16x128xf32, #tpu.memory_space<vmem>>
      %dma_wait3A_412 = tpu.memref_squeeze %dma_wait3A_411 : memref<1x16x128xf32, #tpu.memory_space<vmem>> -> memref<16x128xf32, #tpu.memory_space<vmem>>
      %dma_wait3A_413 = arith.constant 0 : i32
      %dma_wait3A_414 = tpu.memref_slice %arg3[%dma_wait3A_407, %mul3A_40, %dma_wait3A_413] : memref<9x50000x128xf32, #tpu.memory_space<hbm>> -> memref<1x16x128xf32, #tpu.memory_space<hbm>>
      %dma_wait3A_415 = tpu.memref_squeeze %dma_wait3A_414 : memref<1x16x128xf32, #tpu.memory_space<hbm>> -> memref<16x128xf32, #tpu.memory_space<hbm>>
      %dma_wait3A_416 = arith.constant 0 : i32
      %dma_wait3A_417 = arith.constant 0 : i32
      %dma_wait3A_418 = tpu.memref_slice %arg7[%dma_wait3A_408, %dma_wait3A_416, %dma_wait3A_417] : memref<9x16x128xf32, #tpu.memory_space<vmem>> -> memref<1x16x128xf32, #tpu.memory_space<vmem>>
      %dma_wait3A_419 = tpu.memref_squeeze %dma_wait3A_418 : memref<1x16x128xf32, #tpu.memory_space<vmem>> -> memref<16x128xf32, #tpu.memory_space<vmem>>
      %dma_wait3A_420 = arith.constant 0 : i32
      %dma_wait3A_421 = tpu.memref_slice %arg3[%dma_wait3A_407, %mul3A_40, %dma_wait3A_420] : memref<9x50000x128xf32, #tpu.memory_space<hbm>> -> memref<1x16x128xf32, #tpu.memory_space<hbm>>
      %dma_wait3A_422 = tpu.memref_squeeze %dma_wait3A_421 : memref<1x16x128xf32, #tpu.memory_space<hbm>> -> memref<16x128xf32, #tpu.memory_space<hbm>>
      tpu.wait_dma2 semaphore(%arg10 : memref<!tpu.dma_semaphore, #tpu.memory_space<semaphore_mem>>) src(%dma_wait3A_422 : memref<16x128xf32, #tpu.memory_space<hbm>>) dst(%dma_wait3A_419 : memref<16x128xf32, #tpu.memory_space<vmem>>)
      %dma_wait3A_423 = arith.constant 3 : i32
      %dma_wait3A_424 = arith.constant 3 : i32
      %dma_wait3A_425 = arith.constant 0 : i32
      %dma_wait3A_426 = arith.constant 0 : i32
      %dma_wait3A_427 = tpu.memref_slice %arg6[%dma_wait3A_424, %dma_wait3A_425, %dma_wait3A_426] : memref<9x16x128xf32, #tpu.memory_space<vmem>> -> memref<1x16x128xf32, #tpu.memory_space<vmem>>
      %dma_wait3A_428 = tpu.memref_squeeze %dma_wait3A_427 : memref<1x16x128xf32, #tpu.memory_space<vmem>> -> memref<16x128xf32, #tpu.memory_space<vmem>>
      %dma_wait3A_429 = arith.constant 0 : i32
      %dma_wait3A_430 = tpu.memref_slice %arg2[%dma_wait3A_423, %mul3A_40, %dma_wait3A_429] : memref<9x50000x128xf32, #tpu.memory_space<hbm>> -> memref<1x16x128xf32, #tpu.memory_space<hbm>>
      %dma_wait3A_431 = tpu.memref_squeeze %dma_wait3A_430 : memref<1x16x128xf32, #tpu.memory_space<hbm>> -> memref<16x128xf32, #tpu.memory_space<hbm>>
      %dma_wait3A_432 = arith.constant 0 : i32
      %dma_wait3A_433 = arith.constant 0 : i32
      %dma_wait3A_434 = tpu.memref_slice %arg6[%dma_wait3A_424, %dma_wait3A_432, %dma_wait3A_433] : memref<9x16x128xf32, #tpu.memory_space<vmem>> -> memref<1x16x128xf32, #tpu.memory_space<vmem>>
      %dma_wait3A_435 = tpu.memref_squeeze %dma_wait3A_434 : memref<1x16x128xf32, #tpu.memory_space<vmem>> -> memref<16x128xf32, #tpu.memory_space<vmem>>
      %dma_wait3A_436 = arith.constant 0 : i32
      %dma_wait3A_437 = tpu.memref_slice %arg2[%dma_wait3A_423, %mul3A_40, %dma_wait3A_436] : memref<9x50000x128xf32, #tpu.memory_space<hbm>> -> memref<1x16x128xf32, #tpu.memory_space<hbm>>
      %dma_wait3A_438 = tpu.memref_squeeze %dma_wait3A_437 : memref<1x16x128xf32, #tpu.memory_space<hbm>> -> memref<16x128xf32, #tpu.memory_space<hbm>>
      tpu.wait_dma2 semaphore(%arg10 : memref<!tpu.dma_semaphore, #tpu.memory_space<semaphore_mem>>) src(%dma_wait3A_438 : memref<16x128xf32, #tpu.memory_space<hbm>>) dst(%dma_wait3A_435 : memref<16x128xf32, #tpu.memory_space<vmem>>)
      %dma_wait3A_439 = arith.constant 3 : i32
      %dma_wait3A_440 = arith.constant 3 : i32
      %dma_wait3A_441 = arith.constant 0 : i32
      %dma_wait3A_442 = arith.constant 0 : i32
      %dma_wait3A_443 = tpu.memref_slice %arg7[%dma_wait3A_440, %dma_wait3A_441, %dma_wait3A_442] : memref<9x16x128xf32, #tpu.memory_space<vmem>> -> memref<1x16x128xf32, #tpu.memory_space<vmem>>
      %dma_wait3A_444 = tpu.memref_squeeze %dma_wait3A_443 : memref<1x16x128xf32, #tpu.memory_space<vmem>> -> memref<16x128xf32, #tpu.memory_space<vmem>>
      %dma_wait3A_445 = arith.constant 0 : i32
      %dma_wait3A_446 = tpu.memref_slice %arg3[%dma_wait3A_439, %mul3A_40, %dma_wait3A_445] : memref<9x50000x128xf32, #tpu.memory_space<hbm>> -> memref<1x16x128xf32, #tpu.memory_space<hbm>>
      %dma_wait3A_447 = tpu.memref_squeeze %dma_wait3A_446 : memref<1x16x128xf32, #tpu.memory_space<hbm>> -> memref<16x128xf32, #tpu.memory_space<hbm>>
      %dma_wait3A_448 = arith.constant 0 : i32
      %dma_wait3A_449 = arith.constant 0 : i32
      %dma_wait3A_450 = tpu.memref_slice %arg7[%dma_wait3A_440, %dma_wait3A_448, %dma_wait3A_449] : memref<9x16x128xf32, #tpu.memory_space<vmem>> -> memref<1x16x128xf32, #tpu.memory_space<vmem>>
      %dma_wait3A_451 = tpu.memref_squeeze %dma_wait3A_450 : memref<1x16x128xf32, #tpu.memory_space<vmem>> -> memref<16x128xf32, #tpu.memory_space<vmem>>
      %dma_wait3A_452 = arith.constant 0 : i32
      %dma_wait3A_453 = tpu.memref_slice %arg3[%dma_wait3A_439, %mul3A_40, %dma_wait3A_452] : memref<9x50000x128xf32, #tpu.memory_space<hbm>> -> memref<1x16x128xf32, #tpu.memory_space<hbm>>
      %dma_wait3A_454 = tpu.memref_squeeze %dma_wait3A_453 : memref<1x16x128xf32, #tpu.memory_space<hbm>> -> memref<16x128xf32, #tpu.memory_space<hbm>>
      tpu.wait_dma2 semaphore(%arg10 : memref<!tpu.dma_semaphore, #tpu.memory_space<semaphore_mem>>) src(%dma_wait3A_454 : memref<16x128xf32, #tpu.memory_space<hbm>>) dst(%dma_wait3A_451 : memref<16x128xf32, #tpu.memory_space<vmem>>)
      %dma_wait3A_455 = arith.constant 4 : i32
      %dma_wait3A_456 = arith.constant 4 : i32
      %dma_wait3A_457 = arith.constant 0 : i32
      %dma_wait3A_458 = arith.constant 0 : i32
      %dma_wait3A_459 = tpu.memref_slice %arg6[%dma_wait3A_456, %dma_wait3A_457, %dma_wait3A_458] : memref<9x16x128xf32, #tpu.memory_space<vmem>> -> memref<1x16x128xf32, #tpu.memory_space<vmem>>
      %dma_wait3A_460 = tpu.memref_squeeze %dma_wait3A_459 : memref<1x16x128xf32, #tpu.memory_space<vmem>> -> memref<16x128xf32, #tpu.memory_space<vmem>>
      %dma_wait3A_461 = arith.constant 0 : i32
      %dma_wait3A_462 = tpu.memref_slice %arg2[%dma_wait3A_455, %mul3A_40, %dma_wait3A_461] : memref<9x50000x128xf32, #tpu.memory_space<hbm>> -> memref<1x16x128xf32, #tpu.memory_space<hbm>>
      %dma_wait3A_463 = tpu.memref_squeeze %dma_wait3A_462 : memref<1x16x128xf32, #tpu.memory_space<hbm>> -> memref<16x128xf32, #tpu.memory_space<hbm>>
      %dma_wait3A_464 = arith.constant 0 : i32
      %dma_wait3A_465 = arith.constant 0 : i32
      %dma_wait3A_466 = tpu.memref_slice %arg6[%dma_wait3A_456, %dma_wait3A_464, %dma_wait3A_465] : memref<9x16x128xf32, #tpu.memory_space<vmem>> -> memref<1x16x128xf32, #tpu.memory_space<vmem>>
      %dma_wait3A_467 = tpu.memref_squeeze %dma_wait3A_466 : memref<1x16x128xf32, #tpu.memory_space<vmem>> -> memref<16x128xf32, #tpu.memory_space<vmem>>
      %dma_wait3A_468 = arith.constant 0 : i32
      %dma_wait3A_469 = tpu.memref_slice %arg2[%dma_wait3A_455, %mul3A_40, %dma_wait3A_468] : memref<9x50000x128xf32, #tpu.memory_space<hbm>> -> memref<1x16x128xf32, #tpu.memory_space<hbm>>
      %dma_wait3A_470 = tpu.memref_squeeze %dma_wait3A_469 : memref<1x16x128xf32, #tpu.memory_space<hbm>> -> memref<16x128xf32, #tpu.memory_space<hbm>>
      tpu.wait_dma2 semaphore(%arg10 : memref<!tpu.dma_semaphore, #tpu.memory_space<semaphore_mem>>) src(%dma_wait3A_470 : memref<16x128xf32, #tpu.memory_space<hbm>>) dst(%dma_wait3A_467 : memref<16x128xf32, #tpu.memory_space<vmem>>)
      %dma_wait3A_471 = arith.constant 4 : i32
      %dma_wait3A_472 = arith.constant 4 : i32
      %dma_wait3A_473 = arith.constant 0 : i32
      %dma_wait3A_474 = arith.constant 0 : i32
      %dma_wait3A_475 = tpu.memref_slice %arg7[%dma_wait3A_472, %dma_wait3A_473, %dma_wait3A_474] : memref<9x16x128xf32, #tpu.memory_space<vmem>> -> memref<1x16x128xf32, #tpu.memory_space<vmem>>
      %dma_wait3A_476 = tpu.memref_squeeze %dma_wait3A_475 : memref<1x16x128xf32, #tpu.memory_space<vmem>> -> memref<16x128xf32, #tpu.memory_space<vmem>>
      %dma_wait3A_477 = arith.constant 0 : i32
      %dma_wait3A_478 = tpu.memref_slice %arg3[%dma_wait3A_471, %mul3A_40, %dma_wait3A_477] : memref<9x50000x128xf32, #tpu.memory_space<hbm>> -> memref<1x16x128xf32, #tpu.memory_space<hbm>>
      %dma_wait3A_479 = tpu.memref_squeeze %dma_wait3A_478 : memref<1x16x128xf32, #tpu.memory_space<hbm>> -> memref<16x128xf32, #tpu.memory_space<hbm>>
      %dma_wait3A_480 = arith.constant 0 : i32
      %dma_wait3A_481 = arith.constant 0 : i32
      %dma_wait3A_482 = tpu.memref_slice %arg7[%dma_wait3A_472, %dma_wait3A_480, %dma_wait3A_481] : memref<9x16x128xf32, #tpu.memory_space<vmem>> -> memref<1x16x128xf32, #tpu.memory_space<vmem>>
      %dma_wait3A_483 = tpu.memref_squeeze %dma_wait3A_482 : memref<1x16x128xf32, #tpu.memory_space<vmem>> -> memref<16x128xf32, #tpu.memory_space<vmem>>
      %dma_wait3A_484 = arith.constant 0 : i32
      %dma_wait3A_485 = tpu.memref_slice %arg3[%dma_wait3A_471, %mul3A_40, %dma_wait3A_484] : memref<9x50000x128xf32, #tpu.memory_space<hbm>> -> memref<1x16x128xf32, #tpu.memory_space<hbm>>
      %dma_wait3A_486 = tpu.memref_squeeze %dma_wait3A_485 : memref<1x16x128xf32, #tpu.memory_space<hbm>> -> memref<16x128xf32, #tpu.memory_space<hbm>>
      tpu.wait_dma2 semaphore(%arg10 : memref<!tpu.dma_semaphore, #tpu.memory_space<semaphore_mem>>) src(%dma_wait3A_486 : memref<16x128xf32, #tpu.memory_space<hbm>>) dst(%dma_wait3A_483 : memref<16x128xf32, #tpu.memory_space<vmem>>)
      %dma_wait3A_487 = arith.constant 5 : i32
      %dma_wait3A_488 = arith.constant 5 : i32
      %dma_wait3A_489 = arith.constant 0 : i32
      %dma_wait3A_490 = arith.constant 0 : i32
      %dma_wait3A_491 = tpu.memref_slice %arg6[%dma_wait3A_488, %dma_wait3A_489, %dma_wait3A_490] : memref<9x16x128xf32, #tpu.memory_space<vmem>> -> memref<1x16x128xf32, #tpu.memory_space<vmem>>
      %dma_wait3A_492 = tpu.memref_squeeze %dma_wait3A_491 : memref<1x16x128xf32, #tpu.memory_space<vmem>> -> memref<16x128xf32, #tpu.memory_space<vmem>>
      %dma_wait3A_493 = arith.constant 0 : i32
      %dma_wait3A_494 = tpu.memref_slice %arg2[%dma_wait3A_487, %mul3A_40, %dma_wait3A_493] : memref<9x50000x128xf32, #tpu.memory_space<hbm>> -> memref<1x16x128xf32, #tpu.memory_space<hbm>>
      %dma_wait3A_495 = tpu.memref_squeeze %dma_wait3A_494 : memref<1x16x128xf32, #tpu.memory_space<hbm>> -> memref<16x128xf32, #tpu.memory_space<hbm>>
      %dma_wait3A_496 = arith.constant 0 : i32
      %dma_wait3A_497 = arith.constant 0 : i32
      %dma_wait3A_498 = tpu.memref_slice %arg6[%dma_wait3A_488, %dma_wait3A_496, %dma_wait3A_497] : memref<9x16x128xf32, #tpu.memory_space<vmem>> -> memref<1x16x128xf32, #tpu.memory_space<vmem>>
      %dma_wait3A_499 = tpu.memref_squeeze %dma_wait3A_498 : memref<1x16x128xf32, #tpu.memory_space<vmem>> -> memref<16x128xf32, #tpu.memory_space<vmem>>
      %dma_wait3A_500 = arith.constant 0 : i32
      %dma_wait3A_501 = tpu.memref_slice %arg2[%dma_wait3A_487, %mul3A_40, %dma_wait3A_500] : memref<9x50000x128xf32, #tpu.memory_space<hbm>> -> memref<1x16x128xf32, #tpu.memory_space<hbm>>
      %dma_wait3A_502 = tpu.memref_squeeze %dma_wait3A_501 : memref<1x16x128xf32, #tpu.memory_space<hbm>> -> memref<16x128xf32, #tpu.memory_space<hbm>>
      tpu.wait_dma2 semaphore(%arg10 : memref<!tpu.dma_semaphore, #tpu.memory_space<semaphore_mem>>) src(%dma_wait3A_502 : memref<16x128xf32, #tpu.memory_space<hbm>>) dst(%dma_wait3A_499 : memref<16x128xf32, #tpu.memory_space<vmem>>)
      %dma_wait3A_503 = arith.constant 5 : i32
      %dma_wait3A_504 = arith.constant 5 : i32
      %dma_wait3A_505 = arith.constant 0 : i32
      %dma_wait3A_506 = arith.constant 0 : i32
      %dma_wait3A_507 = tpu.memref_slice %arg7[%dma_wait3A_504, %dma_wait3A_505, %dma_wait3A_506] : memref<9x16x128xf32, #tpu.memory_space<vmem>> -> memref<1x16x128xf32, #tpu.memory_space<vmem>>
      %dma_wait3A_508 = tpu.memref_squeeze %dma_wait3A_507 : memref<1x16x128xf32, #tpu.memory_space<vmem>> -> memref<16x128xf32, #tpu.memory_space<vmem>>
      %dma_wait3A_509 = arith.constant 0 : i32
      %dma_wait3A_510 = tpu.memref_slice %arg3[%dma_wait3A_503, %mul3A_40, %dma_wait3A_509] : memref<9x50000x128xf32, #tpu.memory_space<hbm>> -> memref<1x16x128xf32, #tpu.memory_space<hbm>>
      %dma_wait3A_511 = tpu.memref_squeeze %dma_wait3A_510 : memref<1x16x128xf32, #tpu.memory_space<hbm>> -> memref<16x128xf32, #tpu.memory_space<hbm>>
      %dma_wait3A_512 = arith.constant 0 : i32
      %dma_wait3A_513 = arith.constant 0 : i32
      %dma_wait3A_514 = tpu.memref_slice %arg7[%dma_wait3A_504, %dma_wait3A_512, %dma_wait3A_513] : memref<9x16x128xf32, #tpu.memory_space<vmem>> -> memref<1x16x128xf32, #tpu.memory_space<vmem>>
      %dma_wait3A_515 = tpu.memref_squeeze %dma_wait3A_514 : memref<1x16x128xf32, #tpu.memory_space<vmem>> -> memref<16x128xf32, #tpu.memory_space<vmem>>
      %dma_wait3A_516 = arith.constant 0 : i32
      %dma_wait3A_517 = tpu.memref_slice %arg3[%dma_wait3A_503, %mul3A_40, %dma_wait3A_516] : memref<9x50000x128xf32, #tpu.memory_space<hbm>> -> memref<1x16x128xf32, #tpu.memory_space<hbm>>
      %dma_wait3A_518 = tpu.memref_squeeze %dma_wait3A_517 : memref<1x16x128xf32, #tpu.memory_space<hbm>> -> memref<16x128xf32, #tpu.memory_space<hbm>>
      tpu.wait_dma2 semaphore(%arg10 : memref<!tpu.dma_semaphore, #tpu.memory_space<semaphore_mem>>) src(%dma_wait3A_518 : memref<16x128xf32, #tpu.memory_space<hbm>>) dst(%dma_wait3A_515 : memref<16x128xf32, #tpu.memory_space<vmem>>)
      %dma_wait3A_519 = arith.constant 6 : i32
      %dma_wait3A_520 = arith.constant 6 : i32
      %dma_wait3A_521 = arith.constant 0 : i32
      %dma_wait3A_522 = arith.constant 0 : i32
      %dma_wait3A_523 = tpu.memref_slice %arg6[%dma_wait3A_520, %dma_wait3A_521, %dma_wait3A_522] : memref<9x16x128xf32, #tpu.memory_space<vmem>> -> memref<1x16x128xf32, #tpu.memory_space<vmem>>
      %dma_wait3A_524 = tpu.memref_squeeze %dma_wait3A_523 : memref<1x16x128xf32, #tpu.memory_space<vmem>> -> memref<16x128xf32, #tpu.memory_space<vmem>>
      %dma_wait3A_525 = arith.constant 0 : i32
      %dma_wait3A_526 = tpu.memref_slice %arg2[%dma_wait3A_519, %mul3A_40, %dma_wait3A_525] : memref<9x50000x128xf32, #tpu.memory_space<hbm>> -> memref<1x16x128xf32, #tpu.memory_space<hbm>>
      %dma_wait3A_527 = tpu.memref_squeeze %dma_wait3A_526 : memref<1x16x128xf32, #tpu.memory_space<hbm>> -> memref<16x128xf32, #tpu.memory_space<hbm>>
      %dma_wait3A_528 = arith.constant 0 : i32
      %dma_wait3A_529 = arith.constant 0 : i32
      %dma_wait3A_530 = tpu.memref_slice %arg6[%dma_wait3A_520, %dma_wait3A_528, %dma_wait3A_529] : memref<9x16x128xf32, #tpu.memory_space<vmem>> -> memref<1x16x128xf32, #tpu.memory_space<vmem>>
      %dma_wait3A_531 = tpu.memref_squeeze %dma_wait3A_530 : memref<1x16x128xf32, #tpu.memory_space<vmem>> -> memref<16x128xf32, #tpu.memory_space<vmem>>
      %dma_wait3A_532 = arith.constant 0 : i32
      %dma_wait3A_533 = tpu.memref_slice %arg2[%dma_wait3A_519, %mul3A_40, %dma_wait3A_532] : memref<9x50000x128xf32, #tpu.memory_space<hbm>> -> memref<1x16x128xf32, #tpu.memory_space<hbm>>
      %dma_wait3A_534 = tpu.memref_squeeze %dma_wait3A_533 : memref<1x16x128xf32, #tpu.memory_space<hbm>> -> memref<16x128xf32, #tpu.memory_space<hbm>>
      tpu.wait_dma2 semaphore(%arg10 : memref<!tpu.dma_semaphore, #tpu.memory_space<semaphore_mem>>) src(%dma_wait3A_534 : memref<16x128xf32, #tpu.memory_space<hbm>>) dst(%dma_wait3A_531 : memref<16x128xf32, #tpu.memory_space<vmem>>)
      %dma_wait3A_535 = arith.constant 6 : i32
      %dma_wait3A_536 = arith.constant 6 : i32
      %dma_wait3A_537 = arith.constant 0 : i32
      %dma_wait3A_538 = arith.constant 0 : i32
      %dma_wait3A_539 = tpu.memref_slice %arg7[%dma_wait3A_536, %dma_wait3A_537, %dma_wait3A_538] : memref<9x16x128xf32, #tpu.memory_space<vmem>> -> memref<1x16x128xf32, #tpu.memory_space<vmem>>
      %dma_wait3A_540 = tpu.memref_squeeze %dma_wait3A_539 : memref<1x16x128xf32, #tpu.memory_space<vmem>> -> memref<16x128xf32, #tpu.memory_space<vmem>>
      %dma_wait3A_541 = arith.constant 0 : i32
      %dma_wait3A_542 = tpu.memref_slice %arg3[%dma_wait3A_535, %mul3A_40, %dma_wait3A_541] : memref<9x50000x128xf32, #tpu.memory_space<hbm>> -> memref<1x16x128xf32, #tpu.memory_space<hbm>>
      %dma_wait3A_543 = tpu.memref_squeeze %dma_wait3A_542 : memref<1x16x128xf32, #tpu.memory_space<hbm>> -> memref<16x128xf32, #tpu.memory_space<hbm>>
      %dma_wait3A_544 = arith.constant 0 : i32
      %dma_wait3A_545 = arith.constant 0 : i32
      %dma_wait3A_546 = tpu.memref_slice %arg7[%dma_wait3A_536, %dma_wait3A_544, %dma_wait3A_545] : memref<9x16x128xf32, #tpu.memory_space<vmem>> -> memref<1x16x128xf32, #tpu.memory_space<vmem>>
      %dma_wait3A_547 = tpu.memref_squeeze %dma_wait3A_546 : memref<1x16x128xf32, #tpu.memory_space<vmem>> -> memref<16x128xf32, #tpu.memory_space<vmem>>
      %dma_wait3A_548 = arith.constant 0 : i32
      %dma_wait3A_549 = tpu.memref_slice %arg3[%dma_wait3A_535, %mul3A_40, %dma_wait3A_548] : memref<9x50000x128xf32, #tpu.memory_space<hbm>> -> memref<1x16x128xf32, #tpu.memory_space<hbm>>
      %dma_wait3A_550 = tpu.memref_squeeze %dma_wait3A_549 : memref<1x16x128xf32, #tpu.memory_space<hbm>> -> memref<16x128xf32, #tpu.memory_space<hbm>>
      tpu.wait_dma2 semaphore(%arg10 : memref<!tpu.dma_semaphore, #tpu.memory_space<semaphore_mem>>) src(%dma_wait3A_550 : memref<16x128xf32, #tpu.memory_space<hbm>>) dst(%dma_wait3A_547 : memref<16x128xf32, #tpu.memory_space<vmem>>)
      %dma_wait3A_551 = arith.constant 7 : i32
      %dma_wait3A_552 = arith.constant 7 : i32
      %dma_wait3A_553 = arith.constant 0 : i32
      %dma_wait3A_554 = arith.constant 0 : i32
      %dma_wait3A_555 = tpu.memref_slice %arg6[%dma_wait3A_552, %dma_wait3A_553, %dma_wait3A_554] : memref<9x16x128xf32, #tpu.memory_space<vmem>> -> memref<1x16x128xf32, #tpu.memory_space<vmem>>
      %dma_wait3A_556 = tpu.memref_squeeze %dma_wait3A_555 : memref<1x16x128xf32, #tpu.memory_space<vmem>> -> memref<16x128xf32, #tpu.memory_space<vmem>>
      %dma_wait3A_557 = arith.constant 0 : i32
      %dma_wait3A_558 = tpu.memref_slice %arg2[%dma_wait3A_551, %mul3A_40, %dma_wait3A_557] : memref<9x50000x128xf32, #tpu.memory_space<hbm>> -> memref<1x16x128xf32, #tpu.memory_space<hbm>>
      %dma_wait3A_559 = tpu.memref_squeeze %dma_wait3A_558 : memref<1x16x128xf32, #tpu.memory_space<hbm>> -> memref<16x128xf32, #tpu.memory_space<hbm>>
      %dma_wait3A_560 = arith.constant 0 : i32
      %dma_wait3A_561 = arith.constant 0 : i32
      %dma_wait3A_562 = tpu.memref_slice %arg6[%dma_wait3A_552, %dma_wait3A_560, %dma_wait3A_561] : memref<9x16x128xf32, #tpu.memory_space<vmem>> -> memref<1x16x128xf32, #tpu.memory_space<vmem>>
      %dma_wait3A_563 = tpu.memref_squeeze %dma_wait3A_562 : memref<1x16x128xf32, #tpu.memory_space<vmem>> -> memref<16x128xf32, #tpu.memory_space<vmem>>
      %dma_wait3A_564 = arith.constant 0 : i32
      %dma_wait3A_565 = tpu.memref_slice %arg2[%dma_wait3A_551, %mul3A_40, %dma_wait3A_564] : memref<9x50000x128xf32, #tpu.memory_space<hbm>> -> memref<1x16x128xf32, #tpu.memory_space<hbm>>
      %dma_wait3A_566 = tpu.memref_squeeze %dma_wait3A_565 : memref<1x16x128xf32, #tpu.memory_space<hbm>> -> memref<16x128xf32, #tpu.memory_space<hbm>>
      tpu.wait_dma2 semaphore(%arg10 : memref<!tpu.dma_semaphore, #tpu.memory_space<semaphore_mem>>) src(%dma_wait3A_566 : memref<16x128xf32, #tpu.memory_space<hbm>>) dst(%dma_wait3A_563 : memref<16x128xf32, #tpu.memory_space<vmem>>)
      %dma_wait3A_567 = arith.constant 7 : i32
      %dma_wait3A_568 = arith.constant 7 : i32
      %dma_wait3A_569 = arith.constant 0 : i32
      %dma_wait3A_570 = arith.constant 0 : i32
      %dma_wait3A_571 = tpu.memref_slice %arg7[%dma_wait3A_568, %dma_wait3A_569, %dma_wait3A_570] : memref<9x16x128xf32, #tpu.memory_space<vmem>> -> memref<1x16x128xf32, #tpu.memory_space<vmem>>
      %dma_wait3A_572 = tpu.memref_squeeze %dma_wait3A_571 : memref<1x16x128xf32, #tpu.memory_space<vmem>> -> memref<16x128xf32, #tpu.memory_space<vmem>>
      %dma_wait3A_573 = arith.constant 0 : i32
      %dma_wait3A_574 = tpu.memref_slice %arg3[%dma_wait3A_567, %mul3A_40, %dma_wait3A_573] : memref<9x50000x128xf32, #tpu.memory_space<hbm>> -> memref<1x16x128xf32, #tpu.memory_space<hbm>>
      %dma_wait3A_575 = tpu.memref_squeeze %dma_wait3A_574 : memref<1x16x128xf32, #tpu.memory_space<hbm>> -> memref<16x128xf32, #tpu.memory_space<hbm>>
      %dma_wait3A_576 = arith.constant 0 : i32
      %dma_wait3A_577 = arith.constant 0 : i32
      %dma_wait3A_578 = tpu.memref_slice %arg7[%dma_wait3A_568, %dma_wait3A_576, %dma_wait3A_577] : memref<9x16x128xf32, #tpu.memory_space<vmem>> -> memref<1x16x128xf32, #tpu.memory_space<vmem>>
      %dma_wait3A_579 = tpu.memref_squeeze %dma_wait3A_578 : memref<1x16x128xf32, #tpu.memory_space<vmem>> -> memref<16x128xf32, #tpu.memory_space<vmem>>
      %dma_wait3A_580 = arith.constant 0 : i32
      %dma_wait3A_581 = tpu.memref_slice %arg3[%dma_wait3A_567, %mul3A_40, %dma_wait3A_580] : memref<9x50000x128xf32, #tpu.memory_space<hbm>> -> memref<1x16x128xf32, #tpu.memory_space<hbm>>
      %dma_wait3A_582 = tpu.memref_squeeze %dma_wait3A_581 : memref<1x16x128xf32, #tpu.memory_space<hbm>> -> memref<16x128xf32, #tpu.memory_space<hbm>>
      tpu.wait_dma2 semaphore(%arg10 : memref<!tpu.dma_semaphore, #tpu.memory_space<semaphore_mem>>) src(%dma_wait3A_582 : memref<16x128xf32, #tpu.memory_space<hbm>>) dst(%dma_wait3A_579 : memref<16x128xf32, #tpu.memory_space<vmem>>)
      %dma_wait3A_583 = arith.constant 8 : i32
      %dma_wait3A_584 = arith.constant 8 : i32
      %dma_wait3A_585 = arith.constant 0 : i32
      %dma_wait3A_586 = arith.constant 0 : i32
      %dma_wait3A_587 = tpu.memref_slice %arg6[%dma_wait3A_584, %dma_wait3A_585, %dma_wait3A_586] : memref<9x16x128xf32, #tpu.memory_space<vmem>> -> memref<1x16x128xf32, #tpu.memory_space<vmem>>
      %dma_wait3A_588 = tpu.memref_squeeze %dma_wait3A_587 : memref<1x16x128xf32, #tpu.memory_space<vmem>> -> memref<16x128xf32, #tpu.memory_space<vmem>>
      %dma_wait3A_589 = arith.constant 0 : i32
      %dma_wait3A_590 = tpu.memref_slice %arg2[%dma_wait3A_583, %mul3A_40, %dma_wait3A_589] : memref<9x50000x128xf32, #tpu.memory_space<hbm>> -> memref<1x16x128xf32, #tpu.memory_space<hbm>>
      %dma_wait3A_591 = tpu.memref_squeeze %dma_wait3A_590 : memref<1x16x128xf32, #tpu.memory_space<hbm>> -> memref<16x128xf32, #tpu.memory_space<hbm>>
      %dma_wait3A_592 = arith.constant 0 : i32
      %dma_wait3A_593 = arith.constant 0 : i32
      %dma_wait3A_594 = tpu.memref_slice %arg6[%dma_wait3A_584, %dma_wait3A_592, %dma_wait3A_593] : memref<9x16x128xf32, #tpu.memory_space<vmem>> -> memref<1x16x128xf32, #tpu.memory_space<vmem>>
      %dma_wait3A_595 = tpu.memref_squeeze %dma_wait3A_594 : memref<1x16x128xf32, #tpu.memory_space<vmem>> -> memref<16x128xf32, #tpu.memory_space<vmem>>
      %dma_wait3A_596 = arith.constant 0 : i32
      %dma_wait3A_597 = tpu.memref_slice %arg2[%dma_wait3A_583, %mul3A_40, %dma_wait3A_596] : memref<9x50000x128xf32, #tpu.memory_space<hbm>> -> memref<1x16x128xf32, #tpu.memory_space<hbm>>
      %dma_wait3A_598 = tpu.memref_squeeze %dma_wait3A_597 : memref<1x16x128xf32, #tpu.memory_space<hbm>> -> memref<16x128xf32, #tpu.memory_space<hbm>>
      tpu.wait_dma2 semaphore(%arg10 : memref<!tpu.dma_semaphore, #tpu.memory_space<semaphore_mem>>) src(%dma_wait3A_598 : memref<16x128xf32, #tpu.memory_space<hbm>>) dst(%dma_wait3A_595 : memref<16x128xf32, #tpu.memory_space<vmem>>)
      %dma_wait3A_599 = arith.constant 8 : i32
      %dma_wait3A_600 = arith.constant 8 : i32
      %dma_wait3A_601 = arith.constant 0 : i32
      %dma_wait3A_602 = arith.constant 0 : i32
      %dma_wait3A_603 = tpu.memref_slice %arg7[%dma_wait3A_600, %dma_wait3A_601, %dma_wait3A_602] : memref<9x16x128xf32, #tpu.memory_space<vmem>> -> memref<1x16x128xf32, #tpu.memory_space<vmem>>
      %dma_wait3A_604 = tpu.memref_squeeze %dma_wait3A_603 : memref<1x16x128xf32, #tpu.memory_space<vmem>> -> memref<16x128xf32, #tpu.memory_space<vmem>>
      %dma_wait3A_605 = arith.constant 0 : i32
      %dma_wait3A_606 = tpu.memref_slice %arg3[%dma_wait3A_599, %mul3A_40, %dma_wait3A_605] : memref<9x50000x128xf32, #tpu.memory_space<hbm>> -> memref<1x16x128xf32, #tpu.memory_space<hbm>>
      %dma_wait3A_607 = tpu.memref_squeeze %dma_wait3A_606 : memref<1x16x128xf32, #tpu.memory_space<hbm>> -> memref<16x128xf32, #tpu.memory_space<hbm>>
      %dma_wait3A_608 = arith.constant 0 : i32
      %dma_wait3A_609 = arith.constant 0 : i32
      %dma_wait3A_610 = tpu.memref_slice %arg7[%dma_wait3A_600, %dma_wait3A_608, %dma_wait3A_609] : memref<9x16x128xf32, #tpu.memory_space<vmem>> -> memref<1x16x128xf32, #tpu.memory_space<vmem>>
      %dma_wait3A_611 = tpu.memref_squeeze %dma_wait3A_610 : memref<1x16x128xf32, #tpu.memory_space<vmem>> -> memref<16x128xf32, #tpu.memory_space<vmem>>
      %dma_wait3A_612 = arith.constant 0 : i32
      %dma_wait3A_613 = tpu.memref_slice %arg3[%dma_wait3A_599, %mul3A_40, %dma_wait3A_612] : memref<9x50000x128xf32, #tpu.memory_space<hbm>> -> memref<1x16x128xf32, #tpu.memory_space<hbm>>
      %dma_wait3A_614 = tpu.memref_squeeze %dma_wait3A_613 : memref<1x16x128xf32, #tpu.memory_space<hbm>> -> memref<16x128xf32, #tpu.memory_space<hbm>>
      tpu.wait_dma2 semaphore(%arg10 : memref<!tpu.dma_semaphore, #tpu.memory_space<semaphore_mem>>) src(%dma_wait3A_614 : memref<16x128xf32, #tpu.memory_space<hbm>>) dst(%dma_wait3A_611 : memref<16x128xf32, #tpu.memory_space<vmem>>)
      %scan3A = arith.constant 0 : i32
      %scan3A_615 = arith.constant 0 : i32
      %scan3A_616 = arith.constant 128 : i32
      %scan3A_617 = arith.addi %scan3A_615, %scan3A_616 : i32
      %scan3A_618 = arith.constant 1 : i32
      %scan3A_619 = scf.for %scan3A_910 = %scan3A_615 to %scan3A_617 step %scan3A_618 iter_args(%scan3A_911 = %scan3A) -> (i32)  : i32 {
        %jit3A_912 = arith.constant 8 : i32
        %div3A_913 = arith.divsi %scan3A_910, %jit3A_912 : i32
        %sign3A_914 = arith.constant 0 : i32
        %sign3A_915 = arith.cmpi sgt, %scan3A_910, %sign3A_914 : i32
        %sign3A_916 = arith.extui %sign3A_915 : i1 to i32
        %sign3A_917 = arith.constant 0 : i32
        %sign3A_918 = arith.cmpi slt, %scan3A_910, %sign3A_917 : i32
        %sign3A_919 = arith.extui %sign3A_918 : i1 to i32
        %sign3A_920 = arith.subi %sign3A_916, %sign3A_919 : i32
        %sign3A_921 = arith.constant 0 : i32
        %sign3A_922 = arith.cmpi sgt, %jit3A_912, %sign3A_921 : i32
        %sign3A_923 = arith.extui %sign3A_922 : i1 to i32
        %sign3A_924 = arith.constant 0 : i32
        %sign3A_925 = arith.cmpi slt, %jit3A_912, %sign3A_924 : i32
        %sign3A_926 = arith.extui %sign3A_925 : i1 to i32
        %sign3A_927 = arith.subi %sign3A_923, %sign3A_926 : i32
        %ne3A_928 = arith.cmpi ne, %sign3A_920, %sign3A_927 : i32
        %rem3A_929 = arith.remsi %scan3A_910, %jit3A_912 : i32
        %ne3A_930 = arith.constant 0 : i32
        %ne3A_931 = arith.cmpi ne, %rem3A_929, %ne3A_930 : i32
        %and3A_932 = arith.andi %ne3A_928, %ne3A_931 : i1
        %sub3A_933 = arith.constant 1 : i32
        %sub3A_934 = arith.subi %div3A_913, %sub3A_933 : i32
        %select_n3A_935 = arith.select %and3A_932, %sub3A_934, %div3A_913 : i32
        %jit3A_936 = arith.constant 8 : i32
        %eq3A = arith.constant 0 : i32
        %eq3A_937 = arith.cmpi eq, %jit3A_936, %eq3A : i32
        %jit3A_938 = arith.constant 1 : i32
        %select_n3A_939 = arith.select %eq3A_937, %jit3A_938, %jit3A_936 : i32
        %rem3A_940 = arith.remsi %scan3A_910, %select_n3A_939 : i32
        %ne3A_941 = arith.constant 0 : i32
        %ne3A_942 = arith.cmpi ne, %rem3A_940, %ne3A_941 : i32
        %lt3A = arith.constant 0 : i32
        %lt3A_943 = arith.cmpi slt, %rem3A_940, %lt3A : i32
        %lt3A_944 = arith.constant 0 : i32
        %lt3A_945 = arith.cmpi slt, %select_n3A_939, %lt3A_944 : i32
        %ne3A_946 = arith.xori %lt3A_943, %lt3A_945 : i1
        %and3A_947 = arith.andi %ne3A_946, %ne3A_942 : i1
        %add3A_948 = arith.addi %rem3A_940, %select_n3A_939 : i32
        %select_n3A_949 = arith.select %and3A_947, %add3A_948, %rem3A_940 : i32
        %mul3A_950 = arith.constant 16 : i32
        %mul3A_951 = arith.muli %select_n3A_949, %mul3A_950 : i32
        %get3A = arith.constant 0 : i32
        %get3A_952 = arith.index_cast %get3A : i32 to index
        %get3A_953 = arith.index_cast %select_n3A_935 : i32 to index
        %get3A_954 = arith.index_cast %mul3A_951 : i32 to index
        %get3A_955 = tpu.vector_load %arg6[%get3A_952, %get3A_953, %get3A_954] {strides = array<i32>} : memref<9x16x128xf32, #tpu.memory_space<vmem>>, vector<1x1x16xf32>,
        %get3A_956 = vector.shape_cast %get3A_955 : vector<1x1x16xf32> to vector<16xf32>
        %get3A_957 = arith.constant 1 : i32
        %get3A_958 = arith.index_cast %get3A_957 : i32 to index
        %get3A_959 = arith.index_cast %select_n3A_935 : i32 to index
        %get3A_960 = arith.index_cast %mul3A_951 : i32 to index
        %get3A_961 = tpu.vector_load %arg6[%get3A_958, %get3A_959, %get3A_960] {strides = array<i32>} : memref<9x16x128xf32, #tpu.memory_space<vmem>>, vector<1x1x16xf32>,
        %get3A_962 = vector.shape_cast %get3A_961 : vector<1x1x16xf32> to vector<16xf32>
        %get3A_963 = arith.constant 2 : i32
        %get3A_964 = arith.index_cast %get3A_963 : i32 to index
        %get3A_965 = arith.index_cast %select_n3A_935 : i32 to index
        %get3A_966 = arith.index_cast %mul3A_951 : i32 to index
        %get3A_967 = tpu.vector_load %arg6[%get3A_964, %get3A_965, %get3A_966] {strides = array<i32>} : memref<9x16x128xf32, #tpu.memory_space<vmem>>, vector<1x1x16xf32>,
        %get3A_968 = vector.shape_cast %get3A_967 : vector<1x1x16xf32> to vector<16xf32>
        %get3A_969 = arith.constant 3 : i32
        %get3A_970 = arith.index_cast %get3A_969 : i32 to index
        %get3A_971 = arith.index_cast %select_n3A_935 : i32 to index
        %get3A_972 = arith.index_cast %mul3A_951 : i32 to index
        %get3A_973 = tpu.vector_load %arg6[%get3A_970, %get3A_971, %get3A_972] {strides = array<i32>} : memref<9x16x128xf32, #tpu.memory_space<vmem>>, vector<1x1x16xf32>,
        %get3A_974 = vector.shape_cast %get3A_973 : vector<1x1x16xf32> to vector<16xf32>
        %get3A_975 = arith.constant 4 : i32
        %get3A_976 = arith.index_cast %get3A_975 : i32 to index
        %get3A_977 = arith.index_cast %select_n3A_935 : i32 to index
        %get3A_978 = arith.index_cast %mul3A_951 : i32 to index
        %get3A_979 = tpu.vector_load %arg6[%get3A_976, %get3A_977, %get3A_978] {strides = array<i32>} : memref<9x16x128xf32, #tpu.memory_space<vmem>>, vector<1x1x16xf32>,
        %get3A_980 = vector.shape_cast %get3A_979 : vector<1x1x16xf32> to vector<16xf32>
        %get3A_981 = arith.constant 5 : i32
        %get3A_982 = arith.index_cast %get3A_981 : i32 to index
        %get3A_983 = arith.index_cast %select_n3A_935 : i32 to index
        %get3A_984 = arith.index_cast %mul3A_951 : i32 to index
        %get3A_985 = tpu.vector_load %arg6[%get3A_982, %get3A_983, %get3A_984] {strides = array<i32>} : memref<9x16x128xf32, #tpu.memory_space<vmem>>, vector<1x1x16xf32>,
        %get3A_986 = vector.shape_cast %get3A_985 : vector<1x1x16xf32> to vector<16xf32>
        %get3A_987 = arith.constant 6 : i32
        %get3A_988 = arith.index_cast %get3A_987 : i32 to index
        %get3A_989 = arith.index_cast %select_n3A_935 : i32 to index
        %get3A_990 = arith.index_cast %mul3A_951 : i32 to index
        %get3A_991 = tpu.vector_load %arg6[%get3A_988, %get3A_989, %get3A_990] {strides = array<i32>} : memref<9x16x128xf32, #tpu.memory_space<vmem>>, vector<1x1x16xf32>,
        %get3A_992 = vector.shape_cast %get3A_991 : vector<1x1x16xf32> to vector<16xf32>
        %get3A_993 = arith.constant 7 : i32
        %get3A_994 = arith.index_cast %get3A_993 : i32 to index
        %get3A_995 = arith.index_cast %select_n3A_935 : i32 to index
        %get3A_996 = arith.index_cast %mul3A_951 : i32 to index
        %get3A_997 = tpu.vector_load %arg6[%get3A_994, %get3A_995, %get3A_996] {strides = array<i32>} : memref<9x16x128xf32, #tpu.memory_space<vmem>>, vector<1x1x16xf32>,
        %get3A_998 = vector.shape_cast %get3A_997 : vector<1x1x16xf32> to vector<16xf32>
        %get3A_999 = arith.constant 8 : i32
        %get3A_1000 = arith.index_cast %get3A_999 : i32 to index
        %get3A_1001 = arith.index_cast %select_n3A_935 : i32 to index
        %get3A_1002 = arith.index_cast %mul3A_951 : i32 to index
        %get3A_1003 = tpu.vector_load %arg6[%get3A_1000, %get3A_1001, %get3A_1002] {strides = array<i32>} : memref<9x16x128xf32, #tpu.memory_space<vmem>>, vector<1x1x16xf32>,
        %get3A_1004 = vector.shape_cast %get3A_1003 : vector<1x1x16xf32> to vector<16xf32>
        %get3A_1005 = arith.constant 0 : i32
        %get3A_1006 = arith.index_cast %get3A_1005 : i32 to index
        %get3A_1007 = arith.index_cast %select_n3A_935 : i32 to index
        %get3A_1008 = arith.index_cast %mul3A_951 : i32 to index
        %get3A_1009 = tpu.vector_load %arg7[%get3A_1006, %get3A_1007, %get3A_1008] {strides = array<i32>} : memref<9x16x128xf32, #tpu.memory_space<vmem>>, vector<1x1x16xf32>,
        %get3A_1010 = vector.shape_cast %get3A_1009 : vector<1x1x16xf32> to vector<16xf32>
        %get3A_1011 = arith.constant 1 : i32
        %get3A_1012 = arith.index_cast %get3A_1011 : i32 to index
        %get3A_1013 = arith.index_cast %select_n3A_935 : i32 to index
        %get3A_1014 = arith.index_cast %mul3A_951 : i32 to index
        %get3A_1015 = tpu.vector_load %arg7[%get3A_1012, %get3A_1013, %get3A_1014] {strides = array<i32>} : memref<9x16x128xf32, #tpu.memory_space<vmem>>, vector<1x1x16xf32>,
        %get3A_1016 = vector.shape_cast %get3A_1015 : vector<1x1x16xf32> to vector<16xf32>
        %get3A_1017 = arith.constant 2 : i32
        %get3A_1018 = arith.index_cast %get3A_1017 : i32 to index
        %get3A_1019 = arith.index_cast %select_n3A_935 : i32 to index
        %get3A_1020 = arith.index_cast %mul3A_951 : i32 to index
        %get3A_1021 = tpu.vector_load %arg7[%get3A_1018, %get3A_1019, %get3A_1020] {strides = array<i32>} : memref<9x16x128xf32, #tpu.memory_space<vmem>>, vector<1x1x16xf32>,
        %get3A_1022 = vector.shape_cast %get3A_1021 : vector<1x1x16xf32> to vector<16xf32>
        %get3A_1023 = arith.constant 3 : i32
        %get3A_1024 = arith.index_cast %get3A_1023 : i32 to index
        %get3A_1025 = arith.index_cast %select_n3A_935 : i32 to index
        %get3A_1026 = arith.index_cast %mul3A_951 : i32 to index
        %get3A_1027 = tpu.vector_load %arg7[%get3A_1024, %get3A_1025, %get3A_1026] {strides = array<i32>} : memref<9x16x128xf32, #tpu.memory_space<vmem>>, vector<1x1x16xf32>,
        %get3A_1028 = vector.shape_cast %get3A_1027 : vector<1x1x16xf32> to vector<16xf32>
        %get3A_1029 = arith.constant 4 : i32
        %get3A_1030 = arith.index_cast %get3A_1029 : i32 to index
        %get3A_1031 = arith.index_cast %select_n3A_935 : i32 to index
        %get3A_1032 = arith.index_cast %mul3A_951 : i32 to index
        %get3A_1033 = tpu.vector_load %arg7[%get3A_1030, %get3A_1031, %get3A_1032] {strides = array<i32>} : memref<9x16x128xf32, #tpu.memory_space<vmem>>, vector<1x1x16xf32>,
        %get3A_1034 = vector.shape_cast %get3A_1033 : vector<1x1x16xf32> to vector<16xf32>
        %get3A_1035 = arith.constant 5 : i32
        %get3A_1036 = arith.index_cast %get3A_1035 : i32 to index
        %get3A_1037 = arith.index_cast %select_n3A_935 : i32 to index
        %get3A_1038 = arith.index_cast %mul3A_951 : i32 to index
        %get3A_1039 = tpu.vector_load %arg7[%get3A_1036, %get3A_1037, %get3A_1038] {strides = array<i32>} : memref<9x16x128xf32, #tpu.memory_space<vmem>>, vector<1x1x16xf32>,
        %get3A_1040 = vector.shape_cast %get3A_1039 : vector<1x1x16xf32> to vector<16xf32>
        %get3A_1041 = arith.constant 6 : i32
        %get3A_1042 = arith.index_cast %get3A_1041 : i32 to index
        %get3A_1043 = arith.index_cast %select_n3A_935 : i32 to index
        %get3A_1044 = arith.index_cast %mul3A_951 : i32 to index
        %get3A_1045 = tpu.vector_load %arg7[%get3A_1042, %get3A_1043, %get3A_1044] {strides = array<i32>} : memref<9x16x128xf32, #tpu.memory_space<vmem>>, vector<1x1x16xf32>,
        %get3A_1046 = vector.shape_cast %get3A_1045 : vector<1x1x16xf32> to vector<16xf32>
        %get3A_1047 = arith.constant 7 : i32
        %get3A_1048 = arith.index_cast %get3A_1047 : i32 to index
        %get3A_1049 = arith.index_cast %select_n3A_935 : i32 to index
        %get3A_1050 = arith.index_cast %mul3A_951 : i32 to index
        %get3A_1051 = tpu.vector_load %arg7[%get3A_1048, %get3A_1049, %get3A_1050] {strides = array<i32>} : memref<9x16x128xf32, #tpu.memory_space<vmem>>, vector<1x1x16xf32>,
        %get3A_1052 = vector.shape_cast %get3A_1051 : vector<1x1x16xf32> to vector<16xf32>
        %get3A_1053 = arith.constant 8 : i32
        %get3A_1054 = arith.index_cast %get3A_1053 : i32 to index
        %get3A_1055 = arith.index_cast %select_n3A_935 : i32 to index
        %get3A_1056 = arith.index_cast %mul3A_951 : i32 to index
        %get3A_1057 = tpu.vector_load %arg7[%get3A_1054, %get3A_1055, %get3A_1056] {strides = array<i32>} : memref<9x16x128xf32, #tpu.memory_space<vmem>>, vector<1x1x16xf32>,
        %get3A_1058 = vector.shape_cast %get3A_1057 : vector<1x1x16xf32> to vector<16xf32>
        %mul3A_1059 = arith.mulf %get3A_956, %get3A_1010 : vector<16xf32>
        %get3A_1060 = arith.constant 0 : i32
        %get3A_1061 = arith.index_cast %get3A_1060 : i32 to index
        %get3A_1062 = arith.constant 0 : index
        %get3A_1063 = tpu.vector_load %arg9[%get3A_1061, %get3A_1062] {strides = array<i32>} : memref<45x16xf32, #tpu.memory_space<vmem>>, vector<1x16xf32>,
        %get3A_1064 = vector.shape_cast %get3A_1063 : vector<1x16xf32> to vector<16xf32>
        %mul3A_1065 = arith.mulf %mul3A_1059, %get3A_1064 : vector<16xf32>
        %mul3A_1066 = arith.mulf %get3A_956, %get3A_1016 : vector<16xf32>
        %get3A_1067 = arith.constant 1 : i32
        %get3A_1068 = arith.index_cast %get3A_1067 : i32 to index
        %get3A_1069 = arith.constant 0 : index
        %get3A_1070 = tpu.vector_load %arg9[%get3A_1068, %get3A_1069] {strides = array<i32>} : memref<45x16xf32, #tpu.memory_space<vmem>>, vector<1x16xf32>,
        %get3A_1071 = vector.shape_cast %get3A_1070 : vector<1x16xf32> to vector<16xf32>
        %mul3A_1072 = arith.mulf %mul3A_1066, %get3A_1071 : vector<16xf32>
        %mul3A_1073 = arith.mulf %get3A_962, %get3A_1010 : vector<16xf32>
        %get3A_1074 = arith.constant 2 : i32
        %get3A_1075 = arith.index_cast %get3A_1074 : i32 to index
        %get3A_1076 = arith.constant 0 : index
        %get3A_1077 = tpu.vector_load %arg9[%get3A_1075, %get3A_1076] {strides = array<i32>} : memref<45x16xf32, #tpu.memory_space<vmem>>, vector<1x16xf32>,
        %get3A_1078 = vector.shape_cast %get3A_1077 : vector<1x16xf32> to vector<16xf32>
        %mul3A_1079 = arith.mulf %mul3A_1073, %get3A_1078 : vector<16xf32>
        %add3A_1080 = arith.addf %mul3A_1072, %mul3A_1079 : vector<16xf32>
        %mul3A_1081 = arith.mulf %get3A_956, %get3A_1022 : vector<16xf32>
        %get3A_1082 = arith.constant 3 : i32
        %get3A_1083 = arith.index_cast %get3A_1082 : i32 to index
        %get3A_1084 = arith.constant 0 : index
        %get3A_1085 = tpu.vector_load %arg9[%get3A_1083, %get3A_1084] {strides = array<i32>} : memref<45x16xf32, #tpu.memory_space<vmem>>, vector<1x16xf32>,
        %get3A_1086 = vector.shape_cast %get3A_1085 : vector<1x16xf32> to vector<16xf32>
        %mul3A_1087 = arith.mulf %mul3A_1081, %get3A_1086 : vector<16xf32>
        %mul3A_1088 = arith.mulf %get3A_962, %get3A_1016 : vector<16xf32>
        %get3A_1089 = arith.constant 4 : i32
        %get3A_1090 = arith.index_cast %get3A_1089 : i32 to index
        %get3A_1091 = arith.constant 0 : index
        %get3A_1092 = tpu.vector_load %arg9[%get3A_1090, %get3A_1091] {strides = array<i32>} : memref<45x16xf32, #tpu.memory_space<vmem>>, vector<1x16xf32>,
        %get3A_1093 = vector.shape_cast %get3A_1092 : vector<1x16xf32> to vector<16xf32>
        %mul3A_1094 = arith.mulf %mul3A_1088, %get3A_1093 : vector<16xf32>
        %add3A_1095 = arith.addf %mul3A_1087, %mul3A_1094 : vector<16xf32>
        %mul3A_1096 = arith.mulf %get3A_968, %get3A_1010 : vector<16xf32>
        %get3A_1097 = arith.constant 5 : i32
        %get3A_1098 = arith.index_cast %get3A_1097 : i32 to index
        %get3A_1099 = arith.constant 0 : index
        %get3A_1100 = tpu.vector_load %arg9[%get3A_1098, %get3A_1099] {strides = array<i32>} : memref<45x16xf32, #tpu.memory_space<vmem>>, vector<1x16xf32>,
        %get3A_1101 = vector.shape_cast %get3A_1100 : vector<1x16xf32> to vector<16xf32>
        %mul3A_1102 = arith.mulf %mul3A_1096, %get3A_1101 : vector<16xf32>
        %add3A_1103 = arith.addf %add3A_1095, %mul3A_1102 : vector<16xf32>
        %mul3A_1104 = arith.mulf %get3A_956, %get3A_1028 : vector<16xf32>
        %get3A_1105 = arith.constant 6 : i32
        %get3A_1106 = arith.index_cast %get3A_1105 : i32 to index
        %get3A_1107 = arith.constant 0 : index
        %get3A_1108 = tpu.vector_load %arg9[%get3A_1106, %get3A_1107] {strides = array<i32>} : memref<45x16xf32, #tpu.memory_space<vmem>>, vector<1x16xf32>,
        %get3A_1109 = vector.shape_cast %get3A_1108 : vector<1x16xf32> to vector<16xf32>
        %mul3A_1110 = arith.mulf %mul3A_1104, %get3A_1109 : vector<16xf32>
        %mul3A_1111 = arith.mulf %get3A_962, %get3A_1022 : vector<16xf32>
        %get3A_1112 = arith.constant 7 : i32
        %get3A_1113 = arith.index_cast %get3A_1112 : i32 to index
        %get3A_1114 = arith.constant 0 : index
        %get3A_1115 = tpu.vector_load %arg9[%get3A_1113, %get3A_1114] {strides = array<i32>} : memref<45x16xf32, #tpu.memory_space<vmem>>, vector<1x16xf32>,
        %get3A_1116 = vector.shape_cast %get3A_1115 : vector<1x16xf32> to vector<16xf32>
        %mul3A_1117 = arith.mulf %mul3A_1111, %get3A_1116 : vector<16xf32>
        %add3A_1118 = arith.addf %mul3A_1110, %mul3A_1117 : vector<16xf32>
        %mul3A_1119 = arith.mulf %get3A_968, %get3A_1016 : vector<16xf32>
        %get3A_1120 = arith.constant 8 : i32
        %get3A_1121 = arith.index_cast %get3A_1120 : i32 to index
        %get3A_1122 = arith.constant 0 : index
        %get3A_1123 = tpu.vector_load %arg9[%get3A_1121, %get3A_1122] {strides = array<i32>} : memref<45x16xf32, #tpu.memory_space<vmem>>, vector<1x16xf32>,
        %get3A_1124 = vector.shape_cast %get3A_1123 : vector<1x16xf32> to vector<16xf32>
        %mul3A_1125 = arith.mulf %mul3A_1119, %get3A_1124 : vector<16xf32>
        %add3A_1126 = arith.addf %add3A_1118, %mul3A_1125 : vector<16xf32>
        %mul3A_1127 = arith.mulf %get3A_974, %get3A_1010 : vector<16xf32>
        %get3A_1128 = arith.constant 9 : i32
        %get3A_1129 = arith.index_cast %get3A_1128 : i32 to index
        %get3A_1130 = arith.constant 0 : index
        %get3A_1131 = tpu.vector_load %arg9[%get3A_1129, %get3A_1130] {strides = array<i32>} : memref<45x16xf32, #tpu.memory_space<vmem>>, vector<1x16xf32>,
        %get3A_1132 = vector.shape_cast %get3A_1131 : vector<1x16xf32> to vector<16xf32>
        %mul3A_1133 = arith.mulf %mul3A_1127, %get3A_1132 : vector<16xf32>
        %add3A_1134 = arith.addf %add3A_1126, %mul3A_1133 : vector<16xf32>
        %mul3A_1135 = arith.mulf %get3A_956, %get3A_1034 : vector<16xf32>
        %get3A_1136 = arith.constant 10 : i32
        %get3A_1137 = arith.index_cast %get3A_1136 : i32 to index
        %get3A_1138 = arith.constant 0 : index
        %get3A_1139 = tpu.vector_load %arg9[%get3A_1137, %get3A_1138] {strides = array<i32>} : memref<45x16xf32, #tpu.memory_space<vmem>>, vector<1x16xf32>,
        %get3A_1140 = vector.shape_cast %get3A_1139 : vector<1x16xf32> to vector<16xf32>
        %mul3A_1141 = arith.mulf %mul3A_1135, %get3A_1140 : vector<16xf32>
        %mul3A_1142 = arith.mulf %get3A_962, %get3A_1028 : vector<16xf32>
        %get3A_1143 = arith.constant 11 : i32
        %get3A_1144 = arith.index_cast %get3A_1143 : i32 to index
        %get3A_1145 = arith.constant 0 : index
        %get3A_1146 = tpu.vector_load %arg9[%get3A_1144, %get3A_1145] {strides = array<i32>} : memref<45x16xf32, #tpu.memory_space<vmem>>, vector<1x16xf32>,
        %get3A_1147 = vector.shape_cast %get3A_1146 : vector<1x16xf32> to vector<16xf32>
        %mul3A_1148 = arith.mulf %mul3A_1142, %get3A_1147 : vector<16xf32>
        %add3A_1149 = arith.addf %mul3A_1141, %mul3A_1148 : vector<16xf32>
        %mul3A_1150 = arith.mulf %get3A_968, %get3A_1022 : vector<16xf32>
        %get3A_1151 = arith.constant 12 : i32
        %get3A_1152 = arith.index_cast %get3A_1151 : i32 to index
        %get3A_1153 = arith.constant 0 : index
        %get3A_1154 = tpu.vector_load %arg9[%get3A_1152, %get3A_1153] {strides = array<i32>} : memref<45x16xf32, #tpu.memory_space<vmem>>, vector<1x16xf32>,
        %get3A_1155 = vector.shape_cast %get3A_1154 : vector<1x16xf32> to vector<16xf32>
        %mul3A_1156 = arith.mulf %mul3A_1150, %get3A_1155 : vector<16xf32>
        %add3A_1157 = arith.addf %add3A_1149, %mul3A_1156 : vector<16xf32>
        %mul3A_1158 = arith.mulf %get3A_974, %get3A_1016 : vector<16xf32>
        %get3A_1159 = arith.constant 13 : i32
        %get3A_1160 = arith.index_cast %get3A_1159 : i32 to index
        %get3A_1161 = arith.constant 0 : index
        %get3A_1162 = tpu.vector_load %arg9[%get3A_1160, %get3A_1161] {strides = array<i32>} : memref<45x16xf32, #tpu.memory_space<vmem>>, vector<1x16xf32>,
        %get3A_1163 = vector.shape_cast %get3A_1162 : vector<1x16xf32> to vector<16xf32>
        %mul3A_1164 = arith.mulf %mul3A_1158, %get3A_1163 : vector<16xf32>
        %add3A_1165 = arith.addf %add3A_1157, %mul3A_1164 : vector<16xf32>
        %mul3A_1166 = arith.mulf %get3A_980, %get3A_1010 : vector<16xf32>
        %get3A_1167 = arith.constant 14 : i32
        %get3A_1168 = arith.index_cast %get3A_1167 : i32 to index
        %get3A_1169 = arith.constant 0 : index
        %get3A_1170 = tpu.vector_load %arg9[%get3A_1168, %get3A_1169] {strides = array<i32>} : memref<45x16xf32, #tpu.memory_space<vmem>>, vector<1x16xf32>,
        %get3A_1171 = vector.shape_cast %get3A_1170 : vector<1x16xf32> to vector<16xf32>
        %mul3A_1172 = arith.mulf %mul3A_1166, %get3A_1171 : vector<16xf32>
        %add3A_1173 = arith.addf %add3A_1165, %mul3A_1172 : vector<16xf32>
        %mul3A_1174 = arith.mulf %get3A_956, %get3A_1040 : vector<16xf32>
        %get3A_1175 = arith.constant 15 : i32
        %get3A_1176 = arith.index_cast %get3A_1175 : i32 to index
        %get3A_1177 = arith.constant 0 : index
        %get3A_1178 = tpu.vector_load %arg9[%get3A_1176, %get3A_1177] {strides = array<i32>} : memref<45x16xf32, #tpu.memory_space<vmem>>, vector<1x16xf32>,
        %get3A_1179 = vector.shape_cast %get3A_1178 : vector<1x16xf32> to vector<16xf32>
        %mul3A_1180 = arith.mulf %mul3A_1174, %get3A_1179 : vector<16xf32>
        %mul3A_1181 = arith.mulf %get3A_962, %get3A_1034 : vector<16xf32>
        %get3A_1182 = arith.constant 16 : i32
        %get3A_1183 = arith.index_cast %get3A_1182 : i32 to index
        %get3A_1184 = arith.constant 0 : index
        %get3A_1185 = tpu.vector_load %arg9[%get3A_1183, %get3A_1184] {strides = array<i32>} : memref<45x16xf32, #tpu.memory_space<vmem>>, vector<1x16xf32>,
        %get3A_1186 = vector.shape_cast %get3A_1185 : vector<1x16xf32> to vector<16xf32>
        %mul3A_1187 = arith.mulf %mul3A_1181, %get3A_1186 : vector<16xf32>
        %add3A_1188 = arith.addf %mul3A_1180, %mul3A_1187 : vector<16xf32>
        %mul3A_1189 = arith.mulf %get3A_968, %get3A_1028 : vector<16xf32>
        %get3A_1190 = arith.constant 17 : i32
        %get3A_1191 = arith.index_cast %get3A_1190 : i32 to index
        %get3A_1192 = arith.constant 0 : index
        %get3A_1193 = tpu.vector_load %arg9[%get3A_1191, %get3A_1192] {strides = array<i32>} : memref<45x16xf32, #tpu.memory_space<vmem>>, vector<1x16xf32>,
        %get3A_1194 = vector.shape_cast %get3A_1193 : vector<1x16xf32> to vector<16xf32>
        %mul3A_1195 = arith.mulf %mul3A_1189, %get3A_1194 : vector<16xf32>
        %add3A_1196 = arith.addf %add3A_1188, %mul3A_1195 : vector<16xf32>
        %mul3A_1197 = arith.mulf %get3A_974, %get3A_1022 : vector<16xf32>
        %get3A_1198 = arith.constant 18 : i32
        %get3A_1199 = arith.index_cast %get3A_1198 : i32 to index
        %get3A_1200 = arith.constant 0 : index
        %get3A_1201 = tpu.vector_load %arg9[%get3A_1199, %get3A_1200] {strides = array<i32>} : memref<45x16xf32, #tpu.memory_space<vmem>>, vector<1x16xf32>,
        %get3A_1202 = vector.shape_cast %get3A_1201 : vector<1x16xf32> to vector<16xf32>
        %mul3A_1203 = arith.mulf %mul3A_1197, %get3A_1202 : vector<16xf32>
        %add3A_1204 = arith.addf %add3A_1196, %mul3A_1203 : vector<16xf32>
        %mul3A_1205 = arith.mulf %get3A_980, %get3A_1016 : vector<16xf32>
        %get3A_1206 = arith.constant 19 : i32
        %get3A_1207 = arith.index_cast %get3A_1206 : i32 to index
        %get3A_1208 = arith.constant 0 : index
        %get3A_1209 = tpu.vector_load %arg9[%get3A_1207, %get3A_1208] {strides = array<i32>} : memref<45x16xf32, #tpu.memory_space<vmem>>, vector<1x16xf32>,
        %get3A_1210 = vector.shape_cast %get3A_1209 : vector<1x16xf32> to vector<16xf32>
        %mul3A_1211 = arith.mulf %mul3A_1205, %get3A_1210 : vector<16xf32>
        %add3A_1212 = arith.addf %add3A_1204, %mul3A_1211 : vector<16xf32>
        %mul3A_1213 = arith.mulf %get3A_986, %get3A_1010 : vector<16xf32>
        %get3A_1214 = arith.constant 20 : i32
        %get3A_1215 = arith.index_cast %get3A_1214 : i32 to index
        %get3A_1216 = arith.constant 0 : index
        %get3A_1217 = tpu.vector_load %arg9[%get3A_1215, %get3A_1216] {strides = array<i32>} : memref<45x16xf32, #tpu.memory_space<vmem>>, vector<1x16xf32>,
        %get3A_1218 = vector.shape_cast %get3A_1217 : vector<1x16xf32> to vector<16xf32>
        %mul3A_1219 = arith.mulf %mul3A_1213, %get3A_1218 : vector<16xf32>
        %add3A_1220 = arith.addf %add3A_1212, %mul3A_1219 : vector<16xf32>
        %mul3A_1221 = arith.mulf %get3A_956, %get3A_1046 : vector<16xf32>
        %get3A_1222 = arith.constant 21 : i32
        %get3A_1223 = arith.index_cast %get3A_1222 : i32 to index
        %get3A_1224 = arith.constant 0 : index
        %get3A_1225 = tpu.vector_load %arg9[%get3A_1223, %get3A_1224] {strides = array<i32>} : memref<45x16xf32, #tpu.memory_space<vmem>>, vector<1x16xf32>,
        %get3A_1226 = vector.shape_cast %get3A_1225 : vector<1x16xf32> to vector<16xf32>
        %mul3A_1227 = arith.mulf %mul3A_1221, %get3A_1226 : vector<16xf32>
        %mul3A_1228 = arith.mulf %get3A_962, %get3A_1040 : vector<16xf32>
        %get3A_1229 = arith.constant 22 : i32
        %get3A_1230 = arith.index_cast %get3A_1229 : i32 to index
        %get3A_1231 = arith.constant 0 : index
        %get3A_1232 = tpu.vector_load %arg9[%get3A_1230, %get3A_1231] {strides = array<i32>} : memref<45x16xf32, #tpu.memory_space<vmem>>, vector<1x16xf32>,
        %get3A_1233 = vector.shape_cast %get3A_1232 : vector<1x16xf32> to vector<16xf32>
        %mul3A_1234 = arith.mulf %mul3A_1228, %get3A_1233 : vector<16xf32>
        %add3A_1235 = arith.addf %mul3A_1227, %mul3A_1234 : vector<16xf32>
        %mul3A_1236 = arith.mulf %get3A_968, %get3A_1034 : vector<16xf32>
        %get3A_1237 = arith.constant 23 : i32
        %get3A_1238 = arith.index_cast %get3A_1237 : i32 to index
        %get3A_1239 = arith.constant 0 : index
        %get3A_1240 = tpu.vector_load %arg9[%get3A_1238, %get3A_1239] {strides = array<i32>} : memref<45x16xf32, #tpu.memory_space<vmem>>, vector<1x16xf32>,
        %get3A_1241 = vector.shape_cast %get3A_1240 : vector<1x16xf32> to vector<16xf32>
        %mul3A_1242 = arith.mulf %mul3A_1236, %get3A_1241 : vector<16xf32>
        %add3A_1243 = arith.addf %add3A_1235, %mul3A_1242 : vector<16xf32>
        %mul3A_1244 = arith.mulf %get3A_974, %get3A_1028 : vector<16xf32>
        %get3A_1245 = arith.constant 24 : i32
        %get3A_1246 = arith.index_cast %get3A_1245 : i32 to index
        %get3A_1247 = arith.constant 0 : index
        %get3A_1248 = tpu.vector_load %arg9[%get3A_1246, %get3A_1247] {strides = array<i32>} : memref<45x16xf32, #tpu.memory_space<vmem>>, vector<1x16xf32>,
        %get3A_1249 = vector.shape_cast %get3A_1248 : vector<1x16xf32> to vector<16xf32>
        %mul3A_1250 = arith.mulf %mul3A_1244, %get3A_1249 : vector<16xf32>
        %add3A_1251 = arith.addf %add3A_1243, %mul3A_1250 : vector<16xf32>
        %mul3A_1252 = arith.mulf %get3A_980, %get3A_1022 : vector<16xf32>
        %get3A_1253 = arith.constant 25 : i32
        %get3A_1254 = arith.index_cast %get3A_1253 : i32 to index
        %get3A_1255 = arith.constant 0 : index
        %get3A_1256 = tpu.vector_load %arg9[%get3A_1254, %get3A_1255] {strides = array<i32>} : memref<45x16xf32, #tpu.memory_space<vmem>>, vector<1x16xf32>,
        %get3A_1257 = vector.shape_cast %get3A_1256 : vector<1x16xf32> to vector<16xf32>
        %mul3A_1258 = arith.mulf %mul3A_1252, %get3A_1257 : vector<16xf32>
        %add3A_1259 = arith.addf %add3A_1251, %mul3A_1258 : vector<16xf32>
        %mul3A_1260 = arith.mulf %get3A_986, %get3A_1016 : vector<16xf32>
        %get3A_1261 = arith.constant 26 : i32
        %get3A_1262 = arith.index_cast %get3A_1261 : i32 to index
        %get3A_1263 = arith.constant 0 : index
        %get3A_1264 = tpu.vector_load %arg9[%get3A_1262, %get3A_1263] {strides = array<i32>} : memref<45x16xf32, #tpu.memory_space<vmem>>, vector<1x16xf32>,
        %get3A_1265 = vector.shape_cast %get3A_1264 : vector<1x16xf32> to vector<16xf32>
        %mul3A_1266 = arith.mulf %mul3A_1260, %get3A_1265 : vector<16xf32>
        %add3A_1267 = arith.addf %add3A_1259, %mul3A_1266 : vector<16xf32>
        %mul3A_1268 = arith.mulf %get3A_992, %get3A_1010 : vector<16xf32>
        %get3A_1269 = arith.constant 27 : i32
        %get3A_1270 = arith.index_cast %get3A_1269 : i32 to index
        %get3A_1271 = arith.constant 0 : index
        %get3A_1272 = tpu.vector_load %arg9[%get3A_1270, %get3A_1271] {strides = array<i32>} : memref<45x16xf32, #tpu.memory_space<vmem>>, vector<1x16xf32>,
        %get3A_1273 = vector.shape_cast %get3A_1272 : vector<1x16xf32> to vector<16xf32>
        %mul3A_1274 = arith.mulf %mul3A_1268, %get3A_1273 : vector<16xf32>
        %add3A_1275 = arith.addf %add3A_1267, %mul3A_1274 : vector<16xf32>
        %mul3A_1276 = arith.mulf %get3A_956, %get3A_1052 : vector<16xf32>
        %get3A_1277 = arith.constant 28 : i32
        %get3A_1278 = arith.index_cast %get3A_1277 : i32 to index
        %get3A_1279 = arith.constant 0 : index
        %get3A_1280 = tpu.vector_load %arg9[%get3A_1278, %get3A_1279] {strides = array<i32>} : memref<45x16xf32, #tpu.memory_space<vmem>>, vector<1x16xf32>,
        %get3A_1281 = vector.shape_cast %get3A_1280 : vector<1x16xf32> to vector<16xf32>
        %mul3A_1282 = arith.mulf %mul3A_1276, %get3A_1281 : vector<16xf32>
        %mul3A_1283 = arith.mulf %get3A_962, %get3A_1046 : vector<16xf32>
        %get3A_1284 = arith.constant 29 : i32
        %get3A_1285 = arith.index_cast %get3A_1284 : i32 to index
        %get3A_1286 = arith.constant 0 : index
        %get3A_1287 = tpu.vector_load %arg9[%get3A_1285, %get3A_1286] {strides = array<i32>} : memref<45x16xf32, #tpu.memory_space<vmem>>, vector<1x16xf32>,
        %get3A_1288 = vector.shape_cast %get3A_1287 : vector<1x16xf32> to vector<16xf32>
        %mul3A_1289 = arith.mulf %mul3A_1283, %get3A_1288 : vector<16xf32>
        %add3A_1290 = arith.addf %mul3A_1282, %mul3A_1289 : vector<16xf32>
        %mul3A_1291 = arith.mulf %get3A_968, %get3A_1040 : vector<16xf32>
        %get3A_1292 = arith.constant 30 : i32
        %get3A_1293 = arith.index_cast %get3A_1292 : i32 to index
        %get3A_1294 = arith.constant 0 : index
        %get3A_1295 = tpu.vector_load %arg9[%get3A_1293, %get3A_1294] {strides = array<i32>} : memref<45x16xf32, #tpu.memory_space<vmem>>, vector<1x16xf32>,
        %get3A_1296 = vector.shape_cast %get3A_1295 : vector<1x16xf32> to vector<16xf32>
        %mul3A_1297 = arith.mulf %mul3A_1291, %get3A_1296 : vector<16xf32>
        %add3A_1298 = arith.addf %add3A_1290, %mul3A_1297 : vector<16xf32>
        %mul3A_1299 = arith.mulf %get3A_974, %get3A_1034 : vector<16xf32>
        %get3A_1300 = arith.constant 31 : i32
        %get3A_1301 = arith.index_cast %get3A_1300 : i32 to index
        %get3A_1302 = arith.constant 0 : index
        %get3A_1303 = tpu.vector_load %arg9[%get3A_1301, %get3A_1302] {strides = array<i32>} : memref<45x16xf32, #tpu.memory_space<vmem>>, vector<1x16xf32>,
        %get3A_1304 = vector.shape_cast %get3A_1303 : vector<1x16xf32> to vector<16xf32>
        %mul3A_1305 = arith.mulf %mul3A_1299, %get3A_1304 : vector<16xf32>
        %add3A_1306 = arith.addf %add3A_1298, %mul3A_1305 : vector<16xf32>
        %mul3A_1307 = arith.mulf %get3A_980, %get3A_1028 : vector<16xf32>
        %get3A_1308 = arith.constant 32 : i32
        %get3A_1309 = arith.index_cast %get3A_1308 : i32 to index
        %get3A_1310 = arith.constant 0 : index
        %get3A_1311 = tpu.vector_load %arg9[%get3A_1309, %get3A_1310] {strides = array<i32>} : memref<45x16xf32, #tpu.memory_space<vmem>>, vector<1x16xf32>,
        %get3A_1312 = vector.shape_cast %get3A_1311 : vector<1x16xf32> to vector<16xf32>
        %mul3A_1313 = arith.mulf %mul3A_1307, %get3A_1312 : vector<16xf32>
        %add3A_1314 = arith.addf %add3A_1306, %mul3A_1313 : vector<16xf32>
        %mul3A_1315 = arith.mulf %get3A_986, %get3A_1022 : vector<16xf32>
        %get3A_1316 = arith.constant 33 : i32
        %get3A_1317 = arith.index_cast %get3A_1316 : i32 to index
        %get3A_1318 = arith.constant 0 : index
        %get3A_1319 = tpu.vector_load %arg9[%get3A_1317, %get3A_1318] {strides = array<i32>} : memref<45x16xf32, #tpu.memory_space<vmem>>, vector<1x16xf32>,
        %get3A_1320 = vector.shape_cast %get3A_1319 : vector<1x16xf32> to vector<16xf32>
        %mul3A_1321 = arith.mulf %mul3A_1315, %get3A_1320 : vector<16xf32>
        %add3A_1322 = arith.addf %add3A_1314, %mul3A_1321 : vector<16xf32>
        %mul3A_1323 = arith.mulf %get3A_992, %get3A_1016 : vector<16xf32>
        %get3A_1324 = arith.constant 34 : i32
        %get3A_1325 = arith.index_cast %get3A_1324 : i32 to index
        %get3A_1326 = arith.constant 0 : index
        %get3A_1327 = tpu.vector_load %arg9[%get3A_1325, %get3A_1326] {strides = array<i32>} : memref<45x16xf32, #tpu.memory_space<vmem>>, vector<1x16xf32>,
        %get3A_1328 = vector.shape_cast %get3A_1327 : vector<1x16xf32> to vector<16xf32>
        %mul3A_1329 = arith.mulf %mul3A_1323, %get3A_1328 : vector<16xf32>
        %add3A_1330 = arith.addf %add3A_1322, %mul3A_1329 : vector<16xf32>
        %mul3A_1331 = arith.mulf %get3A_998, %get3A_1010 : vector<16xf32>
        %get3A_1332 = arith.constant 35 : i32
        %get3A_1333 = arith.index_cast %get3A_1332 : i32 to index
        %get3A_1334 = arith.constant 0 : index
        %get3A_1335 = tpu.vector_load %arg9[%get3A_1333, %get3A_1334] {strides = array<i32>} : memref<45x16xf32, #tpu.memory_space<vmem>>, vector<1x16xf32>,
        %get3A_1336 = vector.shape_cast %get3A_1335 : vector<1x16xf32> to vector<16xf32>
        %mul3A_1337 = arith.mulf %mul3A_1331, %get3A_1336 : vector<16xf32>
        %add3A_1338 = arith.addf %add3A_1330, %mul3A_1337 : vector<16xf32>
        %mul3A_1339 = arith.mulf %get3A_956, %get3A_1058 : vector<16xf32>
        %get3A_1340 = arith.constant 36 : i32
        %get3A_1341 = arith.index_cast %get3A_1340 : i32 to index
        %get3A_1342 = arith.constant 0 : index
        %get3A_1343 = tpu.vector_load %arg9[%get3A_1341, %get3A_1342] {strides = array<i32>} : memref<45x16xf32, #tpu.memory_space<vmem>>, vector<1x16xf32>,
        %get3A_1344 = vector.shape_cast %get3A_1343 : vector<1x16xf32> to vector<16xf32>
        %mul3A_1345 = arith.mulf %mul3A_1339, %get3A_1344 : vector<16xf32>
        %mul3A_1346 = arith.mulf %get3A_962, %get3A_1052 : vector<16xf32>
        %get3A_1347 = arith.constant 37 : i32
        %get3A_1348 = arith.index_cast %get3A_1347 : i32 to index
        %get3A_1349 = arith.constant 0 : index
        %get3A_1350 = tpu.vector_load %arg9[%get3A_1348, %get3A_1349] {strides = array<i32>} : memref<45x16xf32, #tpu.memory_space<vmem>>, vector<1x16xf32>,
        %get3A_1351 = vector.shape_cast %get3A_1350 : vector<1x16xf32> to vector<16xf32>
        %mul3A_1352 = arith.mulf %mul3A_1346, %get3A_1351 : vector<16xf32>
        %add3A_1353 = arith.addf %mul3A_1345, %mul3A_1352 : vector<16xf32>
        %mul3A_1354 = arith.mulf %get3A_968, %get3A_1046 : vector<16xf32>
        %get3A_1355 = arith.constant 38 : i32
        %get3A_1356 = arith.index_cast %get3A_1355 : i32 to index
        %get3A_1357 = arith.constant 0 : index
        %get3A_1358 = tpu.vector_load %arg9[%get3A_1356, %get3A_1357] {strides = array<i32>} : memref<45x16xf32, #tpu.memory_space<vmem>>, vector<1x16xf32>,
        %get3A_1359 = vector.shape_cast %get3A_1358 : vector<1x16xf32> to vector<16xf32>
        %mul3A_1360 = arith.mulf %mul3A_1354, %get3A_1359 : vector<16xf32>
        %add3A_1361 = arith.addf %add3A_1353, %mul3A_1360 : vector<16xf32>
        %mul3A_1362 = arith.mulf %get3A_974, %get3A_1040 : vector<16xf32>
        %get3A_1363 = arith.constant 39 : i32
        %get3A_1364 = arith.index_cast %get3A_1363 : i32 to index
        %get3A_1365 = arith.constant 0 : index
        %get3A_1366 = tpu.vector_load %arg9[%get3A_1364, %get3A_1365] {strides = array<i32>} : memref<45x16xf32, #tpu.memory_space<vmem>>, vector<1x16xf32>,
        %get3A_1367 = vector.shape_cast %get3A_1366 : vector<1x16xf32> to vector<16xf32>
        %mul3A_1368 = arith.mulf %mul3A_1362, %get3A_1367 : vector<16xf32>
        %add3A_1369 = arith.addf %add3A_1361, %mul3A_1368 : vector<16xf32>
        %mul3A_1370 = arith.mulf %get3A_980, %get3A_1034 : vector<16xf32>
        %get3A_1371 = arith.constant 40 : i32
        %get3A_1372 = arith.index_cast %get3A_1371 : i32 to index
        %get3A_1373 = arith.constant 0 : index
        %get3A_1374 = tpu.vector_load %arg9[%get3A_1372, %get3A_1373] {strides = array<i32>} : memref<45x16xf32, #tpu.memory_space<vmem>>, vector<1x16xf32>,
        %get3A_1375 = vector.shape_cast %get3A_1374 : vector<1x16xf32> to vector<16xf32>
        %mul3A_1376 = arith.mulf %mul3A_1370, %get3A_1375 : vector<16xf32>
        %add3A_1377 = arith.addf %add3A_1369, %mul3A_1376 : vector<16xf32>
        %mul3A_1378 = arith.mulf %get3A_986, %get3A_1028 : vector<16xf32>
        %get3A_1379 = arith.constant 41 : i32
        %get3A_1380 = arith.index_cast %get3A_1379 : i32 to index
        %get3A_1381 = arith.constant 0 : index
        %get3A_1382 = tpu.vector_load %arg9[%get3A_1380, %get3A_1381] {strides = array<i32>} : memref<45x16xf32, #tpu.memory_space<vmem>>, vector<1x16xf32>,
        %get3A_1383 = vector.shape_cast %get3A_1382 : vector<1x16xf32> to vector<16xf32>
        %mul3A_1384 = arith.mulf %mul3A_1378, %get3A_1383 : vector<16xf32>
        %add3A_1385 = arith.addf %add3A_1377, %mul3A_1384 : vector<16xf32>
        %mul3A_1386 = arith.mulf %get3A_992, %get3A_1022 : vector<16xf32>
        %get3A_1387 = arith.constant 42 : i32
        %get3A_1388 = arith.index_cast %get3A_1387 : i32 to index
        %get3A_1389 = arith.constant 0 : index
        %get3A_1390 = tpu.vector_load %arg9[%get3A_1388, %get3A_1389] {strides = array<i32>} : memref<45x16xf32, #tpu.memory_space<vmem>>, vector<1x16xf32>,
        %get3A_1391 = vector.shape_cast %get3A_1390 : vector<1x16xf32> to vector<16xf32>
        %mul3A_1392 = arith.mulf %mul3A_1386, %get3A_1391 : vector<16xf32>
        %add3A_1393 = arith.addf %add3A_1385, %mul3A_1392 : vector<16xf32>
        %mul3A_1394 = arith.mulf %get3A_998, %get3A_1016 : vector<16xf32>
        %get3A_1395 = arith.constant 43 : i32
        %get3A_1396 = arith.index_cast %get3A_1395 : i32 to index
        %get3A_1397 = arith.constant 0 : index
        %get3A_1398 = tpu.vector_load %arg9[%get3A_1396, %get3A_1397] {strides = array<i32>} : memref<45x16xf32, #tpu.memory_space<vmem>>, vector<1x16xf32>,
        %get3A_1399 = vector.shape_cast %get3A_1398 : vector<1x16xf32> to vector<16xf32>
        %mul3A_1400 = arith.mulf %mul3A_1394, %get3A_1399 : vector<16xf32>
        %add3A_1401 = arith.addf %add3A_1393, %mul3A_1400 : vector<16xf32>
        %mul3A_1402 = arith.mulf %get3A_1004, %get3A_1010 : vector<16xf32>
        %get3A_1403 = arith.constant 44 : i32
        %get3A_1404 = arith.index_cast %get3A_1403 : i32 to index
        %get3A_1405 = arith.constant 0 : index
        %get3A_1406 = tpu.vector_load %arg9[%get3A_1404, %get3A_1405] {strides = array<i32>} : memref<45x16xf32, #tpu.memory_space<vmem>>, vector<1x16xf32>,
        %get3A_1407 = vector.shape_cast %get3A_1406 : vector<1x16xf32> to vector<16xf32>
        %mul3A_1408 = arith.mulf %mul3A_1402, %get3A_1407 : vector<16xf32>
        %add3A_1409 = arith.addf %add3A_1401, %mul3A_1408 : vector<16xf32>
        %swap3A = arith.constant 0 : i32
        %swap3A_1410 = arith.index_cast %swap3A : i32 to index
        %swap3A_1411 = arith.index_cast %select_n3A_935 : i32 to index
        %swap3A_1412 = arith.index_cast %mul3A_951 : i32 to index
        %swap3A_1413 = tpu.vector_load %arg8[%swap3A_1410, %swap3A_1411, %swap3A_1412] {strides = array<i32>} : memref<9x16x128xf32, #tpu.memory_space<vmem>>, vector<1x1x16xf32>,
        %swap3A_1414 = vector.shape_cast %swap3A_1413 : vector<1x1x16xf32> to vector<16xf32>
        %swap3A_1415 = vector.shape_cast %mul3A_1065 : vector<16xf32> to vector<1x1x16xf32>
        tpu.vector_store %arg8[%swap3A_1410, %swap3A_1411, %swap3A_1412], %swap3A_1415 {strides = array<i32>} : memref<9x16x128xf32, #tpu.memory_space<vmem>>, vector<1x1x16xf32>,
        %swap3A_1416 = arith.constant 1 : i32
        %swap3A_1417 = arith.index_cast %swap3A_1416 : i32 to index
        %swap3A_1418 = arith.index_cast %select_n3A_935 : i32 to index
        %swap3A_1419 = arith.index_cast %mul3A_951 : i32 to index
        %swap3A_1420 = tpu.vector_load %arg8[%swap3A_1417, %swap3A_1418, %swap3A_1419] {strides = array<i32>} : memref<9x16x128xf32, #tpu.memory_space<vmem>>, vector<1x1x16xf32>,
        %swap3A_1421 = vector.shape_cast %swap3A_1420 : vector<1x1x16xf32> to vector<16xf32>
        %swap3A_1422 = vector.shape_cast %add3A_1080 : vector<16xf32> to vector<1x1x16xf32>
        tpu.vector_store %arg8[%swap3A_1417, %swap3A_1418, %swap3A_1419], %swap3A_1422 {strides = array<i32>} : memref<9x16x128xf32, #tpu.memory_space<vmem>>, vector<1x1x16xf32>,
        %swap3A_1423 = arith.constant 2 : i32
        %swap3A_1424 = arith.index_cast %swap3A_1423 : i32 to index
        %swap3A_1425 = arith.index_cast %select_n3A_935 : i32 to index
        %swap3A_1426 = arith.index_cast %mul3A_951 : i32 to index
        %swap3A_1427 = tpu.vector_load %arg8[%swap3A_1424, %swap3A_1425, %swap3A_1426] {strides = array<i32>} : memref<9x16x128xf32, #tpu.memory_space<vmem>>, vector<1x1x16xf32>,
        %swap3A_1428 = vector.shape_cast %swap3A_1427 : vector<1x1x16xf32> to vector<16xf32>
        %swap3A_1429 = vector.shape_cast %add3A_1103 : vector<16xf32> to vector<1x1x16xf32>
        tpu.vector_store %arg8[%swap3A_1424, %swap3A_1425, %swap3A_1426], %swap3A_1429 {strides = array<i32>} : memref<9x16x128xf32, #tpu.memory_space<vmem>>, vector<1x1x16xf32>,
        %swap3A_1430 = arith.constant 3 : i32
        %swap3A_1431 = arith.index_cast %swap3A_1430 : i32 to index
        %swap3A_1432 = arith.index_cast %select_n3A_935 : i32 to index
        %swap3A_1433 = arith.index_cast %mul3A_951 : i32 to index
        %swap3A_1434 = tpu.vector_load %arg8[%swap3A_1431, %swap3A_1432, %swap3A_1433] {strides = array<i32>} : memref<9x16x128xf32, #tpu.memory_space<vmem>>, vector<1x1x16xf32>,
        %swap3A_1435 = vector.shape_cast %swap3A_1434 : vector<1x1x16xf32> to vector<16xf32>
        %swap3A_1436 = vector.shape_cast %add3A_1134 : vector<16xf32> to vector<1x1x16xf32>
        tpu.vector_store %arg8[%swap3A_1431, %swap3A_1432, %swap3A_1433], %swap3A_1436 {strides = array<i32>} : memref<9x16x128xf32, #tpu.memory_space<vmem>>, vector<1x1x16xf32>,
        %swap3A_1437 = arith.constant 4 : i32
        %swap3A_1438 = arith.index_cast %swap3A_1437 : i32 to index
        %swap3A_1439 = arith.index_cast %select_n3A_935 : i32 to index
        %swap3A_1440 = arith.index_cast %mul3A_951 : i32 to index
        %swap3A_1441 = tpu.vector_load %arg8[%swap3A_1438, %swap3A_1439, %swap3A_1440] {strides = array<i32>} : memref<9x16x128xf32, #tpu.memory_space<vmem>>, vector<1x1x16xf32>,
        %swap3A_1442 = vector.shape_cast %swap3A_1441 : vector<1x1x16xf32> to vector<16xf32>
        %swap3A_1443 = vector.shape_cast %add3A_1173 : vector<16xf32> to vector<1x1x16xf32>
        tpu.vector_store %arg8[%swap3A_1438, %swap3A_1439, %swap3A_1440], %swap3A_1443 {strides = array<i32>} : memref<9x16x128xf32, #tpu.memory_space<vmem>>, vector<1x1x16xf32>,
        %swap3A_1444 = arith.constant 5 : i32
        %swap3A_1445 = arith.index_cast %swap3A_1444 : i32 to index
        %swap3A_1446 = arith.index_cast %select_n3A_935 : i32 to index
        %swap3A_1447 = arith.index_cast %mul3A_951 : i32 to index
        %swap3A_1448 = tpu.vector_load %arg8[%swap3A_1445, %swap3A_1446, %swap3A_1447] {strides = array<i32>} : memref<9x16x128xf32, #tpu.memory_space<vmem>>, vector<1x1x16xf32>,
        %swap3A_1449 = vector.shape_cast %swap3A_1448 : vector<1x1x16xf32> to vector<16xf32>
        %swap3A_1450 = vector.shape_cast %add3A_1220 : vector<16xf32> to vector<1x1x16xf32>
        tpu.vector_store %arg8[%swap3A_1445, %swap3A_1446, %swap3A_1447], %swap3A_1450 {strides = array<i32>} : memref<9x16x128xf32, #tpu.memory_space<vmem>>, vector<1x1x16xf32>,
        %swap3A_1451 = arith.constant 6 : i32
        %swap3A_1452 = arith.index_cast %swap3A_1451 : i32 to index
        %swap3A_1453 = arith.index_cast %select_n3A_935 : i32 to index
        %swap3A_1454 = arith.index_cast %mul3A_951 : i32 to index
        %swap3A_1455 = tpu.vector_load %arg8[%swap3A_1452, %swap3A_1453, %swap3A_1454] {strides = array<i32>} : memref<9x16x128xf32, #tpu.memory_space<vmem>>, vector<1x1x16xf32>,
        %swap3A_1456 = vector.shape_cast %swap3A_1455 : vector<1x1x16xf32> to vector<16xf32>
        %swap3A_1457 = vector.shape_cast %add3A_1275 : vector<16xf32> to vector<1x1x16xf32>
        tpu.vector_store %arg8[%swap3A_1452, %swap3A_1453, %swap3A_1454], %swap3A_1457 {strides = array<i32>} : memref<9x16x128xf32, #tpu.memory_space<vmem>>, vector<1x1x16xf32>,
        %swap3A_1458 = arith.constant 7 : i32
        %swap3A_1459 = arith.index_cast %swap3A_1458 : i32 to index
        %swap3A_1460 = arith.index_cast %select_n3A_935 : i32 to index
        %swap3A_1461 = arith.index_cast %mul3A_951 : i32 to index
        %swap3A_1462 = tpu.vector_load %arg8[%swap3A_1459, %swap3A_1460, %swap3A_1461] {strides = array<i32>} : memref<9x16x128xf32, #tpu.memory_space<vmem>>, vector<1x1x16xf32>,
        %swap3A_1463 = vector.shape_cast %swap3A_1462 : vector<1x1x16xf32> to vector<16xf32>
        %swap3A_1464 = vector.shape_cast %add3A_1338 : vector<16xf32> to vector<1x1x16xf32>
        tpu.vector_store %arg8[%swap3A_1459, %swap3A_1460, %swap3A_1461], %swap3A_1464 {strides = array<i32>} : memref<9x16x128xf32, #tpu.memory_space<vmem>>, vector<1x1x16xf32>,
        %swap3A_1465 = arith.constant 8 : i32
        %swap3A_1466 = arith.index_cast %swap3A_1465 : i32 to index
        %swap3A_1467 = arith.index_cast %select_n3A_935 : i32 to index
        %swap3A_1468 = arith.index_cast %mul3A_951 : i32 to index
        %swap3A_1469 = tpu.vector_load %arg8[%swap3A_1466, %swap3A_1467, %swap3A_1468] {strides = array<i32>} : memref<9x16x128xf32, #tpu.memory_space<vmem>>, vector<1x1x16xf32>,
        %swap3A_1470 = vector.shape_cast %swap3A_1469 : vector<1x1x16xf32> to vector<16xf32>
        %swap3A_1471 = vector.shape_cast %add3A_1409 : vector<16xf32> to vector<1x1x16xf32>
        tpu.vector_store %arg8[%swap3A_1466, %swap3A_1467, %swap3A_1468], %swap3A_1471 {strides = array<i32>} : memref<9x16x128xf32, #tpu.memory_space<vmem>>, vector<1x1x16xf32>,
        %scan3A_1472 = arith.constant 0 : i32
        scf.yield %scan3A_1472 : i32
      }
      %scan3A_620 = arith.constant 128 : i32
      %dma_start3A_621 = arith.constant 0 : i32
      %dma_start3A_622 = arith.constant 0 : i32
      %dma_start3A_623 = arith.constant 0 : i32
      %dma_start3A_624 = arith.constant 0 : i32
      %dma_start3A_625 = tpu.memref_slice %arg8[%dma_start3A_621, %dma_start3A_623, %dma_start3A_624] : memref<9x16x128xf32, #tpu.memory_space<vmem>> -> memref<1x16x128xf32, #tpu.memory_space<vmem>>
      %dma_start3A_626 = tpu.memref_squeeze %dma_start3A_625 : memref<1x16x128xf32, #tpu.memory_space<vmem>> -> memref<16x128xf32, #tpu.memory_space<vmem>>
      %dma_start3A_627 = arith.constant 0 : i32
      %dma_start3A_628 = tpu.memref_slice %arg5[%dma_start3A_622, %mul3A_40, %dma_start3A_627] : memref<9x50000x128xf32, #tpu.memory_space<hbm>> -> memref<1x16x128xf32, #tpu.memory_space<hbm>>
      %dma_start3A_629 = tpu.memref_squeeze %dma_start3A_628 : memref<1x16x128xf32, #tpu.memory_space<hbm>> -> memref<16x128xf32, #tpu.memory_space<hbm>>
      %dma_start3A_630 = arith.constant 0 : i32
      %dma_start3A_631 = tpu.memref_slice %arg5[%dma_start3A_622, %mul3A_40, %dma_start3A_630] : memref<9x50000x128xf32, #tpu.memory_space<hbm>> -> memref<1x16x128xf32, #tpu.memory_space<hbm>>
      %dma_start3A_632 = tpu.memref_squeeze %dma_start3A_631 : memref<1x16x128xf32, #tpu.memory_space<hbm>> -> memref<16x128xf32, #tpu.memory_space<hbm>>
      %dma_start3A_633 = arith.constant 0 : i32
      %dma_start3A_634 = arith.constant 0 : i32
      %dma_start3A_635 = tpu.memref_slice %arg8[%dma_start3A_621, %dma_start3A_633, %dma_start3A_634] : memref<9x16x128xf32, #tpu.memory_space<vmem>> -> memref<1x16x128xf32, #tpu.memory_space<vmem>>
      %dma_start3A_636 = tpu.memref_squeeze %dma_start3A_635 : memref<1x16x128xf32, #tpu.memory_space<vmem>> -> memref<16x128xf32, #tpu.memory_space<vmem>>
      tpu.enqueue_dma source(%dma_start3A_636 : memref<16x128xf32, #tpu.memory_space<vmem>>) target(%dma_start3A_632 : memref<16x128xf32, #tpu.memory_space<hbm>>) target_semaphore(%arg10 : memref<!tpu.dma_semaphore, #tpu.memory_space<semaphore_mem>>)
      %dma_start3A_637 = arith.constant 1 : i32
      %dma_start3A_638 = arith.constant 1 : i32
      %dma_start3A_639 = arith.constant 0 : i32
      %dma_start3A_640 = arith.constant 0 : i32
      %dma_start3A_641 = tpu.memref_slice %arg8[%dma_start3A_637, %dma_start3A_639, %dma_start3A_640] : memref<9x16x128xf32, #tpu.memory_space<vmem>> -> memref<1x16x128xf32, #tpu.memory_space<vmem>>
      %dma_start3A_642 = tpu.memref_squeeze %dma_start3A_641 : memref<1x16x128xf32, #tpu.memory_space<vmem>> -> memref<16x128xf32, #tpu.memory_space<vmem>>
      %dma_start3A_643 = arith.constant 0 : i32
      %dma_start3A_644 = tpu.memref_slice %arg5[%dma_start3A_638, %mul3A_40, %dma_start3A_643] : memref<9x50000x128xf32, #tpu.memory_space<hbm>> -> memref<1x16x128xf32, #tpu.memory_space<hbm>>
      %dma_start3A_645 = tpu.memref_squeeze %dma_start3A_644 : memref<1x16x128xf32, #tpu.memory_space<hbm>> -> memref<16x128xf32, #tpu.memory_space<hbm>>
      %dma_start3A_646 = arith.constant 0 : i32
      %dma_start3A_647 = tpu.memref_slice %arg5[%dma_start3A_638, %mul3A_40, %dma_start3A_646] : memref<9x50000x128xf32, #tpu.memory_space<hbm>> -> memref<1x16x128xf32, #tpu.memory_space<hbm>>
      %dma_start3A_648 = tpu.memref_squeeze %dma_start3A_647 : memref<1x16x128xf32, #tpu.memory_space<hbm>> -> memref<16x128xf32, #tpu.memory_space<hbm>>
      %dma_start3A_649 = arith.constant 0 : i32
      %dma_start3A_650 = arith.constant 0 : i32
      %dma_start3A_651 = tpu.memref_slice %arg8[%dma_start3A_637, %dma_start3A_649, %dma_start3A_650] : memref<9x16x128xf32, #tpu.memory_space<vmem>> -> memref<1x16x128xf32, #tpu.memory_space<vmem>>
      %dma_start3A_652 = tpu.memref_squeeze %dma_start3A_651 : memref<1x16x128xf32, #tpu.memory_space<vmem>> -> memref<16x128xf32, #tpu.memory_space<vmem>>
      tpu.enqueue_dma source(%dma_start3A_652 : memref<16x128xf32, #tpu.memory_space<vmem>>) target(%dma_start3A_648 : memref<16x128xf32, #tpu.memory_space<hbm>>) target_semaphore(%arg10 : memref<!tpu.dma_semaphore, #tpu.memory_space<semaphore_mem>>)
      %dma_start3A_653 = arith.constant 2 : i32
      %dma_start3A_654 = arith.constant 2 : i32
      %dma_start3A_655 = arith.constant 0 : i32
      %dma_start3A_656 = arith.constant 0 : i32
      %dma_start3A_657 = tpu.memref_slice %arg8[%dma_start3A_653, %dma_start3A_655, %dma_start3A_656] : memref<9x16x128xf32, #tpu.memory_space<vmem>> -> memref<1x16x128xf32, #tpu.memory_space<vmem>>
      %dma_start3A_658 = tpu.memref_squeeze %dma_start3A_657 : memref<1x16x128xf32, #tpu.memory_space<vmem>> -> memref<16x128xf32, #tpu.memory_space<vmem>>
      %dma_start3A_659 = arith.constant 0 : i32
      %dma_start3A_660 = tpu.memref_slice %arg5[%dma_start3A_654, %mul3A_40, %dma_start3A_659] : memref<9x50000x128xf32, #tpu.memory_space<hbm>> -> memref<1x16x128xf32, #tpu.memory_space<hbm>>
      %dma_start3A_661 = tpu.memref_squeeze %dma_start3A_660 : memref<1x16x128xf32, #tpu.memory_space<hbm>> -> memref<16x128xf32, #tpu.memory_space<hbm>>
      %dma_start3A_662 = arith.constant 0 : i32
      %dma_start3A_663 = tpu.memref_slice %arg5[%dma_start3A_654, %mul3A_40, %dma_start3A_662] : memref<9x50000x128xf32, #tpu.memory_space<hbm>> -> memref<1x16x128xf32, #tpu.memory_space<hbm>>
      %dma_start3A_664 = tpu.memref_squeeze %dma_start3A_663 : memref<1x16x128xf32, #tpu.memory_space<hbm>> -> memref<16x128xf32, #tpu.memory_space<hbm>>
      %dma_start3A_665 = arith.constant 0 : i32
      %dma_start3A_666 = arith.constant 0 : i32
      %dma_start3A_667 = tpu.memref_slice %arg8[%dma_start3A_653, %dma_start3A_665, %dma_start3A_666] : memref<9x16x128xf32, #tpu.memory_space<vmem>> -> memref<1x16x128xf32, #tpu.memory_space<vmem>>
      %dma_start3A_668 = tpu.memref_squeeze %dma_start3A_667 : memref<1x16x128xf32, #tpu.memory_space<vmem>> -> memref<16x128xf32, #tpu.memory_space<vmem>>
      tpu.enqueue_dma source(%dma_start3A_668 : memref<16x128xf32, #tpu.memory_space<vmem>>) target(%dma_start3A_664 : memref<16x128xf32, #tpu.memory_space<hbm>>) target_semaphore(%arg10 : memref<!tpu.dma_semaphore, #tpu.memory_space<semaphore_mem>>)
      %dma_start3A_669 = arith.constant 3 : i32
      %dma_start3A_670 = arith.constant 3 : i32
      %dma_start3A_671 = arith.constant 0 : i32
      %dma_start3A_672 = arith.constant 0 : i32
      %dma_start3A_673 = tpu.memref_slice %arg8[%dma_start3A_669, %dma_start3A_671, %dma_start3A_672] : memref<9x16x128xf32, #tpu.memory_space<vmem>> -> memref<1x16x128xf32, #tpu.memory_space<vmem>>
      %dma_start3A_674 = tpu.memref_squeeze %dma_start3A_673 : memref<1x16x128xf32, #tpu.memory_space<vmem>> -> memref<16x128xf32, #tpu.memory_space<vmem>>
      %dma_start3A_675 = arith.constant 0 : i32
      %dma_start3A_676 = tpu.memref_slice %arg5[%dma_start3A_670, %mul3A_40, %dma_start3A_675] : memref<9x50000x128xf32, #tpu.memory_space<hbm>> -> memref<1x16x128xf32, #tpu.memory_space<hbm>>
      %dma_start3A_677 = tpu.memref_squeeze %dma_start3A_676 : memref<1x16x128xf32, #tpu.memory_space<hbm>> -> memref<16x128xf32, #tpu.memory_space<hbm>>
      %dma_start3A_678 = arith.constant 0 : i32
      %dma_start3A_679 = tpu.memref_slice %arg5[%dma_start3A_670, %mul3A_40, %dma_start3A_678] : memref<9x50000x128xf32, #tpu.memory_space<hbm>> -> memref<1x16x128xf32, #tpu.memory_space<hbm>>
      %dma_start3A_680 = tpu.memref_squeeze %dma_start3A_679 : memref<1x16x128xf32, #tpu.memory_space<hbm>> -> memref<16x128xf32, #tpu.memory_space<hbm>>
      %dma_start3A_681 = arith.constant 0 : i32
      %dma_start3A_682 = arith.constant 0 : i32
      %dma_start3A_683 = tpu.memref_slice %arg8[%dma_start3A_669, %dma_start3A_681, %dma_start3A_682] : memref<9x16x128xf32, #tpu.memory_space<vmem>> -> memref<1x16x128xf32, #tpu.memory_space<vmem>>
      %dma_start3A_684 = tpu.memref_squeeze %dma_start3A_683 : memref<1x16x128xf32, #tpu.memory_space<vmem>> -> memref<16x128xf32, #tpu.memory_space<vmem>>
      tpu.enqueue_dma source(%dma_start3A_684 : memref<16x128xf32, #tpu.memory_space<vmem>>) target(%dma_start3A_680 : memref<16x128xf32, #tpu.memory_space<hbm>>) target_semaphore(%arg10 : memref<!tpu.dma_semaphore, #tpu.memory_space<semaphore_mem>>)
      %dma_start3A_685 = arith.constant 4 : i32
      %dma_start3A_686 = arith.constant 4 : i32
      %dma_start3A_687 = arith.constant 0 : i32
      %dma_start3A_688 = arith.constant 0 : i32
      %dma_start3A_689 = tpu.memref_slice %arg8[%dma_start3A_685, %dma_start3A_687, %dma_start3A_688] : memref<9x16x128xf32, #tpu.memory_space<vmem>> -> memref<1x16x128xf32, #tpu.memory_space<vmem>>
      %dma_start3A_690 = tpu.memref_squeeze %dma_start3A_689 : memref<1x16x128xf32, #tpu.memory_space<vmem>> -> memref<16x128xf32, #tpu.memory_space<vmem>>
      %dma_start3A_691 = arith.constant 0 : i32
      %dma_start3A_692 = tpu.memref_slice %arg5[%dma_start3A_686, %mul3A_40, %dma_start3A_691] : memref<9x50000x128xf32, #tpu.memory_space<hbm>> -> memref<1x16x128xf32, #tpu.memory_space<hbm>>
      %dma_start3A_693 = tpu.memref_squeeze %dma_start3A_692 : memref<1x16x128xf32, #tpu.memory_space<hbm>> -> memref<16x128xf32, #tpu.memory_space<hbm>>
      %dma_start3A_694 = arith.constant 0 : i32
      %dma_start3A_695 = tpu.memref_slice %arg5[%dma_start3A_686, %mul3A_40, %dma_start3A_694] : memref<9x50000x128xf32, #tpu.memory_space<hbm>> -> memref<1x16x128xf32, #tpu.memory_space<hbm>>
      %dma_start3A_696 = tpu.memref_squeeze %dma_start3A_695 : memref<1x16x128xf32, #tpu.memory_space<hbm>> -> memref<16x128xf32, #tpu.memory_space<hbm>>
      %dma_start3A_697 = arith.constant 0 : i32
      %dma_start3A_698 = arith.constant 0 : i32
      %dma_start3A_699 = tpu.memref_slice %arg8[%dma_start3A_685, %dma_start3A_697, %dma_start3A_698] : memref<9x16x128xf32, #tpu.memory_space<vmem>> -> memref<1x16x128xf32, #tpu.memory_space<vmem>>
      %dma_start3A_700 = tpu.memref_squeeze %dma_start3A_699 : memref<1x16x128xf32, #tpu.memory_space<vmem>> -> memref<16x128xf32, #tpu.memory_space<vmem>>
      tpu.enqueue_dma source(%dma_start3A_700 : memref<16x128xf32, #tpu.memory_space<vmem>>) target(%dma_start3A_696 : memref<16x128xf32, #tpu.memory_space<hbm>>) target_semaphore(%arg10 : memref<!tpu.dma_semaphore, #tpu.memory_space<semaphore_mem>>)
      %dma_start3A_701 = arith.constant 5 : i32
      %dma_start3A_702 = arith.constant 5 : i32
      %dma_start3A_703 = arith.constant 0 : i32
      %dma_start3A_704 = arith.constant 0 : i32
      %dma_start3A_705 = tpu.memref_slice %arg8[%dma_start3A_701, %dma_start3A_703, %dma_start3A_704] : memref<9x16x128xf32, #tpu.memory_space<vmem>> -> memref<1x16x128xf32, #tpu.memory_space<vmem>>
      %dma_start3A_706 = tpu.memref_squeeze %dma_start3A_705 : memref<1x16x128xf32, #tpu.memory_space<vmem>> -> memref<16x128xf32, #tpu.memory_space<vmem>>
      %dma_start3A_707 = arith.constant 0 : i32
      %dma_start3A_708 = tpu.memref_slice %arg5[%dma_start3A_702, %mul3A_40, %dma_start3A_707] : memref<9x50000x128xf32, #tpu.memory_space<hbm>> -> memref<1x16x128xf32, #tpu.memory_space<hbm>>
      %dma_start3A_709 = tpu.memref_squeeze %dma_start3A_708 : memref<1x16x128xf32, #tpu.memory_space<hbm>> -> memref<16x128xf32, #tpu.memory_space<hbm>>
      %dma_start3A_710 = arith.constant 0 : i32
      %dma_start3A_711 = tpu.memref_slice %arg5[%dma_start3A_702, %mul3A_40, %dma_start3A_710] : memref<9x50000x128xf32, #tpu.memory_space<hbm>> -> memref<1x16x128xf32, #tpu.memory_space<hbm>>
      %dma_start3A_712 = tpu.memref_squeeze %dma_start3A_711 : memref<1x16x128xf32, #tpu.memory_space<hbm>> -> memref<16x128xf32, #tpu.memory_space<hbm>>
      %dma_start3A_713 = arith.constant 0 : i32
      %dma_start3A_714 = arith.constant 0 : i32
      %dma_start3A_715 = tpu.memref_slice %arg8[%dma_start3A_701, %dma_start3A_713, %dma_start3A_714] : memref<9x16x128xf32, #tpu.memory_space<vmem>> -> memref<1x16x128xf32, #tpu.memory_space<vmem>>
      %dma_start3A_716 = tpu.memref_squeeze %dma_start3A_715 : memref<1x16x128xf32, #tpu.memory_space<vmem>> -> memref<16x128xf32, #tpu.memory_space<vmem>>
      tpu.enqueue_dma source(%dma_start3A_716 : memref<16x128xf32, #tpu.memory_space<vmem>>) target(%dma_start3A_712 : memref<16x128xf32, #tpu.memory_space<hbm>>) target_semaphore(%arg10 : memref<!tpu.dma_semaphore, #tpu.memory_space<semaphore_mem>>)
      %dma_start3A_717 = arith.constant 6 : i32
      %dma_start3A_718 = arith.constant 6 : i32
      %dma_start3A_719 = arith.constant 0 : i32
      %dma_start3A_720 = arith.constant 0 : i32
      %dma_start3A_721 = tpu.memref_slice %arg8[%dma_start3A_717, %dma_start3A_719, %dma_start3A_720] : memref<9x16x128xf32, #tpu.memory_space<vmem>> -> memref<1x16x128xf32, #tpu.memory_space<vmem>>
      %dma_start3A_722 = tpu.memref_squeeze %dma_start3A_721 : memref<1x16x128xf32, #tpu.memory_space<vmem>> -> memref<16x128xf32, #tpu.memory_space<vmem>>
      %dma_start3A_723 = arith.constant 0 : i32
      %dma_start3A_724 = tpu.memref_slice %arg5[%dma_start3A_718, %mul3A_40, %dma_start3A_723] : memref<9x50000x128xf32, #tpu.memory_space<hbm>> -> memref<1x16x128xf32, #tpu.memory_space<hbm>>
      %dma_start3A_725 = tpu.memref_squeeze %dma_start3A_724 : memref<1x16x128xf32, #tpu.memory_space<hbm>> -> memref<16x128xf32, #tpu.memory_space<hbm>>
      %dma_start3A_726 = arith.constant 0 : i32
      %dma_start3A_727 = tpu.memref_slice %arg5[%dma_start3A_718, %mul3A_40, %dma_start3A_726] : memref<9x50000x128xf32, #tpu.memory_space<hbm>> -> memref<1x16x128xf32, #tpu.memory_space<hbm>>
      %dma_start3A_728 = tpu.memref_squeeze %dma_start3A_727 : memref<1x16x128xf32, #tpu.memory_space<hbm>> -> memref<16x128xf32, #tpu.memory_space<hbm>>
      %dma_start3A_729 = arith.constant 0 : i32
      %dma_start3A_730 = arith.constant 0 : i32
      %dma_start3A_731 = tpu.memref_slice %arg8[%dma_start3A_717, %dma_start3A_729, %dma_start3A_730] : memref<9x16x128xf32, #tpu.memory_space<vmem>> -> memref<1x16x128xf32, #tpu.memory_space<vmem>>
      %dma_start3A_732 = tpu.memref_squeeze %dma_start3A_731 : memref<1x16x128xf32, #tpu.memory_space<vmem>> -> memref<16x128xf32, #tpu.memory_space<vmem>>
      tpu.enqueue_dma source(%dma_start3A_732 : memref<16x128xf32, #tpu.memory_space<vmem>>) target(%dma_start3A_728 : memref<16x128xf32, #tpu.memory_space<hbm>>) target_semaphore(%arg10 : memref<!tpu.dma_semaphore, #tpu.memory_space<semaphore_mem>>)
      %dma_start3A_733 = arith.constant 7 : i32
      %dma_start3A_734 = arith.constant 7 : i32
      %dma_start3A_735 = arith.constant 0 : i32
      %dma_start3A_736 = arith.constant 0 : i32
      %dma_start3A_737 = tpu.memref_slice %arg8[%dma_start3A_733, %dma_start3A_735, %dma_start3A_736] : memref<9x16x128xf32, #tpu.memory_space<vmem>> -> memref<1x16x128xf32, #tpu.memory_space<vmem>>
      %dma_start3A_738 = tpu.memref_squeeze %dma_start3A_737 : memref<1x16x128xf32, #tpu.memory_space<vmem>> -> memref<16x128xf32, #tpu.memory_space<vmem>>
      %dma_start3A_739 = arith.constant 0 : i32
      %dma_start3A_740 = tpu.memref_slice %arg5[%dma_start3A_734, %mul3A_40, %dma_start3A_739] : memref<9x50000x128xf32, #tpu.memory_space<hbm>> -> memref<1x16x128xf32, #tpu.memory_space<hbm>>
      %dma_start3A_741 = tpu.memref_squeeze %dma_start3A_740 : memref<1x16x128xf32, #tpu.memory_space<hbm>> -> memref<16x128xf32, #tpu.memory_space<hbm>>
      %dma_start3A_742 = arith.constant 0 : i32
      %dma_start3A_743 = tpu.memref_slice %arg5[%dma_start3A_734, %mul3A_40, %dma_start3A_742] : memref<9x50000x128xf32, #tpu.memory_space<hbm>> -> memref<1x16x128xf32, #tpu.memory_space<hbm>>
      %dma_start3A_744 = tpu.memref_squeeze %dma_start3A_743 : memref<1x16x128xf32, #tpu.memory_space<hbm>> -> memref<16x128xf32, #tpu.memory_space<hbm>>
      %dma_start3A_745 = arith.constant 0 : i32
      %dma_start3A_746 = arith.constant 0 : i32
      %dma_start3A_747 = tpu.memref_slice %arg8[%dma_start3A_733, %dma_start3A_745, %dma_start3A_746] : memref<9x16x128xf32, #tpu.memory_space<vmem>> -> memref<1x16x128xf32, #tpu.memory_space<vmem>>
      %dma_start3A_748 = tpu.memref_squeeze %dma_start3A_747 : memref<1x16x128xf32, #tpu.memory_space<vmem>> -> memref<16x128xf32, #tpu.memory_space<vmem>>
      tpu.enqueue_dma source(%dma_start3A_748 : memref<16x128xf32, #tpu.memory_space<vmem>>) target(%dma_start3A_744 : memref<16x128xf32, #tpu.memory_space<hbm>>) target_semaphore(%arg10 : memref<!tpu.dma_semaphore, #tpu.memory_space<semaphore_mem>>)
      %dma_start3A_749 = arith.constant 8 : i32
      %dma_start3A_750 = arith.constant 8 : i32
      %dma_start3A_751 = arith.constant 0 : i32
      %dma_start3A_752 = arith.constant 0 : i32
      %dma_start3A_753 = tpu.memref_slice %arg8[%dma_start3A_749, %dma_start3A_751, %dma_start3A_752] : memref<9x16x128xf32, #tpu.memory_space<vmem>> -> memref<1x16x128xf32, #tpu.memory_space<vmem>>
      %dma_start3A_754 = tpu.memref_squeeze %dma_start3A_753 : memref<1x16x128xf32, #tpu.memory_space<vmem>> -> memref<16x128xf32, #tpu.memory_space<vmem>>
      %dma_start3A_755 = arith.constant 0 : i32
      %dma_start3A_756 = tpu.memref_slice %arg5[%dma_start3A_750, %mul3A_40, %dma_start3A_755] : memref<9x50000x128xf32, #tpu.memory_space<hbm>> -> memref<1x16x128xf32, #tpu.memory_space<hbm>>
      %dma_start3A_757 = tpu.memref_squeeze %dma_start3A_756 : memref<1x16x128xf32, #tpu.memory_space<hbm>> -> memref<16x128xf32, #tpu.memory_space<hbm>>
      %dma_start3A_758 = arith.constant 0 : i32
      %dma_start3A_759 = tpu.memref_slice %arg5[%dma_start3A_750, %mul3A_40, %dma_start3A_758] : memref<9x50000x128xf32, #tpu.memory_space<hbm>> -> memref<1x16x128xf32, #tpu.memory_space<hbm>>
      %dma_start3A_760 = tpu.memref_squeeze %dma_start3A_759 : memref<1x16x128xf32, #tpu.memory_space<hbm>> -> memref<16x128xf32, #tpu.memory_space<hbm>>
      %dma_start3A_761 = arith.constant 0 : i32
      %dma_start3A_762 = arith.constant 0 : i32
      %dma_start3A_763 = tpu.memref_slice %arg8[%dma_start3A_749, %dma_start3A_761, %dma_start3A_762] : memref<9x16x128xf32, #tpu.memory_space<vmem>> -> memref<1x16x128xf32, #tpu.memory_space<vmem>>
      %dma_start3A_764 = tpu.memref_squeeze %dma_start3A_763 : memref<1x16x128xf32, #tpu.memory_space<vmem>> -> memref<16x128xf32, #tpu.memory_space<vmem>>
      tpu.enqueue_dma source(%dma_start3A_764 : memref<16x128xf32, #tpu.memory_space<vmem>>) target(%dma_start3A_760 : memref<16x128xf32, #tpu.memory_space<hbm>>) target_semaphore(%arg10 : memref<!tpu.dma_semaphore, #tpu.memory_space<semaphore_mem>>)
      %dma_wait3A_765 = arith.constant 0 : i32
      %dma_wait3A_766 = arith.constant 0 : i32
      %dma_wait3A_767 = arith.constant 0 : i32
      %dma_wait3A_768 = arith.constant 0 : i32
      %dma_wait3A_769 = tpu.memref_slice %arg8[%dma_wait3A_765, %dma_wait3A_767, %dma_wait3A_768] : memref<9x16x128xf32, #tpu.memory_space<vmem>> -> memref<1x16x128xf32, #tpu.memory_space<vmem>>
      %dma_wait3A_770 = tpu.memref_squeeze %dma_wait3A_769 : memref<1x16x128xf32, #tpu.memory_space<vmem>> -> memref<16x128xf32, #tpu.memory_space<vmem>>
      %dma_wait3A_771 = arith.constant 0 : i32
      %dma_wait3A_772 = tpu.memref_slice %arg5[%dma_wait3A_766, %mul3A_40, %dma_wait3A_771] : memref<9x50000x128xf32, #tpu.memory_space<hbm>> -> memref<1x16x128xf32, #tpu.memory_space<hbm>>
      %dma_wait3A_773 = tpu.memref_squeeze %dma_wait3A_772 : memref<1x16x128xf32, #tpu.memory_space<hbm>> -> memref<16x128xf32, #tpu.memory_space<hbm>>
      %dma_wait3A_774 = arith.constant 0 : i32
      %dma_wait3A_775 = tpu.memref_slice %arg5[%dma_wait3A_766, %mul3A_40, %dma_wait3A_774] : memref<9x50000x128xf32, #tpu.memory_space<hbm>> -> memref<1x16x128xf32, #tpu.memory_space<hbm>>
      %dma_wait3A_776 = tpu.memref_squeeze %dma_wait3A_775 : memref<1x16x128xf32, #tpu.memory_space<hbm>> -> memref<16x128xf32, #tpu.memory_space<hbm>>
      %dma_wait3A_777 = arith.constant 0 : i32
      %dma_wait3A_778 = arith.constant 0 : i32
      %dma_wait3A_779 = tpu.memref_slice %arg8[%dma_wait3A_765, %dma_wait3A_777, %dma_wait3A_778] : memref<9x16x128xf32, #tpu.memory_space<vmem>> -> memref<1x16x128xf32, #tpu.memory_space<vmem>>
      %dma_wait3A_780 = tpu.memref_squeeze %dma_wait3A_779 : memref<1x16x128xf32, #tpu.memory_space<vmem>> -> memref<16x128xf32, #tpu.memory_space<vmem>>
      tpu.wait_dma2 semaphore(%arg10 : memref<!tpu.dma_semaphore, #tpu.memory_space<semaphore_mem>>) src(%dma_wait3A_780 : memref<16x128xf32, #tpu.memory_space<vmem>>) dst(%dma_wait3A_776 : memref<16x128xf32, #tpu.memory_space<hbm>>)
      %dma_wait3A_781 = arith.constant 1 : i32
      %dma_wait3A_782 = arith.constant 1 : i32
      %dma_wait3A_783 = arith.constant 0 : i32
      %dma_wait3A_784 = arith.constant 0 : i32
      %dma_wait3A_785 = tpu.memref_slice %arg8[%dma_wait3A_781, %dma_wait3A_783, %dma_wait3A_784] : memref<9x16x128xf32, #tpu.memory_space<vmem>> -> memref<1x16x128xf32, #tpu.memory_space<vmem>>
      %dma_wait3A_786 = tpu.memref_squeeze %dma_wait3A_785 : memref<1x16x128xf32, #tpu.memory_space<vmem>> -> memref<16x128xf32, #tpu.memory_space<vmem>>
      %dma_wait3A_787 = arith.constant 0 : i32
      %dma_wait3A_788 = tpu.memref_slice %arg5[%dma_wait3A_782, %mul3A_40, %dma_wait3A_787] : memref<9x50000x128xf32, #tpu.memory_space<hbm>> -> memref<1x16x128xf32, #tpu.memory_space<hbm>>
      %dma_wait3A_789 = tpu.memref_squeeze %dma_wait3A_788 : memref<1x16x128xf32, #tpu.memory_space<hbm>> -> memref<16x128xf32, #tpu.memory_space<hbm>>
      %dma_wait3A_790 = arith.constant 0 : i32
      %dma_wait3A_791 = tpu.memref_slice %arg5[%dma_wait3A_782, %mul3A_40, %dma_wait3A_790] : memref<9x50000x128xf32, #tpu.memory_space<hbm>> -> memref<1x16x128xf32, #tpu.memory_space<hbm>>
      %dma_wait3A_792 = tpu.memref_squeeze %dma_wait3A_791 : memref<1x16x128xf32, #tpu.memory_space<hbm>> -> memref<16x128xf32, #tpu.memory_space<hbm>>
      %dma_wait3A_793 = arith.constant 0 : i32
      %dma_wait3A_794 = arith.constant 0 : i32
      %dma_wait3A_795 = tpu.memref_slice %arg8[%dma_wait3A_781, %dma_wait3A_793, %dma_wait3A_794] : memref<9x16x128xf32, #tpu.memory_space<vmem>> -> memref<1x16x128xf32, #tpu.memory_space<vmem>>
      %dma_wait3A_796 = tpu.memref_squeeze %dma_wait3A_795 : memref<1x16x128xf32, #tpu.memory_space<vmem>> -> memref<16x128xf32, #tpu.memory_space<vmem>>
      tpu.wait_dma2 semaphore(%arg10 : memref<!tpu.dma_semaphore, #tpu.memory_space<semaphore_mem>>) src(%dma_wait3A_796 : memref<16x128xf32, #tpu.memory_space<vmem>>) dst(%dma_wait3A_792 : memref<16x128xf32, #tpu.memory_space<hbm>>)
      %dma_wait3A_797 = arith.constant 2 : i32
      %dma_wait3A_798 = arith.constant 2 : i32
      %dma_wait3A_799 = arith.constant 0 : i32
      %dma_wait3A_800 = arith.constant 0 : i32
      %dma_wait3A_801 = tpu.memref_slice %arg8[%dma_wait3A_797, %dma_wait3A_799, %dma_wait3A_800] : memref<9x16x128xf32, #tpu.memory_space<vmem>> -> memref<1x16x128xf32, #tpu.memory_space<vmem>>
      %dma_wait3A_802 = tpu.memref_squeeze %dma_wait3A_801 : memref<1x16x128xf32, #tpu.memory_space<vmem>> -> memref<16x128xf32, #tpu.memory_space<vmem>>
      %dma_wait3A_803 = arith.constant 0 : i32
      %dma_wait3A_804 = tpu.memref_slice %arg5[%dma_wait3A_798, %mul3A_40, %dma_wait3A_803] : memref<9x50000x128xf32, #tpu.memory_space<hbm>> -> memref<1x16x128xf32, #tpu.memory_space<hbm>>
      %dma_wait3A_805 = tpu.memref_squeeze %dma_wait3A_804 : memref<1x16x128xf32, #tpu.memory_space<hbm>> -> memref<16x128xf32, #tpu.memory_space<hbm>>
      %dma_wait3A_806 = arith.constant 0 : i32
      %dma_wait3A_807 = tpu.memref_slice %arg5[%dma_wait3A_798, %mul3A_40, %dma_wait3A_806] : memref<9x50000x128xf32, #tpu.memory_space<hbm>> -> memref<1x16x128xf32, #tpu.memory_space<hbm>>
      %dma_wait3A_808 = tpu.memref_squeeze %dma_wait3A_807 : memref<1x16x128xf32, #tpu.memory_space<hbm>> -> memref<16x128xf32, #tpu.memory_space<hbm>>
      %dma_wait3A_809 = arith.constant 0 : i32
      %dma_wait3A_810 = arith.constant 0 : i32
      %dma_wait3A_811 = tpu.memref_slice %arg8[%dma_wait3A_797, %dma_wait3A_809, %dma_wait3A_810] : memref<9x16x128xf32, #tpu.memory_space<vmem>> -> memref<1x16x128xf32, #tpu.memory_space<vmem>>
      %dma_wait3A_812 = tpu.memref_squeeze %dma_wait3A_811 : memref<1x16x128xf32, #tpu.memory_space<vmem>> -> memref<16x128xf32, #tpu.memory_space<vmem>>
      tpu.wait_dma2 semaphore(%arg10 : memref<!tpu.dma_semaphore, #tpu.memory_space<semaphore_mem>>) src(%dma_wait3A_812 : memref<16x128xf32, #tpu.memory_space<vmem>>) dst(%dma_wait3A_808 : memref<16x128xf32, #tpu.memory_space<hbm>>)
      %dma_wait3A_813 = arith.constant 3 : i32
      %dma_wait3A_814 = arith.constant 3 : i32
      %dma_wait3A_815 = arith.constant 0 : i32
      %dma_wait3A_816 = arith.constant 0 : i32
      %dma_wait3A_817 = tpu.memref_slice %arg8[%dma_wait3A_813, %dma_wait3A_815, %dma_wait3A_816] : memref<9x16x128xf32, #tpu.memory_space<vmem>> -> memref<1x16x128xf32, #tpu.memory_space<vmem>>
      %dma_wait3A_818 = tpu.memref_squeeze %dma_wait3A_817 : memref<1x16x128xf32, #tpu.memory_space<vmem>> -> memref<16x128xf32, #tpu.memory_space<vmem>>
      %dma_wait3A_819 = arith.constant 0 : i32
      %dma_wait3A_820 = tpu.memref_slice %arg5[%dma_wait3A_814, %mul3A_40, %dma_wait3A_819] : memref<9x50000x128xf32, #tpu.memory_space<hbm>> -> memref<1x16x128xf32, #tpu.memory_space<hbm>>
      %dma_wait3A_821 = tpu.memref_squeeze %dma_wait3A_820 : memref<1x16x128xf32, #tpu.memory_space<hbm>> -> memref<16x128xf32, #tpu.memory_space<hbm>>
      %dma_wait3A_822 = arith.constant 0 : i32
      %dma_wait3A_823 = tpu.memref_slice %arg5[%dma_wait3A_814, %mul3A_40, %dma_wait3A_822] : memref<9x50000x128xf32, #tpu.memory_space<hbm>> -> memref<1x16x128xf32, #tpu.memory_space<hbm>>
      %dma_wait3A_824 = tpu.memref_squeeze %dma_wait3A_823 : memref<1x16x128xf32, #tpu.memory_space<hbm>> -> memref<16x128xf32, #tpu.memory_space<hbm>>
      %dma_wait3A_825 = arith.constant 0 : i32
      %dma_wait3A_826 = arith.constant 0 : i32
      %dma_wait3A_827 = tpu.memref_slice %arg8[%dma_wait3A_813, %dma_wait3A_825, %dma_wait3A_826] : memref<9x16x128xf32, #tpu.memory_space<vmem>> -> memref<1x16x128xf32, #tpu.memory_space<vmem>>
      %dma_wait3A_828 = tpu.memref_squeeze %dma_wait3A_827 : memref<1x16x128xf32, #tpu.memory_space<vmem>> -> memref<16x128xf32, #tpu.memory_space<vmem>>
      tpu.wait_dma2 semaphore(%arg10 : memref<!tpu.dma_semaphore, #tpu.memory_space<semaphore_mem>>) src(%dma_wait3A_828 : memref<16x128xf32, #tpu.memory_space<vmem>>) dst(%dma_wait3A_824 : memref<16x128xf32, #tpu.memory_space<hbm>>)
      %dma_wait3A_829 = arith.constant 4 : i32
      %dma_wait3A_830 = arith.constant 4 : i32
      %dma_wait3A_831 = arith.constant 0 : i32
      %dma_wait3A_832 = arith.constant 0 : i32
      %dma_wait3A_833 = tpu.memref_slice %arg8[%dma_wait3A_829, %dma_wait3A_831, %dma_wait3A_832] : memref<9x16x128xf32, #tpu.memory_space<vmem>> -> memref<1x16x128xf32, #tpu.memory_space<vmem>>
      %dma_wait3A_834 = tpu.memref_squeeze %dma_wait3A_833 : memref<1x16x128xf32, #tpu.memory_space<vmem>> -> memref<16x128xf32, #tpu.memory_space<vmem>>
      %dma_wait3A_835 = arith.constant 0 : i32
      %dma_wait3A_836 = tpu.memref_slice %arg5[%dma_wait3A_830, %mul3A_40, %dma_wait3A_835] : memref<9x50000x128xf32, #tpu.memory_space<hbm>> -> memref<1x16x128xf32, #tpu.memory_space<hbm>>
      %dma_wait3A_837 = tpu.memref_squeeze %dma_wait3A_836 : memref<1x16x128xf32, #tpu.memory_space<hbm>> -> memref<16x128xf32, #tpu.memory_space<hbm>>
      %dma_wait3A_838 = arith.constant 0 : i32
      %dma_wait3A_839 = tpu.memref_slice %arg5[%dma_wait3A_830, %mul3A_40, %dma_wait3A_838] : memref<9x50000x128xf32, #tpu.memory_space<hbm>> -> memref<1x16x128xf32, #tpu.memory_space<hbm>>
      %dma_wait3A_840 = tpu.memref_squeeze %dma_wait3A_839 : memref<1x16x128xf32, #tpu.memory_space<hbm>> -> memref<16x128xf32, #tpu.memory_space<hbm>>
      %dma_wait3A_841 = arith.constant 0 : i32
      %dma_wait3A_842 = arith.constant 0 : i32
      %dma_wait3A_843 = tpu.memref_slice %arg8[%dma_wait3A_829, %dma_wait3A_841, %dma_wait3A_842] : memref<9x16x128xf32, #tpu.memory_space<vmem>> -> memref<1x16x128xf32, #tpu.memory_space<vmem>>
      %dma_wait3A_844 = tpu.memref_squeeze %dma_wait3A_843 : memref<1x16x128xf32, #tpu.memory_space<vmem>> -> memref<16x128xf32, #tpu.memory_space<vmem>>
      tpu.wait_dma2 semaphore(%arg10 : memref<!tpu.dma_semaphore, #tpu.memory_space<semaphore_mem>>) src(%dma_wait3A_844 : memref<16x128xf32, #tpu.memory_space<vmem>>) dst(%dma_wait3A_840 : memref<16x128xf32, #tpu.memory_space<hbm>>)
      %dma_wait3A_845 = arith.constant 5 : i32
      %dma_wait3A_846 = arith.constant 5 : i32
      %dma_wait3A_847 = arith.constant 0 : i32
      %dma_wait3A_848 = arith.constant 0 : i32
      %dma_wait3A_849 = tpu.memref_slice %arg8[%dma_wait3A_845, %dma_wait3A_847, %dma_wait3A_848] : memref<9x16x128xf32, #tpu.memory_space<vmem>> -> memref<1x16x128xf32, #tpu.memory_space<vmem>>
      %dma_wait3A_850 = tpu.memref_squeeze %dma_wait3A_849 : memref<1x16x128xf32, #tpu.memory_space<vmem>> -> memref<16x128xf32, #tpu.memory_space<vmem>>
      %dma_wait3A_851 = arith.constant 0 : i32
      %dma_wait3A_852 = tpu.memref_slice %arg5[%dma_wait3A_846, %mul3A_40, %dma_wait3A_851] : memref<9x50000x128xf32, #tpu.memory_space<hbm>> -> memref<1x16x128xf32, #tpu.memory_space<hbm>>
      %dma_wait3A_853 = tpu.memref_squeeze %dma_wait3A_852 : memref<1x16x128xf32, #tpu.memory_space<hbm>> -> memref<16x128xf32, #tpu.memory_space<hbm>>
      %dma_wait3A_854 = arith.constant 0 : i32
      %dma_wait3A_855 = tpu.memref_slice %arg5[%dma_wait3A_846, %mul3A_40, %dma_wait3A_854] : memref<9x50000x128xf32, #tpu.memory_space<hbm>> -> memref<1x16x128xf32, #tpu.memory_space<hbm>>
      %dma_wait3A_856 = tpu.memref_squeeze %dma_wait3A_855 : memref<1x16x128xf32, #tpu.memory_space<hbm>> -> memref<16x128xf32, #tpu.memory_space<hbm>>
      %dma_wait3A_857 = arith.constant 0 : i32
      %dma_wait3A_858 = arith.constant 0 : i32
      %dma_wait3A_859 = tpu.memref_slice %arg8[%dma_wait3A_845, %dma_wait3A_857, %dma_wait3A_858] : memref<9x16x128xf32, #tpu.memory_space<vmem>> -> memref<1x16x128xf32, #tpu.memory_space<vmem>>
      %dma_wait3A_860 = tpu.memref_squeeze %dma_wait3A_859 : memref<1x16x128xf32, #tpu.memory_space<vmem>> -> memref<16x128xf32, #tpu.memory_space<vmem>>
      tpu.wait_dma2 semaphore(%arg10 : memref<!tpu.dma_semaphore, #tpu.memory_space<semaphore_mem>>) src(%dma_wait3A_860 : memref<16x128xf32, #tpu.memory_space<vmem>>) dst(%dma_wait3A_856 : memref<16x128xf32, #tpu.memory_space<hbm>>)
      %dma_wait3A_861 = arith.constant 6 : i32
      %dma_wait3A_862 = arith.constant 6 : i32
      %dma_wait3A_863 = arith.constant 0 : i32
      %dma_wait3A_864 = arith.constant 0 : i32
      %dma_wait3A_865 = tpu.memref_slice %arg8[%dma_wait3A_861, %dma_wait3A_863, %dma_wait3A_864] : memref<9x16x128xf32, #tpu.memory_space<vmem>> -> memref<1x16x128xf32, #tpu.memory_space<vmem>>
      %dma_wait3A_866 = tpu.memref_squeeze %dma_wait3A_865 : memref<1x16x128xf32, #tpu.memory_space<vmem>> -> memref<16x128xf32, #tpu.memory_space<vmem>>
      %dma_wait3A_867 = arith.constant 0 : i32
      %dma_wait3A_868 = tpu.memref_slice %arg5[%dma_wait3A_862, %mul3A_40, %dma_wait3A_867] : memref<9x50000x128xf32, #tpu.memory_space<hbm>> -> memref<1x16x128xf32, #tpu.memory_space<hbm>>
      %dma_wait3A_869 = tpu.memref_squeeze %dma_wait3A_868 : memref<1x16x128xf32, #tpu.memory_space<hbm>> -> memref<16x128xf32, #tpu.memory_space<hbm>>
      %dma_wait3A_870 = arith.constant 0 : i32
      %dma_wait3A_871 = tpu.memref_slice %arg5[%dma_wait3A_862, %mul3A_40, %dma_wait3A_870] : memref<9x50000x128xf32, #tpu.memory_space<hbm>> -> memref<1x16x128xf32, #tpu.memory_space<hbm>>
      %dma_wait3A_872 = tpu.memref_squeeze %dma_wait3A_871 : memref<1x16x128xf32, #tpu.memory_space<hbm>> -> memref<16x128xf32, #tpu.memory_space<hbm>>
      %dma_wait3A_873 = arith.constant 0 : i32
      %dma_wait3A_874 = arith.constant 0 : i32
      %dma_wait3A_875 = tpu.memref_slice %arg8[%dma_wait3A_861, %dma_wait3A_873, %dma_wait3A_874] : memref<9x16x128xf32, #tpu.memory_space<vmem>> -> memref<1x16x128xf32, #tpu.memory_space<vmem>>
      %dma_wait3A_876 = tpu.memref_squeeze %dma_wait3A_875 : memref<1x16x128xf32, #tpu.memory_space<vmem>> -> memref<16x128xf32, #tpu.memory_space<vmem>>
      tpu.wait_dma2 semaphore(%arg10 : memref<!tpu.dma_semaphore, #tpu.memory_space<semaphore_mem>>) src(%dma_wait3A_876 : memref<16x128xf32, #tpu.memory_space<vmem>>) dst(%dma_wait3A_872 : memref<16x128xf32, #tpu.memory_space<hbm>>)
      %dma_wait3A_877 = arith.constant 7 : i32
      %dma_wait3A_878 = arith.constant 7 : i32
      %dma_wait3A_879 = arith.constant 0 : i32
      %dma_wait3A_880 = arith.constant 0 : i32
      %dma_wait3A_881 = tpu.memref_slice %arg8[%dma_wait3A_877, %dma_wait3A_879, %dma_wait3A_880] : memref<9x16x128xf32, #tpu.memory_space<vmem>> -> memref<1x16x128xf32, #tpu.memory_space<vmem>>
      %dma_wait3A_882 = tpu.memref_squeeze %dma_wait3A_881 : memref<1x16x128xf32, #tpu.memory_space<vmem>> -> memref<16x128xf32, #tpu.memory_space<vmem>>
      %dma_wait3A_883 = arith.constant 0 : i32
      %dma_wait3A_884 = tpu.memref_slice %arg5[%dma_wait3A_878, %mul3A_40, %dma_wait3A_883] : memref<9x50000x128xf32, #tpu.memory_space<hbm>> -> memref<1x16x128xf32, #tpu.memory_space<hbm>>
      %dma_wait3A_885 = tpu.memref_squeeze %dma_wait3A_884 : memref<1x16x128xf32, #tpu.memory_space<hbm>> -> memref<16x128xf32, #tpu.memory_space<hbm>>
      %dma_wait3A_886 = arith.constant 0 : i32
      %dma_wait3A_887 = tpu.memref_slice %arg5[%dma_wait3A_878, %mul3A_40, %dma_wait3A_886] : memref<9x50000x128xf32, #tpu.memory_space<hbm>> -> memref<1x16x128xf32, #tpu.memory_space<hbm>>
      %dma_wait3A_888 = tpu.memref_squeeze %dma_wait3A_887 : memref<1x16x128xf32, #tpu.memory_space<hbm>> -> memref<16x128xf32, #tpu.memory_space<hbm>>
      %dma_wait3A_889 = arith.constant 0 : i32
      %dma_wait3A_890 = arith.constant 0 : i32
      %dma_wait3A_891 = tpu.memref_slice %arg8[%dma_wait3A_877, %dma_wait3A_889, %dma_wait3A_890] : memref<9x16x128xf32, #tpu.memory_space<vmem>> -> memref<1x16x128xf32, #tpu.memory_space<vmem>>
      %dma_wait3A_892 = tpu.memref_squeeze %dma_wait3A_891 : memref<1x16x128xf32, #tpu.memory_space<vmem>> -> memref<16x128xf32, #tpu.memory_space<vmem>>
      tpu.wait_dma2 semaphore(%arg10 : memref<!tpu.dma_semaphore, #tpu.memory_space<semaphore_mem>>) src(%dma_wait3A_892 : memref<16x128xf32, #tpu.memory_space<vmem>>) dst(%dma_wait3A_888 : memref<16x128xf32, #tpu.memory_space<hbm>>)
      %dma_wait3A_893 = arith.constant 8 : i32
      %dma_wait3A_894 = arith.constant 8 : i32
      %dma_wait3A_895 = arith.constant 0 : i32
      %dma_wait3A_896 = arith.constant 0 : i32
      %dma_wait3A_897 = tpu.memref_slice %arg8[%dma_wait3A_893, %dma_wait3A_895, %dma_wait3A_896] : memref<9x16x128xf32, #tpu.memory_space<vmem>> -> memref<1x16x128xf32, #tpu.memory_space<vmem>>
      %dma_wait3A_898 = tpu.memref_squeeze %dma_wait3A_897 : memref<1x16x128xf32, #tpu.memory_space<vmem>> -> memref<16x128xf32, #tpu.memory_space<vmem>>
      %dma_wait3A_899 = arith.constant 0 : i32
      %dma_wait3A_900 = tpu.memref_slice %arg5[%dma_wait3A_894, %mul3A_40, %dma_wait3A_899] : memref<9x50000x128xf32, #tpu.memory_space<hbm>> -> memref<1x16x128xf32, #tpu.memory_space<hbm>>
      %dma_wait3A_901 = tpu.memref_squeeze %dma_wait3A_900 : memref<1x16x128xf32, #tpu.memory_space<hbm>> -> memref<16x128xf32, #tpu.memory_space<hbm>>
      %dma_wait3A_902 = arith.constant 0 : i32
      %dma_wait3A_903 = tpu.memref_slice %arg5[%dma_wait3A_894, %mul3A_40, %dma_wait3A_902] : memref<9x50000x128xf32, #tpu.memory_space<hbm>> -> memref<1x16x128xf32, #tpu.memory_space<hbm>>
      %dma_wait3A_904 = tpu.memref_squeeze %dma_wait3A_903 : memref<1x16x128xf32, #tpu.memory_space<hbm>> -> memref<16x128xf32, #tpu.memory_space<hbm>>
      %dma_wait3A_905 = arith.constant 0 : i32
      %dma_wait3A_906 = arith.constant 0 : i32
      %dma_wait3A_907 = tpu.memref_slice %arg8[%dma_wait3A_893, %dma_wait3A_905, %dma_wait3A_906] : memref<9x16x128xf32, #tpu.memory_space<vmem>> -> memref<1x16x128xf32, #tpu.memory_space<vmem>>
      %dma_wait3A_908 = tpu.memref_squeeze %dma_wait3A_907 : memref<1x16x128xf32, #tpu.memory_space<vmem>> -> memref<16x128xf32, #tpu.memory_space<vmem>>
      tpu.wait_dma2 semaphore(%arg10 : memref<!tpu.dma_semaphore, #tpu.memory_space<semaphore_mem>>) src(%dma_wait3A_908 : memref<16x128xf32, #tpu.memory_space<vmem>>) dst(%dma_wait3A_904 : memref<16x128xf32, #tpu.memory_space<hbm>>)
      %while3A_909 = arith.constant 0 : i32
      scf.yield %while3A_909 : i32
    }
    return
  }
}

</mosaic_0001>

<sc_bundles>
// kernel: kernel.3.cloned.1.call-start
scs
__scs_entry_jumppad:
0x0: {  	(pc) =	sbr.rel $0x88, $3  }
0x1: {  	(tag) =	ssettag $0x0;
	lr =	simm.s32 $0x1  }
0x2: {  	[smem:$0x3F9E] =	sst lr;
	_ =	strace $0xD0000000  }
0x3: {  	_ = 	snop  }
0x4: {  	_ = 	snop  }
0x5: {  	_ = 	snop  }
0x6: {  	_ = 	snop  }
0x7: {  	_ = 	snop  }
__scs_overlays_trampoline_lowered:
0x8: {  	[smem:$0x3FAD] =	sst s0  }
0x9: {  	[smem:$0x3FAE] =	sst s1  }
0xa: {  	[smem:$0x3FAF] =	sst s2  }
0xb: {  	[smem:$0x3FB0] =	sst s3  }
0xc: {  	[smem:$0x3FB1] =	sst s4  }
0xd: {  	[smem:$0x3FB2] =	sst s5  }
0xe: {  	[smem:$0x3FB3] =	sst s6  }
0xf: {  	[smem:$0x3FB4] =	sst s7  }
0x10: {  	[smem:$0x3FB5] =	sst s8  }
0x11: {  	[smem:$0x3FB6] =	sst s9;
	s0 =	simm.s32 @!p0 $0x0  }
0x12: {  	s1 =	sld [smem:$0x3F9C];
	s0 =	simm.s32 @p0 $0x1  }
0x13: {  	[smem:$0x3FB7] =	sst s0;
	s0 =	simm.s32 @!p1 $0x0  }
0x14: {  	s2 =	sld [smem:$0x3F9B];
	s0 =	simm.s32 @p1 $0x1  }
0x15: {  	[smem:$0x3FB8] =	sst s0;
	s0 =	simm.s32 @!p2 $0x0  }
0x16: {  	s3 =	sld [smem:$0x3FDB];
	s0 =	simm.s32 @p2 $0x1  }
0x17: {  	s4 =	simm.s32 $0x1BF5;
	[smem:$0x3FBA] =	sst s0  }
0x18: {  	s0 =	sld [smem:$0x3F9D];
	_ =	swait.ge [sflag:s4], $0x0  }
0x19: {  	s7 =	sld [smem:$0x3F9E]  }
0x1a: {  	s8 =	sadd.s32 $0xFFFFE003, lr  }
0x1b: {  	s9 =	sadd.s32 $0xFFFFFEF7, lr;
	s5 =	simm.s32 $0xFFFFFFFF;
	p2 =	slt.u32 s8, $0xFFFFF086  }
0x1c: {  	p1 =	slt.u32 s9, $0xF7A;
	s5 =	simm.s32 @!p2 $0x0  }
0x1d: {  	s5 =	simm.s32 @p1 $0x1;
	p0 =	seq.s32 s7, s2  }
0x1e: {  	s7 =	smul.u32 @!p0 $0xF7A, s2;
	p2 =	seq.s32 @!p0 s5, $0x0  }
0x1f: {  	s9 =	smul.u32 $0xF7A, s1;
	s8 =	simm.s32 @!p0 $0x1BF5;
	p2 =	por !p2, p0  }
0x20: {  	[sflag:s8] =	ssyncset.s32 @!p0 $0xFFFFF086;
	s6 =	sadd.s32 @!p0 s3, s7;
	s7 =	simm.s32 @!p0 $0x108  }
0x21: {  	s3 =	sadd.s32 s3, s9;
	s6 =	sadd.s32 @!p0 $0x88, s6;
	s7 =	simm.s32 @p2 $0x1082  }
0x22: {  	[simem:s7], [sflag:s8] =	dma.local @!p0 [hbm:s6], $0xF7A  }
0x23: {  	s9 =	sor.u32 $0xD0000000, s2;
	s6 =	simm.s32 $0x108;
	_ =	swait.ge @!p0 [sflag:s8], $0x0  }
0x24: {  	s3 =	sadd.s32 $0x88, s3;
	s6 =	simm.s32 @!p1 $0x1082;
	[sflag:s4] =	ssyncset.s32 $0xFFFFF086  }
0x25: {  	[simem:s6], [sflag:s4] =	dma.local [hbm:s3], $0xF7A  }
0x26: {  	[smem:$0x3F9E] =	sst s1;
	(tag) =	ssettag s2;
	_ =	strace s9  }
0x27: {  	s1 =	sld [smem:$0x3FAE]  }
0x28: {  	s2 =	sld [smem:$0x3FAF]  }
0x29: {  	s4 =	sld [smem:$0x3FB1]  }
0x2a: {  	p0 =	seq.s32 s5, $0x0;
	s5 =	sld [smem:$0x3FB2]  }
0x2b: {  	s6 =	sld [smem:$0x3FB3]  }
0x2c: {  	s7 =	sld [smem:$0x3FB4]  }
0x2d: {  	s3 =	simm.s32 $0x108;
	s8 =	sld [smem:$0x3FB5]  }
0x2e: {  	s3 =	simm.s32 @!p0 $0x1082;
	s9 =	sld [smem:$0x3FB6]  }
0x2f: {  	lr =	sadd.s32 s0, s3;
	s0 =	sld [smem:$0x3FAD]  }
0x30: {  	s3 =	sld [smem:$0x3FB0]  }
0x31: {  	[smem:$0x3FB9] =	sst s10  }
0x32: {  	s10 =	sld [smem:$0x3FB7];
	_ =	sdelay $0x3  }
0x33: {  	p0 =	seq.s32 s10, $0x1;
	s10 =	sld [smem:$0x3FB9];
	_ =	sdelay $0x3  }
0x34: {  	[smem:$0x3FB9] =	sst s10  }
0x35: {  	s10 =	sld [smem:$0x3FB8];
	_ =	sdelay $0x3  }
0x36: {  	p1 =	seq.s32 s10, $0x1;
	s10 =	sld [smem:$0x3FB9];
	_ =	sdelay $0x3  }
0x37: {  	[smem:$0x3FB9] =	sst s10  }
0x38: {  	s10 =	sld [smem:$0x3FBA]  }
0x39: {  	_ = 	snop;
	(pc) =	sbr.ind lr, $3  }
0x3a: {  	_ = 	snop  }
0x3b: {  	_ = 	snop  }
0x3c: {  	p2 =	seq.s32 s10, $0x1;
	s10 =	sld [smem:$0x3FB9]  }
0x3d: {  	_ =	shalt  }
0x3e: {  	_ =	shalt  }
0x3f: {  	_ =	shalt  }
0x40: {  	_ =	shalt  }
0x41: {  	_ =	shalt  }
0x42: {  	_ =	shalt  }
0x43: {  	_ =	shalt  }
0x44: {  	_ =	shalt  }
0x45: {  	_ =	shalt  }
0x46: {  	_ =	shalt  }
0x47: {  	_ =	shalt  }
0x48: {  	_ =	shalt  }
0x49: {  	_ =	shalt  }
0x4a: {  	_ =	shalt  }
0x4b: {  	_ =	shalt  }
0x4c: {  	_ =	shalt  }
0x4d: {  	_ =	shalt  }
0x4e: {  	_ =	shalt  }
0x4f: {  	_ =	shalt  }
0x50: {  	_ =	shalt  }
0x51: {  	_ =	shalt  }
0x52: {  	_ =	shalt  }
0x53: {  	_ =	shalt  }
0x54: {  	_ =	shalt  }
0x55: {  	_ =	shalt  }
0x56: {  	_ =	shalt  }
0x57: {  	_ =	shalt  }
0x58: {  	_ =	shalt  }
0x59: {  	_ =	shalt  }
0x5a: {  	_ =	shalt  }
0x5b: {  	_ =	shalt  }
0x5c: {  	_ =	shalt  }
0x5d: {  	_ =	shalt  }
0x5e: {  	_ =	shalt  }
0x5f: {  	_ =	shalt  }
0x60: {  	_ =	shalt  }
0x61: {  	_ =	shalt  }
0x62: {  	_ =	shalt  }
0x63: {  	_ =	shalt  }
0x64: {  	_ =	shalt  }
0x65: {  	_ =	shalt  }
0x66: {  	_ =	shalt  }
0x67: {  	_ =	shalt  }
0x68: {  	_ =	shalt  }
0x69: {  	_ =	shalt  }
0x6a: {  	_ =	shalt  }
0x6b: {  	_ =	shalt  }
0x6c: {  	_ =	shalt  }
0x6d: {  	_ =	shalt  }
0x6e: {  	_ =	shalt  }
0x6f: {  	_ =	shalt  }
0x70: {  	_ =	shalt  }
0x71: {  	_ =	shalt  }
0x72: {  	_ =	shalt  }
0x73: {  	_ =	shalt  }
0x74: {  	_ =	shalt  }
0x75: {  	_ =	shalt  }
0x76: {  	_ =	shalt  }
0x77: {  	_ =	shalt  }
0x78: {  	_ =	shalt  }
0x79: {  	_ =	shalt  }
0x7a: {  	_ =	shalt  }
0x7b: {  	_ =	shalt  }
0x7c: {  	_ =	shalt  }
0x7d: {  	_ =	shalt  }
0x7e: {  	_ =	shalt  }
0x7f: {  	_ =	shalt  }
0x80: {  	_ =	shalt  }
0x81: {  	_ =	shalt  }
0x82: {  	_ =	shalt  }
0x83: {  	_ =	shalt  }
0x84: {  	_ =	shalt  }
0x85: {  	_ =	shalt  }
0x86: {  	_ =	shalt  }
0x87: {  	_ =	shalt  }
.Lfunc_end0:
.L_simem_size_0:
called_computation_lowered:
.L_overlay_start_0:
0x88: {  	s2 =	sld [smem:$0x3FD9]  }
0x89: {  	s3 =	sld [smem:$0x3FFE];
	_ =	sdelay $0x1  }
0x8a: {  	s1 =	srdreg.scid  }
0x8b: {  	s0 =	sand.u32 $0x1, s1  }
0x8c: {  	s17 =	sshll.u32 s0, $0xA;
	s2 =	sadd.s32 s3, s2  }
0x8d: {  	s2 =	sadd.s32 s2, s17  }
0x8e: {  	[smem:$0x3FC5] =	sst s2  }
0x8f: {  	_ = 	snop  }
0x90: {  	s2 =	sld [smem:$0x3FC9]  }
0x91: {  	s18 =	sld [smem:$0x3FC8]  }
0x92: {  	s4 =	sld [smem:$0x3FD0];
	(tm) =	ssettm $0x1  }
0x93: {  	s5 =	sld [smem:$0x3FFB];
	_ =	sdelay $0x3  }
0x94: {  	_ =	strace s5  }
0x95: {  	s5 =	sld [smem:$0x3FFC];
	_ =	sdelay $0x3  }
0x96: {  	_ =	strace s5  }
0x97: {  	s5 =	sld [smem:$0x3FFD];
	_ =	sdelay $0x3  }
0x98: {  	_ =	strace s5  }
0x99: {  	_ =	strace $0x8FFFFFFF  }
0x9a: {  	s19 =	sld [smem:$0x3FDB];
	_ =	sdelay $0x1  }
0x9b: {  	s6 =	simm.s32 $_scs_section_size  }
0x9c: {  	s7 =	simm.s32 $_size__tile_overlayer_lowered;
	s8 =	simm.s32 $_tile_overlayer_lowered  }
0x9d: {  	s22 =	simm.s32 $0x1BFF;
	s21 =	sshll.u32 s8, $0x1;
	s5 =	sadd.s32 s6, s19  }
0x9e: {  	s9 =	simm.s32 $0x0;
	s20 =	sshll.u32 s7, $0x1;
	s7 =	sadd.s32 s21, s5  }
0x9f: {  	[timem:s9], [sflag:s22] =	dma.local [hbm:s7], s20  }
0xa0: {  	_ =	swait.ge [sflag:s22], s20  }
0xa1: {  	s6 =	ssub.s32 $0x0, s20;
	[sflag:s22] =	ssyncset.done $0x0  }
0xa2: {  	[sflag:s22] =	ssyncadd.s32 s6;
	_ =	sdelay $0x1  }
0xa3: {  	s23 =	simm.s32 $0x1B8B  }
0xa4: {  	_ =	swait.ge [sflag:s23], $0x1  }
0xa5: {  	[sflag:s23] =	ssyncset.done $0x0  }
0xa6: {  	s25 =	simm.s32 $0x1B8E;
	s24 =	sld [smem:$0x3FFE];
	[sflag:s23] =	ssyncadd.s32 $0xFFFFFFFF  }
0xa7: {  	s26 =	simm.s32 $execute0_lowered;
	[smem:$0x3FD2] =	sst s25  }
0xa8: {  	s7 =	sshll.u32 s26, $0x1;
	_ =	strace $0x80000046;
	[dreg:$0x1] =	wrdreg $0xFFFFFFFF  }
0xa9: {  	s28 =	simm.s32 $_size_execute0_lowered;
	s5 =	sadd.s32 s5, s7;
	[dreg:$0x0] =	wrdreg $0x0  }
0xaa: {  	s7 =	sshll.u32 s28, $0x1;
	[dreg:$0x2] =	wrdreg s5  }
0xab: {  	[dreg:$0x3] =	wrdreg s7  }
0xac: {  	[dreg:$0x4] =	wrdreg $0xC0  }
0xad: {  	_ =	task [dreg:s9], $0x5FFFF  }
0xae: {  	[dreg:$0x1] =	wrdreg $0xFFFFFFFF  }
0xaf: {  	[dreg:$0x0] =	wrdreg $0x60  }
0xb0: {  	[dreg:$0x2] =	wrdreg s2  }
0xb1: {  	[dreg:$0x3] =	wrdreg s18  }
0xb2: {  	[dreg:$0x4] =	wrdreg s24  }
0xb3: {  	[dreg:$0x5] =	wrdreg s4  }
0xb4: {  	[dreg:$0x6] =	wrdreg $0x9  }
0xb5: {  	_ =	task.clear_ibuf [dreg:s9], $0x7FFFF;
	_ =	strace $0x90000046  }
0xb6: {  	s29 =	simm.s32 $0x9;
	_ =	strace $0x80000048  }
0xb7: {  	_ =	swait.ge [sflag:s29], $0x1  }
0xb8: {  	[sflag:s29] =	ssyncadd.s32 $0xFFFFFFFF  }
0xb9: {  	_ =	strace $0x90000048  }
0xba: {  	_ =	sfence  }
0xbb: {  	s30 =	sld [smem:$0x0];
	_ =	sdelay $0x2  }
0xbc: {  	s31 =	sshll.u32 s1, $0xD;
	s1 =	sshrl.u32 s1, $0x2  }
0xbd: {  	s3 =	sand.u32 $0x4000, s31;
	s1 =	sadd.s32 s1, s30  }
0xbe: {  	s0 =	sor.u32 s3, s0;
	s1 =	sshll.u32 s1, $0x11  }
0xbf: {  	s0 =	sor.u32 s1, s0  }
0xc0: {  	s0 =	sadd.s32 $0x8F2B, s0  }
0xc1: {  	[sflag:s0] =	ssyncadd.remote.s32 $0x1  }
0xc2: {  	_ =	sfence.sel $0xFFFF  }
0xc3: {  	[dreg:$0x0] =	wrdreg $0xFFFFFFFF;
	(pc) =	sbr.abs _section_cstart, $3  }
0xc4: {  	[dreg:$0x1] =	wrdreg $0xFFFFFFFF  }
0xc5: {  	_ =	task.clear_ibuf [dreg:s9], $0x2FFFF;
	_ =	strace $0x9FFFFFFF  }
0xc6: {  	(tm) =	ssettm $0x7FFFFFFF  }
0xc7: {  	_ =	shalt  }
tec
execute0_lowered:
.L_overlay_start_1:
0x0: {  	(tag) =	ssettag $0x1  }
0x1: {  	s1 =	rddreg [dreg:$0x0]  }
0x2: {  	s2 =	rddreg [dreg:$0x1]  }
0x3: {  	s0 =	rddreg [dreg:$0x2]  }
0x4: {  	s4 =	rddreg [dreg:$0x3];
	s3 =	srdreg.scid  }
0x5: {  	s5 =	simm.s32 $0x0;
	s7 =	stileid.u32;
	s28 =	simm.s32 $0x4000  }
0x6: {  	s29 =	simm.s32 $0x8800;
	s30 =	simm.s32 $0x1;
	s31 =	simm.s32 $0x9000  }
0x7: {  	s10 =	simm.s32 $0xA800;
	s9 =	simm.s32 $0xB800;
	s11 =	simm.s32 $0xC000  }
0x8: {  	s12 =	simm.s32 $0xC800;
	s13 =	simm.s32 $0xD000;
	s15 =	simm.s32 $0x0  }
0x9: {  	s3 =	sand.u32 $0x1, s3;
	[smem:$0x7FF] =	sst s5;
	s7 =	sshll.u32 s7, $0x1  }
0xa: {  	s0 =	sadd.s32 $0xA00, s0;
	s6 =	ssub.s32 $0x2, s3;
	_ =	strace $0x80000047  }
0xb: {  	s3 =	sor.u32 s3, s7;
	[dreg:$0x5] =	wrdreg s0;
	s8 =	sshrl.u32 s6, $0x1  }
0xc: {  	s26 =	ssub.s32 $0xC54, s3;
	s7 =	sshll.u32 s3, $0xB;
	s25 =	ssub.s32 s6, s8  }
0xd: {  	s3 =	simm.s32 $0xA000;
	s8 =	sshrl.u32 s26, $0x5;
	s0 =	smax.u32 s25, $0x1  }
0xe: {  	s6 =	simm.s32 $0xB000;
	[dreg:$0x6] =	wrdreg s0;
	s0 =	simm.s32 $0x9800  }
.LBB2_1:
0xf: {  	[dreg:$0x7] =	wrdreg s15  }
0x10: {  	s14 =	rddreg [dreg:$0x5];
	s25 =	simm.s32 $0xD800;
	s26 =	simm.s32 $0x2  }
0x11: {  	[tilespmem:s25], [sflag:$0x2] =	stream.linear.gather [hbm4b:s14+s5], $0x1680, $0x38;
	[tilespmem:$0xF000] =	vst v63  }
0x12: {  	_ =	swait.ge [sflag:s26], $0x1680  }
0x13: {  	[sflag:s26] =	ssyncset.done $0x0  }
0x14: {  	s14 =	simm.s32 $0x0;
	[sflag:s26] =	ssyncadd.s32 $0xFFFFE980  }
.LBB2_2:
0x15: {  	s15 =	sshll.u32 s14, $0x10  }
0x16: {  	s24 =	sor.u32 s7, s15  }
0x17: {  	s15 =	sshrl.u32 s24, $0x3  }
0x18: {  	s16 =	simm.s32 $0x0;
	s22 =	sadd.s32 $0x61A800, s24;
	s17 =	sadd.s32 s1, s15  }
0x19: {  	[tilespmem:s16], [sflag:$0x1] =	stream.linear.gather [hbm4b:s17+s16], $0x800, $0x38;
	[tilespmem:$0xF000] =	vst v63  }
0x1a: {  	s18 =	simm.s32 $0x4800;
	s21 =	sadd.s32 s2, s15;
	s17 =	sshrl.u32 s22, $0x3  }
0x1b: {  	[tilespmem:s18], [sflag:$0x1] =	stream.linear.gather [hbm4b:s21+s16], $0x800, $0x38;
	[tilespmem:$0xF000] =	vst v63  }
0x1c: {  	s19 =	simm.s32 $0x800;
	s20 =	sadd.s32 $0xC35000, s24;
	s23 =	sadd.s32 s1, s17  }
0x1d: {  	[tilespmem:s19], [sflag:$0x1] =	stream.linear.gather [hbm4b:s23+s16], $0x800, $0x38;
	[tilespmem:$0xF000] =	vst v63  }
0x1e: {  	s26 =	simm.s32 $0x5000;
	s25 =	sadd.s32 s2, s17;
	s18 =	sshrl.u32 s20, $0x3  }
0x1f: {  	[tilespmem:s26], [sflag:$0x1] =	stream.linear.gather [hbm4b:s25+s16], $0x800, $0x38;
	[tilespmem:$0xF000] =	vst v63  }
0x20: {  	s20 =	simm.s32 $0x1000;
	s21 =	sadd.s32 s1, s18;
	s25 =	sadd.s32 $0x124F800, s24  }
0x21: {  	[tilespmem:s20], [sflag:$0x1] =	stream.linear.gather [hbm4b:s21+s16], $0x800, $0x38;
	[tilespmem:$0xF000] =	vst v63  }
0x22: {  	s22 =	sadd.s32 s2, s18;
	s23 =	simm.s32 $0x5800;
	s19 =	sshrl.u32 s25, $0x3  }
0x23: {  	[tilespmem:s23], [sflag:$0x1] =	stream.linear.gather [hbm4b:s22+s16], $0x800, $0x38;
	[tilespmem:$0xF000] =	vst v63  }
0x24: {  	s25 =	sadd.s32 $0x186A000, s24;
	s26 =	sadd.s32 s1, s19;
	s21 =	simm.s32 $0x1800  }
0x25: {  	[tilespmem:s21], [sflag:$0x1] =	stream.linear.gather [hbm4b:s26+s16], $0x800, $0x38;
	[tilespmem:$0xF000] =	vst v63  }
0x26: {  	s20 =	sshrl.u32 s25, $0x3;
	s22 =	sadd.s32 s2, s19;
	s23 =	simm.s32 $0x6000  }
0x27: {  	[tilespmem:s23], [sflag:$0x1] =	stream.linear.gather [hbm4b:s22+s16], $0x800, $0x38;
	[tilespmem:$0xF000] =	vst v63  }
0x28: {  	s25 =	sadd.s32 $0x1E84800, s24;
	s26 =	sadd.s32 s1, s20;
	s22 =	simm.s32 $0x2000  }
0x29: {  	[tilespmem:s22], [sflag:$0x1] =	stream.linear.gather [hbm4b:s26+s16], $0x800, $0x38;
	[tilespmem:$0xF000] =	vst v63  }
0x2a: {  	s21 =	sshrl.u32 s25, $0x3;
	s23 =	simm.s32 $0x6800;
	s22 =	sadd.s32 s2, s20  }
0x2b: {  	[tilespmem:s23], [sflag:$0x1] =	stream.linear.gather [hbm4b:s22+s16], $0x800, $0x38;
	[tilespmem:$0xF000] =	vst v63  }
0x2c: {  	s26 =	sadd.s32 s1, s21;
	s23 =	simm.s32 $0x2800  }
0x2d: {  	[tilespmem:s23], [sflag:$0x1] =	stream.linear.gather [hbm4b:s26+s16], $0x800, $0x38;
	[tilespmem:$0xF000] =	vst v63  }
0x2e: {  	s25 =	sadd.s32 s2, s21;
	s26 =	simm.s32 $0x7000  }
0x2f: {  	[tilespmem:s26], [sflag:$0x1] =	stream.linear.gather [hbm4b:s25+s16], $0x800, $0x38;
	[tilespmem:$0xF000] =	vst v63  }
0x30: {  	s25 =	sadd.s32 $0x249F000, s24  }
0x31: {  	s22 =	sshrl.u32 s25, $0x3  }
0x32: {  	s25 =	simm.s32 $0x3000;
	s26 =	sadd.s32 s1, s22  }
0x33: {  	[tilespmem:s25], [sflag:$0x1] =	stream.linear.gather [hbm4b:s26+s16], $0x800, $0x38;
	[tilespmem:$0xF000] =	vst v63  }
0x34: {  	s25 =	sadd.s32 s2, s22;
	s26 =	simm.s32 $0x7800  }
0x35: {  	[tilespmem:s26], [sflag:$0x1] =	stream.linear.gather [hbm4b:s25+s16], $0x800, $0x38;
	[tilespmem:$0xF000] =	vst v63  }
0x36: {  	s25 =	sadd.s32 $0x2AB9800, s24  }
0x37: {  	s23 =	sshrl.u32 s25, $0x3  }
0x38: {  	s26 =	simm.s32 $0x3800;
	s24 =	sadd.s32 $0x30D4000, s24;
	s25 =	sadd.s32 s1, s23  }
0x39: {  	[tilespmem:s26], [sflag:$0x1] =	stream.linear.gather [hbm4b:s25+s16], $0x800, $0x38;
	[tilespmem:$0xF000] =	vst v63  }
0x3a: {  	s24 =	sshrl.u32 s24, $0x3;
	s25 =	sadd.s32 s2, s23;
	s26 =	simm.s32 $0x8000  }
0x3b: {  	[tilespmem:s26], [sflag:$0x1] =	stream.linear.gather [hbm4b:s25+s16], $0x800, $0x38;
	[tilespmem:$0xF000] =	vst v63  }
0x3c: {  	s26 =	sadd.s32 s1, s24  }
0x3d: {  	[tilespmem:s28], [sflag:$0x1] =	stream.linear.gather [hbm4b:s26+s16], $0x800, $0x38;
	[tilespmem:$0xF000] =	vst v63  }
0x3e: {  	s26 =	sadd.s32 s2, s24  }
0x3f: {  	[tilespmem:s29], [sflag:$0x1] =	stream.linear.gather [hbm4b:s26+s16], $0x800, $0x38;
	[tilespmem:$0xF000] =	vst v63  }
0x40: {  	_ =	swait.ge [sflag:s30], $0x800  }
0x41: {  	[sflag:s30] =	ssyncset.done $0x0  }
0x42: {  	[sflag:s30] =	ssyncadd.s32 $0xFFFFF800  }
0x43: {  	_ =	swait.ge [sflag:s30], $0x800  }
0x44: {  	[sflag:s30] =	ssyncset.done $0x0  }
0x45: {  	[sflag:s30] =	ssyncadd.s32 $0xFFFFF800  }
0x46: {  	_ =	swait.ge [sflag:s30], $0x800  }
0x47: {  	[sflag:s30] =	ssyncset.done $0x0  }
0x48: {  	[sflag:s30] =	ssyncadd.s32 $0xFFFFF800  }
0x49: {  	_ =	swait.ge [sflag:s30], $0x800  }
0x4a: {  	[sflag:s30] =	ssyncset.done $0x0  }
0x4b: {  	[sflag:s30] =	ssyncadd.s32 $0xFFFFF800  }
0x4c: {  	_ =	swait.ge [sflag:s30], $0x800  }
0x4d: {  	[sflag:s30] =	ssyncset.done $0x0  }
0x4e: {  	[sflag:s30] =	ssyncadd.s32 $0xFFFFF800  }
0x4f: {  	_ =	swait.ge [sflag:s30], $0x800  }
0x50: {  	[sflag:s30] =	ssyncset.done $0x0  }
0x51: {  	[sflag:s30] =	ssyncadd.s32 $0xFFFFF800  }
0x52: {  	_ =	swait.ge [sflag:s30], $0x800  }
0x53: {  	[sflag:s30] =	ssyncset.done $0x0  }
0x54: {  	[sflag:s30] =	ssyncadd.s32 $0xFFFFF800  }
0x55: {  	_ =	swait.ge [sflag:s30], $0x800  }
0x56: {  	[sflag:s30] =	ssyncset.done $0x0  }
0x57: {  	[sflag:s30] =	ssyncadd.s32 $0xFFFFF800  }
0x58: {  	_ =	swait.ge [sflag:s30], $0x800  }
0x59: {  	[sflag:s30] =	ssyncset.done $0x0  }
0x5a: {  	[sflag:s30] =	ssyncadd.s32 $0xFFFFF800  }
0x5b: {  	_ =	swait.ge [sflag:s30], $0x800  }
0x5c: {  	[sflag:s30] =	ssyncset.done $0x0  }
0x5d: {  	[sflag:s30] =	ssyncadd.s32 $0xFFFFF800  }
0x5e: {  	_ =	swait.ge [sflag:s30], $0x800  }
0x5f: {  	[sflag:s30] =	ssyncset.done $0x0  }
0x60: {  	[sflag:s30] =	ssyncadd.s32 $0xFFFFF800  }
0x61: {  	_ =	swait.ge [sflag:s30], $0x800  }
0x62: {  	[sflag:s30] =	ssyncset.done $0x0  }
0x63: {  	[sflag:s30] =	ssyncadd.s32 $0xFFFFF800  }
0x64: {  	_ =	swait.ge [sflag:s30], $0x800  }
0x65: {  	[sflag:s30] =	ssyncset.done $0x0  }
0x66: {  	[sflag:s30] =	ssyncadd.s32 $0xFFFFF800  }
0x67: {  	_ =	swait.ge [sflag:s30], $0x800  }
0x68: {  	[sflag:s30] =	ssyncset.done $0x0  }
0x69: {  	[sflag:s30] =	ssyncadd.s32 $0xFFFFF800  }
0x6a: {  	_ =	swait.ge [sflag:s30], $0x800  }
0x6b: {  	[sflag:s30] =	ssyncset.done $0x0  }
0x6c: {  	[sflag:s30] =	ssyncadd.s32 $0xFFFFF800  }
0x6d: {  	_ =	swait.ge [sflag:s30], $0x800  }
0x6e: {  	[sflag:s30] =	ssyncset.done $0x0  }
0x6f: {  	[sflag:s30] =	ssyncadd.s32 $0xFFFFF800  }
0x70: {  	_ =	swait.ge [sflag:s30], $0x800  }
0x71: {  	[sflag:s30] =	ssyncset.done $0x0  }
0x72: {  	[sflag:s30] =	ssyncadd.s32 $0xFFFFF800  }
0x73: {  	_ =	swait.ge [sflag:s30], $0x800  }
0x74: {  	[sflag:s30] =	ssyncset.done $0x0  }
0x75: {  	[sflag:s30] =	ssyncadd.s32 $0xFFFFF800  }
.LBB2_3:
0x76: {  	v8 =	vld [tilespmem:$0xD800]  }
0x77: {  	v19 =	vld [tilespmem:$0xD880]  }
0x78: {  	v20 =	vld [tilespmem:$0xD900]  }
0x79: {  	v22 =	vld [tilespmem:$0xD980]  }
0x7a: {  	v24 =	vld [tilespmem:$0xDA00]  }
0x7b: {  	v25 =	vld [tilespmem:$0xDA80]  }
0x7c: {  	v26 =	vld [tilespmem:$0xDB00]  }
0x7d: {  	v27 =	vld [tilespmem:$0xDB80]  }
0x7e: {  	v28 =	vld [tilespmem:$0xDC00]  }
0x7f: {  	v29 =	vld [tilespmem:$0xDC80]  }
0x80: {  	s25 =	sshra.s32 s16, $0x2;
	v30 =	vld [tilespmem:$0xDD00]  }
0x81: {  	v14 =	vld [tilespmem:s25+$0x0]  }
0x82: {  	v15 =	vld [tilespmem:s25+$0x800]  }
0x83: {  	v12 =	vld [tilespmem:s25+$0x1000]  }
0x84: {  	v1 =	vld [tilespmem:s25+$0x4800]  }
0x85: {  	v4 =	vld [tilespmem:s25+$0x5000]  }
0x86: {  	v6 =	vld [tilespmem:s25+$0x5800]  }
0x87: {  	v9 =	vld [tilespmem:s25+$0x6000]  }
0x88: {  	v10 =	vld [tilespmem:s25+$0x1800]  }
0x89: {  	v11 =	vld [tilespmem:s25+$0x6800];
	v21 =	vmul.f32 v1, v14  }
0x8a: {  	v31 =	vld [tilespmem:$0xDD80];
	v23 =	vmul.f32 v4, v14;
	v47 =	vmul.f32 v1, v15  }
0x8b: {  	v7 =	vld [tilespmem:s25+$0x2000];
	v48 =	vmul.f32 v6, v14;
	v49 =	vmul.f32 v4, v15  }
0x8c: {  	v13 =	vld [tilespmem:s25+$0x7000];
	v50 =	vmul.f32 v1, v12;
	v51 =	vmul.f32 v9, v14  }
0x8d: {  	v32 =	vld [tilespmem:$0xDE00];
	v52 =	vmul.f32 v6, v15;
	v53 =	vmul.f32 v4, v12  }
0x8e: {  	v0 =	vld [tilespmem:s25+$0x4000];
	v54 =	vmul.f32 v1, v10;
	v55 =	vmul.f32 v11, v14  }
0x8f: {  	v33 =	vld [tilespmem:$0xDE80];
	v56 =	vmul.f32 v9, v15;
	v57 =	vmul.f32 v6, v12  }
0x90: {  	v34 =	vld [tilespmem:$0xDF00];
	v58 =	vmul.f32 v4, v10;
	v59 =	vmul.f32 v1, v7  }
0x91: {  	v35 =	vld [tilespmem:$0xDF80];
	v61 =	vmul.f32 v13, v14;
	v39 =	vmul.f32 v11, v15  }
0x92: {  	v36 =	vld [tilespmem:$0xE000];
	v42 =	vmul.f32 v9, v12;
	v45 =	vmul.f32 v6, v10  }
0x93: {  	v37 =	vld [tilespmem:$0xE080];
	v0 =	vmul.f32 v1, v0;
	v8 =	vmul.f32 v8, v21  }
0x94: {  	v62 =	vld [tilespmem:$0xE100];
	v19 =	vmul.f32 v19, v23;
	v20 =	vmul.f32 v20, v47  }
0x95: {  	v40 =	vld [tilespmem:$0xE180];
	v22 =	vmul.f32 v22, v48;
	v21 =	vmul.f32 v24, v49  }
0x96: {  	v43 =	vld [tilespmem:$0xE280];
	v23 =	vmul.f32 v25, v50;
	v24 =	vmul.f32 v26, v51  }
0x97: {  	v46 =	vld [tilespmem:$0xE300];
	v25 =	vmul.f32 v27, v52;
	v26 =	vmul.f32 v28, v53  }
0x98: {  	v16 =	vld [tilespmem:s25+$0x7800];
	v27 =	vmul.f32 v29, v54;
	v28 =	vmul.f32 v30, v55  }
0x99: {  	v5 =	vld [tilespmem:s25+$0x2800];
	v29 =	vmul.f32 v31, v56;
	v30 =	vmul.f32 v32, v57  }
0x9a: {  	v3 =	vld [tilespmem:s25+$0x3000];
	v60 =	vmul.f32 v33, v58;
	v63 =	vmul.f32 v34, v59  }
0x9b: {  	v2 =	vld [tilespmem:s25+$0x3800];
	v41 =	vmul.f32 v35, v61;
	v44 =	vmul.f32 v36, v39  }
0x9c: {  	v17 =	vld [tilespmem:s25+$0x8000];
	v47 =	vmul.f32 v37, v42;
	v48 =	vmul.f32 v4, v7  }
0x9d: {  	v18 =	vld [tilespmem:s25+$0x8800];
	v50 =	vmul.f32 v16, v14;
	v53 =	vmul.f32 v13, v15  }
0x9e: {  	v49 =	vld [tilespmem:$0xE200];
	v55 =	vmul.f32 v1, v5;
	v58 =	vmul.f32 v11, v12  }
0x9f: {  	v51 =	vld [tilespmem:$0xE380];
	v21 =	vadd.f32 v21, v22;
	v52 =	vmul.f32 v40, v48;
	v32 =	vmul.f32 v43, v50  }
0xa0: {  	v54 =	vld [tilespmem:$0xE400];
	v19 =	vadd.f32 v20, v19;
	v57 =	vmul.f32 v46, v53;
	v40 =	vmul.f32 v4, v5  }
0xa1: {  	v59 =	vld [tilespmem:$0xE500];
	v28 =	vadd.f32 v29, v28;
	v43 =	vmul.f32 v1, v3;
	v46 =	vmul.f32 v17, v14  }
0xa2: {  	v61 =	vld [tilespmem:$0xE580];
	v24 =	vadd.f32 v25, v24;
	v14 =	vmul.f32 v18, v14;
	v17 =	vmul.f32 v17, v15  }
0xa3: {  	v56 =	vld [tilespmem:$0xE480];
	v15 =	vmul.f32 v16, v15;
	v16 =	vmul.f32 v16, v12;
	v28 =	vadd.f32 v30, v28  }
0xa4: {  	v12 =	vmul.f32 v13, v12;
	v21 =	vadd.f32 v23, v21;
	v23 =	vadd.f32 v44, v41;
	v41 =	vld [tilespmem:$0xEA00]  }
0xa5: {  	v13 =	vmul.f32 v13, v10;
	v30 =	vmul.f32 v62, v45;
	v44 =	vld [tilespmem:$0xEA80];
	v22 =	vadd.f32 v60, v28  }
0xa6: {  	v62 =	vmul.f32 v6, v7;
	v31 =	vmul.f32 v51, v58;
	v23 =	vadd.f32 v47, v23;
	v47 =	vld [tilespmem:$0xE680]  }
0xa7: {  	v45 =	vmul.f32 v59, v40;
	v48 =	vmul.f32 v61, v43;
	v20 =	vadd.f32 v63, v22;
	v63 =	vld [tilespmem:$0xE600]  }
0xa8: {  	v24 =	vadd.f32 v26, v24;
	v60 =	vmul.f32 v9, v10;
	v22 =	vmul.f32 v49, v55;
	v49 =	vld [tilespmem:$0xEB00]  }
0xa9: {  	v50 =	vld [tilespmem:$0xE700];
	v42 =	vmul.f32 v56, v62;
	v10 =	vmul.f32 v11, v10;
	v23 =	vadd.f32 v30, v23  }
0xaa: {  	v51 =	vld [tilespmem:$0xEB80];
	v24 =	vadd.f32 v27, v24;
	v11 =	vmul.f32 v11, v7;
	v7 =	vmul.f32 v9, v7  }
0xab: {  	v14 =	vmul.f32 v41, v14;
	v17 =	vmul.f32 v44, v17;
	v23 =	vadd.f32 v52, v23;
	v52 =	vld [tilespmem:$0xE780]  }
0xac: {  	v53 =	vld [tilespmem:$0xEC00];
	v27 =	vadd.f32 v57, v32;
	v15 =	vmul.f32 v47, v15;
	v29 =	vmul.f32 v63, v46  }
0xad: {  	v28 =	vmul.f32 v54, v60;
	v54 =	vld [tilespmem:$0xE800];
	v14 =	vadd.f32 v17, v14;
	v16 =	vmul.f32 v49, v16  }
0xae: {  	v9 =	vmul.f32 v9, v5;
	v12 =	vmul.f32 v50, v12;
	v55 =	vld [tilespmem:$0xEC80];
	v15 =	vadd.f32 v15, v29  }
0xaf: {  	v56 =	vld [tilespmem:$0xE880];
	v5 =	vmul.f32 v6, v5;
	v13 =	vmul.f32 v51, v13;
	v14 =	vadd.f32 v16, v14  }
0xb0: {  	v57 =	vld [tilespmem:$0xED00];
	v6 =	vmul.f32 v6, v3;
	v10 =	vmul.f32 v52, v10;
	v12 =	vadd.f32 v12, v15  }
0xb1: {  	v58 =	vld [tilespmem:$0xE900];
	v27 =	vadd.f32 v31, v27;
	v11 =	vmul.f32 v53, v11;
	v13 =	vadd.f32 v13, v14  }
0xb2: {  	v59 =	vld [tilespmem:$0xED80];
	v3 =	vmul.f32 v4, v3;
	v7 =	vmul.f32 v54, v7;
	v10 =	vadd.f32 v10, v12  }
0xb3: {  	v60 =	vld [tilespmem:$0xE980];
	v27 =	vadd.f32 v28, v27;
	v9 =	vmul.f32 v55, v9;
	v11 =	vadd.f32 v11, v13  }
0xb4: {  	v61 =	vld [tilespmem:$0xEE00];
	v4 =	vmul.f32 v4, v2;
	v5 =	vmul.f32 v56, v5;
	v7 =	vadd.f32 v7, v10  }
0xb5: {  	[tilespmem:s25+$0x9000] =	vst v8;
	v6 =	vmul.f32 v57, v6;
	v27 =	vadd.f32 v42, v27;
	v9 =	vadd.f32 v9, v11  }
0xb6: {  	v2 =	vmul.f32 v1, v2;
	v3 =	vmul.f32 v58, v3;
	[tilespmem:s25+$0x9800] =	vst v19;
	v5 =	vadd.f32 v5, v7  }
0xb7: {  	v4 =	vmul.f32 v59, v4;
	[tilespmem:s25+$0xA000] =	vst v21;
	v25 =	vadd.f32 v45, v27;
	v6 =	vadd.f32 v6, v9  }
0xb8: {  	p0 =	sne.s32 s16, $0x1FC0;
	[tilespmem:s25+$0xA800] =	vst v24;
	v62 =	vadd.f32 v22, v23;
	v2 =	vmul.f32 v60, v2;
	v3 =	vadd.f32 v3, v5  }
.Ltmp0:
0xb9: {  	v0 =	vmul.f32 v61, v0;
	[tilespmem:s25+$0xB000] =	vst v20;
	v63 =	vadd.f32 v48, v25;
	v4 =	vadd.f32 v4, v6;
	(pc) =	sbr.rel @p0 .LBB2_3-.Ltmp0, $4  }
0xba: {  	[tilespmem:s25+$0xB800] =	vst v62;
	v2 =	vadd.f32 v2, v3  }
0xbb: {  	[tilespmem:s25+$0xC000] =	vst v63;
	v0 =	vadd.f32 v0, v4  }
0xbc: {  	[tilespmem:s25+$0xC800] =	vst v2  }
0xbd: {  	s16 =	sadd.s32 $0x40, s16;
	[tilespmem:s25+$0xD000] =	vst v0  }
0xbe: {  	s15 =	sadd.s32 s4, s15  }
0xbf: {  	[hbm4b:s15+s5] =	stream.linear.scatter [tilespmem:s31], [sflag:$0x1], $0x800, $0x38;
	[tilespmem:$0xF000] =	vst v63  }
0xc0: {  	s17 =	sadd.s32 s4, s17  }
0xc1: {  	[hbm4b:s17+s5] =	stream.linear.scatter [tilespmem:s0], [sflag:$0x1], $0x800, $0x38;
	[tilespmem:$0xF000] =	vst v63  }
0xc2: {  	s18 =	sadd.s32 s4, s18  }
0xc3: {  	[hbm4b:s18+s5] =	stream.linear.scatter [tilespmem:s3], [sflag:$0x1], $0x800, $0x38;
	[tilespmem:$0xF000] =	vst v63  }
0xc4: {  	s19 =	sadd.s32 s4, s19  }
0xc5: {  	[hbm4b:s19+s5] =	stream.linear.scatter [tilespmem:s10], [sflag:$0x1], $0x800, $0x38;
	[tilespmem:$0xF000] =	vst v63  }
0xc6: {  	s20 =	sadd.s32 s4, s20  }
0xc7: {  	[hbm4b:s20+s5] =	stream.linear.scatter [tilespmem:s6], [sflag:$0x1], $0x800, $0x38;
	[tilespmem:$0xF000] =	vst v63  }
0xc8: {  	s21 =	sadd.s32 s4, s21  }
0xc9: {  	[hbm4b:s21+s5] =	stream.linear.scatter [tilespmem:s9], [sflag:$0x1], $0x800, $0x38;
	[tilespmem:$0xF000] =	vst v63  }
0xca: {  	s22 =	sadd.s32 s4, s22  }
0xcb: {  	[hbm4b:s22+s5] =	stream.linear.scatter [tilespmem:s11], [sflag:$0x1], $0x800, $0x38;
	[tilespmem:$0xF000] =	vst v63  }
0xcc: {  	s25 =	sadd.s32 s4, s23  }
0xcd: {  	[hbm4b:s25+s5] =	stream.linear.scatter [tilespmem:s12], [sflag:$0x1], $0x800, $0x38;
	[tilespmem:$0xF000] =	vst v63  }
0xce: {  	s26 =	sadd.s32 s4, s24  }
0xcf: {  	[hbm4b:s26+s5] =	stream.linear.scatter [tilespmem:s13], [sflag:$0x1], $0x800, $0x38;
	[tilespmem:$0xF000] =	vst v63  }
0xd0: {  	_ =	swait.ge [sflag:s30], $0x800  }
0xd1: {  	[sflag:s30] =	ssyncset.done $0x0  }
0xd2: {  	[sflag:s30] =	ssyncadd.s32 $0xFFFFF800  }
0xd3: {  	_ =	swait.ge [sflag:s30], $0x800  }
0xd4: {  	[sflag:s30] =	ssyncset.done $0x0  }
0xd5: {  	[sflag:s30] =	ssyncadd.s32 $0xFFFFF800  }
0xd6: {  	_ =	swait.ge [sflag:s30], $0x800  }
0xd7: {  	[sflag:s30] =	ssyncset.done $0x0  }
0xd8: {  	[sflag:s30] =	ssyncadd.s32 $0xFFFFF800  }
0xd9: {  	_ =	swait.ge [sflag:s30], $0x800  }
0xda: {  	[sflag:s30] =	ssyncset.done $0x0  }
0xdb: {  	[sflag:s30] =	ssyncadd.s32 $0xFFFFF800  }
0xdc: {  	_ =	swait.ge [sflag:s30], $0x800  }
0xdd: {  	[sflag:s30] =	ssyncset.done $0x0  }
0xde: {  	[sflag:s30] =	ssyncadd.s32 $0xFFFFF800  }
0xdf: {  	_ =	swait.ge [sflag:s30], $0x800  }
0xe0: {  	[sflag:s30] =	ssyncset.done $0x0  }
0xe1: {  	[sflag:s30] =	ssyncadd.s32 $0xFFFFF800  }
0xe2: {  	_ =	swait.ge [sflag:s30], $0x800  }
0xe3: {  	[sflag:s30] =	ssyncset.done $0x0  }
0xe4: {  	s14 =	sadd.s32 $0x1, s14;
	[sflag:s30] =	ssyncadd.s32 $0xFFFFF800  }
0xe5: {  	p0 =	sne.s32 s14, s8;
	_ =	swait.ge [sflag:s30], $0x800  }
.Ltmp1:
0xe6: {  	[sflag:s30] =	ssyncset.done $0x0;
	(pc) =	sbr.rel @p0 .LBB2_2-.Ltmp1, $4  }
0xe7: {  	[sflag:s30] =	ssyncadd.s32 $0xFFFFF800  }
0xe8: {  	_ =	swait.ge [sflag:s30], $0x800  }
0xe9: {  	[sflag:s30] =	ssyncset.done $0x0  }
0xea: {  	[sflag:s30] =	ssyncadd.s32 $0xFFFFF800  }
0xeb: {  	s15 =	rddreg [dreg:$0x7]  }
0xec: {  	s14 =	rddreg [dreg:$0x6];
	s15 =	sadd.s32 $0x1, s15  }
0xed: {  	p0 =	sne.s32 s15, s14  }
.Ltmp2:
0xee: {  	_ = 	snop;
	(pc) =	sbr.rel @p0 .LBB2_1-.Ltmp2, $1  }
0xef: {  	_ =	sdelay $0x3  }
0xf0: {  	_ =	sfence.sel $0x180000  }
0xf1: {  	[bflag:$0x0] =	sbarrier.arrive $0xFFFF  }
0xf2: {  	_ =	strace $0x90000047  }
0xf3: {  	s0 =	stileid.u32;
	[bflag:$0x2] =	sbarrier.arrive $0xFFFF  }
0xf4: {  	p0 =	sne.s32 s0, $0x0;
	s0 =	rddreg [dreg:$0x4]  }
0xf5: {  	s0 =	sadd.s32 @!p0 $0x100000, s0  }
0xf6: {  	[sflag:s0] =	ssyncadd.tile.s32 @!p0 $0x1;
	_ =	shalt  }
.Lfunc_end2:
_tile_overlayer_lowered:
.L_overlay_start_2:
0xf7: {  	(tag) =	ssettag $0x2  }
0xf8: {  	s0 =	rddreg [dreg:$0x0];
	s2 =	stileid.u32  }
0xf9: {  	s1 =	rddreg [dreg:$0x1];
	p0 =	sne.s32 s2, $0x0  }
0xfa: {  	s3 =	rddreg [dreg:$0x2];
	[bflag:$0x3] =	sbarrier.arrive $0xFFFF;
	s2 =	simm.s32 @!p0 $0x1C02  }
0xfb: {  	[timem:s3], [sflag:s2] =	dma.local @!p0 [hbm:s0], s1  }
0xfc: {  	s0 =	simm.s32 @!p0 $0x2  }
0xfd: {  	_ =	swait.ge @!p0 [sflag:s0], s1  }
0xfe: {  	s1 =	ssub.s32 @!p0 $0x0, s1;
	[sflag:s0] =	ssyncset.done @!p0 $0x0  }
0xff: {  	[sflag:s0] =	ssyncadd.s32 @!p0 s1  }
0x100: {  	[bflag:$0x3] =	sbarrier.arrive $0xFFFF  }
0x101: {  	_ =	shalt  }

</sc_bundles>
